<compile_context>
chip_gen: v7x
topology: tpu7x:2x2x1
jax: 0.10.2.dev20260603
libtpu: 0.0.44.dev20260713+nightly
codegen_flags: <defaults>
</compile_context>

<pallas_src>
import functools

import jax
import jax.numpy as jnp
from jax import lax
from jax.experimental import pallas as pl
from jax.experimental.pallas import tpu as pltpu
from jax.experimental.pallas import tpu_sc as plsc

NC = 2
NS = 16
NW = NC * NS
L = 16
EMBED = 32
LANES = 128
NBUF = 8
BATCH = 16384
B_PER_W = BATCH // NW
WVLEN = 4 * L + L


def _sc_body(uidx_hbm, bidx_hbm, ut_hbm, bt_hbm, wb_hbm, out_hbm,
             uiv, biv, ustg, bstg, wv, outv, *sems):
    wid = lax.axis_index("s") * NC + lax.axis_index("c")
    base = wid * B_PER_W
    usems = sems[:NBUF]
    bsems = sems[NBUF:]

    pltpu.sync_copy(uidx_hbm.at[wid], uiv)
    pltpu.sync_copy(bidx_hbm.at[wid], biv)
    pltpu.sync_copy(wb_hbm, wv)

    wu0 = wv[pl.ds(0, L)]
    wu1 = wv[pl.ds(L, L)]
    wb0 = wv[pl.ds(2 * L, L)]
    wb1 = wv[pl.ds(3 * L, L)]
    bias16 = wv[pl.ds(4 * L, L)]
    d_lo = lax.iota(jnp.int32, L)
    d_hi = d_lo + L
    zero16 = jnp.zeros((L,), jnp.int32)

    def lane_of(k):
        start = (k // L) * L
        return start, k - start

    def col_scalar(iv, k):
        start, lane = lane_of(k)
        v = iv[pl.ds(start, L)]
        tcol = jnp.where(d_lo == lane, lax.shift_right_logical(v, 7), zero16)
        return pl.multiple_of(lax.reduce_max(tcol, axes=(0,)) * LANES, LANES)

    def lane_bcast(iv, k):
        start, lane = lane_of(k)
        v = iv[pl.ds(start, L)] & (LANES - 1)
        return v[jnp.full((L,), lane, jnp.int32)]

    def issue(k, p):
        pltpu.async_copy(ut_hbm.at[:, pl.ds(col_scalar(uiv, k), LANES)],
                         ustg.at[p], usems[p])
        pltpu.async_copy(bt_hbm.at[:, pl.ds(col_scalar(biv, k), LANES)],
                         bstg.at[p], bsems[p])

    def wait_slot(p):
        pltpu.make_async_copy(ut_hbm.at[:, pl.ds(0, LANES)],
                              ustg.at[p], usems[p]).wait()
        pltpu.make_async_copy(bt_hbm.at[:, pl.ds(0, LANES)],
                              bstg.at[p], bsems[p]).wait()

    def compute(j, p, vacc):
        clu = lane_bcast(uiv, j)
        clb = lane_bcast(biv, j)
        us = ustg.at[p]
        bs = bstg.at[p]
        acc = plsc.load_gather(us, [d_lo, clu]) * wu0 \
            + plsc.load_gather(us, [d_hi, clu]) * wu1 \
            + plsc.load_gather(bs, [d_lo, clb]) * wb0 \
            + plsc.load_gather(bs, [d_hi, clb]) * wb1 \
            + bias16
        s = lax.reduce_sum(acc, axes=(0,))
        _, lane = lane_of(j)
        return jnp.where(d_lo == lane, s, vacc)

    for k in range(NBUF):
        issue(k, k)

    def block(kb, vacc):
        for p in range(NBUF):
            k = kb * NBUF + p
            wait_slot(p)
            vacc = compute(k, p, vacc)

            @pl.when(k + NBUF < B_PER_W)
            def _():
                issue(k + NBUF, p)

        @pl.when(lax.rem(kb, L // NBUF) == L // NBUF - 1)
        def _():
            outv[pl.ds((kb // (L // NBUF)) * L, L)] = vacc
        return vacc

    lax.fori_loop(0, B_PER_W // NBUF, block, jnp.zeros((L,), jnp.float32))
    pltpu.sync_copy(outv, out_hbm.at[pl.ds(base, B_PER_W)])


def kernel(users, books, user_table, book_table, W, b):
    batch = users.shape[0]
    uidx = users.astype(jnp.int32).reshape(NW, B_PER_W)
    bidx = books.astype(jnp.int32).reshape(NW, B_PER_W)
    ut_t = user_table.T
    bt_t = book_table.T
    wb = jnp.concatenate(
        [W.reshape(2 * EMBED).astype(jnp.float32),
         jnp.broadcast_to(b.reshape(1) / L, (L,))])

    mesh = plsc.VectorSubcoreMesh(core_axis_name="c", subcore_axis_name="s")
    fn = functools.partial(
        pl.kernel,
        out_type=jax.ShapeDtypeStruct((batch,), jnp.float32),
        mesh=mesh,
        scratch_types=[
            pltpu.VMEM((B_PER_W,), jnp.int32),
            pltpu.VMEM((B_PER_W,), jnp.int32),
            pltpu.VMEM((NBUF, EMBED, LANES), jnp.float32),
            pltpu.VMEM((NBUF, EMBED, LANES), jnp.float32),
            pltpu.VMEM((WVLEN,), jnp.float32),
            pltpu.VMEM((B_PER_W,), jnp.float32),
        ] + [pltpu.SemaphoreType.DMA] * (2 * NBUF),
        compiler_params=pltpu.CompilerParams(
            needs_layout_passes=False, use_tc_tiling_on_sc=True),
    )(_sc_body)
    out = fn(uidx, bidx, ut_t, bt_t, wb)
    return out.reshape(batch, 1)

# --- scband reference (transcript-rebuilt; emitter-appended) ---
"""Pipeline reference for scband-ratings-predictor-50405736186326 (READ-ONLY COPY).

The authoritative reference and input builder live on the scoring server;
editing this copy changes nothing except your own understanding.
"""

import jax, jax.numpy as jnp
import numpy as np

N_USERS = 1000000
N_BOOKS = 1000000
EMBED_DIM = 32
BATCH = 16384

def setup_inputs(seed: int = 0) -> dict:
    key = jax.random.key(seed)
    k1, k2, k3, k4, k5, k6 = jax.random.split(key, 6)
    users = jax.random.randint(k1, (BATCH,), 0, N_USERS, dtype=jnp.int64) if jax.config.jax_enable_x64 else jax.random.randint(k1, (BATCH,), 0, N_USERS, dtype=jnp.int32)
    books = jax.random.randint(k2, (BATCH,), 0, N_BOOKS, dtype=jnp.int32)
    user_table = jax.random.normal(k3, (N_USERS, EMBED_DIM), dtype=jnp.float32)
    book_table = jax.random.normal(k4, (N_BOOKS, EMBED_DIM), dtype=jnp.float32)
    W = jax.random.normal(k5, (2 * EMBED_DIM, 1), dtype=jnp.float32) * (1.0 / np.sqrt(2 * EMBED_DIM))
    b = jax.random.normal(k6, (1,), dtype=jnp.float32) * 0.01
    return {"users": users, "books": books, "user_table": user_table, "book_table": book_table, "W": W, "b": b}

def reference(users, books, user_table, book_table, W, b):
    user_embed = jnp.take(user_table, users, axis=0)
    book_embed = jnp.take(book_table, books, axis=0)
    output = jnp.concatenate([user_embed, book_embed], axis=1)
    output = output @ W + b
    return output

if __name__ == "__main__":
    import jax
    _d = setup_inputs()
    print(jax.jit(kernel)(*tuple(_d.values())))

</pallas_src>

<mosaic_0001>
#map = affine_map<(d0, d1) -> (0, 0)>
#map1 = affine_map<(d0, d1) -> (0)>
module attributes {stable_mosaic.version = 14 : i64} {
  func.func @_sc_body(%arg0: i32, %arg1: i32, %arg2: memref<32x512xi32, #tpu.memory_space<hbm>>, %arg3: memref<32x512xi32, #tpu.memory_space<hbm>>, %arg4: memref<32x1000000xf32, #tpu.memory_space<hbm>>, %arg5: memref<32x1000000xf32, #tpu.memory_space<hbm>>, %arg6: memref<80xf32, #tpu.memory_space<hbm>>, %arg7: memref<16384xf32, #tpu.memory_space<hbm>>, %arg8: memref<512xi32, #tpu.memory_space<vmem>>, %arg9: memref<512xi32, #tpu.memory_space<vmem>>, %arg10: memref<8x32x128xf32, #tpu.memory_space<vmem>>, %arg11: memref<8x32x128xf32, #tpu.memory_space<vmem>>, %arg12: memref<80xf32, #tpu.memory_space<vmem>>, %arg13: memref<512xf32, #tpu.memory_space<vmem>>, %arg14: memref<!tpu.dma_semaphore, #tpu.memory_space<semaphore_mem>>, %arg15: memref<!tpu.dma_semaphore, #tpu.memory_space<semaphore_mem>>, %arg16: memref<!tpu.dma_semaphore, #tpu.memory_space<semaphore_mem>>, %arg17: memref<!tpu.dma_semaphore, #tpu.memory_space<semaphore_mem>>, %arg18: memref<!tpu.dma_semaphore, #tpu.memory_space<semaphore_mem>>, %arg19: memref<!tpu.dma_semaphore, #tpu.memory_space<semaphore_mem>>, %arg20: memref<!tpu.dma_semaphore, #tpu.memory_space<semaphore_mem>>, %arg21: memref<!tpu.dma_semaphore, #tpu.memory_space<semaphore_mem>>, %arg22: memref<!tpu.dma_semaphore, #tpu.memory_space<semaphore_mem>>, %arg23: memref<!tpu.dma_semaphore, #tpu.memory_space<semaphore_mem>>, %arg24: memref<!tpu.dma_semaphore, #tpu.memory_space<semaphore_mem>>, %arg25: memref<!tpu.dma_semaphore, #tpu.memory_space<semaphore_mem>>, %arg26: memref<!tpu.dma_semaphore, #tpu.memory_space<semaphore_mem>>, %arg27: memref<!tpu.dma_semaphore, #tpu.memory_space<semaphore_mem>>, %arg28: memref<!tpu.dma_semaphore, #tpu.memory_space<semaphore_mem>>, %arg29: memref<!tpu.dma_semaphore, #tpu.memory_space<semaphore_mem>>) attributes {dimension_semantics = [#tpu.dimension_semantics<core_parallel>, #tpu.dimension_semantics<subcore_parallel>], iteration_bounds = array<i64: 2, 16>, scalar_prefetch = 0 : i64, scratch_operands = 22 : i64, tpu.core_type = #tpu.core_type<sc_vector_subcore>, window_params = [{transform_indices = #map}, {transform_indices = #map}, {transform_indices = #map}, {transform_indices = #map}, {transform_indices = #map1}, {transform_indices = #map1}]} {
    %mul3A = arith.constant 2 : i32
    %mul3A_0 = arith.muli %arg1, %mul3A : i32
    %add3A = arith.addi %mul3A_0, %arg0 : i32
    %mul3A_1 = arith.constant 512 : i32
    %mul3A_2 = arith.muli %add3A, %mul3A_1 : i32
    "tpu.region"() ({
      %run_scoped3A = tpu.sem_alloc : memref<!tpu.dma_semaphore, #tpu.memory_space<semaphore_mem>>
      %dma_start3A_545 = arith.constant 0 : i32
      %dma_start3A_546 = tpu.memref_slice %arg2[%add3A, %dma_start3A_545] : memref<32x512xi32, #tpu.memory_space<hbm>> -> memref<1x512xi32, #tpu.memory_space<hbm>>
      %dma_start3A_547 = tpu.memref_squeeze %dma_start3A_546 : memref<1x512xi32, #tpu.memory_space<hbm>> -> memref<512xi32, #tpu.memory_space<hbm>>
      %dma_start3A_548 = arith.constant 0 : i32
      %dma_start3A_549 = tpu.memref_slice %arg2[%add3A, %dma_start3A_548] : memref<32x512xi32, #tpu.memory_space<hbm>> -> memref<1x512xi32, #tpu.memory_space<hbm>>
      %dma_start3A_550 = tpu.memref_squeeze %dma_start3A_549 : memref<1x512xi32, #tpu.memory_space<hbm>> -> memref<512xi32, #tpu.memory_space<hbm>>
      tpu.enqueue_dma source(%dma_start3A_550 : memref<512xi32, #tpu.memory_space<hbm>>) target(%arg8 : memref<512xi32, #tpu.memory_space<vmem>>) target_semaphore(%run_scoped3A : memref<!tpu.dma_semaphore, #tpu.memory_space<semaphore_mem>>)
      %dma_wait3A = arith.constant 0 : i32
      %dma_wait3A_551 = tpu.memref_slice %arg2[%add3A, %dma_wait3A] : memref<32x512xi32, #tpu.memory_space<hbm>> -> memref<1x512xi32, #tpu.memory_space<hbm>>
      %dma_wait3A_552 = tpu.memref_squeeze %dma_wait3A_551 : memref<1x512xi32, #tpu.memory_space<hbm>> -> memref<512xi32, #tpu.memory_space<hbm>>
      %dma_wait3A_553 = arith.constant 0 : i32
      %dma_wait3A_554 = tpu.memref_slice %arg2[%add3A, %dma_wait3A_553] : memref<32x512xi32, #tpu.memory_space<hbm>> -> memref<1x512xi32, #tpu.memory_space<hbm>>
      %dma_wait3A_555 = tpu.memref_squeeze %dma_wait3A_554 : memref<1x512xi32, #tpu.memory_space<hbm>> -> memref<512xi32, #tpu.memory_space<hbm>>
      tpu.wait_dma2 semaphore(%run_scoped3A : memref<!tpu.dma_semaphore, #tpu.memory_space<semaphore_mem>>) src(%dma_wait3A_555 : memref<512xi32, #tpu.memory_space<hbm>>) dst(%arg8 : memref<512xi32, #tpu.memory_space<vmem>>)
      tpu.yield
    }) : () -> ()
    "tpu.region"() ({
      %run_scoped3A = tpu.sem_alloc : memref<!tpu.dma_semaphore, #tpu.memory_space<semaphore_mem>>
      %dma_start3A_545 = arith.constant 0 : i32
      %dma_start3A_546 = tpu.memref_slice %arg3[%add3A, %dma_start3A_545] : memref<32x512xi32, #tpu.memory_space<hbm>> -> memref<1x512xi32, #tpu.memory_space<hbm>>
      %dma_start3A_547 = tpu.memref_squeeze %dma_start3A_546 : memref<1x512xi32, #tpu.memory_space<hbm>> -> memref<512xi32, #tpu.memory_space<hbm>>
      %dma_start3A_548 = arith.constant 0 : i32
      %dma_start3A_549 = tpu.memref_slice %arg3[%add3A, %dma_start3A_548] : memref<32x512xi32, #tpu.memory_space<hbm>> -> memref<1x512xi32, #tpu.memory_space<hbm>>
      %dma_start3A_550 = tpu.memref_squeeze %dma_start3A_549 : memref<1x512xi32, #tpu.memory_space<hbm>> -> memref<512xi32, #tpu.memory_space<hbm>>
      tpu.enqueue_dma source(%dma_start3A_550 : memref<512xi32, #tpu.memory_space<hbm>>) target(%arg9 : memref<512xi32, #tpu.memory_space<vmem>>) target_semaphore(%run_scoped3A : memref<!tpu.dma_semaphore, #tpu.memory_space<semaphore_mem>>)
      %dma_wait3A = arith.constant 0 : i32
      %dma_wait3A_551 = tpu.memref_slice %arg3[%add3A, %dma_wait3A] : memref<32x512xi32, #tpu.memory_space<hbm>> -> memref<1x512xi32, #tpu.memory_space<hbm>>
      %dma_wait3A_552 = tpu.memref_squeeze %dma_wait3A_551 : memref<1x512xi32, #tpu.memory_space<hbm>> -> memref<512xi32, #tpu.memory_space<hbm>>
      %dma_wait3A_553 = arith.constant 0 : i32
      %dma_wait3A_554 = tpu.memref_slice %arg3[%add3A, %dma_wait3A_553] : memref<32x512xi32, #tpu.memory_space<hbm>> -> memref<1x512xi32, #tpu.memory_space<hbm>>
      %dma_wait3A_555 = tpu.memref_squeeze %dma_wait3A_554 : memref<1x512xi32, #tpu.memory_space<hbm>> -> memref<512xi32, #tpu.memory_space<hbm>>
      tpu.wait_dma2 semaphore(%run_scoped3A : memref<!tpu.dma_semaphore, #tpu.memory_space<semaphore_mem>>) src(%dma_wait3A_555 : memref<512xi32, #tpu.memory_space<hbm>>) dst(%arg9 : memref<512xi32, #tpu.memory_space<vmem>>)
      tpu.yield
    }) : () -> ()
    "tpu.region"() ({
      %run_scoped3A = tpu.sem_alloc : memref<!tpu.dma_semaphore, #tpu.memory_space<semaphore_mem>>
      tpu.enqueue_dma source(%arg6 : memref<80xf32, #tpu.memory_space<hbm>>) target(%arg12 : memref<80xf32, #tpu.memory_space<vmem>>) target_semaphore(%run_scoped3A : memref<!tpu.dma_semaphore, #tpu.memory_space<semaphore_mem>>)
      tpu.wait_dma2 semaphore(%run_scoped3A : memref<!tpu.dma_semaphore, #tpu.memory_space<semaphore_mem>>) src(%arg6 : memref<80xf32, #tpu.memory_space<hbm>>) dst(%arg12 : memref<80xf32, #tpu.memory_space<vmem>>)
      tpu.yield
    }) : () -> ()
    %get3A = arith.constant 0 : index
    %get3A_3 = tpu.vector_load %arg12[%get3A] {strides = array<i32>} : memref<80xf32, #tpu.memory_space<vmem>>, vector<16xf32>,
    %get3A_4 = arith.constant 16 : index
    %get3A_5 = tpu.vector_load %arg12[%get3A_4] {strides = array<i32>} : memref<80xf32, #tpu.memory_space<vmem>>, vector<16xf32>,
    %get3A_6 = arith.constant 32 : index
    %get3A_7 = tpu.vector_load %arg12[%get3A_6] {strides = array<i32>} : memref<80xf32, #tpu.memory_space<vmem>>, vector<16xf32>,
    %get3A_8 = arith.constant 48 : index
    %get3A_9 = tpu.vector_load %arg12[%get3A_8] {strides = array<i32>} : memref<80xf32, #tpu.memory_space<vmem>>, vector<16xf32>,
    %get3A_10 = arith.constant 64 : index
    %get3A_11 = tpu.vector_load %arg12[%get3A_10] {strides = array<i32>} : memref<80xf32, #tpu.memory_space<vmem>>, vector<16xf32>,
    %iota3A = tpu.iota {dimensions = array<i32: 0>} : vector<16xi32>
    %add3A_12 = arith.constant 16 : i32
    %add3A_13 = vector.broadcast %add3A_12 : i32 to vector<16xi32>
    %add3A_14 = arith.addi %iota3A, %add3A_13 : vector<16xi32>
    %broadcast_in_dim3A = arith.constant 0 : i32
    %broadcast_in_dim3A_15 = vector.broadcast %broadcast_in_dim3A : i32 to vector<16xi32>
    %get3A_16 = arith.constant 0 : index
    %get3A_17 = tpu.vector_load %arg8[%get3A_16] {strides = array<i32>} : memref<512xi32, #tpu.memory_space<vmem>>, vector<16xi32>,
    %eq3A = arith.constant 0 : i32
    %eq3A_18 = vector.broadcast %eq3A : i32 to vector<16xi32>
    %eq3A_19 = arith.cmpi eq, %iota3A, %eq3A_18 : vector<16xi32>
    %shift_right_logical3A = arith.constant 7 : i32
    %shift_right_logical3A_20 = vector.broadcast %shift_right_logical3A : i32 to vector<16xi32>
    %shift_right_logical3A_21 = arith.shrui %get3A_17, %shift_right_logical3A_20 : vector<16xi32>
    %select_n3A = arith.select %eq3A_19, %shift_right_logical3A_21, %broadcast_in_dim3A_15 : vector<16xi1>, vector<16xi32>
    %reduce_max3A = arith.constant true
    %reduce_max3A_22 = vector.broadcast %reduce_max3A : i1 to vector<16xi1>
    %reduce_max3A_23 = arith.constant -2147483648 : i32
    %reduce_max3A_24 = vector.broadcast %reduce_max3A_23 : i32 to vector<16xi32>
    %reduce_max3A_25 = arith.xori %select_n3A, %reduce_max3A_24 : vector<16xi32>
    %reduce_max3A_26 = tpu.scan <max>, %reduce_max3A_25 masked %reduce_max3A_22 : vector<16xi32>, vector<16xi1> -> vector<16xi32>
    %reduce_max3A_27 = arith.xori %reduce_max3A_26, %reduce_max3A_24 : vector<16xi32>
    %reduce_max3A_28 = vector.extract %reduce_max3A_27[15] : i32 from vector<16xi32>
    %mul3A_29 = arith.constant 128 : i32
    %mul3A_30 = arith.muli %reduce_max3A_28, %mul3A_29 : i32
    %multiple_of3A = tpu.assume_multiple %mul3A_30, 128 : i32
    %dma_start3A = arith.constant 0 : i32
    %dma_start3A_31 = arith.constant 0 : i32
    %dma_start3A_32 = arith.constant 0 : i32
    %dma_start3A_33 = tpu.memref_slice %arg10[%dma_start3A, %dma_start3A_31, %dma_start3A_32] : memref<8x32x128xf32, #tpu.memory_space<vmem>> -> memref<1x32x128xf32, #tpu.memory_space<vmem>>
    %dma_start3A_34 = tpu.memref_squeeze %dma_start3A_33 : memref<1x32x128xf32, #tpu.memory_space<vmem>> -> memref<32x128xf32, #tpu.memory_space<vmem>>
    %dma_start3A_35 = arith.constant 0 : i32
    %dma_start3A_36 = tpu.memref_slice %arg4[%dma_start3A_35, %multiple_of3A] : memref<32x1000000xf32, #tpu.memory_space<hbm>> -> memref<32x128xf32, #tpu.memory_space<hbm>>
    %dma_start3A_37 = arith.constant 0 : i32
    %dma_start3A_38 = arith.constant 0 : i32
    %dma_start3A_39 = tpu.memref_slice %arg10[%dma_start3A, %dma_start3A_37, %dma_start3A_38] : memref<8x32x128xf32, #tpu.memory_space<vmem>> -> memref<1x32x128xf32, #tpu.memory_space<vmem>>
    %dma_start3A_40 = tpu.memref_squeeze %dma_start3A_39 : memref<1x32x128xf32, #tpu.memory_space<vmem>> -> memref<32x128xf32, #tpu.memory_space<vmem>>
    %dma_start3A_41 = arith.constant 0 : i32
    %dma_start3A_42 = tpu.memref_slice %arg4[%dma_start3A_41, %multiple_of3A] : memref<32x1000000xf32, #tpu.memory_space<hbm>> -> memref<32x128xf32, #tpu.memory_space<hbm>>
    tpu.enqueue_dma source(%dma_start3A_42 : memref<32x128xf32, #tpu.memory_space<hbm>>) target(%dma_start3A_40 : memref<32x128xf32, #tpu.memory_space<vmem>>) target_semaphore(%arg14 : memref<!tpu.dma_semaphore, #tpu.memory_space<semaphore_mem>>)
    %get3A_43 = arith.constant 0 : index
    %get3A_44 = tpu.vector_load %arg9[%get3A_43] {strides = array<i32>} : memref<512xi32, #tpu.memory_space<vmem>>, vector<16xi32>,
    %eq3A_45 = arith.constant 0 : i32
    %eq3A_46 = vector.broadcast %eq3A_45 : i32 to vector<16xi32>
    %eq3A_47 = arith.cmpi eq, %iota3A, %eq3A_46 : vector<16xi32>
    %shift_right_logical3A_48 = arith.constant 7 : i32
    %shift_right_logical3A_49 = vector.broadcast %shift_right_logical3A_48 : i32 to vector<16xi32>
    %shift_right_logical3A_50 = arith.shrui %get3A_44, %shift_right_logical3A_49 : vector<16xi32>
    %select_n3A_51 = arith.select %eq3A_47, %shift_right_logical3A_50, %broadcast_in_dim3A_15 : vector<16xi1>, vector<16xi32>
    %reduce_max3A_52 = arith.constant true
    %reduce_max3A_53 = vector.broadcast %reduce_max3A_52 : i1 to vector<16xi1>
    %reduce_max3A_54 = arith.constant -2147483648 : i32
    %reduce_max3A_55 = vector.broadcast %reduce_max3A_54 : i32 to vector<16xi32>
    %reduce_max3A_56 = arith.xori %select_n3A_51, %reduce_max3A_55 : vector<16xi32>
    %reduce_max3A_57 = tpu.scan <max>, %reduce_max3A_56 masked %reduce_max3A_53 : vector<16xi32>, vector<16xi1> -> vector<16xi32>
    %reduce_max3A_58 = arith.xori %reduce_max3A_57, %reduce_max3A_55 : vector<16xi32>
    %reduce_max3A_59 = vector.extract %reduce_max3A_58[15] : i32 from vector<16xi32>
    %mul3A_60 = arith.constant 128 : i32
    %mul3A_61 = arith.muli %reduce_max3A_59, %mul3A_60 : i32
    %multiple_of3A_62 = tpu.assume_multiple %mul3A_61, 128 : i32
    %dma_start3A_63 = arith.constant 0 : i32
    %dma_start3A_64 = arith.constant 0 : i32
    %dma_start3A_65 = arith.constant 0 : i32
    %dma_start3A_66 = tpu.memref_slice %arg11[%dma_start3A_63, %dma_start3A_64, %dma_start3A_65] : memref<8x32x128xf32, #tpu.memory_space<vmem>> -> memref<1x32x128xf32, #tpu.memory_space<vmem>>
    %dma_start3A_67 = tpu.memref_squeeze %dma_start3A_66 : memref<1x32x128xf32, #tpu.memory_space<vmem>> -> memref<32x128xf32, #tpu.memory_space<vmem>>
    %dma_start3A_68 = arith.constant 0 : i32
    %dma_start3A_69 = tpu.memref_slice %arg5[%dma_start3A_68, %multiple_of3A_62] : memref<32x1000000xf32, #tpu.memory_space<hbm>> -> memref<32x128xf32, #tpu.memory_space<hbm>>
    %dma_start3A_70 = arith.constant 0 : i32
    %dma_start3A_71 = arith.constant 0 : i32
    %dma_start3A_72 = tpu.memref_slice %arg11[%dma_start3A_63, %dma_start3A_70, %dma_start3A_71] : memref<8x32x128xf32, #tpu.memory_space<vmem>> -> memref<1x32x128xf32, #tpu.memory_space<vmem>>
    %dma_start3A_73 = tpu.memref_squeeze %dma_start3A_72 : memref<1x32x128xf32, #tpu.memory_space<vmem>> -> memref<32x128xf32, #tpu.memory_space<vmem>>
    %dma_start3A_74 = arith.constant 0 : i32
    %dma_start3A_75 = tpu.memref_slice %arg5[%dma_start3A_74, %multiple_of3A_62] : memref<32x1000000xf32, #tpu.memory_space<hbm>> -> memref<32x128xf32, #tpu.memory_space<hbm>>
    tpu.enqueue_dma source(%dma_start3A_75 : memref<32x128xf32, #tpu.memory_space<hbm>>) target(%dma_start3A_73 : memref<32x128xf32, #tpu.memory_space<vmem>>) target_semaphore(%arg22 : memref<!tpu.dma_semaphore, #tpu.memory_space<semaphore_mem>>)
    %get3A_76 = arith.constant 0 : index
    %get3A_77 = tpu.vector_load %arg8[%get3A_76] {strides = array<i32>} : memref<512xi32, #tpu.memory_space<vmem>>, vector<16xi32>,
    %eq3A_78 = arith.constant 1 : i32
    %eq3A_79 = vector.broadcast %eq3A_78 : i32 to vector<16xi32>
    %eq3A_80 = arith.cmpi eq, %iota3A, %eq3A_79 : vector<16xi32>
    %shift_right_logical3A_81 = arith.constant 7 : i32
    %shift_right_logical3A_82 = vector.broadcast %shift_right_logical3A_81 : i32 to vector<16xi32>
    %shift_right_logical3A_83 = arith.shrui %get3A_77, %shift_right_logical3A_82 : vector<16xi32>
    %select_n3A_84 = arith.select %eq3A_80, %shift_right_logical3A_83, %broadcast_in_dim3A_15 : vector<16xi1>, vector<16xi32>
    %reduce_max3A_85 = arith.constant true
    %reduce_max3A_86 = vector.broadcast %reduce_max3A_85 : i1 to vector<16xi1>
    %reduce_max3A_87 = arith.constant -2147483648 : i32
    %reduce_max3A_88 = vector.broadcast %reduce_max3A_87 : i32 to vector<16xi32>
    %reduce_max3A_89 = arith.xori %select_n3A_84, %reduce_max3A_88 : vector<16xi32>
    %reduce_max3A_90 = tpu.scan <max>, %reduce_max3A_89 masked %reduce_max3A_86 : vector<16xi32>, vector<16xi1> -> vector<16xi32>
    %reduce_max3A_91 = arith.xori %reduce_max3A_90, %reduce_max3A_88 : vector<16xi32>
    %reduce_max3A_92 = vector.extract %reduce_max3A_91[15] : i32 from vector<16xi32>
    %mul3A_93 = arith.constant 128 : i32
    %mul3A_94 = arith.muli %reduce_max3A_92, %mul3A_93 : i32
    %multiple_of3A_95 = tpu.assume_multiple %mul3A_94, 128 : i32
    %dma_start3A_96 = arith.constant 1 : i32
    %dma_start3A_97 = arith.constant 0 : i32
    %dma_start3A_98 = arith.constant 0 : i32
    %dma_start3A_99 = tpu.memref_slice %arg10[%dma_start3A_96, %dma_start3A_97, %dma_start3A_98] : memref<8x32x128xf32, #tpu.memory_space<vmem>> -> memref<1x32x128xf32, #tpu.memory_space<vmem>>
    %dma_start3A_100 = tpu.memref_squeeze %dma_start3A_99 : memref<1x32x128xf32, #tpu.memory_space<vmem>> -> memref<32x128xf32, #tpu.memory_space<vmem>>
    %dma_start3A_101 = arith.constant 0 : i32
    %dma_start3A_102 = tpu.memref_slice %arg4[%dma_start3A_101, %multiple_of3A_95] : memref<32x1000000xf32, #tpu.memory_space<hbm>> -> memref<32x128xf32, #tpu.memory_space<hbm>>
    %dma_start3A_103 = arith.constant 0 : i32
    %dma_start3A_104 = arith.constant 0 : i32
    %dma_start3A_105 = tpu.memref_slice %arg10[%dma_start3A_96, %dma_start3A_103, %dma_start3A_104] : memref<8x32x128xf32, #tpu.memory_space<vmem>> -> memref<1x32x128xf32, #tpu.memory_space<vmem>>
    %dma_start3A_106 = tpu.memref_squeeze %dma_start3A_105 : memref<1x32x128xf32, #tpu.memory_space<vmem>> -> memref<32x128xf32, #tpu.memory_space<vmem>>
    %dma_start3A_107 = arith.constant 0 : i32
    %dma_start3A_108 = tpu.memref_slice %arg4[%dma_start3A_107, %multiple_of3A_95] : memref<32x1000000xf32, #tpu.memory_space<hbm>> -> memref<32x128xf32, #tpu.memory_space<hbm>>
    tpu.enqueue_dma source(%dma_start3A_108 : memref<32x128xf32, #tpu.memory_space<hbm>>) target(%dma_start3A_106 : memref<32x128xf32, #tpu.memory_space<vmem>>) target_semaphore(%arg15 : memref<!tpu.dma_semaphore, #tpu.memory_space<semaphore_mem>>)
    %get3A_109 = arith.constant 0 : index
    %get3A_110 = tpu.vector_load %arg9[%get3A_109] {strides = array<i32>} : memref<512xi32, #tpu.memory_space<vmem>>, vector<16xi32>,
    %eq3A_111 = arith.constant 1 : i32
    %eq3A_112 = vector.broadcast %eq3A_111 : i32 to vector<16xi32>
    %eq3A_113 = arith.cmpi eq, %iota3A, %eq3A_112 : vector<16xi32>
    %shift_right_logical3A_114 = arith.constant 7 : i32
    %shift_right_logical3A_115 = vector.broadcast %shift_right_logical3A_114 : i32 to vector<16xi32>
    %shift_right_logical3A_116 = arith.shrui %get3A_110, %shift_right_logical3A_115 : vector<16xi32>
    %select_n3A_117 = arith.select %eq3A_113, %shift_right_logical3A_116, %broadcast_in_dim3A_15 : vector<16xi1>, vector<16xi32>
    %reduce_max3A_118 = arith.constant true
    %reduce_max3A_119 = vector.broadcast %reduce_max3A_118 : i1 to vector<16xi1>
    %reduce_max3A_120 = arith.constant -2147483648 : i32
    %reduce_max3A_121 = vector.broadcast %reduce_max3A_120 : i32 to vector<16xi32>
    %reduce_max3A_122 = arith.xori %select_n3A_117, %reduce_max3A_121 : vector<16xi32>
    %reduce_max3A_123 = tpu.scan <max>, %reduce_max3A_122 masked %reduce_max3A_119 : vector<16xi32>, vector<16xi1> -> vector<16xi32>
    %reduce_max3A_124 = arith.xori %reduce_max3A_123, %reduce_max3A_121 : vector<16xi32>
    %reduce_max3A_125 = vector.extract %reduce_max3A_124[15] : i32 from vector<16xi32>
    %mul3A_126 = arith.constant 128 : i32
    %mul3A_127 = arith.muli %reduce_max3A_125, %mul3A_126 : i32
    %multiple_of3A_128 = tpu.assume_multiple %mul3A_127, 128 : i32
    %dma_start3A_129 = arith.constant 1 : i32
    %dma_start3A_130 = arith.constant 0 : i32
    %dma_start3A_131 = arith.constant 0 : i32
    %dma_start3A_132 = tpu.memref_slice %arg11[%dma_start3A_129, %dma_start3A_130, %dma_start3A_131] : memref<8x32x128xf32, #tpu.memory_space<vmem>> -> memref<1x32x128xf32, #tpu.memory_space<vmem>>
    %dma_start3A_133 = tpu.memref_squeeze %dma_start3A_132 : memref<1x32x128xf32, #tpu.memory_space<vmem>> -> memref<32x128xf32, #tpu.memory_space<vmem>>
    %dma_start3A_134 = arith.constant 0 : i32
    %dma_start3A_135 = tpu.memref_slice %arg5[%dma_start3A_134, %multiple_of3A_128] : memref<32x1000000xf32, #tpu.memory_space<hbm>> -> memref<32x128xf32, #tpu.memory_space<hbm>>
    %dma_start3A_136 = arith.constant 0 : i32
    %dma_start3A_137 = arith.constant 0 : i32
    %dma_start3A_138 = tpu.memref_slice %arg11[%dma_start3A_129, %dma_start3A_136, %dma_start3A_137] : memref<8x32x128xf32, #tpu.memory_space<vmem>> -> memref<1x32x128xf32, #tpu.memory_space<vmem>>
    %dma_start3A_139 = tpu.memref_squeeze %dma_start3A_138 : memref<1x32x128xf32, #tpu.memory_space<vmem>> -> memref<32x128xf32, #tpu.memory_space<vmem>>
    %dma_start3A_140 = arith.constant 0 : i32
    %dma_start3A_141 = tpu.memref_slice %arg5[%dma_start3A_140, %multiple_of3A_128] : memref<32x1000000xf32, #tpu.memory_space<hbm>> -> memref<32x128xf32, #tpu.memory_space<hbm>>
    tpu.enqueue_dma source(%dma_start3A_141 : memref<32x128xf32, #tpu.memory_space<hbm>>) target(%dma_start3A_139 : memref<32x128xf32, #tpu.memory_space<vmem>>) target_semaphore(%arg23 : memref<!tpu.dma_semaphore, #tpu.memory_space<semaphore_mem>>)
    %get3A_142 = arith.constant 0 : index
    %get3A_143 = tpu.vector_load %arg8[%get3A_142] {strides = array<i32>} : memref<512xi32, #tpu.memory_space<vmem>>, vector<16xi32>,
    %eq3A_144 = arith.constant 2 : i32
    %eq3A_145 = vector.broadcast %eq3A_144 : i32 to vector<16xi32>
    %eq3A_146 = arith.cmpi eq, %iota3A, %eq3A_145 : vector<16xi32>
    %shift_right_logical3A_147 = arith.constant 7 : i32
    %shift_right_logical3A_148 = vector.broadcast %shift_right_logical3A_147 : i32 to vector<16xi32>
    %shift_right_logical3A_149 = arith.shrui %get3A_143, %shift_right_logical3A_148 : vector<16xi32>
    %select_n3A_150 = arith.select %eq3A_146, %shift_right_logical3A_149, %broadcast_in_dim3A_15 : vector<16xi1>, vector<16xi32>
    %reduce_max3A_151 = arith.constant true
    %reduce_max3A_152 = vector.broadcast %reduce_max3A_151 : i1 to vector<16xi1>
    %reduce_max3A_153 = arith.constant -2147483648 : i32
    %reduce_max3A_154 = vector.broadcast %reduce_max3A_153 : i32 to vector<16xi32>
    %reduce_max3A_155 = arith.xori %select_n3A_150, %reduce_max3A_154 : vector<16xi32>
    %reduce_max3A_156 = tpu.scan <max>, %reduce_max3A_155 masked %reduce_max3A_152 : vector<16xi32>, vector<16xi1> -> vector<16xi32>
    %reduce_max3A_157 = arith.xori %reduce_max3A_156, %reduce_max3A_154 : vector<16xi32>
    %reduce_max3A_158 = vector.extract %reduce_max3A_157[15] : i32 from vector<16xi32>
    %mul3A_159 = arith.constant 128 : i32
    %mul3A_160 = arith.muli %reduce_max3A_158, %mul3A_159 : i32
    %multiple_of3A_161 = tpu.assume_multiple %mul3A_160, 128 : i32
    %dma_start3A_162 = arith.constant 2 : i32
    %dma_start3A_163 = arith.constant 0 : i32
    %dma_start3A_164 = arith.constant 0 : i32
    %dma_start3A_165 = tpu.memref_slice %arg10[%dma_start3A_162, %dma_start3A_163, %dma_start3A_164] : memref<8x32x128xf32, #tpu.memory_space<vmem>> -> memref<1x32x128xf32, #tpu.memory_space<vmem>>
    %dma_start3A_166 = tpu.memref_squeeze %dma_start3A_165 : memref<1x32x128xf32, #tpu.memory_space<vmem>> -> memref<32x128xf32, #tpu.memory_space<vmem>>
    %dma_start3A_167 = arith.constant 0 : i32
    %dma_start3A_168 = tpu.memref_slice %arg4[%dma_start3A_167, %multiple_of3A_161] : memref<32x1000000xf32, #tpu.memory_space<hbm>> -> memref<32x128xf32, #tpu.memory_space<hbm>>
    %dma_start3A_169 = arith.constant 0 : i32
    %dma_start3A_170 = arith.constant 0 : i32
    %dma_start3A_171 = tpu.memref_slice %arg10[%dma_start3A_162, %dma_start3A_169, %dma_start3A_170] : memref<8x32x128xf32, #tpu.memory_space<vmem>> -> memref<1x32x128xf32, #tpu.memory_space<vmem>>
    %dma_start3A_172 = tpu.memref_squeeze %dma_start3A_171 : memref<1x32x128xf32, #tpu.memory_space<vmem>> -> memref<32x128xf32, #tpu.memory_space<vmem>>
    %dma_start3A_173 = arith.constant 0 : i32
    %dma_start3A_174 = tpu.memref_slice %arg4[%dma_start3A_173, %multiple_of3A_161] : memref<32x1000000xf32, #tpu.memory_space<hbm>> -> memref<32x128xf32, #tpu.memory_space<hbm>>
    tpu.enqueue_dma source(%dma_start3A_174 : memref<32x128xf32, #tpu.memory_space<hbm>>) target(%dma_start3A_172 : memref<32x128xf32, #tpu.memory_space<vmem>>) target_semaphore(%arg16 : memref<!tpu.dma_semaphore, #tpu.memory_space<semaphore_mem>>)
    %get3A_175 = arith.constant 0 : index
    %get3A_176 = tpu.vector_load %arg9[%get3A_175] {strides = array<i32>} : memref<512xi32, #tpu.memory_space<vmem>>, vector<16xi32>,
    %eq3A_177 = arith.constant 2 : i32
    %eq3A_178 = vector.broadcast %eq3A_177 : i32 to vector<16xi32>
    %eq3A_179 = arith.cmpi eq, %iota3A, %eq3A_178 : vector<16xi32>
    %shift_right_logical3A_180 = arith.constant 7 : i32
    %shift_right_logical3A_181 = vector.broadcast %shift_right_logical3A_180 : i32 to vector<16xi32>
    %shift_right_logical3A_182 = arith.shrui %get3A_176, %shift_right_logical3A_181 : vector<16xi32>
    %select_n3A_183 = arith.select %eq3A_179, %shift_right_logical3A_182, %broadcast_in_dim3A_15 : vector<16xi1>, vector<16xi32>
    %reduce_max3A_184 = arith.constant true
    %reduce_max3A_185 = vector.broadcast %reduce_max3A_184 : i1 to vector<16xi1>
    %reduce_max3A_186 = arith.constant -2147483648 : i32
    %reduce_max3A_187 = vector.broadcast %reduce_max3A_186 : i32 to vector<16xi32>
    %reduce_max3A_188 = arith.xori %select_n3A_183, %reduce_max3A_187 : vector<16xi32>
    %reduce_max3A_189 = tpu.scan <max>, %reduce_max3A_188 masked %reduce_max3A_185 : vector<16xi32>, vector<16xi1> -> vector<16xi32>
    %reduce_max3A_190 = arith.xori %reduce_max3A_189, %reduce_max3A_187 : vector<16xi32>
    %reduce_max3A_191 = vector.extract %reduce_max3A_190[15] : i32 from vector<16xi32>
    %mul3A_192 = arith.constant 128 : i32
    %mul3A_193 = arith.muli %reduce_max3A_191, %mul3A_192 : i32
    %multiple_of3A_194 = tpu.assume_multiple %mul3A_193, 128 : i32
    %dma_start3A_195 = arith.constant 2 : i32
    %dma_start3A_196 = arith.constant 0 : i32
    %dma_start3A_197 = arith.constant 0 : i32
    %dma_start3A_198 = tpu.memref_slice %arg11[%dma_start3A_195, %dma_start3A_196, %dma_start3A_197] : memref<8x32x128xf32, #tpu.memory_space<vmem>> -> memref<1x32x128xf32, #tpu.memory_space<vmem>>
    %dma_start3A_199 = tpu.memref_squeeze %dma_start3A_198 : memref<1x32x128xf32, #tpu.memory_space<vmem>> -> memref<32x128xf32, #tpu.memory_space<vmem>>
    %dma_start3A_200 = arith.constant 0 : i32
    %dma_start3A_201 = tpu.memref_slice %arg5[%dma_start3A_200, %multiple_of3A_194] : memref<32x1000000xf32, #tpu.memory_space<hbm>> -> memref<32x128xf32, #tpu.memory_space<hbm>>
    %dma_start3A_202 = arith.constant 0 : i32
    %dma_start3A_203 = arith.constant 0 : i32
    %dma_start3A_204 = tpu.memref_slice %arg11[%dma_start3A_195, %dma_start3A_202, %dma_start3A_203] : memref<8x32x128xf32, #tpu.memory_space<vmem>> -> memref<1x32x128xf32, #tpu.memory_space<vmem>>
    %dma_start3A_205 = tpu.memref_squeeze %dma_start3A_204 : memref<1x32x128xf32, #tpu.memory_space<vmem>> -> memref<32x128xf32, #tpu.memory_space<vmem>>
    %dma_start3A_206 = arith.constant 0 : i32
    %dma_start3A_207 = tpu.memref_slice %arg5[%dma_start3A_206, %multiple_of3A_194] : memref<32x1000000xf32, #tpu.memory_space<hbm>> -> memref<32x128xf32, #tpu.memory_space<hbm>>
    tpu.enqueue_dma source(%dma_start3A_207 : memref<32x128xf32, #tpu.memory_space<hbm>>) target(%dma_start3A_205 : memref<32x128xf32, #tpu.memory_space<vmem>>) target_semaphore(%arg24 : memref<!tpu.dma_semaphore, #tpu.memory_space<semaphore_mem>>)
    %get3A_208 = arith.constant 0 : index
    %get3A_209 = tpu.vector_load %arg8[%get3A_208] {strides = array<i32>} : memref<512xi32, #tpu.memory_space<vmem>>, vector<16xi32>,
    %eq3A_210 = arith.constant 3 : i32
    %eq3A_211 = vector.broadcast %eq3A_210 : i32 to vector<16xi32>
    %eq3A_212 = arith.cmpi eq, %iota3A, %eq3A_211 : vector<16xi32>
    %shift_right_logical3A_213 = arith.constant 7 : i32
    %shift_right_logical3A_214 = vector.broadcast %shift_right_logical3A_213 : i32 to vector<16xi32>
    %shift_right_logical3A_215 = arith.shrui %get3A_209, %shift_right_logical3A_214 : vector<16xi32>
    %select_n3A_216 = arith.select %eq3A_212, %shift_right_logical3A_215, %broadcast_in_dim3A_15 : vector<16xi1>, vector<16xi32>
    %reduce_max3A_217 = arith.constant true
    %reduce_max3A_218 = vector.broadcast %reduce_max3A_217 : i1 to vector<16xi1>
    %reduce_max3A_219 = arith.constant -2147483648 : i32
    %reduce_max3A_220 = vector.broadcast %reduce_max3A_219 : i32 to vector<16xi32>
    %reduce_max3A_221 = arith.xori %select_n3A_216, %reduce_max3A_220 : vector<16xi32>
    %reduce_max3A_222 = tpu.scan <max>, %reduce_max3A_221 masked %reduce_max3A_218 : vector<16xi32>, vector<16xi1> -> vector<16xi32>
    %reduce_max3A_223 = arith.xori %reduce_max3A_222, %reduce_max3A_220 : vector<16xi32>
    %reduce_max3A_224 = vector.extract %reduce_max3A_223[15] : i32 from vector<16xi32>
    %mul3A_225 = arith.constant 128 : i32
    %mul3A_226 = arith.muli %reduce_max3A_224, %mul3A_225 : i32
    %multiple_of3A_227 = tpu.assume_multiple %mul3A_226, 128 : i32
    %dma_start3A_228 = arith.constant 3 : i32
    %dma_start3A_229 = arith.constant 0 : i32
    %dma_start3A_230 = arith.constant 0 : i32
    %dma_start3A_231 = tpu.memref_slice %arg10[%dma_start3A_228, %dma_start3A_229, %dma_start3A_230] : memref<8x32x128xf32, #tpu.memory_space<vmem>> -> memref<1x32x128xf32, #tpu.memory_space<vmem>>
    %dma_start3A_232 = tpu.memref_squeeze %dma_start3A_231 : memref<1x32x128xf32, #tpu.memory_space<vmem>> -> memref<32x128xf32, #tpu.memory_space<vmem>>
    %dma_start3A_233 = arith.constant 0 : i32
    %dma_start3A_234 = tpu.memref_slice %arg4[%dma_start3A_233, %multiple_of3A_227] : memref<32x1000000xf32, #tpu.memory_space<hbm>> -> memref<32x128xf32, #tpu.memory_space<hbm>>
    %dma_start3A_235 = arith.constant 0 : i32
    %dma_start3A_236 = arith.constant 0 : i32
    %dma_start3A_237 = tpu.memref_slice %arg10[%dma_start3A_228, %dma_start3A_235, %dma_start3A_236] : memref<8x32x128xf32, #tpu.memory_space<vmem>> -> memref<1x32x128xf32, #tpu.memory_space<vmem>>
    %dma_start3A_238 = tpu.memref_squeeze %dma_start3A_237 : memref<1x32x128xf32, #tpu.memory_space<vmem>> -> memref<32x128xf32, #tpu.memory_space<vmem>>
    %dma_start3A_239 = arith.constant 0 : i32
    %dma_start3A_240 = tpu.memref_slice %arg4[%dma_start3A_239, %multiple_of3A_227] : memref<32x1000000xf32, #tpu.memory_space<hbm>> -> memref<32x128xf32, #tpu.memory_space<hbm>>
    tpu.enqueue_dma source(%dma_start3A_240 : memref<32x128xf32, #tpu.memory_space<hbm>>) target(%dma_start3A_238 : memref<32x128xf32, #tpu.memory_space<vmem>>) target_semaphore(%arg17 : memref<!tpu.dma_semaphore, #tpu.memory_space<semaphore_mem>>)
    %get3A_241 = arith.constant 0 : index
    %get3A_242 = tpu.vector_load %arg9[%get3A_241] {strides = array<i32>} : memref<512xi32, #tpu.memory_space<vmem>>, vector<16xi32>,
    %eq3A_243 = arith.constant 3 : i32
    %eq3A_244 = vector.broadcast %eq3A_243 : i32 to vector<16xi32>
    %eq3A_245 = arith.cmpi eq, %iota3A, %eq3A_244 : vector<16xi32>
    %shift_right_logical3A_246 = arith.constant 7 : i32
    %shift_right_logical3A_247 = vector.broadcast %shift_right_logical3A_246 : i32 to vector<16xi32>
    %shift_right_logical3A_248 = arith.shrui %get3A_242, %shift_right_logical3A_247 : vector<16xi32>
    %select_n3A_249 = arith.select %eq3A_245, %shift_right_logical3A_248, %broadcast_in_dim3A_15 : vector<16xi1>, vector<16xi32>
    %reduce_max3A_250 = arith.constant true
    %reduce_max3A_251 = vector.broadcast %reduce_max3A_250 : i1 to vector<16xi1>
    %reduce_max3A_252 = arith.constant -2147483648 : i32
    %reduce_max3A_253 = vector.broadcast %reduce_max3A_252 : i32 to vector<16xi32>
    %reduce_max3A_254 = arith.xori %select_n3A_249, %reduce_max3A_253 : vector<16xi32>
    %reduce_max3A_255 = tpu.scan <max>, %reduce_max3A_254 masked %reduce_max3A_251 : vector<16xi32>, vector<16xi1> -> vector<16xi32>
    %reduce_max3A_256 = arith.xori %reduce_max3A_255, %reduce_max3A_253 : vector<16xi32>
    %reduce_max3A_257 = vector.extract %reduce_max3A_256[15] : i32 from vector<16xi32>
    %mul3A_258 = arith.constant 128 : i32
    %mul3A_259 = arith.muli %reduce_max3A_257, %mul3A_258 : i32
    %multiple_of3A_260 = tpu.assume_multiple %mul3A_259, 128 : i32
    %dma_start3A_261 = arith.constant 3 : i32
    %dma_start3A_262 = arith.constant 0 : i32
    %dma_start3A_263 = arith.constant 0 : i32
    %dma_start3A_264 = tpu.memref_slice %arg11[%dma_start3A_261, %dma_start3A_262, %dma_start3A_263] : memref<8x32x128xf32, #tpu.memory_space<vmem>> -> memref<1x32x128xf32, #tpu.memory_space<vmem>>
    %dma_start3A_265 = tpu.memref_squeeze %dma_start3A_264 : memref<1x32x128xf32, #tpu.memory_space<vmem>> -> memref<32x128xf32, #tpu.memory_space<vmem>>
    %dma_start3A_266 = arith.constant 0 : i32
    %dma_start3A_267 = tpu.memref_slice %arg5[%dma_start3A_266, %multiple_of3A_260] : memref<32x1000000xf32, #tpu.memory_space<hbm>> -> memref<32x128xf32, #tpu.memory_space<hbm>>
    %dma_start3A_268 = arith.constant 0 : i32
    %dma_start3A_269 = arith.constant 0 : i32
    %dma_start3A_270 = tpu.memref_slice %arg11[%dma_start3A_261, %dma_start3A_268, %dma_start3A_269] : memref<8x32x128xf32, #tpu.memory_space<vmem>> -> memref<1x32x128xf32, #tpu.memory_space<vmem>>
    %dma_start3A_271 = tpu.memref_squeeze %dma_start3A_270 : memref<1x32x128xf32, #tpu.memory_space<vmem>> -> memref<32x128xf32, #tpu.memory_space<vmem>>
    %dma_start3A_272 = arith.constant 0 : i32
    %dma_start3A_273 = tpu.memref_slice %arg5[%dma_start3A_272, %multiple_of3A_260] : memref<32x1000000xf32, #tpu.memory_space<hbm>> -> memref<32x128xf32, #tpu.memory_space<hbm>>
    tpu.enqueue_dma source(%dma_start3A_273 : memref<32x128xf32, #tpu.memory_space<hbm>>) target(%dma_start3A_271 : memref<32x128xf32, #tpu.memory_space<vmem>>) target_semaphore(%arg25 : memref<!tpu.dma_semaphore, #tpu.memory_space<semaphore_mem>>)
    %get3A_274 = arith.constant 0 : index
    %get3A_275 = tpu.vector_load %arg8[%get3A_274] {strides = array<i32>} : memref<512xi32, #tpu.memory_space<vmem>>, vector<16xi32>,
    %eq3A_276 = arith.constant 4 : i32
    %eq3A_277 = vector.broadcast %eq3A_276 : i32 to vector<16xi32>
    %eq3A_278 = arith.cmpi eq, %iota3A, %eq3A_277 : vector<16xi32>
    %shift_right_logical3A_279 = arith.constant 7 : i32
    %shift_right_logical3A_280 = vector.broadcast %shift_right_logical3A_279 : i32 to vector<16xi32>
    %shift_right_logical3A_281 = arith.shrui %get3A_275, %shift_right_logical3A_280 : vector<16xi32>
    %select_n3A_282 = arith.select %eq3A_278, %shift_right_logical3A_281, %broadcast_in_dim3A_15 : vector<16xi1>, vector<16xi32>
    %reduce_max3A_283 = arith.constant true
    %reduce_max3A_284 = vector.broadcast %reduce_max3A_283 : i1 to vector<16xi1>
    %reduce_max3A_285 = arith.constant -2147483648 : i32
    %reduce_max3A_286 = vector.broadcast %reduce_max3A_285 : i32 to vector<16xi32>
    %reduce_max3A_287 = arith.xori %select_n3A_282, %reduce_max3A_286 : vector<16xi32>
    %reduce_max3A_288 = tpu.scan <max>, %reduce_max3A_287 masked %reduce_max3A_284 : vector<16xi32>, vector<16xi1> -> vector<16xi32>
    %reduce_max3A_289 = arith.xori %reduce_max3A_288, %reduce_max3A_286 : vector<16xi32>
    %reduce_max3A_290 = vector.extract %reduce_max3A_289[15] : i32 from vector<16xi32>
    %mul3A_291 = arith.constant 128 : i32
    %mul3A_292 = arith.muli %reduce_max3A_290, %mul3A_291 : i32
    %multiple_of3A_293 = tpu.assume_multiple %mul3A_292, 128 : i32
    %dma_start3A_294 = arith.constant 4 : i32
    %dma_start3A_295 = arith.constant 0 : i32
    %dma_start3A_296 = arith.constant 0 : i32
    %dma_start3A_297 = tpu.memref_slice %arg10[%dma_start3A_294, %dma_start3A_295, %dma_start3A_296] : memref<8x32x128xf32, #tpu.memory_space<vmem>> -> memref<1x32x128xf32, #tpu.memory_space<vmem>>
    %dma_start3A_298 = tpu.memref_squeeze %dma_start3A_297 : memref<1x32x128xf32, #tpu.memory_space<vmem>> -> memref<32x128xf32, #tpu.memory_space<vmem>>
    %dma_start3A_299 = arith.constant 0 : i32
    %dma_start3A_300 = tpu.memref_slice %arg4[%dma_start3A_299, %multiple_of3A_293] : memref<32x1000000xf32, #tpu.memory_space<hbm>> -> memref<32x128xf32, #tpu.memory_space<hbm>>
    %dma_start3A_301 = arith.constant 0 : i32
    %dma_start3A_302 = arith.constant 0 : i32
    %dma_start3A_303 = tpu.memref_slice %arg10[%dma_start3A_294, %dma_start3A_301, %dma_start3A_302] : memref<8x32x128xf32, #tpu.memory_space<vmem>> -> memref<1x32x128xf32, #tpu.memory_space<vmem>>
    %dma_start3A_304 = tpu.memref_squeeze %dma_start3A_303 : memref<1x32x128xf32, #tpu.memory_space<vmem>> -> memref<32x128xf32, #tpu.memory_space<vmem>>
    %dma_start3A_305 = arith.constant 0 : i32
    %dma_start3A_306 = tpu.memref_slice %arg4[%dma_start3A_305, %multiple_of3A_293] : memref<32x1000000xf32, #tpu.memory_space<hbm>> -> memref<32x128xf32, #tpu.memory_space<hbm>>
    tpu.enqueue_dma source(%dma_start3A_306 : memref<32x128xf32, #tpu.memory_space<hbm>>) target(%dma_start3A_304 : memref<32x128xf32, #tpu.memory_space<vmem>>) target_semaphore(%arg18 : memref<!tpu.dma_semaphore, #tpu.memory_space<semaphore_mem>>)
    %get3A_307 = arith.constant 0 : index
    %get3A_308 = tpu.vector_load %arg9[%get3A_307] {strides = array<i32>} : memref<512xi32, #tpu.memory_space<vmem>>, vector<16xi32>,
    %eq3A_309 = arith.constant 4 : i32
    %eq3A_310 = vector.broadcast %eq3A_309 : i32 to vector<16xi32>
    %eq3A_311 = arith.cmpi eq, %iota3A, %eq3A_310 : vector<16xi32>
    %shift_right_logical3A_312 = arith.constant 7 : i32
    %shift_right_logical3A_313 = vector.broadcast %shift_right_logical3A_312 : i32 to vector<16xi32>
    %shift_right_logical3A_314 = arith.shrui %get3A_308, %shift_right_logical3A_313 : vector<16xi32>
    %select_n3A_315 = arith.select %eq3A_311, %shift_right_logical3A_314, %broadcast_in_dim3A_15 : vector<16xi1>, vector<16xi32>
    %reduce_max3A_316 = arith.constant true
    %reduce_max3A_317 = vector.broadcast %reduce_max3A_316 : i1 to vector<16xi1>
    %reduce_max3A_318 = arith.constant -2147483648 : i32
    %reduce_max3A_319 = vector.broadcast %reduce_max3A_318 : i32 to vector<16xi32>
    %reduce_max3A_320 = arith.xori %select_n3A_315, %reduce_max3A_319 : vector<16xi32>
    %reduce_max3A_321 = tpu.scan <max>, %reduce_max3A_320 masked %reduce_max3A_317 : vector<16xi32>, vector<16xi1> -> vector<16xi32>
    %reduce_max3A_322 = arith.xori %reduce_max3A_321, %reduce_max3A_319 : vector<16xi32>
    %reduce_max3A_323 = vector.extract %reduce_max3A_322[15] : i32 from vector<16xi32>
    %mul3A_324 = arith.constant 128 : i32
    %mul3A_325 = arith.muli %reduce_max3A_323, %mul3A_324 : i32
    %multiple_of3A_326 = tpu.assume_multiple %mul3A_325, 128 : i32
    %dma_start3A_327 = arith.constant 4 : i32
    %dma_start3A_328 = arith.constant 0 : i32
    %dma_start3A_329 = arith.constant 0 : i32
    %dma_start3A_330 = tpu.memref_slice %arg11[%dma_start3A_327, %dma_start3A_328, %dma_start3A_329] : memref<8x32x128xf32, #tpu.memory_space<vmem>> -> memref<1x32x128xf32, #tpu.memory_space<vmem>>
    %dma_start3A_331 = tpu.memref_squeeze %dma_start3A_330 : memref<1x32x128xf32, #tpu.memory_space<vmem>> -> memref<32x128xf32, #tpu.memory_space<vmem>>
    %dma_start3A_332 = arith.constant 0 : i32
    %dma_start3A_333 = tpu.memref_slice %arg5[%dma_start3A_332, %multiple_of3A_326] : memref<32x1000000xf32, #tpu.memory_space<hbm>> -> memref<32x128xf32, #tpu.memory_space<hbm>>
    %dma_start3A_334 = arith.constant 0 : i32
    %dma_start3A_335 = arith.constant 0 : i32
    %dma_start3A_336 = tpu.memref_slice %arg11[%dma_start3A_327, %dma_start3A_334, %dma_start3A_335] : memref<8x32x128xf32, #tpu.memory_space<vmem>> -> memref<1x32x128xf32, #tpu.memory_space<vmem>>
    %dma_start3A_337 = tpu.memref_squeeze %dma_start3A_336 : memref<1x32x128xf32, #tpu.memory_space<vmem>> -> memref<32x128xf32, #tpu.memory_space<vmem>>
    %dma_start3A_338 = arith.constant 0 : i32
    %dma_start3A_339 = tpu.memref_slice %arg5[%dma_start3A_338, %multiple_of3A_326] : memref<32x1000000xf32, #tpu.memory_space<hbm>> -> memref<32x128xf32, #tpu.memory_space<hbm>>
    tpu.enqueue_dma source(%dma_start3A_339 : memref<32x128xf32, #tpu.memory_space<hbm>>) target(%dma_start3A_337 : memref<32x128xf32, #tpu.memory_space<vmem>>) target_semaphore(%arg26 : memref<!tpu.dma_semaphore, #tpu.memory_space<semaphore_mem>>)
    %get3A_340 = arith.constant 0 : index
    %get3A_341 = tpu.vector_load %arg8[%get3A_340] {strides = array<i32>} : memref<512xi32, #tpu.memory_space<vmem>>, vector<16xi32>,
    %eq3A_342 = arith.constant 5 : i32
    %eq3A_343 = vector.broadcast %eq3A_342 : i32 to vector<16xi32>
    %eq3A_344 = arith.cmpi eq, %iota3A, %eq3A_343 : vector<16xi32>
    %shift_right_logical3A_345 = arith.constant 7 : i32
    %shift_right_logical3A_346 = vector.broadcast %shift_right_logical3A_345 : i32 to vector<16xi32>
    %shift_right_logical3A_347 = arith.shrui %get3A_341, %shift_right_logical3A_346 : vector<16xi32>
    %select_n3A_348 = arith.select %eq3A_344, %shift_right_logical3A_347, %broadcast_in_dim3A_15 : vector<16xi1>, vector<16xi32>
    %reduce_max3A_349 = arith.constant true
    %reduce_max3A_350 = vector.broadcast %reduce_max3A_349 : i1 to vector<16xi1>
    %reduce_max3A_351 = arith.constant -2147483648 : i32
    %reduce_max3A_352 = vector.broadcast %reduce_max3A_351 : i32 to vector<16xi32>
    %reduce_max3A_353 = arith.xori %select_n3A_348, %reduce_max3A_352 : vector<16xi32>
    %reduce_max3A_354 = tpu.scan <max>, %reduce_max3A_353 masked %reduce_max3A_350 : vector<16xi32>, vector<16xi1> -> vector<16xi32>
    %reduce_max3A_355 = arith.xori %reduce_max3A_354, %reduce_max3A_352 : vector<16xi32>
    %reduce_max3A_356 = vector.extract %reduce_max3A_355[15] : i32 from vector<16xi32>
    %mul3A_357 = arith.constant 128 : i32
    %mul3A_358 = arith.muli %reduce_max3A_356, %mul3A_357 : i32
    %multiple_of3A_359 = tpu.assume_multiple %mul3A_358, 128 : i32
    %dma_start3A_360 = arith.constant 5 : i32
    %dma_start3A_361 = arith.constant 0 : i32
    %dma_start3A_362 = arith.constant 0 : i32
    %dma_start3A_363 = tpu.memref_slice %arg10[%dma_start3A_360, %dma_start3A_361, %dma_start3A_362] : memref<8x32x128xf32, #tpu.memory_space<vmem>> -> memref<1x32x128xf32, #tpu.memory_space<vmem>>
    %dma_start3A_364 = tpu.memref_squeeze %dma_start3A_363 : memref<1x32x128xf32, #tpu.memory_space<vmem>> -> memref<32x128xf32, #tpu.memory_space<vmem>>
    %dma_start3A_365 = arith.constant 0 : i32
    %dma_start3A_366 = tpu.memref_slice %arg4[%dma_start3A_365, %multiple_of3A_359] : memref<32x1000000xf32, #tpu.memory_space<hbm>> -> memref<32x128xf32, #tpu.memory_space<hbm>>
    %dma_start3A_367 = arith.constant 0 : i32
    %dma_start3A_368 = arith.constant 0 : i32
    %dma_start3A_369 = tpu.memref_slice %arg10[%dma_start3A_360, %dma_start3A_367, %dma_start3A_368] : memref<8x32x128xf32, #tpu.memory_space<vmem>> -> memref<1x32x128xf32, #tpu.memory_space<vmem>>
    %dma_start3A_370 = tpu.memref_squeeze %dma_start3A_369 : memref<1x32x128xf32, #tpu.memory_space<vmem>> -> memref<32x128xf32, #tpu.memory_space<vmem>>
    %dma_start3A_371 = arith.constant 0 : i32
    %dma_start3A_372 = tpu.memref_slice %arg4[%dma_start3A_371, %multiple_of3A_359] : memref<32x1000000xf32, #tpu.memory_space<hbm>> -> memref<32x128xf32, #tpu.memory_space<hbm>>
    tpu.enqueue_dma source(%dma_start3A_372 : memref<32x128xf32, #tpu.memory_space<hbm>>) target(%dma_start3A_370 : memref<32x128xf32, #tpu.memory_space<vmem>>) target_semaphore(%arg19 : memref<!tpu.dma_semaphore, #tpu.memory_space<semaphore_mem>>)
    %get3A_373 = arith.constant 0 : index
    %get3A_374 = tpu.vector_load %arg9[%get3A_373] {strides = array<i32>} : memref<512xi32, #tpu.memory_space<vmem>>, vector<16xi32>,
    %eq3A_375 = arith.constant 5 : i32
    %eq3A_376 = vector.broadcast %eq3A_375 : i32 to vector<16xi32>
    %eq3A_377 = arith.cmpi eq, %iota3A, %eq3A_376 : vector<16xi32>
    %shift_right_logical3A_378 = arith.constant 7 : i32
    %shift_right_logical3A_379 = vector.broadcast %shift_right_logical3A_378 : i32 to vector<16xi32>
    %shift_right_logical3A_380 = arith.shrui %get3A_374, %shift_right_logical3A_379 : vector<16xi32>
    %select_n3A_381 = arith.select %eq3A_377, %shift_right_logical3A_380, %broadcast_in_dim3A_15 : vector<16xi1>, vector<16xi32>
    %reduce_max3A_382 = arith.constant true
    %reduce_max3A_383 = vector.broadcast %reduce_max3A_382 : i1 to vector<16xi1>
    %reduce_max3A_384 = arith.constant -2147483648 : i32
    %reduce_max3A_385 = vector.broadcast %reduce_max3A_384 : i32 to vector<16xi32>
    %reduce_max3A_386 = arith.xori %select_n3A_381, %reduce_max3A_385 : vector<16xi32>
    %reduce_max3A_387 = tpu.scan <max>, %reduce_max3A_386 masked %reduce_max3A_383 : vector<16xi32>, vector<16xi1> -> vector<16xi32>
    %reduce_max3A_388 = arith.xori %reduce_max3A_387, %reduce_max3A_385 : vector<16xi32>
    %reduce_max3A_389 = vector.extract %reduce_max3A_388[15] : i32 from vector<16xi32>
    %mul3A_390 = arith.constant 128 : i32
    %mul3A_391 = arith.muli %reduce_max3A_389, %mul3A_390 : i32
    %multiple_of3A_392 = tpu.assume_multiple %mul3A_391, 128 : i32
    %dma_start3A_393 = arith.constant 5 : i32
    %dma_start3A_394 = arith.constant 0 : i32
    %dma_start3A_395 = arith.constant 0 : i32
    %dma_start3A_396 = tpu.memref_slice %arg11[%dma_start3A_393, %dma_start3A_394, %dma_start3A_395] : memref<8x32x128xf32, #tpu.memory_space<vmem>> -> memref<1x32x128xf32, #tpu.memory_space<vmem>>
    %dma_start3A_397 = tpu.memref_squeeze %dma_start3A_396 : memref<1x32x128xf32, #tpu.memory_space<vmem>> -> memref<32x128xf32, #tpu.memory_space<vmem>>
    %dma_start3A_398 = arith.constant 0 : i32
    %dma_start3A_399 = tpu.memref_slice %arg5[%dma_start3A_398, %multiple_of3A_392] : memref<32x1000000xf32, #tpu.memory_space<hbm>> -> memref<32x128xf32, #tpu.memory_space<hbm>>
    %dma_start3A_400 = arith.constant 0 : i32
    %dma_start3A_401 = arith.constant 0 : i32
    %dma_start3A_402 = tpu.memref_slice %arg11[%dma_start3A_393, %dma_start3A_400, %dma_start3A_401] : memref<8x32x128xf32, #tpu.memory_space<vmem>> -> memref<1x32x128xf32, #tpu.memory_space<vmem>>
    %dma_start3A_403 = tpu.memref_squeeze %dma_start3A_402 : memref<1x32x128xf32, #tpu.memory_space<vmem>> -> memref<32x128xf32, #tpu.memory_space<vmem>>
    %dma_start3A_404 = arith.constant 0 : i32
    %dma_start3A_405 = tpu.memref_slice %arg5[%dma_start3A_404, %multiple_of3A_392] : memref<32x1000000xf32, #tpu.memory_space<hbm>> -> memref<32x128xf32, #tpu.memory_space<hbm>>
    tpu.enqueue_dma source(%dma_start3A_405 : memref<32x128xf32, #tpu.memory_space<hbm>>) target(%dma_start3A_403 : memref<32x128xf32, #tpu.memory_space<vmem>>) target_semaphore(%arg27 : memref<!tpu.dma_semaphore, #tpu.memory_space<semaphore_mem>>)
    %get3A_406 = arith.constant 0 : index
    %get3A_407 = tpu.vector_load %arg8[%get3A_406] {strides = array<i32>} : memref<512xi32, #tpu.memory_space<vmem>>, vector<16xi32>,
    %eq3A_408 = arith.constant 6 : i32
    %eq3A_409 = vector.broadcast %eq3A_408 : i32 to vector<16xi32>
    %eq3A_410 = arith.cmpi eq, %iota3A, %eq3A_409 : vector<16xi32>
    %shift_right_logical3A_411 = arith.constant 7 : i32
    %shift_right_logical3A_412 = vector.broadcast %shift_right_logical3A_411 : i32 to vector<16xi32>
    %shift_right_logical3A_413 = arith.shrui %get3A_407, %shift_right_logical3A_412 : vector<16xi32>
    %select_n3A_414 = arith.select %eq3A_410, %shift_right_logical3A_413, %broadcast_in_dim3A_15 : vector<16xi1>, vector<16xi32>
    %reduce_max3A_415 = arith.constant true
    %reduce_max3A_416 = vector.broadcast %reduce_max3A_415 : i1 to vector<16xi1>
    %reduce_max3A_417 = arith.constant -2147483648 : i32
    %reduce_max3A_418 = vector.broadcast %reduce_max3A_417 : i32 to vector<16xi32>
    %reduce_max3A_419 = arith.xori %select_n3A_414, %reduce_max3A_418 : vector<16xi32>
    %reduce_max3A_420 = tpu.scan <max>, %reduce_max3A_419 masked %reduce_max3A_416 : vector<16xi32>, vector<16xi1> -> vector<16xi32>
    %reduce_max3A_421 = arith.xori %reduce_max3A_420, %reduce_max3A_418 : vector<16xi32>
    %reduce_max3A_422 = vector.extract %reduce_max3A_421[15] : i32 from vector<16xi32>
    %mul3A_423 = arith.constant 128 : i32
    %mul3A_424 = arith.muli %reduce_max3A_422, %mul3A_423 : i32
    %multiple_of3A_425 = tpu.assume_multiple %mul3A_424, 128 : i32
    %dma_start3A_426 = arith.constant 6 : i32
    %dma_start3A_427 = arith.constant 0 : i32
    %dma_start3A_428 = arith.constant 0 : i32
    %dma_start3A_429 = tpu.memref_slice %arg10[%dma_start3A_426, %dma_start3A_427, %dma_start3A_428] : memref<8x32x128xf32, #tpu.memory_space<vmem>> -> memref<1x32x128xf32, #tpu.memory_space<vmem>>
    %dma_start3A_430 = tpu.memref_squeeze %dma_start3A_429 : memref<1x32x128xf32, #tpu.memory_space<vmem>> -> memref<32x128xf32, #tpu.memory_space<vmem>>
    %dma_start3A_431 = arith.constant 0 : i32
    %dma_start3A_432 = tpu.memref_slice %arg4[%dma_start3A_431, %multiple_of3A_425] : memref<32x1000000xf32, #tpu.memory_space<hbm>> -> memref<32x128xf32, #tpu.memory_space<hbm>>
    %dma_start3A_433 = arith.constant 0 : i32
    %dma_start3A_434 = arith.constant 0 : i32
    %dma_start3A_435 = tpu.memref_slice %arg10[%dma_start3A_426, %dma_start3A_433, %dma_start3A_434] : memref<8x32x128xf32, #tpu.memory_space<vmem>> -> memref<1x32x128xf32, #tpu.memory_space<vmem>>
    %dma_start3A_436 = tpu.memref_squeeze %dma_start3A_435 : memref<1x32x128xf32, #tpu.memory_space<vmem>> -> memref<32x128xf32, #tpu.memory_space<vmem>>
    %dma_start3A_437 = arith.constant 0 : i32
    %dma_start3A_438 = tpu.memref_slice %arg4[%dma_start3A_437, %multiple_of3A_425] : memref<32x1000000xf32, #tpu.memory_space<hbm>> -> memref<32x128xf32, #tpu.memory_space<hbm>>
    tpu.enqueue_dma source(%dma_start3A_438 : memref<32x128xf32, #tpu.memory_space<hbm>>) target(%dma_start3A_436 : memref<32x128xf32, #tpu.memory_space<vmem>>) target_semaphore(%arg20 : memref<!tpu.dma_semaphore, #tpu.memory_space<semaphore_mem>>)
    %get3A_439 = arith.constant 0 : index
    %get3A_440 = tpu.vector_load %arg9[%get3A_439] {strides = array<i32>} : memref<512xi32, #tpu.memory_space<vmem>>, vector<16xi32>,
    %eq3A_441 = arith.constant 6 : i32
    %eq3A_442 = vector.broadcast %eq3A_441 : i32 to vector<16xi32>
    %eq3A_443 = arith.cmpi eq, %iota3A, %eq3A_442 : vector<16xi32>
    %shift_right_logical3A_444 = arith.constant 7 : i32
    %shift_right_logical3A_445 = vector.broadcast %shift_right_logical3A_444 : i32 to vector<16xi32>
    %shift_right_logical3A_446 = arith.shrui %get3A_440, %shift_right_logical3A_445 : vector<16xi32>
    %select_n3A_447 = arith.select %eq3A_443, %shift_right_logical3A_446, %broadcast_in_dim3A_15 : vector<16xi1>, vector<16xi32>
    %reduce_max3A_448 = arith.constant true
    %reduce_max3A_449 = vector.broadcast %reduce_max3A_448 : i1 to vector<16xi1>
    %reduce_max3A_450 = arith.constant -2147483648 : i32
    %reduce_max3A_451 = vector.broadcast %reduce_max3A_450 : i32 to vector<16xi32>
    %reduce_max3A_452 = arith.xori %select_n3A_447, %reduce_max3A_451 : vector<16xi32>
    %reduce_max3A_453 = tpu.scan <max>, %reduce_max3A_452 masked %reduce_max3A_449 : vector<16xi32>, vector<16xi1> -> vector<16xi32>
    %reduce_max3A_454 = arith.xori %reduce_max3A_453, %reduce_max3A_451 : vector<16xi32>
    %reduce_max3A_455 = vector.extract %reduce_max3A_454[15] : i32 from vector<16xi32>
    %mul3A_456 = arith.constant 128 : i32
    %mul3A_457 = arith.muli %reduce_max3A_455, %mul3A_456 : i32
    %multiple_of3A_458 = tpu.assume_multiple %mul3A_457, 128 : i32
    %dma_start3A_459 = arith.constant 6 : i32
    %dma_start3A_460 = arith.constant 0 : i32
    %dma_start3A_461 = arith.constant 0 : i32
    %dma_start3A_462 = tpu.memref_slice %arg11[%dma_start3A_459, %dma_start3A_460, %dma_start3A_461] : memref<8x32x128xf32, #tpu.memory_space<vmem>> -> memref<1x32x128xf32, #tpu.memory_space<vmem>>
    %dma_start3A_463 = tpu.memref_squeeze %dma_start3A_462 : memref<1x32x128xf32, #tpu.memory_space<vmem>> -> memref<32x128xf32, #tpu.memory_space<vmem>>
    %dma_start3A_464 = arith.constant 0 : i32
    %dma_start3A_465 = tpu.memref_slice %arg5[%dma_start3A_464, %multiple_of3A_458] : memref<32x1000000xf32, #tpu.memory_space<hbm>> -> memref<32x128xf32, #tpu.memory_space<hbm>>
    %dma_start3A_466 = arith.constant 0 : i32
    %dma_start3A_467 = arith.constant 0 : i32
    %dma_start3A_468 = tpu.memref_slice %arg11[%dma_start3A_459, %dma_start3A_466, %dma_start3A_467] : memref<8x32x128xf32, #tpu.memory_space<vmem>> -> memref<1x32x128xf32, #tpu.memory_space<vmem>>
    %dma_start3A_469 = tpu.memref_squeeze %dma_start3A_468 : memref<1x32x128xf32, #tpu.memory_space<vmem>> -> memref<32x128xf32, #tpu.memory_space<vmem>>
    %dma_start3A_470 = arith.constant 0 : i32
    %dma_start3A_471 = tpu.memref_slice %arg5[%dma_start3A_470, %multiple_of3A_458] : memref<32x1000000xf32, #tpu.memory_space<hbm>> -> memref<32x128xf32, #tpu.memory_space<hbm>>
    tpu.enqueue_dma source(%dma_start3A_471 : memref<32x128xf32, #tpu.memory_space<hbm>>) target(%dma_start3A_469 : memref<32x128xf32, #tpu.memory_space<vmem>>) target_semaphore(%arg28 : memref<!tpu.dma_semaphore, #tpu.memory_space<semaphore_mem>>)
    %get3A_472 = arith.constant 0 : index
    %get3A_473 = tpu.vector_load %arg8[%get3A_472] {strides = array<i32>} : memref<512xi32, #tpu.memory_space<vmem>>, vector<16xi32>,
    %eq3A_474 = arith.constant 7 : i32
    %eq3A_475 = vector.broadcast %eq3A_474 : i32 to vector<16xi32>
    %eq3A_476 = arith.cmpi eq, %iota3A, %eq3A_475 : vector<16xi32>
    %shift_right_logical3A_477 = arith.constant 7 : i32
    %shift_right_logical3A_478 = vector.broadcast %shift_right_logical3A_477 : i32 to vector<16xi32>
    %shift_right_logical3A_479 = arith.shrui %get3A_473, %shift_right_logical3A_478 : vector<16xi32>
    %select_n3A_480 = arith.select %eq3A_476, %shift_right_logical3A_479, %broadcast_in_dim3A_15 : vector<16xi1>, vector<16xi32>
    %reduce_max3A_481 = arith.constant true
    %reduce_max3A_482 = vector.broadcast %reduce_max3A_481 : i1 to vector<16xi1>
    %reduce_max3A_483 = arith.constant -2147483648 : i32
    %reduce_max3A_484 = vector.broadcast %reduce_max3A_483 : i32 to vector<16xi32>
    %reduce_max3A_485 = arith.xori %select_n3A_480, %reduce_max3A_484 : vector<16xi32>
    %reduce_max3A_486 = tpu.scan <max>, %reduce_max3A_485 masked %reduce_max3A_482 : vector<16xi32>, vector<16xi1> -> vector<16xi32>
    %reduce_max3A_487 = arith.xori %reduce_max3A_486, %reduce_max3A_484 : vector<16xi32>
    %reduce_max3A_488 = vector.extract %reduce_max3A_487[15] : i32 from vector<16xi32>
    %mul3A_489 = arith.constant 128 : i32
    %mul3A_490 = arith.muli %reduce_max3A_488, %mul3A_489 : i32
    %multiple_of3A_491 = tpu.assume_multiple %mul3A_490, 128 : i32
    %dma_start3A_492 = arith.constant 7 : i32
    %dma_start3A_493 = arith.constant 0 : i32
    %dma_start3A_494 = arith.constant 0 : i32
    %dma_start3A_495 = tpu.memref_slice %arg10[%dma_start3A_492, %dma_start3A_493, %dma_start3A_494] : memref<8x32x128xf32, #tpu.memory_space<vmem>> -> memref<1x32x128xf32, #tpu.memory_space<vmem>>
    %dma_start3A_496 = tpu.memref_squeeze %dma_start3A_495 : memref<1x32x128xf32, #tpu.memory_space<vmem>> -> memref<32x128xf32, #tpu.memory_space<vmem>>
    %dma_start3A_497 = arith.constant 0 : i32
    %dma_start3A_498 = tpu.memref_slice %arg4[%dma_start3A_497, %multiple_of3A_491] : memref<32x1000000xf32, #tpu.memory_space<hbm>> -> memref<32x128xf32, #tpu.memory_space<hbm>>
    %dma_start3A_499 = arith.constant 0 : i32
    %dma_start3A_500 = arith.constant 0 : i32
    %dma_start3A_501 = tpu.memref_slice %arg10[%dma_start3A_492, %dma_start3A_499, %dma_start3A_500] : memref<8x32x128xf32, #tpu.memory_space<vmem>> -> memref<1x32x128xf32, #tpu.memory_space<vmem>>
    %dma_start3A_502 = tpu.memref_squeeze %dma_start3A_501 : memref<1x32x128xf32, #tpu.memory_space<vmem>> -> memref<32x128xf32, #tpu.memory_space<vmem>>
    %dma_start3A_503 = arith.constant 0 : i32
    %dma_start3A_504 = tpu.memref_slice %arg4[%dma_start3A_503, %multiple_of3A_491] : memref<32x1000000xf32, #tpu.memory_space<hbm>> -> memref<32x128xf32, #tpu.memory_space<hbm>>
    tpu.enqueue_dma source(%dma_start3A_504 : memref<32x128xf32, #tpu.memory_space<hbm>>) target(%dma_start3A_502 : memref<32x128xf32, #tpu.memory_space<vmem>>) target_semaphore(%arg21 : memref<!tpu.dma_semaphore, #tpu.memory_space<semaphore_mem>>)
    %get3A_505 = arith.constant 0 : index
    %get3A_506 = tpu.vector_load %arg9[%get3A_505] {strides = array<i32>} : memref<512xi32, #tpu.memory_space<vmem>>, vector<16xi32>,
    %eq3A_507 = arith.constant 7 : i32
    %eq3A_508 = vector.broadcast %eq3A_507 : i32 to vector<16xi32>
    %eq3A_509 = arith.cmpi eq, %iota3A, %eq3A_508 : vector<16xi32>
    %shift_right_logical3A_510 = arith.constant 7 : i32
    %shift_right_logical3A_511 = vector.broadcast %shift_right_logical3A_510 : i32 to vector<16xi32>
    %shift_right_logical3A_512 = arith.shrui %get3A_506, %shift_right_logical3A_511 : vector<16xi32>
    %select_n3A_513 = arith.select %eq3A_509, %shift_right_logical3A_512, %broadcast_in_dim3A_15 : vector<16xi1>, vector<16xi32>
    %reduce_max3A_514 = arith.constant true
    %reduce_max3A_515 = vector.broadcast %reduce_max3A_514 : i1 to vector<16xi1>
    %reduce_max3A_516 = arith.constant -2147483648 : i32
    %reduce_max3A_517 = vector.broadcast %reduce_max3A_516 : i32 to vector<16xi32>
    %reduce_max3A_518 = arith.xori %select_n3A_513, %reduce_max3A_517 : vector<16xi32>
    %reduce_max3A_519 = tpu.scan <max>, %reduce_max3A_518 masked %reduce_max3A_515 : vector<16xi32>, vector<16xi1> -> vector<16xi32>
    %reduce_max3A_520 = arith.xori %reduce_max3A_519, %reduce_max3A_517 : vector<16xi32>
    %reduce_max3A_521 = vector.extract %reduce_max3A_520[15] : i32 from vector<16xi32>
    %mul3A_522 = arith.constant 128 : i32
    %mul3A_523 = arith.muli %reduce_max3A_521, %mul3A_522 : i32
    %multiple_of3A_524 = tpu.assume_multiple %mul3A_523, 128 : i32
    %dma_start3A_525 = arith.constant 7 : i32
    %dma_start3A_526 = arith.constant 0 : i32
    %dma_start3A_527 = arith.constant 0 : i32
    %dma_start3A_528 = tpu.memref_slice %arg11[%dma_start3A_525, %dma_start3A_526, %dma_start3A_527] : memref<8x32x128xf32, #tpu.memory_space<vmem>> -> memref<1x32x128xf32, #tpu.memory_space<vmem>>
    %dma_start3A_529 = tpu.memref_squeeze %dma_start3A_528 : memref<1x32x128xf32, #tpu.memory_space<vmem>> -> memref<32x128xf32, #tpu.memory_space<vmem>>
    %dma_start3A_530 = arith.constant 0 : i32
    %dma_start3A_531 = tpu.memref_slice %arg5[%dma_start3A_530, %multiple_of3A_524] : memref<32x1000000xf32, #tpu.memory_space<hbm>> -> memref<32x128xf32, #tpu.memory_space<hbm>>
    %dma_start3A_532 = arith.constant 0 : i32
    %dma_start3A_533 = arith.constant 0 : i32
    %dma_start3A_534 = tpu.memref_slice %arg11[%dma_start3A_525, %dma_start3A_532, %dma_start3A_533] : memref<8x32x128xf32, #tpu.memory_space<vmem>> -> memref<1x32x128xf32, #tpu.memory_space<vmem>>
    %dma_start3A_535 = tpu.memref_squeeze %dma_start3A_534 : memref<1x32x128xf32, #tpu.memory_space<vmem>> -> memref<32x128xf32, #tpu.memory_space<vmem>>
    %dma_start3A_536 = arith.constant 0 : i32
    %dma_start3A_537 = tpu.memref_slice %arg5[%dma_start3A_536, %multiple_of3A_524] : memref<32x1000000xf32, #tpu.memory_space<hbm>> -> memref<32x128xf32, #tpu.memory_space<hbm>>
    tpu.enqueue_dma source(%dma_start3A_537 : memref<32x128xf32, #tpu.memory_space<hbm>>) target(%dma_start3A_535 : memref<32x128xf32, #tpu.memory_space<vmem>>) target_semaphore(%arg29 : memref<!tpu.dma_semaphore, #tpu.memory_space<semaphore_mem>>)
    %broadcast_in_dim3A_538 = arith.constant 0.000000e+00 : f32
    %broadcast_in_dim3A_539 = vector.broadcast %broadcast_in_dim3A_538 : f32 to vector<16xf32>
    %scan3A = arith.constant 0 : i32
    %scan3A_540 = arith.constant 64 : i32
    %scan3A_541 = arith.addi %scan3A, %scan3A_540 : i32
    %scan3A_542 = arith.constant 1 : i32
    %scan3A_543 = scf.for %scan3A_545 = %scan3A to %scan3A_541 step %scan3A_542 iter_args(%scan3A_546 = %broadcast_in_dim3A_539) -> (vector<16xf32>)  : i32 {
      %mul3A_547 = arith.constant 8 : i32
      %mul3A_548 = arith.muli %scan3A_545, %mul3A_547 : i32
      %add3A_549 = arith.constant 0 : i32
      %add3A_550 = arith.addi %mul3A_548, %add3A_549 : i32
      %dma_wait3A = arith.constant 0 : i32
      %dma_wait3A_551 = arith.constant 0 : i32
      %dma_wait3A_552 = arith.constant 0 : i32
      %dma_wait3A_553 = tpu.memref_slice %arg10[%dma_wait3A, %dma_wait3A_551, %dma_wait3A_552] : memref<8x32x128xf32, #tpu.memory_space<vmem>> -> memref<1x32x128xf32, #tpu.memory_space<vmem>>
      %dma_wait3A_554 = tpu.memref_squeeze %dma_wait3A_553 : memref<1x32x128xf32, #tpu.memory_space<vmem>> -> memref<32x128xf32, #tpu.memory_space<vmem>>
      %dma_wait3A_555 = arith.constant 0 : i32
      %dma_wait3A_556 = arith.constant 0 : i32
      %dma_wait3A_557 = tpu.memref_slice %arg4[%dma_wait3A_555, %dma_wait3A_556] : memref<32x1000000xf32, #tpu.memory_space<hbm>> -> memref<32x128xf32, #tpu.memory_space<hbm>>
      %dma_wait3A_558 = arith.constant 0 : i32
      %dma_wait3A_559 = arith.constant 0 : i32
      %dma_wait3A_560 = tpu.memref_slice %arg10[%dma_wait3A, %dma_wait3A_558, %dma_wait3A_559] : memref<8x32x128xf32, #tpu.memory_space<vmem>> -> memref<1x32x128xf32, #tpu.memory_space<vmem>>
      %dma_wait3A_561 = tpu.memref_squeeze %dma_wait3A_560 : memref<1x32x128xf32, #tpu.memory_space<vmem>> -> memref<32x128xf32, #tpu.memory_space<vmem>>
      %dma_wait3A_562 = arith.constant 0 : i32
      %dma_wait3A_563 = arith.constant 0 : i32
      %dma_wait3A_564 = tpu.memref_slice %arg4[%dma_wait3A_562, %dma_wait3A_563] : memref<32x1000000xf32, #tpu.memory_space<hbm>> -> memref<32x128xf32, #tpu.memory_space<hbm>>
      tpu.wait_dma2 semaphore(%arg14 : memref<!tpu.dma_semaphore, #tpu.memory_space<semaphore_mem>>) src(%dma_wait3A_564 : memref<32x128xf32, #tpu.memory_space<hbm>>) dst(%dma_wait3A_561 : memref<32x128xf32, #tpu.memory_space<vmem>>)
      %dma_wait3A_565 = arith.constant 0 : i32
      %dma_wait3A_566 = arith.constant 0 : i32
      %dma_wait3A_567 = arith.constant 0 : i32
      %dma_wait3A_568 = tpu.memref_slice %arg11[%dma_wait3A_565, %dma_wait3A_566, %dma_wait3A_567] : memref<8x32x128xf32, #tpu.memory_space<vmem>> -> memref<1x32x128xf32, #tpu.memory_space<vmem>>
      %dma_wait3A_569 = tpu.memref_squeeze %dma_wait3A_568 : memref<1x32x128xf32, #tpu.memory_space<vmem>> -> memref<32x128xf32, #tpu.memory_space<vmem>>
      %dma_wait3A_570 = arith.constant 0 : i32
      %dma_wait3A_571 = arith.constant 0 : i32
      %dma_wait3A_572 = tpu.memref_slice %arg5[%dma_wait3A_570, %dma_wait3A_571] : memref<32x1000000xf32, #tpu.memory_space<hbm>> -> memref<32x128xf32, #tpu.memory_space<hbm>>
      %dma_wait3A_573 = arith.constant 0 : i32
      %dma_wait3A_574 = arith.constant 0 : i32
      %dma_wait3A_575 = tpu.memref_slice %arg11[%dma_wait3A_565, %dma_wait3A_573, %dma_wait3A_574] : memref<8x32x128xf32, #tpu.memory_space<vmem>> -> memref<1x32x128xf32, #tpu.memory_space<vmem>>
      %dma_wait3A_576 = tpu.memref_squeeze %dma_wait3A_575 : memref<1x32x128xf32, #tpu.memory_space<vmem>> -> memref<32x128xf32, #tpu.memory_space<vmem>>
      %dma_wait3A_577 = arith.constant 0 : i32
      %dma_wait3A_578 = arith.constant 0 : i32
      %dma_wait3A_579 = tpu.memref_slice %arg5[%dma_wait3A_577, %dma_wait3A_578] : memref<32x1000000xf32, #tpu.memory_space<hbm>> -> memref<32x128xf32, #tpu.memory_space<hbm>>
      tpu.wait_dma2 semaphore(%arg22 : memref<!tpu.dma_semaphore, #tpu.memory_space<semaphore_mem>>) src(%dma_wait3A_579 : memref<32x128xf32, #tpu.memory_space<hbm>>) dst(%dma_wait3A_576 : memref<32x128xf32, #tpu.memory_space<vmem>>)
      %jit3A = arith.constant 16 : i32
      %div3A = arith.divsi %add3A_550, %jit3A : i32
      %sign3A = arith.constant 0 : i32
      %sign3A_580 = arith.cmpi sgt, %add3A_550, %sign3A : i32
      %sign3A_581 = arith.extui %sign3A_580 : i1 to i32
      %sign3A_582 = arith.constant 0 : i32
      %sign3A_583 = arith.cmpi slt, %add3A_550, %sign3A_582 : i32
      %sign3A_584 = arith.extui %sign3A_583 : i1 to i32
      %sign3A_585 = arith.subi %sign3A_581, %sign3A_584 : i32
      %sign3A_586 = arith.constant 0 : i32
      %sign3A_587 = arith.cmpi sgt, %jit3A, %sign3A_586 : i32
      %sign3A_588 = arith.extui %sign3A_587 : i1 to i32
      %sign3A_589 = arith.constant 0 : i32
      %sign3A_590 = arith.cmpi slt, %jit3A, %sign3A_589 : i32
      %sign3A_591 = arith.extui %sign3A_590 : i1 to i32
      %sign3A_592 = arith.subi %sign3A_588, %sign3A_591 : i32
      %ne3A = arith.cmpi ne, %sign3A_585, %sign3A_592 : i32
      %rem3A = arith.remsi %add3A_550, %jit3A : i32
      %ne3A_593 = arith.constant 0 : i32
      %ne3A_594 = arith.cmpi ne, %rem3A, %ne3A_593 : i32
      %and3A = arith.andi %ne3A, %ne3A_594 : i1
      %sub3A = arith.constant 1 : i32
      %sub3A_595 = arith.subi %div3A, %sub3A : i32
      %select_n3A_596 = arith.select %and3A, %sub3A_595, %div3A : i32
      %mul3A_597 = arith.constant 16 : i32
      %mul3A_598 = arith.muli %select_n3A_596, %mul3A_597 : i32
      %sub3A_599 = arith.subi %add3A_550, %mul3A_598 : i32
      %get3A_600 = arith.index_cast %mul3A_598 : i32 to index
      %get3A_601 = tpu.vector_load %arg8[%get3A_600] {strides = array<i32>} : memref<512xi32, #tpu.memory_space<vmem>>, vector<16xi32>,
      %and3A_602 = arith.constant 127 : i32
      %and3A_603 = vector.broadcast %and3A_602 : i32 to vector<16xi32>
      %and3A_604 = arith.andi %get3A_601, %and3A_603 : vector<16xi32>
      %broadcast_in_dim3A_605 = vector.broadcast %sub3A_599 : i32 to vector<16xi32>
      %lt3A = arith.constant 0 : i32
      %lt3A_606 = vector.broadcast %lt3A : i32 to vector<16xi32>
      %lt3A_607 = arith.cmpi slt, %broadcast_in_dim3A_605, %lt3A_606 : vector<16xi32>
      %add3A_608 = arith.constant 16 : i32
      %add3A_609 = vector.broadcast %add3A_608 : i32 to vector<16xi32>
      %add3A_610 = arith.addi %broadcast_in_dim3A_605, %add3A_609 : vector<16xi32>
      %select_n3A_611 = arith.select %lt3A_607, %add3A_610, %broadcast_in_dim3A_605 : vector<16xi1>, vector<16xi32>
      %broadcast_in_dim3A_612 = vector.shape_cast %select_n3A_611 : vector<16xi32> to vector<16x1xi32>
      %gather3A = vector.shape_cast %broadcast_in_dim3A_612 : vector<16x1xi32> to vector<16xi32>
      %gather3A_613 = tpu.dynamic_gather %and3A_604[%gather3A] in [0] : vector<16xi32>, vector<16xi32> -> vector<16xi32>
      %jit3A_614 = arith.constant 16 : i32
      %div3A_615 = arith.divsi %add3A_550, %jit3A_614 : i32
      %sign3A_616 = arith.constant 0 : i32
      %sign3A_617 = arith.cmpi sgt, %add3A_550, %sign3A_616 : i32
      %sign3A_618 = arith.extui %sign3A_617 : i1 to i32
      %sign3A_619 = arith.constant 0 : i32
      %sign3A_620 = arith.cmpi slt, %add3A_550, %sign3A_619 : i32
      %sign3A_621 = arith.extui %sign3A_620 : i1 to i32
      %sign3A_622 = arith.subi %sign3A_618, %sign3A_621 : i32
      %sign3A_623 = arith.constant 0 : i32
      %sign3A_624 = arith.cmpi sgt, %jit3A_614, %sign3A_623 : i32
      %sign3A_625 = arith.extui %sign3A_624 : i1 to i32
      %sign3A_626 = arith.constant 0 : i32
      %sign3A_627 = arith.cmpi slt, %jit3A_614, %sign3A_626 : i32
      %sign3A_628 = arith.extui %sign3A_627 : i1 to i32
      %sign3A_629 = arith.subi %sign3A_625, %sign3A_628 : i32
      %ne3A_630 = arith.cmpi ne, %sign3A_622, %sign3A_629 : i32
      %rem3A_631 = arith.remsi %add3A_550, %jit3A_614 : i32
      %ne3A_632 = arith.constant 0 : i32
      %ne3A_633 = arith.cmpi ne, %rem3A_631, %ne3A_632 : i32
      %and3A_634 = arith.andi %ne3A_630, %ne3A_633 : i1
      %sub3A_635 = arith.constant 1 : i32
      %sub3A_636 = arith.subi %div3A_615, %sub3A_635 : i32
      %select_n3A_637 = arith.select %and3A_634, %sub3A_636, %div3A_615 : i32
      %mul3A_638 = arith.constant 16 : i32
      %mul3A_639 = arith.muli %select_n3A_637, %mul3A_638 : i32
      %sub3A_640 = arith.subi %add3A_550, %mul3A_639 : i32
      %get3A_641 = arith.index_cast %mul3A_639 : i32 to index
      %get3A_642 = tpu.vector_load %arg9[%get3A_641] {strides = array<i32>} : memref<512xi32, #tpu.memory_space<vmem>>, vector<16xi32>,
      %and3A_643 = arith.constant 127 : i32
      %and3A_644 = vector.broadcast %and3A_643 : i32 to vector<16xi32>
      %and3A_645 = arith.andi %get3A_642, %and3A_644 : vector<16xi32>
      %broadcast_in_dim3A_646 = vector.broadcast %sub3A_640 : i32 to vector<16xi32>
      %lt3A_647 = arith.constant 0 : i32
      %lt3A_648 = vector.broadcast %lt3A_647 : i32 to vector<16xi32>
      %lt3A_649 = arith.cmpi slt, %broadcast_in_dim3A_646, %lt3A_648 : vector<16xi32>
      %add3A_650 = arith.constant 16 : i32
      %add3A_651 = vector.broadcast %add3A_650 : i32 to vector<16xi32>
      %add3A_652 = arith.addi %broadcast_in_dim3A_646, %add3A_651 : vector<16xi32>
      %select_n3A_653 = arith.select %lt3A_649, %add3A_652, %broadcast_in_dim3A_646 : vector<16xi1>, vector<16xi32>
      %broadcast_in_dim3A_654 = vector.shape_cast %select_n3A_653 : vector<16xi32> to vector<16x1xi32>
      %gather3A_655 = vector.shape_cast %broadcast_in_dim3A_654 : vector<16x1xi32> to vector<16xi32>
      %gather3A_656 = tpu.dynamic_gather %and3A_645[%gather3A_655] in [0] : vector<16xi32>, vector<16xi32> -> vector<16xi32>
      %gather3A_657 = arith.constant 0 : i32
      %gather3A_658 = arith.constant 0 : i32
      %gather3A_659 = arith.constant 0 : i32
      %gather3A_660 = tpu.memref_slice %arg10[%gather3A_657, %gather3A_658, %gather3A_659] : memref<8x32x128xf32, #tpu.memory_space<vmem>> -> memref<1x32x128xf32, #tpu.memory_space<vmem>>
      %gather3A_661 = tpu.memref_squeeze %gather3A_660 : memref<1x32x128xf32, #tpu.memory_space<vmem>> -> memref<32x128xf32, #tpu.memory_space<vmem>>
      %gather3A_662 = tpu.vector_load_idx %gather3A_661[%iota3A, %gather3A_613] : memref<32x128xf32, #tpu.memory_space<vmem>>[vector<16xi32>, vector<16xi32>], vector<16xf32>,
      %mul3A_663 = arith.mulf %gather3A_662, %get3A_3 : vector<16xf32>
      %gather3A_664 = arith.constant 0 : i32
      %gather3A_665 = arith.constant 0 : i32
      %gather3A_666 = arith.constant 0 : i32
      %gather3A_667 = tpu.memref_slice %arg10[%gather3A_664, %gather3A_665, %gather3A_666] : memref<8x32x128xf32, #tpu.memory_space<vmem>> -> memref<1x32x128xf32, #tpu.memory_space<vmem>>
      %gather3A_668 = tpu.memref_squeeze %gather3A_667 : memref<1x32x128xf32, #tpu.memory_space<vmem>> -> memref<32x128xf32, #tpu.memory_space<vmem>>
      %gather3A_669 = tpu.vector_load_idx %gather3A_668[%add3A_14, %gather3A_613] : memref<32x128xf32, #tpu.memory_space<vmem>>[vector<16xi32>, vector<16xi32>], vector<16xf32>,
      %mul3A_670 = arith.mulf %gather3A_669, %get3A_5 : vector<16xf32>
      %add3A_671 = arith.addf %mul3A_663, %mul3A_670 : vector<16xf32>
      %gather3A_672 = arith.constant 0 : i32
      %gather3A_673 = arith.constant 0 : i32
      %gather3A_674 = arith.constant 0 : i32
      %gather3A_675 = tpu.memref_slice %arg11[%gather3A_672, %gather3A_673, %gather3A_674] : memref<8x32x128xf32, #tpu.memory_space<vmem>> -> memref<1x32x128xf32, #tpu.memory_space<vmem>>
      %gather3A_676 = tpu.memref_squeeze %gather3A_675 : memref<1x32x128xf32, #tpu.memory_space<vmem>> -> memref<32x128xf32, #tpu.memory_space<vmem>>
      %gather3A_677 = tpu.vector_load_idx %gather3A_676[%iota3A, %gather3A_656] : memref<32x128xf32, #tpu.memory_space<vmem>>[vector<16xi32>, vector<16xi32>], vector<16xf32>,
      %mul3A_678 = arith.mulf %gather3A_677, %get3A_7 : vector<16xf32>
      %add3A_679 = arith.addf %add3A_671, %mul3A_678 : vector<16xf32>
      %gather3A_680 = arith.constant 0 : i32
      %gather3A_681 = arith.constant 0 : i32
      %gather3A_682 = arith.constant 0 : i32
      %gather3A_683 = tpu.memref_slice %arg11[%gather3A_680, %gather3A_681, %gather3A_682] : memref<8x32x128xf32, #tpu.memory_space<vmem>> -> memref<1x32x128xf32, #tpu.memory_space<vmem>>
      %gather3A_684 = tpu.memref_squeeze %gather3A_683 : memref<1x32x128xf32, #tpu.memory_space<vmem>> -> memref<32x128xf32, #tpu.memory_space<vmem>>
      %gather3A_685 = tpu.vector_load_idx %gather3A_684[%add3A_14, %gather3A_656] : memref<32x128xf32, #tpu.memory_space<vmem>>[vector<16xi32>, vector<16xi32>], vector<16xf32>,
      %mul3A_686 = arith.mulf %gather3A_685, %get3A_9 : vector<16xf32>
      %add3A_687 = arith.addf %add3A_679, %mul3A_686 : vector<16xf32>
      %add3A_688 = arith.addf %add3A_687, %get3A_11 : vector<16xf32>
      %reduce_sum3A = arith.constant true
      %reduce_sum3A_689 = vector.broadcast %reduce_sum3A : i1 to vector<16xi1>
      %reduce_sum3A_690 = tpu.scan <sum>, %add3A_688 masked %reduce_sum3A_689 : vector<16xf32>, vector<16xi1> -> vector<16xf32>
      %reduce_sum3A_691 = vector.extract %reduce_sum3A_690[15] : f32 from vector<16xf32>
      %jit3A_692 = arith.constant 16 : i32
      %div3A_693 = arith.divsi %add3A_550, %jit3A_692 : i32
      %sign3A_694 = arith.constant 0 : i32
      %sign3A_695 = arith.cmpi sgt, %add3A_550, %sign3A_694 : i32
      %sign3A_696 = arith.extui %sign3A_695 : i1 to i32
      %sign3A_697 = arith.constant 0 : i32
      %sign3A_698 = arith.cmpi slt, %add3A_550, %sign3A_697 : i32
      %sign3A_699 = arith.extui %sign3A_698 : i1 to i32
      %sign3A_700 = arith.subi %sign3A_696, %sign3A_699 : i32
      %sign3A_701 = arith.constant 0 : i32
      %sign3A_702 = arith.cmpi sgt, %jit3A_692, %sign3A_701 : i32
      %sign3A_703 = arith.extui %sign3A_702 : i1 to i32
      %sign3A_704 = arith.constant 0 : i32
      %sign3A_705 = arith.cmpi slt, %jit3A_692, %sign3A_704 : i32
      %sign3A_706 = arith.extui %sign3A_705 : i1 to i32
      %sign3A_707 = arith.subi %sign3A_703, %sign3A_706 : i32
      %ne3A_708 = arith.cmpi ne, %sign3A_700, %sign3A_707 : i32
      %rem3A_709 = arith.remsi %add3A_550, %jit3A_692 : i32
      %ne3A_710 = arith.constant 0 : i32
      %ne3A_711 = arith.cmpi ne, %rem3A_709, %ne3A_710 : i32
      %and3A_712 = arith.andi %ne3A_708, %ne3A_711 : i1
      %sub3A_713 = arith.constant 1 : i32
      %sub3A_714 = arith.subi %div3A_693, %sub3A_713 : i32
      %select_n3A_715 = arith.select %and3A_712, %sub3A_714, %div3A_693 : i32
      %mul3A_716 = arith.constant 16 : i32
      %mul3A_717 = arith.muli %select_n3A_715, %mul3A_716 : i32
      %sub3A_718 = arith.subi %add3A_550, %mul3A_717 : i32
      %eq3A_719 = vector.broadcast %sub3A_718 : i32 to vector<16xi32>
      %eq3A_720 = arith.cmpi eq, %iota3A, %eq3A_719 : vector<16xi32>
      %broadcast_in_dim3A_721 = vector.broadcast %reduce_sum3A_691 : f32 to vector<16xf32>
      %select_n3A_722 = arith.select %eq3A_720, %broadcast_in_dim3A_721, %scan3A_546 : vector<16xi1>, vector<16xf32>
      %add3A_723 = arith.constant 8 : i32
      %add3A_724 = arith.addi %add3A_550, %add3A_723 : i32
      %lt3A_725 = arith.constant 512 : i32
      %lt3A_726 = arith.cmpi slt, %add3A_724, %lt3A_725 : i32
      %convert_element_type3A = arith.extui %lt3A_726 : i1 to i32
      %cond3A = arith.constant 0 : i32
      %cond3A_727 = arith.cmpi ne, %convert_element_type3A, %cond3A : i32
      scf.if %cond3A_727 {
        %add3A_2093 = arith.constant 8 : i32
        %add3A_2094 = arith.addi %add3A_550, %add3A_2093 : i32
        %jit3A_2095 = arith.constant 16 : i32
        %div3A_2096 = arith.divsi %add3A_2094, %jit3A_2095 : i32
        %sign3A_2097 = arith.constant 0 : i32
        %sign3A_2098 = arith.cmpi sgt, %add3A_2094, %sign3A_2097 : i32
        %sign3A_2099 = arith.extui %sign3A_2098 : i1 to i32
        %sign3A_2100 = arith.constant 0 : i32
        %sign3A_2101 = arith.cmpi slt, %add3A_2094, %sign3A_2100 : i32
        %sign3A_2102 = arith.extui %sign3A_2101 : i1 to i32
        %sign3A_2103 = arith.subi %sign3A_2099, %sign3A_2102 : i32
        %sign3A_2104 = arith.constant 0 : i32
        %sign3A_2105 = arith.cmpi sgt, %jit3A_2095, %sign3A_2104 : i32
        %sign3A_2106 = arith.extui %sign3A_2105 : i1 to i32
        %sign3A_2107 = arith.constant 0 : i32
        %sign3A_2108 = arith.cmpi slt, %jit3A_2095, %sign3A_2107 : i32
        %sign3A_2109 = arith.extui %sign3A_2108 : i1 to i32
        %sign3A_2110 = arith.subi %sign3A_2106, %sign3A_2109 : i32
        %ne3A_2111 = arith.cmpi ne, %sign3A_2103, %sign3A_2110 : i32
        %rem3A_2112 = arith.remsi %add3A_2094, %jit3A_2095 : i32
        %ne3A_2113 = arith.constant 0 : i32
        %ne3A_2114 = arith.cmpi ne, %rem3A_2112, %ne3A_2113 : i32
        %and3A_2115 = arith.andi %ne3A_2111, %ne3A_2114 : i1
        %sub3A_2116 = arith.constant 1 : i32
        %sub3A_2117 = arith.subi %div3A_2096, %sub3A_2116 : i32
        %select_n3A_2118 = arith.select %and3A_2115, %sub3A_2117, %div3A_2096 : i32
        %mul3A_2119 = arith.constant 16 : i32
        %mul3A_2120 = arith.muli %select_n3A_2118, %mul3A_2119 : i32
        %sub3A_2121 = arith.subi %add3A_2094, %mul3A_2120 : i32
        %get3A_2122 = arith.index_cast %mul3A_2120 : i32 to index
        %get3A_2123 = tpu.vector_load %arg8[%get3A_2122] {strides = array<i32>} : memref<512xi32, #tpu.memory_space<vmem>>, vector<16xi32>,
        %eq3A_2124 = vector.broadcast %sub3A_2121 : i32 to vector<16xi32>
        %eq3A_2125 = arith.cmpi eq, %iota3A, %eq3A_2124 : vector<16xi32>
        %shift_right_logical3A_2126 = arith.constant 7 : i32
        %shift_right_logical3A_2127 = vector.broadcast %shift_right_logical3A_2126 : i32 to vector<16xi32>
        %shift_right_logical3A_2128 = arith.shrui %get3A_2123, %shift_right_logical3A_2127 : vector<16xi32>
        %select_n3A_2129 = arith.select %eq3A_2125, %shift_right_logical3A_2128, %broadcast_in_dim3A_15 : vector<16xi1>, vector<16xi32>
        %reduce_max3A_2130 = arith.constant true
        %reduce_max3A_2131 = vector.broadcast %reduce_max3A_2130 : i1 to vector<16xi1>
        %reduce_max3A_2132 = arith.constant -2147483648 : i32
        %reduce_max3A_2133 = vector.broadcast %reduce_max3A_2132 : i32 to vector<16xi32>
        %reduce_max3A_2134 = arith.xori %select_n3A_2129, %reduce_max3A_2133 : vector<16xi32>
        %reduce_max3A_2135 = tpu.scan <max>, %reduce_max3A_2134 masked %reduce_max3A_2131 : vector<16xi32>, vector<16xi1> -> vector<16xi32>
        %reduce_max3A_2136 = arith.xori %reduce_max3A_2135, %reduce_max3A_2133 : vector<16xi32>
        %reduce_max3A_2137 = vector.extract %reduce_max3A_2136[15] : i32 from vector<16xi32>
        %mul3A_2138 = arith.constant 128 : i32
        %mul3A_2139 = arith.muli %reduce_max3A_2137, %mul3A_2138 : i32
        %multiple_of3A_2140 = tpu.assume_multiple %mul3A_2139, 128 : i32
        %dma_start3A_2141 = arith.constant 0 : i32
        %dma_start3A_2142 = arith.constant 0 : i32
        %dma_start3A_2143 = arith.constant 0 : i32
        %dma_start3A_2144 = tpu.memref_slice %arg10[%dma_start3A_2141, %dma_start3A_2142, %dma_start3A_2143] : memref<8x32x128xf32, #tpu.memory_space<vmem>> -> memref<1x32x128xf32, #tpu.memory_space<vmem>>
        %dma_start3A_2145 = tpu.memref_squeeze %dma_start3A_2144 : memref<1x32x128xf32, #tpu.memory_space<vmem>> -> memref<32x128xf32, #tpu.memory_space<vmem>>
        %dma_start3A_2146 = arith.constant 0 : i32
        %dma_start3A_2147 = tpu.memref_slice %arg4[%dma_start3A_2146, %multiple_of3A_2140] : memref<32x1000000xf32, #tpu.memory_space<hbm>> -> memref<32x128xf32, #tpu.memory_space<hbm>>
        %dma_start3A_2148 = arith.constant 0 : i32
        %dma_start3A_2149 = arith.constant 0 : i32
        %dma_start3A_2150 = tpu.memref_slice %arg10[%dma_start3A_2141, %dma_start3A_2148, %dma_start3A_2149] : memref<8x32x128xf32, #tpu.memory_space<vmem>> -> memref<1x32x128xf32, #tpu.memory_space<vmem>>
        %dma_start3A_2151 = tpu.memref_squeeze %dma_start3A_2150 : memref<1x32x128xf32, #tpu.memory_space<vmem>> -> memref<32x128xf32, #tpu.memory_space<vmem>>
        %dma_start3A_2152 = arith.constant 0 : i32
        %dma_start3A_2153 = tpu.memref_slice %arg4[%dma_start3A_2152, %multiple_of3A_2140] : memref<32x1000000xf32, #tpu.memory_space<hbm>> -> memref<32x128xf32, #tpu.memory_space<hbm>>
        tpu.enqueue_dma source(%dma_start3A_2153 : memref<32x128xf32, #tpu.memory_space<hbm>>) target(%dma_start3A_2151 : memref<32x128xf32, #tpu.memory_space<vmem>>) target_semaphore(%arg14 : memref<!tpu.dma_semaphore, #tpu.memory_space<semaphore_mem>>)
        %jit3A_2154 = arith.constant 16 : i32
        %div3A_2155 = arith.divsi %add3A_2094, %jit3A_2154 : i32
        %sign3A_2156 = arith.constant 0 : i32
        %sign3A_2157 = arith.cmpi sgt, %add3A_2094, %sign3A_2156 : i32
        %sign3A_2158 = arith.extui %sign3A_2157 : i1 to i32
        %sign3A_2159 = arith.constant 0 : i32
        %sign3A_2160 = arith.cmpi slt, %add3A_2094, %sign3A_2159 : i32
        %sign3A_2161 = arith.extui %sign3A_2160 : i1 to i32
        %sign3A_2162 = arith.subi %sign3A_2158, %sign3A_2161 : i32
        %sign3A_2163 = arith.constant 0 : i32
        %sign3A_2164 = arith.cmpi sgt, %jit3A_2154, %sign3A_2163 : i32
        %sign3A_2165 = arith.extui %sign3A_2164 : i1 to i32
        %sign3A_2166 = arith.constant 0 : i32
        %sign3A_2167 = arith.cmpi slt, %jit3A_2154, %sign3A_2166 : i32
        %sign3A_2168 = arith.extui %sign3A_2167 : i1 to i32
        %sign3A_2169 = arith.subi %sign3A_2165, %sign3A_2168 : i32
        %ne3A_2170 = arith.cmpi ne, %sign3A_2162, %sign3A_2169 : i32
        %rem3A_2171 = arith.remsi %add3A_2094, %jit3A_2154 : i32
        %ne3A_2172 = arith.constant 0 : i32
        %ne3A_2173 = arith.cmpi ne, %rem3A_2171, %ne3A_2172 : i32
        %and3A_2174 = arith.andi %ne3A_2170, %ne3A_2173 : i1
        %sub3A_2175 = arith.constant 1 : i32
        %sub3A_2176 = arith.subi %div3A_2155, %sub3A_2175 : i32
        %select_n3A_2177 = arith.select %and3A_2174, %sub3A_2176, %div3A_2155 : i32
        %mul3A_2178 = arith.constant 16 : i32
        %mul3A_2179 = arith.muli %select_n3A_2177, %mul3A_2178 : i32
        %sub3A_2180 = arith.subi %add3A_2094, %mul3A_2179 : i32
        %get3A_2181 = arith.index_cast %mul3A_2179 : i32 to index
        %get3A_2182 = tpu.vector_load %arg9[%get3A_2181] {strides = array<i32>} : memref<512xi32, #tpu.memory_space<vmem>>, vector<16xi32>,
        %eq3A_2183 = vector.broadcast %sub3A_2180 : i32 to vector<16xi32>
        %eq3A_2184 = arith.cmpi eq, %iota3A, %eq3A_2183 : vector<16xi32>
        %shift_right_logical3A_2185 = arith.constant 7 : i32
        %shift_right_logical3A_2186 = vector.broadcast %shift_right_logical3A_2185 : i32 to vector<16xi32>
        %shift_right_logical3A_2187 = arith.shrui %get3A_2182, %shift_right_logical3A_2186 : vector<16xi32>
        %select_n3A_2188 = arith.select %eq3A_2184, %shift_right_logical3A_2187, %broadcast_in_dim3A_15 : vector<16xi1>, vector<16xi32>
        %reduce_max3A_2189 = arith.constant true
        %reduce_max3A_2190 = vector.broadcast %reduce_max3A_2189 : i1 to vector<16xi1>
        %reduce_max3A_2191 = arith.constant -2147483648 : i32
        %reduce_max3A_2192 = vector.broadcast %reduce_max3A_2191 : i32 to vector<16xi32>
        %reduce_max3A_2193 = arith.xori %select_n3A_2188, %reduce_max3A_2192 : vector<16xi32>
        %reduce_max3A_2194 = tpu.scan <max>, %reduce_max3A_2193 masked %reduce_max3A_2190 : vector<16xi32>, vector<16xi1> -> vector<16xi32>
        %reduce_max3A_2195 = arith.xori %reduce_max3A_2194, %reduce_max3A_2192 : vector<16xi32>
        %reduce_max3A_2196 = vector.extract %reduce_max3A_2195[15] : i32 from vector<16xi32>
        %mul3A_2197 = arith.constant 128 : i32
        %mul3A_2198 = arith.muli %reduce_max3A_2196, %mul3A_2197 : i32
        %multiple_of3A_2199 = tpu.assume_multiple %mul3A_2198, 128 : i32
        %dma_start3A_2200 = arith.constant 0 : i32
        %dma_start3A_2201 = arith.constant 0 : i32
        %dma_start3A_2202 = arith.constant 0 : i32
        %dma_start3A_2203 = tpu.memref_slice %arg11[%dma_start3A_2200, %dma_start3A_2201, %dma_start3A_2202] : memref<8x32x128xf32, #tpu.memory_space<vmem>> -> memref<1x32x128xf32, #tpu.memory_space<vmem>>
        %dma_start3A_2204 = tpu.memref_squeeze %dma_start3A_2203 : memref<1x32x128xf32, #tpu.memory_space<vmem>> -> memref<32x128xf32, #tpu.memory_space<vmem>>
        %dma_start3A_2205 = arith.constant 0 : i32
        %dma_start3A_2206 = tpu.memref_slice %arg5[%dma_start3A_2205, %multiple_of3A_2199] : memref<32x1000000xf32, #tpu.memory_space<hbm>> -> memref<32x128xf32, #tpu.memory_space<hbm>>
        %dma_start3A_2207 = arith.constant 0 : i32
        %dma_start3A_2208 = arith.constant 0 : i32
        %dma_start3A_2209 = tpu.memref_slice %arg11[%dma_start3A_2200, %dma_start3A_2207, %dma_start3A_2208] : memref<8x32x128xf32, #tpu.memory_space<vmem>> -> memref<1x32x128xf32, #tpu.memory_space<vmem>>
        %dma_start3A_2210 = tpu.memref_squeeze %dma_start3A_2209 : memref<1x32x128xf32, #tpu.memory_space<vmem>> -> memref<32x128xf32, #tpu.memory_space<vmem>>
        %dma_start3A_2211 = arith.constant 0 : i32
        %dma_start3A_2212 = tpu.memref_slice %arg5[%dma_start3A_2211, %multiple_of3A_2199] : memref<32x1000000xf32, #tpu.memory_space<hbm>> -> memref<32x128xf32, #tpu.memory_space<hbm>>
        tpu.enqueue_dma source(%dma_start3A_2212 : memref<32x128xf32, #tpu.memory_space<hbm>>) target(%dma_start3A_2210 : memref<32x128xf32, #tpu.memory_space<vmem>>) target_semaphore(%arg22 : memref<!tpu.dma_semaphore, #tpu.memory_space<semaphore_mem>>)
      } else {
      }
      %mul3A_728 = arith.constant 8 : i32
      %mul3A_729 = arith.muli %scan3A_545, %mul3A_728 : i32
      %add3A_730 = arith.constant 1 : i32
      %add3A_731 = arith.addi %mul3A_729, %add3A_730 : i32
      %dma_wait3A_732 = arith.constant 1 : i32
      %dma_wait3A_733 = arith.constant 0 : i32
      %dma_wait3A_734 = arith.constant 0 : i32
      %dma_wait3A_735 = tpu.memref_slice %arg10[%dma_wait3A_732, %dma_wait3A_733, %dma_wait3A_734] : memref<8x32x128xf32, #tpu.memory_space<vmem>> -> memref<1x32x128xf32, #tpu.memory_space<vmem>>
      %dma_wait3A_736 = tpu.memref_squeeze %dma_wait3A_735 : memref<1x32x128xf32, #tpu.memory_space<vmem>> -> memref<32x128xf32, #tpu.memory_space<vmem>>
      %dma_wait3A_737 = arith.constant 0 : i32
      %dma_wait3A_738 = arith.constant 0 : i32
      %dma_wait3A_739 = tpu.memref_slice %arg4[%dma_wait3A_737, %dma_wait3A_738] : memref<32x1000000xf32, #tpu.memory_space<hbm>> -> memref<32x128xf32, #tpu.memory_space<hbm>>
      %dma_wait3A_740 = arith.constant 0 : i32
      %dma_wait3A_741 = arith.constant 0 : i32
      %dma_wait3A_742 = tpu.memref_slice %arg10[%dma_wait3A_732, %dma_wait3A_740, %dma_wait3A_741] : memref<8x32x128xf32, #tpu.memory_space<vmem>> -> memref<1x32x128xf32, #tpu.memory_space<vmem>>
      %dma_wait3A_743 = tpu.memref_squeeze %dma_wait3A_742 : memref<1x32x128xf32, #tpu.memory_space<vmem>> -> memref<32x128xf32, #tpu.memory_space<vmem>>
      %dma_wait3A_744 = arith.constant 0 : i32
      %dma_wait3A_745 = arith.constant 0 : i32
      %dma_wait3A_746 = tpu.memref_slice %arg4[%dma_wait3A_744, %dma_wait3A_745] : memref<32x1000000xf32, #tpu.memory_space<hbm>> -> memref<32x128xf32, #tpu.memory_space<hbm>>
      tpu.wait_dma2 semaphore(%arg15 : memref<!tpu.dma_semaphore, #tpu.memory_space<semaphore_mem>>) src(%dma_wait3A_746 : memref<32x128xf32, #tpu.memory_space<hbm>>) dst(%dma_wait3A_743 : memref<32x128xf32, #tpu.memory_space<vmem>>)
      %dma_wait3A_747 = arith.constant 1 : i32
      %dma_wait3A_748 = arith.constant 0 : i32
      %dma_wait3A_749 = arith.constant 0 : i32
      %dma_wait3A_750 = tpu.memref_slice %arg11[%dma_wait3A_747, %dma_wait3A_748, %dma_wait3A_749] : memref<8x32x128xf32, #tpu.memory_space<vmem>> -> memref<1x32x128xf32, #tpu.memory_space<vmem>>
      %dma_wait3A_751 = tpu.memref_squeeze %dma_wait3A_750 : memref<1x32x128xf32, #tpu.memory_space<vmem>> -> memref<32x128xf32, #tpu.memory_space<vmem>>
      %dma_wait3A_752 = arith.constant 0 : i32
      %dma_wait3A_753 = arith.constant 0 : i32
      %dma_wait3A_754 = tpu.memref_slice %arg5[%dma_wait3A_752, %dma_wait3A_753] : memref<32x1000000xf32, #tpu.memory_space<hbm>> -> memref<32x128xf32, #tpu.memory_space<hbm>>
      %dma_wait3A_755 = arith.constant 0 : i32
      %dma_wait3A_756 = arith.constant 0 : i32
      %dma_wait3A_757 = tpu.memref_slice %arg11[%dma_wait3A_747, %dma_wait3A_755, %dma_wait3A_756] : memref<8x32x128xf32, #tpu.memory_space<vmem>> -> memref<1x32x128xf32, #tpu.memory_space<vmem>>
      %dma_wait3A_758 = tpu.memref_squeeze %dma_wait3A_757 : memref<1x32x128xf32, #tpu.memory_space<vmem>> -> memref<32x128xf32, #tpu.memory_space<vmem>>
      %dma_wait3A_759 = arith.constant 0 : i32
      %dma_wait3A_760 = arith.constant 0 : i32
      %dma_wait3A_761 = tpu.memref_slice %arg5[%dma_wait3A_759, %dma_wait3A_760] : memref<32x1000000xf32, #tpu.memory_space<hbm>> -> memref<32x128xf32, #tpu.memory_space<hbm>>
      tpu.wait_dma2 semaphore(%arg23 : memref<!tpu.dma_semaphore, #tpu.memory_space<semaphore_mem>>) src(%dma_wait3A_761 : memref<32x128xf32, #tpu.memory_space<hbm>>) dst(%dma_wait3A_758 : memref<32x128xf32, #tpu.memory_space<vmem>>)
      %jit3A_762 = arith.constant 16 : i32
      %div3A_763 = arith.divsi %add3A_731, %jit3A_762 : i32
      %sign3A_764 = arith.constant 0 : i32
      %sign3A_765 = arith.cmpi sgt, %add3A_731, %sign3A_764 : i32
      %sign3A_766 = arith.extui %sign3A_765 : i1 to i32
      %sign3A_767 = arith.constant 0 : i32
      %sign3A_768 = arith.cmpi slt, %add3A_731, %sign3A_767 : i32
      %sign3A_769 = arith.extui %sign3A_768 : i1 to i32
      %sign3A_770 = arith.subi %sign3A_766, %sign3A_769 : i32
      %sign3A_771 = arith.constant 0 : i32
      %sign3A_772 = arith.cmpi sgt, %jit3A_762, %sign3A_771 : i32
      %sign3A_773 = arith.extui %sign3A_772 : i1 to i32
      %sign3A_774 = arith.constant 0 : i32
      %sign3A_775 = arith.cmpi slt, %jit3A_762, %sign3A_774 : i32
      %sign3A_776 = arith.extui %sign3A_775 : i1 to i32
      %sign3A_777 = arith.subi %sign3A_773, %sign3A_776 : i32
      %ne3A_778 = arith.cmpi ne, %sign3A_770, %sign3A_777 : i32
      %rem3A_779 = arith.remsi %add3A_731, %jit3A_762 : i32
      %ne3A_780 = arith.constant 0 : i32
      %ne3A_781 = arith.cmpi ne, %rem3A_779, %ne3A_780 : i32
      %and3A_782 = arith.andi %ne3A_778, %ne3A_781 : i1
      %sub3A_783 = arith.constant 1 : i32
      %sub3A_784 = arith.subi %div3A_763, %sub3A_783 : i32
      %select_n3A_785 = arith.select %and3A_782, %sub3A_784, %div3A_763 : i32
      %mul3A_786 = arith.constant 16 : i32
      %mul3A_787 = arith.muli %select_n3A_785, %mul3A_786 : i32
      %sub3A_788 = arith.subi %add3A_731, %mul3A_787 : i32
      %get3A_789 = arith.index_cast %mul3A_787 : i32 to index
      %get3A_790 = tpu.vector_load %arg8[%get3A_789] {strides = array<i32>} : memref<512xi32, #tpu.memory_space<vmem>>, vector<16xi32>,
      %and3A_791 = arith.constant 127 : i32
      %and3A_792 = vector.broadcast %and3A_791 : i32 to vector<16xi32>
      %and3A_793 = arith.andi %get3A_790, %and3A_792 : vector<16xi32>
      %broadcast_in_dim3A_794 = vector.broadcast %sub3A_788 : i32 to vector<16xi32>
      %lt3A_795 = arith.constant 0 : i32
      %lt3A_796 = vector.broadcast %lt3A_795 : i32 to vector<16xi32>
      %lt3A_797 = arith.cmpi slt, %broadcast_in_dim3A_794, %lt3A_796 : vector<16xi32>
      %add3A_798 = arith.constant 16 : i32
      %add3A_799 = vector.broadcast %add3A_798 : i32 to vector<16xi32>
      %add3A_800 = arith.addi %broadcast_in_dim3A_794, %add3A_799 : vector<16xi32>
      %select_n3A_801 = arith.select %lt3A_797, %add3A_800, %broadcast_in_dim3A_794 : vector<16xi1>, vector<16xi32>
      %broadcast_in_dim3A_802 = vector.shape_cast %select_n3A_801 : vector<16xi32> to vector<16x1xi32>
      %gather3A_803 = vector.shape_cast %broadcast_in_dim3A_802 : vector<16x1xi32> to vector<16xi32>
      %gather3A_804 = tpu.dynamic_gather %and3A_793[%gather3A_803] in [0] : vector<16xi32>, vector<16xi32> -> vector<16xi32>
      %jit3A_805 = arith.constant 16 : i32
      %div3A_806 = arith.divsi %add3A_731, %jit3A_805 : i32
      %sign3A_807 = arith.constant 0 : i32
      %sign3A_808 = arith.cmpi sgt, %add3A_731, %sign3A_807 : i32
      %sign3A_809 = arith.extui %sign3A_808 : i1 to i32
      %sign3A_810 = arith.constant 0 : i32
      %sign3A_811 = arith.cmpi slt, %add3A_731, %sign3A_810 : i32
      %sign3A_812 = arith.extui %sign3A_811 : i1 to i32
      %sign3A_813 = arith.subi %sign3A_809, %sign3A_812 : i32
      %sign3A_814 = arith.constant 0 : i32
      %sign3A_815 = arith.cmpi sgt, %jit3A_805, %sign3A_814 : i32
      %sign3A_816 = arith.extui %sign3A_815 : i1 to i32
      %sign3A_817 = arith.constant 0 : i32
      %sign3A_818 = arith.cmpi slt, %jit3A_805, %sign3A_817 : i32
      %sign3A_819 = arith.extui %sign3A_818 : i1 to i32
      %sign3A_820 = arith.subi %sign3A_816, %sign3A_819 : i32
      %ne3A_821 = arith.cmpi ne, %sign3A_813, %sign3A_820 : i32
      %rem3A_822 = arith.remsi %add3A_731, %jit3A_805 : i32
      %ne3A_823 = arith.constant 0 : i32
      %ne3A_824 = arith.cmpi ne, %rem3A_822, %ne3A_823 : i32
      %and3A_825 = arith.andi %ne3A_821, %ne3A_824 : i1
      %sub3A_826 = arith.constant 1 : i32
      %sub3A_827 = arith.subi %div3A_806, %sub3A_826 : i32
      %select_n3A_828 = arith.select %and3A_825, %sub3A_827, %div3A_806 : i32
      %mul3A_829 = arith.constant 16 : i32
      %mul3A_830 = arith.muli %select_n3A_828, %mul3A_829 : i32
      %sub3A_831 = arith.subi %add3A_731, %mul3A_830 : i32
      %get3A_832 = arith.index_cast %mul3A_830 : i32 to index
      %get3A_833 = tpu.vector_load %arg9[%get3A_832] {strides = array<i32>} : memref<512xi32, #tpu.memory_space<vmem>>, vector<16xi32>,
      %and3A_834 = arith.constant 127 : i32
      %and3A_835 = vector.broadcast %and3A_834 : i32 to vector<16xi32>
      %and3A_836 = arith.andi %get3A_833, %and3A_835 : vector<16xi32>
      %broadcast_in_dim3A_837 = vector.broadcast %sub3A_831 : i32 to vector<16xi32>
      %lt3A_838 = arith.constant 0 : i32
      %lt3A_839 = vector.broadcast %lt3A_838 : i32 to vector<16xi32>
      %lt3A_840 = arith.cmpi slt, %broadcast_in_dim3A_837, %lt3A_839 : vector<16xi32>
      %add3A_841 = arith.constant 16 : i32
      %add3A_842 = vector.broadcast %add3A_841 : i32 to vector<16xi32>
      %add3A_843 = arith.addi %broadcast_in_dim3A_837, %add3A_842 : vector<16xi32>
      %select_n3A_844 = arith.select %lt3A_840, %add3A_843, %broadcast_in_dim3A_837 : vector<16xi1>, vector<16xi32>
      %broadcast_in_dim3A_845 = vector.shape_cast %select_n3A_844 : vector<16xi32> to vector<16x1xi32>
      %gather3A_846 = vector.shape_cast %broadcast_in_dim3A_845 : vector<16x1xi32> to vector<16xi32>
      %gather3A_847 = tpu.dynamic_gather %and3A_836[%gather3A_846] in [0] : vector<16xi32>, vector<16xi32> -> vector<16xi32>
      %gather3A_848 = arith.constant 1 : i32
      %gather3A_849 = arith.constant 0 : i32
      %gather3A_850 = arith.constant 0 : i32
      %gather3A_851 = tpu.memref_slice %arg10[%gather3A_848, %gather3A_849, %gather3A_850] : memref<8x32x128xf32, #tpu.memory_space<vmem>> -> memref<1x32x128xf32, #tpu.memory_space<vmem>>
      %gather3A_852 = tpu.memref_squeeze %gather3A_851 : memref<1x32x128xf32, #tpu.memory_space<vmem>> -> memref<32x128xf32, #tpu.memory_space<vmem>>
      %gather3A_853 = tpu.vector_load_idx %gather3A_852[%iota3A, %gather3A_804] : memref<32x128xf32, #tpu.memory_space<vmem>>[vector<16xi32>, vector<16xi32>], vector<16xf32>,
      %mul3A_854 = arith.mulf %gather3A_853, %get3A_3 : vector<16xf32>
      %gather3A_855 = arith.constant 1 : i32
      %gather3A_856 = arith.constant 0 : i32
      %gather3A_857 = arith.constant 0 : i32
      %gather3A_858 = tpu.memref_slice %arg10[%gather3A_855, %gather3A_856, %gather3A_857] : memref<8x32x128xf32, #tpu.memory_space<vmem>> -> memref<1x32x128xf32, #tpu.memory_space<vmem>>
      %gather3A_859 = tpu.memref_squeeze %gather3A_858 : memref<1x32x128xf32, #tpu.memory_space<vmem>> -> memref<32x128xf32, #tpu.memory_space<vmem>>
      %gather3A_860 = tpu.vector_load_idx %gather3A_859[%add3A_14, %gather3A_804] : memref<32x128xf32, #tpu.memory_space<vmem>>[vector<16xi32>, vector<16xi32>], vector<16xf32>,
      %mul3A_861 = arith.mulf %gather3A_860, %get3A_5 : vector<16xf32>
      %add3A_862 = arith.addf %mul3A_854, %mul3A_861 : vector<16xf32>
      %gather3A_863 = arith.constant 1 : i32
      %gather3A_864 = arith.constant 0 : i32
      %gather3A_865 = arith.constant 0 : i32
      %gather3A_866 = tpu.memref_slice %arg11[%gather3A_863, %gather3A_864, %gather3A_865] : memref<8x32x128xf32, #tpu.memory_space<vmem>> -> memref<1x32x128xf32, #tpu.memory_space<vmem>>
      %gather3A_867 = tpu.memref_squeeze %gather3A_866 : memref<1x32x128xf32, #tpu.memory_space<vmem>> -> memref<32x128xf32, #tpu.memory_space<vmem>>
      %gather3A_868 = tpu.vector_load_idx %gather3A_867[%iota3A, %gather3A_847] : memref<32x128xf32, #tpu.memory_space<vmem>>[vector<16xi32>, vector<16xi32>], vector<16xf32>,
      %mul3A_869 = arith.mulf %gather3A_868, %get3A_7 : vector<16xf32>
      %add3A_870 = arith.addf %add3A_862, %mul3A_869 : vector<16xf32>
      %gather3A_871 = arith.constant 1 : i32
      %gather3A_872 = arith.constant 0 : i32
      %gather3A_873 = arith.constant 0 : i32
      %gather3A_874 = tpu.memref_slice %arg11[%gather3A_871, %gather3A_872, %gather3A_873] : memref<8x32x128xf32, #tpu.memory_space<vmem>> -> memref<1x32x128xf32, #tpu.memory_space<vmem>>
      %gather3A_875 = tpu.memref_squeeze %gather3A_874 : memref<1x32x128xf32, #tpu.memory_space<vmem>> -> memref<32x128xf32, #tpu.memory_space<vmem>>
      %gather3A_876 = tpu.vector_load_idx %gather3A_875[%add3A_14, %gather3A_847] : memref<32x128xf32, #tpu.memory_space<vmem>>[vector<16xi32>, vector<16xi32>], vector<16xf32>,
      %mul3A_877 = arith.mulf %gather3A_876, %get3A_9 : vector<16xf32>
      %add3A_878 = arith.addf %add3A_870, %mul3A_877 : vector<16xf32>
      %add3A_879 = arith.addf %add3A_878, %get3A_11 : vector<16xf32>
      %reduce_sum3A_880 = arith.constant true
      %reduce_sum3A_881 = vector.broadcast %reduce_sum3A_880 : i1 to vector<16xi1>
      %reduce_sum3A_882 = tpu.scan <sum>, %add3A_879 masked %reduce_sum3A_881 : vector<16xf32>, vector<16xi1> -> vector<16xf32>
      %reduce_sum3A_883 = vector.extract %reduce_sum3A_882[15] : f32 from vector<16xf32>
      %jit3A_884 = arith.constant 16 : i32
      %div3A_885 = arith.divsi %add3A_731, %jit3A_884 : i32
      %sign3A_886 = arith.constant 0 : i32
      %sign3A_887 = arith.cmpi sgt, %add3A_731, %sign3A_886 : i32
      %sign3A_888 = arith.extui %sign3A_887 : i1 to i32
      %sign3A_889 = arith.constant 0 : i32
      %sign3A_890 = arith.cmpi slt, %add3A_731, %sign3A_889 : i32
      %sign3A_891 = arith.extui %sign3A_890 : i1 to i32
      %sign3A_892 = arith.subi %sign3A_888, %sign3A_891 : i32
      %sign3A_893 = arith.constant 0 : i32
      %sign3A_894 = arith.cmpi sgt, %jit3A_884, %sign3A_893 : i32
      %sign3A_895 = arith.extui %sign3A_894 : i1 to i32
      %sign3A_896 = arith.constant 0 : i32
      %sign3A_897 = arith.cmpi slt, %jit3A_884, %sign3A_896 : i32
      %sign3A_898 = arith.extui %sign3A_897 : i1 to i32
      %sign3A_899 = arith.subi %sign3A_895, %sign3A_898 : i32
      %ne3A_900 = arith.cmpi ne, %sign3A_892, %sign3A_899 : i32
      %rem3A_901 = arith.remsi %add3A_731, %jit3A_884 : i32
      %ne3A_902 = arith.constant 0 : i32
      %ne3A_903 = arith.cmpi ne, %rem3A_901, %ne3A_902 : i32
      %and3A_904 = arith.andi %ne3A_900, %ne3A_903 : i1
      %sub3A_905 = arith.constant 1 : i32
      %sub3A_906 = arith.subi %div3A_885, %sub3A_905 : i32
      %select_n3A_907 = arith.select %and3A_904, %sub3A_906, %div3A_885 : i32
      %mul3A_908 = arith.constant 16 : i32
      %mul3A_909 = arith.muli %select_n3A_907, %mul3A_908 : i32
      %sub3A_910 = arith.subi %add3A_731, %mul3A_909 : i32
      %eq3A_911 = vector.broadcast %sub3A_910 : i32 to vector<16xi32>
      %eq3A_912 = arith.cmpi eq, %iota3A, %eq3A_911 : vector<16xi32>
      %broadcast_in_dim3A_913 = vector.broadcast %reduce_sum3A_883 : f32 to vector<16xf32>
      %select_n3A_914 = arith.select %eq3A_912, %broadcast_in_dim3A_913, %select_n3A_722 : vector<16xi1>, vector<16xf32>
      %add3A_915 = arith.constant 8 : i32
      %add3A_916 = arith.addi %add3A_731, %add3A_915 : i32
      %lt3A_917 = arith.constant 512 : i32
      %lt3A_918 = arith.cmpi slt, %add3A_916, %lt3A_917 : i32
      %convert_element_type3A_919 = arith.extui %lt3A_918 : i1 to i32
      %cond3A_920 = arith.constant 0 : i32
      %cond3A_921 = arith.cmpi ne, %convert_element_type3A_919, %cond3A_920 : i32
      scf.if %cond3A_921 {
        %add3A_2093 = arith.constant 8 : i32
        %add3A_2094 = arith.addi %add3A_731, %add3A_2093 : i32
        %jit3A_2095 = arith.constant 16 : i32
        %div3A_2096 = arith.divsi %add3A_2094, %jit3A_2095 : i32
        %sign3A_2097 = arith.constant 0 : i32
        %sign3A_2098 = arith.cmpi sgt, %add3A_2094, %sign3A_2097 : i32
        %sign3A_2099 = arith.extui %sign3A_2098 : i1 to i32
        %sign3A_2100 = arith.constant 0 : i32
        %sign3A_2101 = arith.cmpi slt, %add3A_2094, %sign3A_2100 : i32
        %sign3A_2102 = arith.extui %sign3A_2101 : i1 to i32
        %sign3A_2103 = arith.subi %sign3A_2099, %sign3A_2102 : i32
        %sign3A_2104 = arith.constant 0 : i32
        %sign3A_2105 = arith.cmpi sgt, %jit3A_2095, %sign3A_2104 : i32
        %sign3A_2106 = arith.extui %sign3A_2105 : i1 to i32
        %sign3A_2107 = arith.constant 0 : i32
        %sign3A_2108 = arith.cmpi slt, %jit3A_2095, %sign3A_2107 : i32
        %sign3A_2109 = arith.extui %sign3A_2108 : i1 to i32
        %sign3A_2110 = arith.subi %sign3A_2106, %sign3A_2109 : i32
        %ne3A_2111 = arith.cmpi ne, %sign3A_2103, %sign3A_2110 : i32
        %rem3A_2112 = arith.remsi %add3A_2094, %jit3A_2095 : i32
        %ne3A_2113 = arith.constant 0 : i32
        %ne3A_2114 = arith.cmpi ne, %rem3A_2112, %ne3A_2113 : i32
        %and3A_2115 = arith.andi %ne3A_2111, %ne3A_2114 : i1
        %sub3A_2116 = arith.constant 1 : i32
        %sub3A_2117 = arith.subi %div3A_2096, %sub3A_2116 : i32
        %select_n3A_2118 = arith.select %and3A_2115, %sub3A_2117, %div3A_2096 : i32
        %mul3A_2119 = arith.constant 16 : i32
        %mul3A_2120 = arith.muli %select_n3A_2118, %mul3A_2119 : i32
        %sub3A_2121 = arith.subi %add3A_2094, %mul3A_2120 : i32
        %get3A_2122 = arith.index_cast %mul3A_2120 : i32 to index
        %get3A_2123 = tpu.vector_load %arg8[%get3A_2122] {strides = array<i32>} : memref<512xi32, #tpu.memory_space<vmem>>, vector<16xi32>,
        %eq3A_2124 = vector.broadcast %sub3A_2121 : i32 to vector<16xi32>
        %eq3A_2125 = arith.cmpi eq, %iota3A, %eq3A_2124 : vector<16xi32>
        %shift_right_logical3A_2126 = arith.constant 7 : i32
        %shift_right_logical3A_2127 = vector.broadcast %shift_right_logical3A_2126 : i32 to vector<16xi32>
        %shift_right_logical3A_2128 = arith.shrui %get3A_2123, %shift_right_logical3A_2127 : vector<16xi32>
        %select_n3A_2129 = arith.select %eq3A_2125, %shift_right_logical3A_2128, %broadcast_in_dim3A_15 : vector<16xi1>, vector<16xi32>
        %reduce_max3A_2130 = arith.constant true
        %reduce_max3A_2131 = vector.broadcast %reduce_max3A_2130 : i1 to vector<16xi1>
        %reduce_max3A_2132 = arith.constant -2147483648 : i32
        %reduce_max3A_2133 = vector.broadcast %reduce_max3A_2132 : i32 to vector<16xi32>
        %reduce_max3A_2134 = arith.xori %select_n3A_2129, %reduce_max3A_2133 : vector<16xi32>
        %reduce_max3A_2135 = tpu.scan <max>, %reduce_max3A_2134 masked %reduce_max3A_2131 : vector<16xi32>, vector<16xi1> -> vector<16xi32>
        %reduce_max3A_2136 = arith.xori %reduce_max3A_2135, %reduce_max3A_2133 : vector<16xi32>
        %reduce_max3A_2137 = vector.extract %reduce_max3A_2136[15] : i32 from vector<16xi32>
        %mul3A_2138 = arith.constant 128 : i32
        %mul3A_2139 = arith.muli %reduce_max3A_2137, %mul3A_2138 : i32
        %multiple_of3A_2140 = tpu.assume_multiple %mul3A_2139, 128 : i32
        %dma_start3A_2141 = arith.constant 1 : i32
        %dma_start3A_2142 = arith.constant 0 : i32
        %dma_start3A_2143 = arith.constant 0 : i32
        %dma_start3A_2144 = tpu.memref_slice %arg10[%dma_start3A_2141, %dma_start3A_2142, %dma_start3A_2143] : memref<8x32x128xf32, #tpu.memory_space<vmem>> -> memref<1x32x128xf32, #tpu.memory_space<vmem>>
        %dma_start3A_2145 = tpu.memref_squeeze %dma_start3A_2144 : memref<1x32x128xf32, #tpu.memory_space<vmem>> -> memref<32x128xf32, #tpu.memory_space<vmem>>
        %dma_start3A_2146 = arith.constant 0 : i32
        %dma_start3A_2147 = tpu.memref_slice %arg4[%dma_start3A_2146, %multiple_of3A_2140] : memref<32x1000000xf32, #tpu.memory_space<hbm>> -> memref<32x128xf32, #tpu.memory_space<hbm>>
        %dma_start3A_2148 = arith.constant 0 : i32
        %dma_start3A_2149 = arith.constant 0 : i32
        %dma_start3A_2150 = tpu.memref_slice %arg10[%dma_start3A_2141, %dma_start3A_2148, %dma_start3A_2149] : memref<8x32x128xf32, #tpu.memory_space<vmem>> -> memref<1x32x128xf32, #tpu.memory_space<vmem>>
        %dma_start3A_2151 = tpu.memref_squeeze %dma_start3A_2150 : memref<1x32x128xf32, #tpu.memory_space<vmem>> -> memref<32x128xf32, #tpu.memory_space<vmem>>
        %dma_start3A_2152 = arith.constant 0 : i32
        %dma_start3A_2153 = tpu.memref_slice %arg4[%dma_start3A_2152, %multiple_of3A_2140] : memref<32x1000000xf32, #tpu.memory_space<hbm>> -> memref<32x128xf32, #tpu.memory_space<hbm>>
        tpu.enqueue_dma source(%dma_start3A_2153 : memref<32x128xf32, #tpu.memory_space<hbm>>) target(%dma_start3A_2151 : memref<32x128xf32, #tpu.memory_space<vmem>>) target_semaphore(%arg15 : memref<!tpu.dma_semaphore, #tpu.memory_space<semaphore_mem>>)
        %jit3A_2154 = arith.constant 16 : i32
        %div3A_2155 = arith.divsi %add3A_2094, %jit3A_2154 : i32
        %sign3A_2156 = arith.constant 0 : i32
        %sign3A_2157 = arith.cmpi sgt, %add3A_2094, %sign3A_2156 : i32
        %sign3A_2158 = arith.extui %sign3A_2157 : i1 to i32
        %sign3A_2159 = arith.constant 0 : i32
        %sign3A_2160 = arith.cmpi slt, %add3A_2094, %sign3A_2159 : i32
        %sign3A_2161 = arith.extui %sign3A_2160 : i1 to i32
        %sign3A_2162 = arith.subi %sign3A_2158, %sign3A_2161 : i32
        %sign3A_2163 = arith.constant 0 : i32
        %sign3A_2164 = arith.cmpi sgt, %jit3A_2154, %sign3A_2163 : i32
        %sign3A_2165 = arith.extui %sign3A_2164 : i1 to i32
        %sign3A_2166 = arith.constant 0 : i32
        %sign3A_2167 = arith.cmpi slt, %jit3A_2154, %sign3A_2166 : i32
        %sign3A_2168 = arith.extui %sign3A_2167 : i1 to i32
        %sign3A_2169 = arith.subi %sign3A_2165, %sign3A_2168 : i32
        %ne3A_2170 = arith.cmpi ne, %sign3A_2162, %sign3A_2169 : i32
        %rem3A_2171 = arith.remsi %add3A_2094, %jit3A_2154 : i32
        %ne3A_2172 = arith.constant 0 : i32
        %ne3A_2173 = arith.cmpi ne, %rem3A_2171, %ne3A_2172 : i32
        %and3A_2174 = arith.andi %ne3A_2170, %ne3A_2173 : i1
        %sub3A_2175 = arith.constant 1 : i32
        %sub3A_2176 = arith.subi %div3A_2155, %sub3A_2175 : i32
        %select_n3A_2177 = arith.select %and3A_2174, %sub3A_2176, %div3A_2155 : i32
        %mul3A_2178 = arith.constant 16 : i32
        %mul3A_2179 = arith.muli %select_n3A_2177, %mul3A_2178 : i32
        %sub3A_2180 = arith.subi %add3A_2094, %mul3A_2179 : i32
        %get3A_2181 = arith.index_cast %mul3A_2179 : i32 to index
        %get3A_2182 = tpu.vector_load %arg9[%get3A_2181] {strides = array<i32>} : memref<512xi32, #tpu.memory_space<vmem>>, vector<16xi32>,
        %eq3A_2183 = vector.broadcast %sub3A_2180 : i32 to vector<16xi32>
        %eq3A_2184 = arith.cmpi eq, %iota3A, %eq3A_2183 : vector<16xi32>
        %shift_right_logical3A_2185 = arith.constant 7 : i32
        %shift_right_logical3A_2186 = vector.broadcast %shift_right_logical3A_2185 : i32 to vector<16xi32>
        %shift_right_logical3A_2187 = arith.shrui %get3A_2182, %shift_right_logical3A_2186 : vector<16xi32>
        %select_n3A_2188 = arith.select %eq3A_2184, %shift_right_logical3A_2187, %broadcast_in_dim3A_15 : vector<16xi1>, vector<16xi32>
        %reduce_max3A_2189 = arith.constant true
        %reduce_max3A_2190 = vector.broadcast %reduce_max3A_2189 : i1 to vector<16xi1>
        %reduce_max3A_2191 = arith.constant -2147483648 : i32
        %reduce_max3A_2192 = vector.broadcast %reduce_max3A_2191 : i32 to vector<16xi32>
        %reduce_max3A_2193 = arith.xori %select_n3A_2188, %reduce_max3A_2192 : vector<16xi32>
        %reduce_max3A_2194 = tpu.scan <max>, %reduce_max3A_2193 masked %reduce_max3A_2190 : vector<16xi32>, vector<16xi1> -> vector<16xi32>
        %reduce_max3A_2195 = arith.xori %reduce_max3A_2194, %reduce_max3A_2192 : vector<16xi32>
        %reduce_max3A_2196 = vector.extract %reduce_max3A_2195[15] : i32 from vector<16xi32>
        %mul3A_2197 = arith.constant 128 : i32
        %mul3A_2198 = arith.muli %reduce_max3A_2196, %mul3A_2197 : i32
        %multiple_of3A_2199 = tpu.assume_multiple %mul3A_2198, 128 : i32
        %dma_start3A_2200 = arith.constant 1 : i32
        %dma_start3A_2201 = arith.constant 0 : i32
        %dma_start3A_2202 = arith.constant 0 : i32
        %dma_start3A_2203 = tpu.memref_slice %arg11[%dma_start3A_2200, %dma_start3A_2201, %dma_start3A_2202] : memref<8x32x128xf32, #tpu.memory_space<vmem>> -> memref<1x32x128xf32, #tpu.memory_space<vmem>>
        %dma_start3A_2204 = tpu.memref_squeeze %dma_start3A_2203 : memref<1x32x128xf32, #tpu.memory_space<vmem>> -> memref<32x128xf32, #tpu.memory_space<vmem>>
        %dma_start3A_2205 = arith.constant 0 : i32
        %dma_start3A_2206 = tpu.memref_slice %arg5[%dma_start3A_2205, %multiple_of3A_2199] : memref<32x1000000xf32, #tpu.memory_space<hbm>> -> memref<32x128xf32, #tpu.memory_space<hbm>>
        %dma_start3A_2207 = arith.constant 0 : i32
        %dma_start3A_2208 = arith.constant 0 : i32
        %dma_start3A_2209 = tpu.memref_slice %arg11[%dma_start3A_2200, %dma_start3A_2207, %dma_start3A_2208] : memref<8x32x128xf32, #tpu.memory_space<vmem>> -> memref<1x32x128xf32, #tpu.memory_space<vmem>>
        %dma_start3A_2210 = tpu.memref_squeeze %dma_start3A_2209 : memref<1x32x128xf32, #tpu.memory_space<vmem>> -> memref<32x128xf32, #tpu.memory_space<vmem>>
        %dma_start3A_2211 = arith.constant 0 : i32
        %dma_start3A_2212 = tpu.memref_slice %arg5[%dma_start3A_2211, %multiple_of3A_2199] : memref<32x1000000xf32, #tpu.memory_space<hbm>> -> memref<32x128xf32, #tpu.memory_space<hbm>>
        tpu.enqueue_dma source(%dma_start3A_2212 : memref<32x128xf32, #tpu.memory_space<hbm>>) target(%dma_start3A_2210 : memref<32x128xf32, #tpu.memory_space<vmem>>) target_semaphore(%arg23 : memref<!tpu.dma_semaphore, #tpu.memory_space<semaphore_mem>>)
      } else {
      }
      %mul3A_922 = arith.constant 8 : i32
      %mul3A_923 = arith.muli %scan3A_545, %mul3A_922 : i32
      %add3A_924 = arith.constant 2 : i32
      %add3A_925 = arith.addi %mul3A_923, %add3A_924 : i32
      %dma_wait3A_926 = arith.constant 2 : i32
      %dma_wait3A_927 = arith.constant 0 : i32
      %dma_wait3A_928 = arith.constant 0 : i32
      %dma_wait3A_929 = tpu.memref_slice %arg10[%dma_wait3A_926, %dma_wait3A_927, %dma_wait3A_928] : memref<8x32x128xf32, #tpu.memory_space<vmem>> -> memref<1x32x128xf32, #tpu.memory_space<vmem>>
      %dma_wait3A_930 = tpu.memref_squeeze %dma_wait3A_929 : memref<1x32x128xf32, #tpu.memory_space<vmem>> -> memref<32x128xf32, #tpu.memory_space<vmem>>
      %dma_wait3A_931 = arith.constant 0 : i32
      %dma_wait3A_932 = arith.constant 0 : i32
      %dma_wait3A_933 = tpu.memref_slice %arg4[%dma_wait3A_931, %dma_wait3A_932] : memref<32x1000000xf32, #tpu.memory_space<hbm>> -> memref<32x128xf32, #tpu.memory_space<hbm>>
      %dma_wait3A_934 = arith.constant 0 : i32
      %dma_wait3A_935 = arith.constant 0 : i32
      %dma_wait3A_936 = tpu.memref_slice %arg10[%dma_wait3A_926, %dma_wait3A_934, %dma_wait3A_935] : memref<8x32x128xf32, #tpu.memory_space<vmem>> -> memref<1x32x128xf32, #tpu.memory_space<vmem>>
      %dma_wait3A_937 = tpu.memref_squeeze %dma_wait3A_936 : memref<1x32x128xf32, #tpu.memory_space<vmem>> -> memref<32x128xf32, #tpu.memory_space<vmem>>
      %dma_wait3A_938 = arith.constant 0 : i32
      %dma_wait3A_939 = arith.constant 0 : i32
      %dma_wait3A_940 = tpu.memref_slice %arg4[%dma_wait3A_938, %dma_wait3A_939] : memref<32x1000000xf32, #tpu.memory_space<hbm>> -> memref<32x128xf32, #tpu.memory_space<hbm>>
      tpu.wait_dma2 semaphore(%arg16 : memref<!tpu.dma_semaphore, #tpu.memory_space<semaphore_mem>>) src(%dma_wait3A_940 : memref<32x128xf32, #tpu.memory_space<hbm>>) dst(%dma_wait3A_937 : memref<32x128xf32, #tpu.memory_space<vmem>>)
      %dma_wait3A_941 = arith.constant 2 : i32
      %dma_wait3A_942 = arith.constant 0 : i32
      %dma_wait3A_943 = arith.constant 0 : i32
      %dma_wait3A_944 = tpu.memref_slice %arg11[%dma_wait3A_941, %dma_wait3A_942, %dma_wait3A_943] : memref<8x32x128xf32, #tpu.memory_space<vmem>> -> memref<1x32x128xf32, #tpu.memory_space<vmem>>
      %dma_wait3A_945 = tpu.memref_squeeze %dma_wait3A_944 : memref<1x32x128xf32, #tpu.memory_space<vmem>> -> memref<32x128xf32, #tpu.memory_space<vmem>>
      %dma_wait3A_946 = arith.constant 0 : i32
      %dma_wait3A_947 = arith.constant 0 : i32
      %dma_wait3A_948 = tpu.memref_slice %arg5[%dma_wait3A_946, %dma_wait3A_947] : memref<32x1000000xf32, #tpu.memory_space<hbm>> -> memref<32x128xf32, #tpu.memory_space<hbm>>
      %dma_wait3A_949 = arith.constant 0 : i32
      %dma_wait3A_950 = arith.constant 0 : i32
      %dma_wait3A_951 = tpu.memref_slice %arg11[%dma_wait3A_941, %dma_wait3A_949, %dma_wait3A_950] : memref<8x32x128xf32, #tpu.memory_space<vmem>> -> memref<1x32x128xf32, #tpu.memory_space<vmem>>
      %dma_wait3A_952 = tpu.memref_squeeze %dma_wait3A_951 : memref<1x32x128xf32, #tpu.memory_space<vmem>> -> memref<32x128xf32, #tpu.memory_space<vmem>>
      %dma_wait3A_953 = arith.constant 0 : i32
      %dma_wait3A_954 = arith.constant 0 : i32
      %dma_wait3A_955 = tpu.memref_slice %arg5[%dma_wait3A_953, %dma_wait3A_954] : memref<32x1000000xf32, #tpu.memory_space<hbm>> -> memref<32x128xf32, #tpu.memory_space<hbm>>
      tpu.wait_dma2 semaphore(%arg24 : memref<!tpu.dma_semaphore, #tpu.memory_space<semaphore_mem>>) src(%dma_wait3A_955 : memref<32x128xf32, #tpu.memory_space<hbm>>) dst(%dma_wait3A_952 : memref<32x128xf32, #tpu.memory_space<vmem>>)
      %jit3A_956 = arith.constant 16 : i32
      %div3A_957 = arith.divsi %add3A_925, %jit3A_956 : i32
      %sign3A_958 = arith.constant 0 : i32
      %sign3A_959 = arith.cmpi sgt, %add3A_925, %sign3A_958 : i32
      %sign3A_960 = arith.extui %sign3A_959 : i1 to i32
      %sign3A_961 = arith.constant 0 : i32
      %sign3A_962 = arith.cmpi slt, %add3A_925, %sign3A_961 : i32
      %sign3A_963 = arith.extui %sign3A_962 : i1 to i32
      %sign3A_964 = arith.subi %sign3A_960, %sign3A_963 : i32
      %sign3A_965 = arith.constant 0 : i32
      %sign3A_966 = arith.cmpi sgt, %jit3A_956, %sign3A_965 : i32
      %sign3A_967 = arith.extui %sign3A_966 : i1 to i32
      %sign3A_968 = arith.constant 0 : i32
      %sign3A_969 = arith.cmpi slt, %jit3A_956, %sign3A_968 : i32
      %sign3A_970 = arith.extui %sign3A_969 : i1 to i32
      %sign3A_971 = arith.subi %sign3A_967, %sign3A_970 : i32
      %ne3A_972 = arith.cmpi ne, %sign3A_964, %sign3A_971 : i32
      %rem3A_973 = arith.remsi %add3A_925, %jit3A_956 : i32
      %ne3A_974 = arith.constant 0 : i32
      %ne3A_975 = arith.cmpi ne, %rem3A_973, %ne3A_974 : i32
      %and3A_976 = arith.andi %ne3A_972, %ne3A_975 : i1
      %sub3A_977 = arith.constant 1 : i32
      %sub3A_978 = arith.subi %div3A_957, %sub3A_977 : i32
      %select_n3A_979 = arith.select %and3A_976, %sub3A_978, %div3A_957 : i32
      %mul3A_980 = arith.constant 16 : i32
      %mul3A_981 = arith.muli %select_n3A_979, %mul3A_980 : i32
      %sub3A_982 = arith.subi %add3A_925, %mul3A_981 : i32
      %get3A_983 = arith.index_cast %mul3A_981 : i32 to index
      %get3A_984 = tpu.vector_load %arg8[%get3A_983] {strides = array<i32>} : memref<512xi32, #tpu.memory_space<vmem>>, vector<16xi32>,
      %and3A_985 = arith.constant 127 : i32
      %and3A_986 = vector.broadcast %and3A_985 : i32 to vector<16xi32>
      %and3A_987 = arith.andi %get3A_984, %and3A_986 : vector<16xi32>
      %broadcast_in_dim3A_988 = vector.broadcast %sub3A_982 : i32 to vector<16xi32>
      %lt3A_989 = arith.constant 0 : i32
      %lt3A_990 = vector.broadcast %lt3A_989 : i32 to vector<16xi32>
      %lt3A_991 = arith.cmpi slt, %broadcast_in_dim3A_988, %lt3A_990 : vector<16xi32>
      %add3A_992 = arith.constant 16 : i32
      %add3A_993 = vector.broadcast %add3A_992 : i32 to vector<16xi32>
      %add3A_994 = arith.addi %broadcast_in_dim3A_988, %add3A_993 : vector<16xi32>
      %select_n3A_995 = arith.select %lt3A_991, %add3A_994, %broadcast_in_dim3A_988 : vector<16xi1>, vector<16xi32>
      %broadcast_in_dim3A_996 = vector.shape_cast %select_n3A_995 : vector<16xi32> to vector<16x1xi32>
      %gather3A_997 = vector.shape_cast %broadcast_in_dim3A_996 : vector<16x1xi32> to vector<16xi32>
      %gather3A_998 = tpu.dynamic_gather %and3A_987[%gather3A_997] in [0] : vector<16xi32>, vector<16xi32> -> vector<16xi32>
      %jit3A_999 = arith.constant 16 : i32
      %div3A_1000 = arith.divsi %add3A_925, %jit3A_999 : i32
      %sign3A_1001 = arith.constant 0 : i32
      %sign3A_1002 = arith.cmpi sgt, %add3A_925, %sign3A_1001 : i32
      %sign3A_1003 = arith.extui %sign3A_1002 : i1 to i32
      %sign3A_1004 = arith.constant 0 : i32
      %sign3A_1005 = arith.cmpi slt, %add3A_925, %sign3A_1004 : i32
      %sign3A_1006 = arith.extui %sign3A_1005 : i1 to i32
      %sign3A_1007 = arith.subi %sign3A_1003, %sign3A_1006 : i32
      %sign3A_1008 = arith.constant 0 : i32
      %sign3A_1009 = arith.cmpi sgt, %jit3A_999, %sign3A_1008 : i32
      %sign3A_1010 = arith.extui %sign3A_1009 : i1 to i32
      %sign3A_1011 = arith.constant 0 : i32
      %sign3A_1012 = arith.cmpi slt, %jit3A_999, %sign3A_1011 : i32
      %sign3A_1013 = arith.extui %sign3A_1012 : i1 to i32
      %sign3A_1014 = arith.subi %sign3A_1010, %sign3A_1013 : i32
      %ne3A_1015 = arith.cmpi ne, %sign3A_1007, %sign3A_1014 : i32
      %rem3A_1016 = arith.remsi %add3A_925, %jit3A_999 : i32
      %ne3A_1017 = arith.constant 0 : i32
      %ne3A_1018 = arith.cmpi ne, %rem3A_1016, %ne3A_1017 : i32
      %and3A_1019 = arith.andi %ne3A_1015, %ne3A_1018 : i1
      %sub3A_1020 = arith.constant 1 : i32
      %sub3A_1021 = arith.subi %div3A_1000, %sub3A_1020 : i32
      %select_n3A_1022 = arith.select %and3A_1019, %sub3A_1021, %div3A_1000 : i32
      %mul3A_1023 = arith.constant 16 : i32
      %mul3A_1024 = arith.muli %select_n3A_1022, %mul3A_1023 : i32
      %sub3A_1025 = arith.subi %add3A_925, %mul3A_1024 : i32
      %get3A_1026 = arith.index_cast %mul3A_1024 : i32 to index
      %get3A_1027 = tpu.vector_load %arg9[%get3A_1026] {strides = array<i32>} : memref<512xi32, #tpu.memory_space<vmem>>, vector<16xi32>,
      %and3A_1028 = arith.constant 127 : i32
      %and3A_1029 = vector.broadcast %and3A_1028 : i32 to vector<16xi32>
      %and3A_1030 = arith.andi %get3A_1027, %and3A_1029 : vector<16xi32>
      %broadcast_in_dim3A_1031 = vector.broadcast %sub3A_1025 : i32 to vector<16xi32>
      %lt3A_1032 = arith.constant 0 : i32
      %lt3A_1033 = vector.broadcast %lt3A_1032 : i32 to vector<16xi32>
      %lt3A_1034 = arith.cmpi slt, %broadcast_in_dim3A_1031, %lt3A_1033 : vector<16xi32>
      %add3A_1035 = arith.constant 16 : i32
      %add3A_1036 = vector.broadcast %add3A_1035 : i32 to vector<16xi32>
      %add3A_1037 = arith.addi %broadcast_in_dim3A_1031, %add3A_1036 : vector<16xi32>
      %select_n3A_1038 = arith.select %lt3A_1034, %add3A_1037, %broadcast_in_dim3A_1031 : vector<16xi1>, vector<16xi32>
      %broadcast_in_dim3A_1039 = vector.shape_cast %select_n3A_1038 : vector<16xi32> to vector<16x1xi32>
      %gather3A_1040 = vector.shape_cast %broadcast_in_dim3A_1039 : vector<16x1xi32> to vector<16xi32>
      %gather3A_1041 = tpu.dynamic_gather %and3A_1030[%gather3A_1040] in [0] : vector<16xi32>, vector<16xi32> -> vector<16xi32>
      %gather3A_1042 = arith.constant 2 : i32
      %gather3A_1043 = arith.constant 0 : i32
      %gather3A_1044 = arith.constant 0 : i32
      %gather3A_1045 = tpu.memref_slice %arg10[%gather3A_1042, %gather3A_1043, %gather3A_1044] : memref<8x32x128xf32, #tpu.memory_space<vmem>> -> memref<1x32x128xf32, #tpu.memory_space<vmem>>
      %gather3A_1046 = tpu.memref_squeeze %gather3A_1045 : memref<1x32x128xf32, #tpu.memory_space<vmem>> -> memref<32x128xf32, #tpu.memory_space<vmem>>
      %gather3A_1047 = tpu.vector_load_idx %gather3A_1046[%iota3A, %gather3A_998] : memref<32x128xf32, #tpu.memory_space<vmem>>[vector<16xi32>, vector<16xi32>], vector<16xf32>,
      %mul3A_1048 = arith.mulf %gather3A_1047, %get3A_3 : vector<16xf32>
      %gather3A_1049 = arith.constant 2 : i32
      %gather3A_1050 = arith.constant 0 : i32
      %gather3A_1051 = arith.constant 0 : i32
      %gather3A_1052 = tpu.memref_slice %arg10[%gather3A_1049, %gather3A_1050, %gather3A_1051] : memref<8x32x128xf32, #tpu.memory_space<vmem>> -> memref<1x32x128xf32, #tpu.memory_space<vmem>>
      %gather3A_1053 = tpu.memref_squeeze %gather3A_1052 : memref<1x32x128xf32, #tpu.memory_space<vmem>> -> memref<32x128xf32, #tpu.memory_space<vmem>>
      %gather3A_1054 = tpu.vector_load_idx %gather3A_1053[%add3A_14, %gather3A_998] : memref<32x128xf32, #tpu.memory_space<vmem>>[vector<16xi32>, vector<16xi32>], vector<16xf32>,
      %mul3A_1055 = arith.mulf %gather3A_1054, %get3A_5 : vector<16xf32>
      %add3A_1056 = arith.addf %mul3A_1048, %mul3A_1055 : vector<16xf32>
      %gather3A_1057 = arith.constant 2 : i32
      %gather3A_1058 = arith.constant 0 : i32
      %gather3A_1059 = arith.constant 0 : i32
      %gather3A_1060 = tpu.memref_slice %arg11[%gather3A_1057, %gather3A_1058, %gather3A_1059] : memref<8x32x128xf32, #tpu.memory_space<vmem>> -> memref<1x32x128xf32, #tpu.memory_space<vmem>>
      %gather3A_1061 = tpu.memref_squeeze %gather3A_1060 : memref<1x32x128xf32, #tpu.memory_space<vmem>> -> memref<32x128xf32, #tpu.memory_space<vmem>>
      %gather3A_1062 = tpu.vector_load_idx %gather3A_1061[%iota3A, %gather3A_1041] : memref<32x128xf32, #tpu.memory_space<vmem>>[vector<16xi32>, vector<16xi32>], vector<16xf32>,
      %mul3A_1063 = arith.mulf %gather3A_1062, %get3A_7 : vector<16xf32>
      %add3A_1064 = arith.addf %add3A_1056, %mul3A_1063 : vector<16xf32>
      %gather3A_1065 = arith.constant 2 : i32
      %gather3A_1066 = arith.constant 0 : i32
      %gather3A_1067 = arith.constant 0 : i32
      %gather3A_1068 = tpu.memref_slice %arg11[%gather3A_1065, %gather3A_1066, %gather3A_1067] : memref<8x32x128xf32, #tpu.memory_space<vmem>> -> memref<1x32x128xf32, #tpu.memory_space<vmem>>
      %gather3A_1069 = tpu.memref_squeeze %gather3A_1068 : memref<1x32x128xf32, #tpu.memory_space<vmem>> -> memref<32x128xf32, #tpu.memory_space<vmem>>
      %gather3A_1070 = tpu.vector_load_idx %gather3A_1069[%add3A_14, %gather3A_1041] : memref<32x128xf32, #tpu.memory_space<vmem>>[vector<16xi32>, vector<16xi32>], vector<16xf32>,
      %mul3A_1071 = arith.mulf %gather3A_1070, %get3A_9 : vector<16xf32>
      %add3A_1072 = arith.addf %add3A_1064, %mul3A_1071 : vector<16xf32>
      %add3A_1073 = arith.addf %add3A_1072, %get3A_11 : vector<16xf32>
      %reduce_sum3A_1074 = arith.constant true
      %reduce_sum3A_1075 = vector.broadcast %reduce_sum3A_1074 : i1 to vector<16xi1>
      %reduce_sum3A_1076 = tpu.scan <sum>, %add3A_1073 masked %reduce_sum3A_1075 : vector<16xf32>, vector<16xi1> -> vector<16xf32>
      %reduce_sum3A_1077 = vector.extract %reduce_sum3A_1076[15] : f32 from vector<16xf32>
      %jit3A_1078 = arith.constant 16 : i32
      %div3A_1079 = arith.divsi %add3A_925, %jit3A_1078 : i32
      %sign3A_1080 = arith.constant 0 : i32
      %sign3A_1081 = arith.cmpi sgt, %add3A_925, %sign3A_1080 : i32
      %sign3A_1082 = arith.extui %sign3A_1081 : i1 to i32
      %sign3A_1083 = arith.constant 0 : i32
      %sign3A_1084 = arith.cmpi slt, %add3A_925, %sign3A_1083 : i32
      %sign3A_1085 = arith.extui %sign3A_1084 : i1 to i32
      %sign3A_1086 = arith.subi %sign3A_1082, %sign3A_1085 : i32
      %sign3A_1087 = arith.constant 0 : i32
      %sign3A_1088 = arith.cmpi sgt, %jit3A_1078, %sign3A_1087 : i32
      %sign3A_1089 = arith.extui %sign3A_1088 : i1 to i32
      %sign3A_1090 = arith.constant 0 : i32
      %sign3A_1091 = arith.cmpi slt, %jit3A_1078, %sign3A_1090 : i32
      %sign3A_1092 = arith.extui %sign3A_1091 : i1 to i32
      %sign3A_1093 = arith.subi %sign3A_1089, %sign3A_1092 : i32
      %ne3A_1094 = arith.cmpi ne, %sign3A_1086, %sign3A_1093 : i32
      %rem3A_1095 = arith.remsi %add3A_925, %jit3A_1078 : i32
      %ne3A_1096 = arith.constant 0 : i32
      %ne3A_1097 = arith.cmpi ne, %rem3A_1095, %ne3A_1096 : i32
      %and3A_1098 = arith.andi %ne3A_1094, %ne3A_1097 : i1
      %sub3A_1099 = arith.constant 1 : i32
      %sub3A_1100 = arith.subi %div3A_1079, %sub3A_1099 : i32
      %select_n3A_1101 = arith.select %and3A_1098, %sub3A_1100, %div3A_1079 : i32
      %mul3A_1102 = arith.constant 16 : i32
      %mul3A_1103 = arith.muli %select_n3A_1101, %mul3A_1102 : i32
      %sub3A_1104 = arith.subi %add3A_925, %mul3A_1103 : i32
      %eq3A_1105 = vector.broadcast %sub3A_1104 : i32 to vector<16xi32>
      %eq3A_1106 = arith.cmpi eq, %iota3A, %eq3A_1105 : vector<16xi32>
      %broadcast_in_dim3A_1107 = vector.broadcast %reduce_sum3A_1077 : f32 to vector<16xf32>
      %select_n3A_1108 = arith.select %eq3A_1106, %broadcast_in_dim3A_1107, %select_n3A_914 : vector<16xi1>, vector<16xf32>
      %add3A_1109 = arith.constant 8 : i32
      %add3A_1110 = arith.addi %add3A_925, %add3A_1109 : i32
      %lt3A_1111 = arith.constant 512 : i32
      %lt3A_1112 = arith.cmpi slt, %add3A_1110, %lt3A_1111 : i32
      %convert_element_type3A_1113 = arith.extui %lt3A_1112 : i1 to i32
      %cond3A_1114 = arith.constant 0 : i32
      %cond3A_1115 = arith.cmpi ne, %convert_element_type3A_1113, %cond3A_1114 : i32
      scf.if %cond3A_1115 {
        %add3A_2093 = arith.constant 8 : i32
        %add3A_2094 = arith.addi %add3A_925, %add3A_2093 : i32
        %jit3A_2095 = arith.constant 16 : i32
        %div3A_2096 = arith.divsi %add3A_2094, %jit3A_2095 : i32
        %sign3A_2097 = arith.constant 0 : i32
        %sign3A_2098 = arith.cmpi sgt, %add3A_2094, %sign3A_2097 : i32
        %sign3A_2099 = arith.extui %sign3A_2098 : i1 to i32
        %sign3A_2100 = arith.constant 0 : i32
        %sign3A_2101 = arith.cmpi slt, %add3A_2094, %sign3A_2100 : i32
        %sign3A_2102 = arith.extui %sign3A_2101 : i1 to i32
        %sign3A_2103 = arith.subi %sign3A_2099, %sign3A_2102 : i32
        %sign3A_2104 = arith.constant 0 : i32
        %sign3A_2105 = arith.cmpi sgt, %jit3A_2095, %sign3A_2104 : i32
        %sign3A_2106 = arith.extui %sign3A_2105 : i1 to i32
        %sign3A_2107 = arith.constant 0 : i32
        %sign3A_2108 = arith.cmpi slt, %jit3A_2095, %sign3A_2107 : i32
        %sign3A_2109 = arith.extui %sign3A_2108 : i1 to i32
        %sign3A_2110 = arith.subi %sign3A_2106, %sign3A_2109 : i32
        %ne3A_2111 = arith.cmpi ne, %sign3A_2103, %sign3A_2110 : i32
        %rem3A_2112 = arith.remsi %add3A_2094, %jit3A_2095 : i32
        %ne3A_2113 = arith.constant 0 : i32
        %ne3A_2114 = arith.cmpi ne, %rem3A_2112, %ne3A_2113 : i32
        %and3A_2115 = arith.andi %ne3A_2111, %ne3A_2114 : i1
        %sub3A_2116 = arith.constant 1 : i32
        %sub3A_2117 = arith.subi %div3A_2096, %sub3A_2116 : i32
        %select_n3A_2118 = arith.select %and3A_2115, %sub3A_2117, %div3A_2096 : i32
        %mul3A_2119 = arith.constant 16 : i32
        %mul3A_2120 = arith.muli %select_n3A_2118, %mul3A_2119 : i32
        %sub3A_2121 = arith.subi %add3A_2094, %mul3A_2120 : i32
        %get3A_2122 = arith.index_cast %mul3A_2120 : i32 to index
        %get3A_2123 = tpu.vector_load %arg8[%get3A_2122] {strides = array<i32>} : memref<512xi32, #tpu.memory_space<vmem>>, vector<16xi32>,
        %eq3A_2124 = vector.broadcast %sub3A_2121 : i32 to vector<16xi32>
        %eq3A_2125 = arith.cmpi eq, %iota3A, %eq3A_2124 : vector<16xi32>
        %shift_right_logical3A_2126 = arith.constant 7 : i32
        %shift_right_logical3A_2127 = vector.broadcast %shift_right_logical3A_2126 : i32 to vector<16xi32>
        %shift_right_logical3A_2128 = arith.shrui %get3A_2123, %shift_right_logical3A_2127 : vector<16xi32>
        %select_n3A_2129 = arith.select %eq3A_2125, %shift_right_logical3A_2128, %broadcast_in_dim3A_15 : vector<16xi1>, vector<16xi32>
        %reduce_max3A_2130 = arith.constant true
        %reduce_max3A_2131 = vector.broadcast %reduce_max3A_2130 : i1 to vector<16xi1>
        %reduce_max3A_2132 = arith.constant -2147483648 : i32
        %reduce_max3A_2133 = vector.broadcast %reduce_max3A_2132 : i32 to vector<16xi32>
        %reduce_max3A_2134 = arith.xori %select_n3A_2129, %reduce_max3A_2133 : vector<16xi32>
        %reduce_max3A_2135 = tpu.scan <max>, %reduce_max3A_2134 masked %reduce_max3A_2131 : vector<16xi32>, vector<16xi1> -> vector<16xi32>
        %reduce_max3A_2136 = arith.xori %reduce_max3A_2135, %reduce_max3A_2133 : vector<16xi32>
        %reduce_max3A_2137 = vector.extract %reduce_max3A_2136[15] : i32 from vector<16xi32>
        %mul3A_2138 = arith.constant 128 : i32
        %mul3A_2139 = arith.muli %reduce_max3A_2137, %mul3A_2138 : i32
        %multiple_of3A_2140 = tpu.assume_multiple %mul3A_2139, 128 : i32
        %dma_start3A_2141 = arith.constant 2 : i32
        %dma_start3A_2142 = arith.constant 0 : i32
        %dma_start3A_2143 = arith.constant 0 : i32
        %dma_start3A_2144 = tpu.memref_slice %arg10[%dma_start3A_2141, %dma_start3A_2142, %dma_start3A_2143] : memref<8x32x128xf32, #tpu.memory_space<vmem>> -> memref<1x32x128xf32, #tpu.memory_space<vmem>>
        %dma_start3A_2145 = tpu.memref_squeeze %dma_start3A_2144 : memref<1x32x128xf32, #tpu.memory_space<vmem>> -> memref<32x128xf32, #tpu.memory_space<vmem>>
        %dma_start3A_2146 = arith.constant 0 : i32
        %dma_start3A_2147 = tpu.memref_slice %arg4[%dma_start3A_2146, %multiple_of3A_2140] : memref<32x1000000xf32, #tpu.memory_space<hbm>> -> memref<32x128xf32, #tpu.memory_space<hbm>>
        %dma_start3A_2148 = arith.constant 0 : i32
        %dma_start3A_2149 = arith.constant 0 : i32
        %dma_start3A_2150 = tpu.memref_slice %arg10[%dma_start3A_2141, %dma_start3A_2148, %dma_start3A_2149] : memref<8x32x128xf32, #tpu.memory_space<vmem>> -> memref<1x32x128xf32, #tpu.memory_space<vmem>>
        %dma_start3A_2151 = tpu.memref_squeeze %dma_start3A_2150 : memref<1x32x128xf32, #tpu.memory_space<vmem>> -> memref<32x128xf32, #tpu.memory_space<vmem>>
        %dma_start3A_2152 = arith.constant 0 : i32
        %dma_start3A_2153 = tpu.memref_slice %arg4[%dma_start3A_2152, %multiple_of3A_2140] : memref<32x1000000xf32, #tpu.memory_space<hbm>> -> memref<32x128xf32, #tpu.memory_space<hbm>>
        tpu.enqueue_dma source(%dma_start3A_2153 : memref<32x128xf32, #tpu.memory_space<hbm>>) target(%dma_start3A_2151 : memref<32x128xf32, #tpu.memory_space<vmem>>) target_semaphore(%arg16 : memref<!tpu.dma_semaphore, #tpu.memory_space<semaphore_mem>>)
        %jit3A_2154 = arith.constant 16 : i32
        %div3A_2155 = arith.divsi %add3A_2094, %jit3A_2154 : i32
        %sign3A_2156 = arith.constant 0 : i32
        %sign3A_2157 = arith.cmpi sgt, %add3A_2094, %sign3A_2156 : i32
        %sign3A_2158 = arith.extui %sign3A_2157 : i1 to i32
        %sign3A_2159 = arith.constant 0 : i32
        %sign3A_2160 = arith.cmpi slt, %add3A_2094, %sign3A_2159 : i32
        %sign3A_2161 = arith.extui %sign3A_2160 : i1 to i32
        %sign3A_2162 = arith.subi %sign3A_2158, %sign3A_2161 : i32
        %sign3A_2163 = arith.constant 0 : i32
        %sign3A_2164 = arith.cmpi sgt, %jit3A_2154, %sign3A_2163 : i32
        %sign3A_2165 = arith.extui %sign3A_2164 : i1 to i32
        %sign3A_2166 = arith.constant 0 : i32
        %sign3A_2167 = arith.cmpi slt, %jit3A_2154, %sign3A_2166 : i32
        %sign3A_2168 = arith.extui %sign3A_2167 : i1 to i32
        %sign3A_2169 = arith.subi %sign3A_2165, %sign3A_2168 : i32
        %ne3A_2170 = arith.cmpi ne, %sign3A_2162, %sign3A_2169 : i32
        %rem3A_2171 = arith.remsi %add3A_2094, %jit3A_2154 : i32
        %ne3A_2172 = arith.constant 0 : i32
        %ne3A_2173 = arith.cmpi ne, %rem3A_2171, %ne3A_2172 : i32
        %and3A_2174 = arith.andi %ne3A_2170, %ne3A_2173 : i1
        %sub3A_2175 = arith.constant 1 : i32
        %sub3A_2176 = arith.subi %div3A_2155, %sub3A_2175 : i32
        %select_n3A_2177 = arith.select %and3A_2174, %sub3A_2176, %div3A_2155 : i32
        %mul3A_2178 = arith.constant 16 : i32
        %mul3A_2179 = arith.muli %select_n3A_2177, %mul3A_2178 : i32
        %sub3A_2180 = arith.subi %add3A_2094, %mul3A_2179 : i32
        %get3A_2181 = arith.index_cast %mul3A_2179 : i32 to index
        %get3A_2182 = tpu.vector_load %arg9[%get3A_2181] {strides = array<i32>} : memref<512xi32, #tpu.memory_space<vmem>>, vector<16xi32>,
        %eq3A_2183 = vector.broadcast %sub3A_2180 : i32 to vector<16xi32>
        %eq3A_2184 = arith.cmpi eq, %iota3A, %eq3A_2183 : vector<16xi32>
        %shift_right_logical3A_2185 = arith.constant 7 : i32
        %shift_right_logical3A_2186 = vector.broadcast %shift_right_logical3A_2185 : i32 to vector<16xi32>
        %shift_right_logical3A_2187 = arith.shrui %get3A_2182, %shift_right_logical3A_2186 : vector<16xi32>
        %select_n3A_2188 = arith.select %eq3A_2184, %shift_right_logical3A_2187, %broadcast_in_dim3A_15 : vector<16xi1>, vector<16xi32>
        %reduce_max3A_2189 = arith.constant true
        %reduce_max3A_2190 = vector.broadcast %reduce_max3A_2189 : i1 to vector<16xi1>
        %reduce_max3A_2191 = arith.constant -2147483648 : i32
        %reduce_max3A_2192 = vector.broadcast %reduce_max3A_2191 : i32 to vector<16xi32>
        %reduce_max3A_2193 = arith.xori %select_n3A_2188, %reduce_max3A_2192 : vector<16xi32>
        %reduce_max3A_2194 = tpu.scan <max>, %reduce_max3A_2193 masked %reduce_max3A_2190 : vector<16xi32>, vector<16xi1> -> vector<16xi32>
        %reduce_max3A_2195 = arith.xori %reduce_max3A_2194, %reduce_max3A_2192 : vector<16xi32>
        %reduce_max3A_2196 = vector.extract %reduce_max3A_2195[15] : i32 from vector<16xi32>
        %mul3A_2197 = arith.constant 128 : i32
        %mul3A_2198 = arith.muli %reduce_max3A_2196, %mul3A_2197 : i32
        %multiple_of3A_2199 = tpu.assume_multiple %mul3A_2198, 128 : i32
        %dma_start3A_2200 = arith.constant 2 : i32
        %dma_start3A_2201 = arith.constant 0 : i32
        %dma_start3A_2202 = arith.constant 0 : i32
        %dma_start3A_2203 = tpu.memref_slice %arg11[%dma_start3A_2200, %dma_start3A_2201, %dma_start3A_2202] : memref<8x32x128xf32, #tpu.memory_space<vmem>> -> memref<1x32x128xf32, #tpu.memory_space<vmem>>
        %dma_start3A_2204 = tpu.memref_squeeze %dma_start3A_2203 : memref<1x32x128xf32, #tpu.memory_space<vmem>> -> memref<32x128xf32, #tpu.memory_space<vmem>>
        %dma_start3A_2205 = arith.constant 0 : i32
        %dma_start3A_2206 = tpu.memref_slice %arg5[%dma_start3A_2205, %multiple_of3A_2199] : memref<32x1000000xf32, #tpu.memory_space<hbm>> -> memref<32x128xf32, #tpu.memory_space<hbm>>
        %dma_start3A_2207 = arith.constant 0 : i32
        %dma_start3A_2208 = arith.constant 0 : i32
        %dma_start3A_2209 = tpu.memref_slice %arg11[%dma_start3A_2200, %dma_start3A_2207, %dma_start3A_2208] : memref<8x32x128xf32, #tpu.memory_space<vmem>> -> memref<1x32x128xf32, #tpu.memory_space<vmem>>
        %dma_start3A_2210 = tpu.memref_squeeze %dma_start3A_2209 : memref<1x32x128xf32, #tpu.memory_space<vmem>> -> memref<32x128xf32, #tpu.memory_space<vmem>>
        %dma_start3A_2211 = arith.constant 0 : i32
        %dma_start3A_2212 = tpu.memref_slice %arg5[%dma_start3A_2211, %multiple_of3A_2199] : memref<32x1000000xf32, #tpu.memory_space<hbm>> -> memref<32x128xf32, #tpu.memory_space<hbm>>
        tpu.enqueue_dma source(%dma_start3A_2212 : memref<32x128xf32, #tpu.memory_space<hbm>>) target(%dma_start3A_2210 : memref<32x128xf32, #tpu.memory_space<vmem>>) target_semaphore(%arg24 : memref<!tpu.dma_semaphore, #tpu.memory_space<semaphore_mem>>)
      } else {
      }
      %mul3A_1116 = arith.constant 8 : i32
      %mul3A_1117 = arith.muli %scan3A_545, %mul3A_1116 : i32
      %add3A_1118 = arith.constant 3 : i32
      %add3A_1119 = arith.addi %mul3A_1117, %add3A_1118 : i32
      %dma_wait3A_1120 = arith.constant 3 : i32
      %dma_wait3A_1121 = arith.constant 0 : i32
      %dma_wait3A_1122 = arith.constant 0 : i32
      %dma_wait3A_1123 = tpu.memref_slice %arg10[%dma_wait3A_1120, %dma_wait3A_1121, %dma_wait3A_1122] : memref<8x32x128xf32, #tpu.memory_space<vmem>> -> memref<1x32x128xf32, #tpu.memory_space<vmem>>
      %dma_wait3A_1124 = tpu.memref_squeeze %dma_wait3A_1123 : memref<1x32x128xf32, #tpu.memory_space<vmem>> -> memref<32x128xf32, #tpu.memory_space<vmem>>
      %dma_wait3A_1125 = arith.constant 0 : i32
      %dma_wait3A_1126 = arith.constant 0 : i32
      %dma_wait3A_1127 = tpu.memref_slice %arg4[%dma_wait3A_1125, %dma_wait3A_1126] : memref<32x1000000xf32, #tpu.memory_space<hbm>> -> memref<32x128xf32, #tpu.memory_space<hbm>>
      %dma_wait3A_1128 = arith.constant 0 : i32
      %dma_wait3A_1129 = arith.constant 0 : i32
      %dma_wait3A_1130 = tpu.memref_slice %arg10[%dma_wait3A_1120, %dma_wait3A_1128, %dma_wait3A_1129] : memref<8x32x128xf32, #tpu.memory_space<vmem>> -> memref<1x32x128xf32, #tpu.memory_space<vmem>>
      %dma_wait3A_1131 = tpu.memref_squeeze %dma_wait3A_1130 : memref<1x32x128xf32, #tpu.memory_space<vmem>> -> memref<32x128xf32, #tpu.memory_space<vmem>>
      %dma_wait3A_1132 = arith.constant 0 : i32
      %dma_wait3A_1133 = arith.constant 0 : i32
      %dma_wait3A_1134 = tpu.memref_slice %arg4[%dma_wait3A_1132, %dma_wait3A_1133] : memref<32x1000000xf32, #tpu.memory_space<hbm>> -> memref<32x128xf32, #tpu.memory_space<hbm>>
      tpu.wait_dma2 semaphore(%arg17 : memref<!tpu.dma_semaphore, #tpu.memory_space<semaphore_mem>>) src(%dma_wait3A_1134 : memref<32x128xf32, #tpu.memory_space<hbm>>) dst(%dma_wait3A_1131 : memref<32x128xf32, #tpu.memory_space<vmem>>)
      %dma_wait3A_1135 = arith.constant 3 : i32
      %dma_wait3A_1136 = arith.constant 0 : i32
      %dma_wait3A_1137 = arith.constant 0 : i32
      %dma_wait3A_1138 = tpu.memref_slice %arg11[%dma_wait3A_1135, %dma_wait3A_1136, %dma_wait3A_1137] : memref<8x32x128xf32, #tpu.memory_space<vmem>> -> memref<1x32x128xf32, #tpu.memory_space<vmem>>
      %dma_wait3A_1139 = tpu.memref_squeeze %dma_wait3A_1138 : memref<1x32x128xf32, #tpu.memory_space<vmem>> -> memref<32x128xf32, #tpu.memory_space<vmem>>
      %dma_wait3A_1140 = arith.constant 0 : i32
      %dma_wait3A_1141 = arith.constant 0 : i32
      %dma_wait3A_1142 = tpu.memref_slice %arg5[%dma_wait3A_1140, %dma_wait3A_1141] : memref<32x1000000xf32, #tpu.memory_space<hbm>> -> memref<32x128xf32, #tpu.memory_space<hbm>>
      %dma_wait3A_1143 = arith.constant 0 : i32
      %dma_wait3A_1144 = arith.constant 0 : i32
      %dma_wait3A_1145 = tpu.memref_slice %arg11[%dma_wait3A_1135, %dma_wait3A_1143, %dma_wait3A_1144] : memref<8x32x128xf32, #tpu.memory_space<vmem>> -> memref<1x32x128xf32, #tpu.memory_space<vmem>>
      %dma_wait3A_1146 = tpu.memref_squeeze %dma_wait3A_1145 : memref<1x32x128xf32, #tpu.memory_space<vmem>> -> memref<32x128xf32, #tpu.memory_space<vmem>>
      %dma_wait3A_1147 = arith.constant 0 : i32
      %dma_wait3A_1148 = arith.constant 0 : i32
      %dma_wait3A_1149 = tpu.memref_slice %arg5[%dma_wait3A_1147, %dma_wait3A_1148] : memref<32x1000000xf32, #tpu.memory_space<hbm>> -> memref<32x128xf32, #tpu.memory_space<hbm>>
      tpu.wait_dma2 semaphore(%arg25 : memref<!tpu.dma_semaphore, #tpu.memory_space<semaphore_mem>>) src(%dma_wait3A_1149 : memref<32x128xf32, #tpu.memory_space<hbm>>) dst(%dma_wait3A_1146 : memref<32x128xf32, #tpu.memory_space<vmem>>)
      %jit3A_1150 = arith.constant 16 : i32
      %div3A_1151 = arith.divsi %add3A_1119, %jit3A_1150 : i32
      %sign3A_1152 = arith.constant 0 : i32
      %sign3A_1153 = arith.cmpi sgt, %add3A_1119, %sign3A_1152 : i32
      %sign3A_1154 = arith.extui %sign3A_1153 : i1 to i32
      %sign3A_1155 = arith.constant 0 : i32
      %sign3A_1156 = arith.cmpi slt, %add3A_1119, %sign3A_1155 : i32
      %sign3A_1157 = arith.extui %sign3A_1156 : i1 to i32
      %sign3A_1158 = arith.subi %sign3A_1154, %sign3A_1157 : i32
      %sign3A_1159 = arith.constant 0 : i32
      %sign3A_1160 = arith.cmpi sgt, %jit3A_1150, %sign3A_1159 : i32
      %sign3A_1161 = arith.extui %sign3A_1160 : i1 to i32
      %sign3A_1162 = arith.constant 0 : i32
      %sign3A_1163 = arith.cmpi slt, %jit3A_1150, %sign3A_1162 : i32
      %sign3A_1164 = arith.extui %sign3A_1163 : i1 to i32
      %sign3A_1165 = arith.subi %sign3A_1161, %sign3A_1164 : i32
      %ne3A_1166 = arith.cmpi ne, %sign3A_1158, %sign3A_1165 : i32
      %rem3A_1167 = arith.remsi %add3A_1119, %jit3A_1150 : i32
      %ne3A_1168 = arith.constant 0 : i32
      %ne3A_1169 = arith.cmpi ne, %rem3A_1167, %ne3A_1168 : i32
      %and3A_1170 = arith.andi %ne3A_1166, %ne3A_1169 : i1
      %sub3A_1171 = arith.constant 1 : i32
      %sub3A_1172 = arith.subi %div3A_1151, %sub3A_1171 : i32
      %select_n3A_1173 = arith.select %and3A_1170, %sub3A_1172, %div3A_1151 : i32
      %mul3A_1174 = arith.constant 16 : i32
      %mul3A_1175 = arith.muli %select_n3A_1173, %mul3A_1174 : i32
      %sub3A_1176 = arith.subi %add3A_1119, %mul3A_1175 : i32
      %get3A_1177 = arith.index_cast %mul3A_1175 : i32 to index
      %get3A_1178 = tpu.vector_load %arg8[%get3A_1177] {strides = array<i32>} : memref<512xi32, #tpu.memory_space<vmem>>, vector<16xi32>,
      %and3A_1179 = arith.constant 127 : i32
      %and3A_1180 = vector.broadcast %and3A_1179 : i32 to vector<16xi32>
      %and3A_1181 = arith.andi %get3A_1178, %and3A_1180 : vector<16xi32>
      %broadcast_in_dim3A_1182 = vector.broadcast %sub3A_1176 : i32 to vector<16xi32>
      %lt3A_1183 = arith.constant 0 : i32
      %lt3A_1184 = vector.broadcast %lt3A_1183 : i32 to vector<16xi32>
      %lt3A_1185 = arith.cmpi slt, %broadcast_in_dim3A_1182, %lt3A_1184 : vector<16xi32>
      %add3A_1186 = arith.constant 16 : i32
      %add3A_1187 = vector.broadcast %add3A_1186 : i32 to vector<16xi32>
      %add3A_1188 = arith.addi %broadcast_in_dim3A_1182, %add3A_1187 : vector<16xi32>
      %select_n3A_1189 = arith.select %lt3A_1185, %add3A_1188, %broadcast_in_dim3A_1182 : vector<16xi1>, vector<16xi32>
      %broadcast_in_dim3A_1190 = vector.shape_cast %select_n3A_1189 : vector<16xi32> to vector<16x1xi32>
      %gather3A_1191 = vector.shape_cast %broadcast_in_dim3A_1190 : vector<16x1xi32> to vector<16xi32>
      %gather3A_1192 = tpu.dynamic_gather %and3A_1181[%gather3A_1191] in [0] : vector<16xi32>, vector<16xi32> -> vector<16xi32>
      %jit3A_1193 = arith.constant 16 : i32
      %div3A_1194 = arith.divsi %add3A_1119, %jit3A_1193 : i32
      %sign3A_1195 = arith.constant 0 : i32
      %sign3A_1196 = arith.cmpi sgt, %add3A_1119, %sign3A_1195 : i32
      %sign3A_1197 = arith.extui %sign3A_1196 : i1 to i32
      %sign3A_1198 = arith.constant 0 : i32
      %sign3A_1199 = arith.cmpi slt, %add3A_1119, %sign3A_1198 : i32
      %sign3A_1200 = arith.extui %sign3A_1199 : i1 to i32
      %sign3A_1201 = arith.subi %sign3A_1197, %sign3A_1200 : i32
      %sign3A_1202 = arith.constant 0 : i32
      %sign3A_1203 = arith.cmpi sgt, %jit3A_1193, %sign3A_1202 : i32
      %sign3A_1204 = arith.extui %sign3A_1203 : i1 to i32
      %sign3A_1205 = arith.constant 0 : i32
      %sign3A_1206 = arith.cmpi slt, %jit3A_1193, %sign3A_1205 : i32
      %sign3A_1207 = arith.extui %sign3A_1206 : i1 to i32
      %sign3A_1208 = arith.subi %sign3A_1204, %sign3A_1207 : i32
      %ne3A_1209 = arith.cmpi ne, %sign3A_1201, %sign3A_1208 : i32
      %rem3A_1210 = arith.remsi %add3A_1119, %jit3A_1193 : i32
      %ne3A_1211 = arith.constant 0 : i32
      %ne3A_1212 = arith.cmpi ne, %rem3A_1210, %ne3A_1211 : i32
      %and3A_1213 = arith.andi %ne3A_1209, %ne3A_1212 : i1
      %sub3A_1214 = arith.constant 1 : i32
      %sub3A_1215 = arith.subi %div3A_1194, %sub3A_1214 : i32
      %select_n3A_1216 = arith.select %and3A_1213, %sub3A_1215, %div3A_1194 : i32
      %mul3A_1217 = arith.constant 16 : i32
      %mul3A_1218 = arith.muli %select_n3A_1216, %mul3A_1217 : i32
      %sub3A_1219 = arith.subi %add3A_1119, %mul3A_1218 : i32
      %get3A_1220 = arith.index_cast %mul3A_1218 : i32 to index
      %get3A_1221 = tpu.vector_load %arg9[%get3A_1220] {strides = array<i32>} : memref<512xi32, #tpu.memory_space<vmem>>, vector<16xi32>,
      %and3A_1222 = arith.constant 127 : i32
      %and3A_1223 = vector.broadcast %and3A_1222 : i32 to vector<16xi32>
      %and3A_1224 = arith.andi %get3A_1221, %and3A_1223 : vector<16xi32>
      %broadcast_in_dim3A_1225 = vector.broadcast %sub3A_1219 : i32 to vector<16xi32>
      %lt3A_1226 = arith.constant 0 : i32
      %lt3A_1227 = vector.broadcast %lt3A_1226 : i32 to vector<16xi32>
      %lt3A_1228 = arith.cmpi slt, %broadcast_in_dim3A_1225, %lt3A_1227 : vector<16xi32>
      %add3A_1229 = arith.constant 16 : i32
      %add3A_1230 = vector.broadcast %add3A_1229 : i32 to vector<16xi32>
      %add3A_1231 = arith.addi %broadcast_in_dim3A_1225, %add3A_1230 : vector<16xi32>
      %select_n3A_1232 = arith.select %lt3A_1228, %add3A_1231, %broadcast_in_dim3A_1225 : vector<16xi1>, vector<16xi32>
      %broadcast_in_dim3A_1233 = vector.shape_cast %select_n3A_1232 : vector<16xi32> to vector<16x1xi32>
      %gather3A_1234 = vector.shape_cast %broadcast_in_dim3A_1233 : vector<16x1xi32> to vector<16xi32>
      %gather3A_1235 = tpu.dynamic_gather %and3A_1224[%gather3A_1234] in [0] : vector<16xi32>, vector<16xi32> -> vector<16xi32>
      %gather3A_1236 = arith.constant 3 : i32
      %gather3A_1237 = arith.constant 0 : i32
      %gather3A_1238 = arith.constant 0 : i32
      %gather3A_1239 = tpu.memref_slice %arg10[%gather3A_1236, %gather3A_1237, %gather3A_1238] : memref<8x32x128xf32, #tpu.memory_space<vmem>> -> memref<1x32x128xf32, #tpu.memory_space<vmem>>
      %gather3A_1240 = tpu.memref_squeeze %gather3A_1239 : memref<1x32x128xf32, #tpu.memory_space<vmem>> -> memref<32x128xf32, #tpu.memory_space<vmem>>
      %gather3A_1241 = tpu.vector_load_idx %gather3A_1240[%iota3A, %gather3A_1192] : memref<32x128xf32, #tpu.memory_space<vmem>>[vector<16xi32>, vector<16xi32>], vector<16xf32>,
      %mul3A_1242 = arith.mulf %gather3A_1241, %get3A_3 : vector<16xf32>
      %gather3A_1243 = arith.constant 3 : i32
      %gather3A_1244 = arith.constant 0 : i32
      %gather3A_1245 = arith.constant 0 : i32
      %gather3A_1246 = tpu.memref_slice %arg10[%gather3A_1243, %gather3A_1244, %gather3A_1245] : memref<8x32x128xf32, #tpu.memory_space<vmem>> -> memref<1x32x128xf32, #tpu.memory_space<vmem>>
      %gather3A_1247 = tpu.memref_squeeze %gather3A_1246 : memref<1x32x128xf32, #tpu.memory_space<vmem>> -> memref<32x128xf32, #tpu.memory_space<vmem>>
      %gather3A_1248 = tpu.vector_load_idx %gather3A_1247[%add3A_14, %gather3A_1192] : memref<32x128xf32, #tpu.memory_space<vmem>>[vector<16xi32>, vector<16xi32>], vector<16xf32>,
      %mul3A_1249 = arith.mulf %gather3A_1248, %get3A_5 : vector<16xf32>
      %add3A_1250 = arith.addf %mul3A_1242, %mul3A_1249 : vector<16xf32>
      %gather3A_1251 = arith.constant 3 : i32
      %gather3A_1252 = arith.constant 0 : i32
      %gather3A_1253 = arith.constant 0 : i32
      %gather3A_1254 = tpu.memref_slice %arg11[%gather3A_1251, %gather3A_1252, %gather3A_1253] : memref<8x32x128xf32, #tpu.memory_space<vmem>> -> memref<1x32x128xf32, #tpu.memory_space<vmem>>
      %gather3A_1255 = tpu.memref_squeeze %gather3A_1254 : memref<1x32x128xf32, #tpu.memory_space<vmem>> -> memref<32x128xf32, #tpu.memory_space<vmem>>
      %gather3A_1256 = tpu.vector_load_idx %gather3A_1255[%iota3A, %gather3A_1235] : memref<32x128xf32, #tpu.memory_space<vmem>>[vector<16xi32>, vector<16xi32>], vector<16xf32>,
      %mul3A_1257 = arith.mulf %gather3A_1256, %get3A_7 : vector<16xf32>
      %add3A_1258 = arith.addf %add3A_1250, %mul3A_1257 : vector<16xf32>
      %gather3A_1259 = arith.constant 3 : i32
      %gather3A_1260 = arith.constant 0 : i32
      %gather3A_1261 = arith.constant 0 : i32
      %gather3A_1262 = tpu.memref_slice %arg11[%gather3A_1259, %gather3A_1260, %gather3A_1261] : memref<8x32x128xf32, #tpu.memory_space<vmem>> -> memref<1x32x128xf32, #tpu.memory_space<vmem>>
      %gather3A_1263 = tpu.memref_squeeze %gather3A_1262 : memref<1x32x128xf32, #tpu.memory_space<vmem>> -> memref<32x128xf32, #tpu.memory_space<vmem>>
      %gather3A_1264 = tpu.vector_load_idx %gather3A_1263[%add3A_14, %gather3A_1235] : memref<32x128xf32, #tpu.memory_space<vmem>>[vector<16xi32>, vector<16xi32>], vector<16xf32>,
      %mul3A_1265 = arith.mulf %gather3A_1264, %get3A_9 : vector<16xf32>
      %add3A_1266 = arith.addf %add3A_1258, %mul3A_1265 : vector<16xf32>
      %add3A_1267 = arith.addf %add3A_1266, %get3A_11 : vector<16xf32>
      %reduce_sum3A_1268 = arith.constant true
      %reduce_sum3A_1269 = vector.broadcast %reduce_sum3A_1268 : i1 to vector<16xi1>
      %reduce_sum3A_1270 = tpu.scan <sum>, %add3A_1267 masked %reduce_sum3A_1269 : vector<16xf32>, vector<16xi1> -> vector<16xf32>
      %reduce_sum3A_1271 = vector.extract %reduce_sum3A_1270[15] : f32 from vector<16xf32>
      %jit3A_1272 = arith.constant 16 : i32
      %div3A_1273 = arith.divsi %add3A_1119, %jit3A_1272 : i32
      %sign3A_1274 = arith.constant 0 : i32
      %sign3A_1275 = arith.cmpi sgt, %add3A_1119, %sign3A_1274 : i32
      %sign3A_1276 = arith.extui %sign3A_1275 : i1 to i32
      %sign3A_1277 = arith.constant 0 : i32
      %sign3A_1278 = arith.cmpi slt, %add3A_1119, %sign3A_1277 : i32
      %sign3A_1279 = arith.extui %sign3A_1278 : i1 to i32
      %sign3A_1280 = arith.subi %sign3A_1276, %sign3A_1279 : i32
      %sign3A_1281 = arith.constant 0 : i32
      %sign3A_1282 = arith.cmpi sgt, %jit3A_1272, %sign3A_1281 : i32
      %sign3A_1283 = arith.extui %sign3A_1282 : i1 to i32
      %sign3A_1284 = arith.constant 0 : i32
      %sign3A_1285 = arith.cmpi slt, %jit3A_1272, %sign3A_1284 : i32
      %sign3A_1286 = arith.extui %sign3A_1285 : i1 to i32
      %sign3A_1287 = arith.subi %sign3A_1283, %sign3A_1286 : i32
      %ne3A_1288 = arith.cmpi ne, %sign3A_1280, %sign3A_1287 : i32
      %rem3A_1289 = arith.remsi %add3A_1119, %jit3A_1272 : i32
      %ne3A_1290 = arith.constant 0 : i32
      %ne3A_1291 = arith.cmpi ne, %rem3A_1289, %ne3A_1290 : i32
      %and3A_1292 = arith.andi %ne3A_1288, %ne3A_1291 : i1
      %sub3A_1293 = arith.constant 1 : i32
      %sub3A_1294 = arith.subi %div3A_1273, %sub3A_1293 : i32
      %select_n3A_1295 = arith.select %and3A_1292, %sub3A_1294, %div3A_1273 : i32
      %mul3A_1296 = arith.constant 16 : i32
      %mul3A_1297 = arith.muli %select_n3A_1295, %mul3A_1296 : i32
      %sub3A_1298 = arith.subi %add3A_1119, %mul3A_1297 : i32
      %eq3A_1299 = vector.broadcast %sub3A_1298 : i32 to vector<16xi32>
      %eq3A_1300 = arith.cmpi eq, %iota3A, %eq3A_1299 : vector<16xi32>
      %broadcast_in_dim3A_1301 = vector.broadcast %reduce_sum3A_1271 : f32 to vector<16xf32>
      %select_n3A_1302 = arith.select %eq3A_1300, %broadcast_in_dim3A_1301, %select_n3A_1108 : vector<16xi1>, vector<16xf32>
      %add3A_1303 = arith.constant 8 : i32
      %add3A_1304 = arith.addi %add3A_1119, %add3A_1303 : i32
      %lt3A_1305 = arith.constant 512 : i32
      %lt3A_1306 = arith.cmpi slt, %add3A_1304, %lt3A_1305 : i32
      %convert_element_type3A_1307 = arith.extui %lt3A_1306 : i1 to i32
      %cond3A_1308 = arith.constant 0 : i32
      %cond3A_1309 = arith.cmpi ne, %convert_element_type3A_1307, %cond3A_1308 : i32
      scf.if %cond3A_1309 {
        %add3A_2093 = arith.constant 8 : i32
        %add3A_2094 = arith.addi %add3A_1119, %add3A_2093 : i32
        %jit3A_2095 = arith.constant 16 : i32
        %div3A_2096 = arith.divsi %add3A_2094, %jit3A_2095 : i32
        %sign3A_2097 = arith.constant 0 : i32
        %sign3A_2098 = arith.cmpi sgt, %add3A_2094, %sign3A_2097 : i32
        %sign3A_2099 = arith.extui %sign3A_2098 : i1 to i32
        %sign3A_2100 = arith.constant 0 : i32
        %sign3A_2101 = arith.cmpi slt, %add3A_2094, %sign3A_2100 : i32
        %sign3A_2102 = arith.extui %sign3A_2101 : i1 to i32
        %sign3A_2103 = arith.subi %sign3A_2099, %sign3A_2102 : i32
        %sign3A_2104 = arith.constant 0 : i32
        %sign3A_2105 = arith.cmpi sgt, %jit3A_2095, %sign3A_2104 : i32
        %sign3A_2106 = arith.extui %sign3A_2105 : i1 to i32
        %sign3A_2107 = arith.constant 0 : i32
        %sign3A_2108 = arith.cmpi slt, %jit3A_2095, %sign3A_2107 : i32
        %sign3A_2109 = arith.extui %sign3A_2108 : i1 to i32
        %sign3A_2110 = arith.subi %sign3A_2106, %sign3A_2109 : i32
        %ne3A_2111 = arith.cmpi ne, %sign3A_2103, %sign3A_2110 : i32
        %rem3A_2112 = arith.remsi %add3A_2094, %jit3A_2095 : i32
        %ne3A_2113 = arith.constant 0 : i32
        %ne3A_2114 = arith.cmpi ne, %rem3A_2112, %ne3A_2113 : i32
        %and3A_2115 = arith.andi %ne3A_2111, %ne3A_2114 : i1
        %sub3A_2116 = arith.constant 1 : i32
        %sub3A_2117 = arith.subi %div3A_2096, %sub3A_2116 : i32
        %select_n3A_2118 = arith.select %and3A_2115, %sub3A_2117, %div3A_2096 : i32
        %mul3A_2119 = arith.constant 16 : i32
        %mul3A_2120 = arith.muli %select_n3A_2118, %mul3A_2119 : i32
        %sub3A_2121 = arith.subi %add3A_2094, %mul3A_2120 : i32
        %get3A_2122 = arith.index_cast %mul3A_2120 : i32 to index
        %get3A_2123 = tpu.vector_load %arg8[%get3A_2122] {strides = array<i32>} : memref<512xi32, #tpu.memory_space<vmem>>, vector<16xi32>,
        %eq3A_2124 = vector.broadcast %sub3A_2121 : i32 to vector<16xi32>
        %eq3A_2125 = arith.cmpi eq, %iota3A, %eq3A_2124 : vector<16xi32>
        %shift_right_logical3A_2126 = arith.constant 7 : i32
        %shift_right_logical3A_2127 = vector.broadcast %shift_right_logical3A_2126 : i32 to vector<16xi32>
        %shift_right_logical3A_2128 = arith.shrui %get3A_2123, %shift_right_logical3A_2127 : vector<16xi32>
        %select_n3A_2129 = arith.select %eq3A_2125, %shift_right_logical3A_2128, %broadcast_in_dim3A_15 : vector<16xi1>, vector<16xi32>
        %reduce_max3A_2130 = arith.constant true
        %reduce_max3A_2131 = vector.broadcast %reduce_max3A_2130 : i1 to vector<16xi1>
        %reduce_max3A_2132 = arith.constant -2147483648 : i32
        %reduce_max3A_2133 = vector.broadcast %reduce_max3A_2132 : i32 to vector<16xi32>
        %reduce_max3A_2134 = arith.xori %select_n3A_2129, %reduce_max3A_2133 : vector<16xi32>
        %reduce_max3A_2135 = tpu.scan <max>, %reduce_max3A_2134 masked %reduce_max3A_2131 : vector<16xi32>, vector<16xi1> -> vector<16xi32>
        %reduce_max3A_2136 = arith.xori %reduce_max3A_2135, %reduce_max3A_2133 : vector<16xi32>
        %reduce_max3A_2137 = vector.extract %reduce_max3A_2136[15] : i32 from vector<16xi32>
        %mul3A_2138 = arith.constant 128 : i32
        %mul3A_2139 = arith.muli %reduce_max3A_2137, %mul3A_2138 : i32
        %multiple_of3A_2140 = tpu.assume_multiple %mul3A_2139, 128 : i32
        %dma_start3A_2141 = arith.constant 3 : i32
        %dma_start3A_2142 = arith.constant 0 : i32
        %dma_start3A_2143 = arith.constant 0 : i32
        %dma_start3A_2144 = tpu.memref_slice %arg10[%dma_start3A_2141, %dma_start3A_2142, %dma_start3A_2143] : memref<8x32x128xf32, #tpu.memory_space<vmem>> -> memref<1x32x128xf32, #tpu.memory_space<vmem>>
        %dma_start3A_2145 = tpu.memref_squeeze %dma_start3A_2144 : memref<1x32x128xf32, #tpu.memory_space<vmem>> -> memref<32x128xf32, #tpu.memory_space<vmem>>
        %dma_start3A_2146 = arith.constant 0 : i32
        %dma_start3A_2147 = tpu.memref_slice %arg4[%dma_start3A_2146, %multiple_of3A_2140] : memref<32x1000000xf32, #tpu.memory_space<hbm>> -> memref<32x128xf32, #tpu.memory_space<hbm>>
        %dma_start3A_2148 = arith.constant 0 : i32
        %dma_start3A_2149 = arith.constant 0 : i32
        %dma_start3A_2150 = tpu.memref_slice %arg10[%dma_start3A_2141, %dma_start3A_2148, %dma_start3A_2149] : memref<8x32x128xf32, #tpu.memory_space<vmem>> -> memref<1x32x128xf32, #tpu.memory_space<vmem>>
        %dma_start3A_2151 = tpu.memref_squeeze %dma_start3A_2150 : memref<1x32x128xf32, #tpu.memory_space<vmem>> -> memref<32x128xf32, #tpu.memory_space<vmem>>
        %dma_start3A_2152 = arith.constant 0 : i32
        %dma_start3A_2153 = tpu.memref_slice %arg4[%dma_start3A_2152, %multiple_of3A_2140] : memref<32x1000000xf32, #tpu.memory_space<hbm>> -> memref<32x128xf32, #tpu.memory_space<hbm>>
        tpu.enqueue_dma source(%dma_start3A_2153 : memref<32x128xf32, #tpu.memory_space<hbm>>) target(%dma_start3A_2151 : memref<32x128xf32, #tpu.memory_space<vmem>>) target_semaphore(%arg17 : memref<!tpu.dma_semaphore, #tpu.memory_space<semaphore_mem>>)
        %jit3A_2154 = arith.constant 16 : i32
        %div3A_2155 = arith.divsi %add3A_2094, %jit3A_2154 : i32
        %sign3A_2156 = arith.constant 0 : i32
        %sign3A_2157 = arith.cmpi sgt, %add3A_2094, %sign3A_2156 : i32
        %sign3A_2158 = arith.extui %sign3A_2157 : i1 to i32
        %sign3A_2159 = arith.constant 0 : i32
        %sign3A_2160 = arith.cmpi slt, %add3A_2094, %sign3A_2159 : i32
        %sign3A_2161 = arith.extui %sign3A_2160 : i1 to i32
        %sign3A_2162 = arith.subi %sign3A_2158, %sign3A_2161 : i32
        %sign3A_2163 = arith.constant 0 : i32
        %sign3A_2164 = arith.cmpi sgt, %jit3A_2154, %sign3A_2163 : i32
        %sign3A_2165 = arith.extui %sign3A_2164 : i1 to i32
        %sign3A_2166 = arith.constant 0 : i32
        %sign3A_2167 = arith.cmpi slt, %jit3A_2154, %sign3A_2166 : i32
        %sign3A_2168 = arith.extui %sign3A_2167 : i1 to i32
        %sign3A_2169 = arith.subi %sign3A_2165, %sign3A_2168 : i32
        %ne3A_2170 = arith.cmpi ne, %sign3A_2162, %sign3A_2169 : i32
        %rem3A_2171 = arith.remsi %add3A_2094, %jit3A_2154 : i32
        %ne3A_2172 = arith.constant 0 : i32
        %ne3A_2173 = arith.cmpi ne, %rem3A_2171, %ne3A_2172 : i32
        %and3A_2174 = arith.andi %ne3A_2170, %ne3A_2173 : i1
        %sub3A_2175 = arith.constant 1 : i32
        %sub3A_2176 = arith.subi %div3A_2155, %sub3A_2175 : i32
        %select_n3A_2177 = arith.select %and3A_2174, %sub3A_2176, %div3A_2155 : i32
        %mul3A_2178 = arith.constant 16 : i32
        %mul3A_2179 = arith.muli %select_n3A_2177, %mul3A_2178 : i32
        %sub3A_2180 = arith.subi %add3A_2094, %mul3A_2179 : i32
        %get3A_2181 = arith.index_cast %mul3A_2179 : i32 to index
        %get3A_2182 = tpu.vector_load %arg9[%get3A_2181] {strides = array<i32>} : memref<512xi32, #tpu.memory_space<vmem>>, vector<16xi32>,
        %eq3A_2183 = vector.broadcast %sub3A_2180 : i32 to vector<16xi32>
        %eq3A_2184 = arith.cmpi eq, %iota3A, %eq3A_2183 : vector<16xi32>
        %shift_right_logical3A_2185 = arith.constant 7 : i32
        %shift_right_logical3A_2186 = vector.broadcast %shift_right_logical3A_2185 : i32 to vector<16xi32>
        %shift_right_logical3A_2187 = arith.shrui %get3A_2182, %shift_right_logical3A_2186 : vector<16xi32>
        %select_n3A_2188 = arith.select %eq3A_2184, %shift_right_logical3A_2187, %broadcast_in_dim3A_15 : vector<16xi1>, vector<16xi32>
        %reduce_max3A_2189 = arith.constant true
        %reduce_max3A_2190 = vector.broadcast %reduce_max3A_2189 : i1 to vector<16xi1>
        %reduce_max3A_2191 = arith.constant -2147483648 : i32
        %reduce_max3A_2192 = vector.broadcast %reduce_max3A_2191 : i32 to vector<16xi32>
        %reduce_max3A_2193 = arith.xori %select_n3A_2188, %reduce_max3A_2192 : vector<16xi32>
        %reduce_max3A_2194 = tpu.scan <max>, %reduce_max3A_2193 masked %reduce_max3A_2190 : vector<16xi32>, vector<16xi1> -> vector<16xi32>
        %reduce_max3A_2195 = arith.xori %reduce_max3A_2194, %reduce_max3A_2192 : vector<16xi32>
        %reduce_max3A_2196 = vector.extract %reduce_max3A_2195[15] : i32 from vector<16xi32>
        %mul3A_2197 = arith.constant 128 : i32
        %mul3A_2198 = arith.muli %reduce_max3A_2196, %mul3A_2197 : i32
        %multiple_of3A_2199 = tpu.assume_multiple %mul3A_2198, 128 : i32
        %dma_start3A_2200 = arith.constant 3 : i32
        %dma_start3A_2201 = arith.constant 0 : i32
        %dma_start3A_2202 = arith.constant 0 : i32
        %dma_start3A_2203 = tpu.memref_slice %arg11[%dma_start3A_2200, %dma_start3A_2201, %dma_start3A_2202] : memref<8x32x128xf32, #tpu.memory_space<vmem>> -> memref<1x32x128xf32, #tpu.memory_space<vmem>>
        %dma_start3A_2204 = tpu.memref_squeeze %dma_start3A_2203 : memref<1x32x128xf32, #tpu.memory_space<vmem>> -> memref<32x128xf32, #tpu.memory_space<vmem>>
        %dma_start3A_2205 = arith.constant 0 : i32
        %dma_start3A_2206 = tpu.memref_slice %arg5[%dma_start3A_2205, %multiple_of3A_2199] : memref<32x1000000xf32, #tpu.memory_space<hbm>> -> memref<32x128xf32, #tpu.memory_space<hbm>>
        %dma_start3A_2207 = arith.constant 0 : i32
        %dma_start3A_2208 = arith.constant 0 : i32
        %dma_start3A_2209 = tpu.memref_slice %arg11[%dma_start3A_2200, %dma_start3A_2207, %dma_start3A_2208] : memref<8x32x128xf32, #tpu.memory_space<vmem>> -> memref<1x32x128xf32, #tpu.memory_space<vmem>>
        %dma_start3A_2210 = tpu.memref_squeeze %dma_start3A_2209 : memref<1x32x128xf32, #tpu.memory_space<vmem>> -> memref<32x128xf32, #tpu.memory_space<vmem>>
        %dma_start3A_2211 = arith.constant 0 : i32
        %dma_start3A_2212 = tpu.memref_slice %arg5[%dma_start3A_2211, %multiple_of3A_2199] : memref<32x1000000xf32, #tpu.memory_space<hbm>> -> memref<32x128xf32, #tpu.memory_space<hbm>>
        tpu.enqueue_dma source(%dma_start3A_2212 : memref<32x128xf32, #tpu.memory_space<hbm>>) target(%dma_start3A_2210 : memref<32x128xf32, #tpu.memory_space<vmem>>) target_semaphore(%arg25 : memref<!tpu.dma_semaphore, #tpu.memory_space<semaphore_mem>>)
      } else {
      }
      %mul3A_1310 = arith.constant 8 : i32
      %mul3A_1311 = arith.muli %scan3A_545, %mul3A_1310 : i32
      %add3A_1312 = arith.constant 4 : i32
      %add3A_1313 = arith.addi %mul3A_1311, %add3A_1312 : i32
      %dma_wait3A_1314 = arith.constant 4 : i32
      %dma_wait3A_1315 = arith.constant 0 : i32
      %dma_wait3A_1316 = arith.constant 0 : i32
      %dma_wait3A_1317 = tpu.memref_slice %arg10[%dma_wait3A_1314, %dma_wait3A_1315, %dma_wait3A_1316] : memref<8x32x128xf32, #tpu.memory_space<vmem>> -> memref<1x32x128xf32, #tpu.memory_space<vmem>>
      %dma_wait3A_1318 = tpu.memref_squeeze %dma_wait3A_1317 : memref<1x32x128xf32, #tpu.memory_space<vmem>> -> memref<32x128xf32, #tpu.memory_space<vmem>>
      %dma_wait3A_1319 = arith.constant 0 : i32
      %dma_wait3A_1320 = arith.constant 0 : i32
      %dma_wait3A_1321 = tpu.memref_slice %arg4[%dma_wait3A_1319, %dma_wait3A_1320] : memref<32x1000000xf32, #tpu.memory_space<hbm>> -> memref<32x128xf32, #tpu.memory_space<hbm>>
      %dma_wait3A_1322 = arith.constant 0 : i32
      %dma_wait3A_1323 = arith.constant 0 : i32
      %dma_wait3A_1324 = tpu.memref_slice %arg10[%dma_wait3A_1314, %dma_wait3A_1322, %dma_wait3A_1323] : memref<8x32x128xf32, #tpu.memory_space<vmem>> -> memref<1x32x128xf32, #tpu.memory_space<vmem>>
      %dma_wait3A_1325 = tpu.memref_squeeze %dma_wait3A_1324 : memref<1x32x128xf32, #tpu.memory_space<vmem>> -> memref<32x128xf32, #tpu.memory_space<vmem>>
      %dma_wait3A_1326 = arith.constant 0 : i32
      %dma_wait3A_1327 = arith.constant 0 : i32
      %dma_wait3A_1328 = tpu.memref_slice %arg4[%dma_wait3A_1326, %dma_wait3A_1327] : memref<32x1000000xf32, #tpu.memory_space<hbm>> -> memref<32x128xf32, #tpu.memory_space<hbm>>
      tpu.wait_dma2 semaphore(%arg18 : memref<!tpu.dma_semaphore, #tpu.memory_space<semaphore_mem>>) src(%dma_wait3A_1328 : memref<32x128xf32, #tpu.memory_space<hbm>>) dst(%dma_wait3A_1325 : memref<32x128xf32, #tpu.memory_space<vmem>>)
      %dma_wait3A_1329 = arith.constant 4 : i32
      %dma_wait3A_1330 = arith.constant 0 : i32
      %dma_wait3A_1331 = arith.constant 0 : i32
      %dma_wait3A_1332 = tpu.memref_slice %arg11[%dma_wait3A_1329, %dma_wait3A_1330, %dma_wait3A_1331] : memref<8x32x128xf32, #tpu.memory_space<vmem>> -> memref<1x32x128xf32, #tpu.memory_space<vmem>>
      %dma_wait3A_1333 = tpu.memref_squeeze %dma_wait3A_1332 : memref<1x32x128xf32, #tpu.memory_space<vmem>> -> memref<32x128xf32, #tpu.memory_space<vmem>>
      %dma_wait3A_1334 = arith.constant 0 : i32
      %dma_wait3A_1335 = arith.constant 0 : i32
      %dma_wait3A_1336 = tpu.memref_slice %arg5[%dma_wait3A_1334, %dma_wait3A_1335] : memref<32x1000000xf32, #tpu.memory_space<hbm>> -> memref<32x128xf32, #tpu.memory_space<hbm>>
      %dma_wait3A_1337 = arith.constant 0 : i32
      %dma_wait3A_1338 = arith.constant 0 : i32
      %dma_wait3A_1339 = tpu.memref_slice %arg11[%dma_wait3A_1329, %dma_wait3A_1337, %dma_wait3A_1338] : memref<8x32x128xf32, #tpu.memory_space<vmem>> -> memref<1x32x128xf32, #tpu.memory_space<vmem>>
      %dma_wait3A_1340 = tpu.memref_squeeze %dma_wait3A_1339 : memref<1x32x128xf32, #tpu.memory_space<vmem>> -> memref<32x128xf32, #tpu.memory_space<vmem>>
      %dma_wait3A_1341 = arith.constant 0 : i32
      %dma_wait3A_1342 = arith.constant 0 : i32
      %dma_wait3A_1343 = tpu.memref_slice %arg5[%dma_wait3A_1341, %dma_wait3A_1342] : memref<32x1000000xf32, #tpu.memory_space<hbm>> -> memref<32x128xf32, #tpu.memory_space<hbm>>
      tpu.wait_dma2 semaphore(%arg26 : memref<!tpu.dma_semaphore, #tpu.memory_space<semaphore_mem>>) src(%dma_wait3A_1343 : memref<32x128xf32, #tpu.memory_space<hbm>>) dst(%dma_wait3A_1340 : memref<32x128xf32, #tpu.memory_space<vmem>>)
      %jit3A_1344 = arith.constant 16 : i32
      %div3A_1345 = arith.divsi %add3A_1313, %jit3A_1344 : i32
      %sign3A_1346 = arith.constant 0 : i32
      %sign3A_1347 = arith.cmpi sgt, %add3A_1313, %sign3A_1346 : i32
      %sign3A_1348 = arith.extui %sign3A_1347 : i1 to i32
      %sign3A_1349 = arith.constant 0 : i32
      %sign3A_1350 = arith.cmpi slt, %add3A_1313, %sign3A_1349 : i32
      %sign3A_1351 = arith.extui %sign3A_1350 : i1 to i32
      %sign3A_1352 = arith.subi %sign3A_1348, %sign3A_1351 : i32
      %sign3A_1353 = arith.constant 0 : i32
      %sign3A_1354 = arith.cmpi sgt, %jit3A_1344, %sign3A_1353 : i32
      %sign3A_1355 = arith.extui %sign3A_1354 : i1 to i32
      %sign3A_1356 = arith.constant 0 : i32
      %sign3A_1357 = arith.cmpi slt, %jit3A_1344, %sign3A_1356 : i32
      %sign3A_1358 = arith.extui %sign3A_1357 : i1 to i32
      %sign3A_1359 = arith.subi %sign3A_1355, %sign3A_1358 : i32
      %ne3A_1360 = arith.cmpi ne, %sign3A_1352, %sign3A_1359 : i32
      %rem3A_1361 = arith.remsi %add3A_1313, %jit3A_1344 : i32
      %ne3A_1362 = arith.constant 0 : i32
      %ne3A_1363 = arith.cmpi ne, %rem3A_1361, %ne3A_1362 : i32
      %and3A_1364 = arith.andi %ne3A_1360, %ne3A_1363 : i1
      %sub3A_1365 = arith.constant 1 : i32
      %sub3A_1366 = arith.subi %div3A_1345, %sub3A_1365 : i32
      %select_n3A_1367 = arith.select %and3A_1364, %sub3A_1366, %div3A_1345 : i32
      %mul3A_1368 = arith.constant 16 : i32
      %mul3A_1369 = arith.muli %select_n3A_1367, %mul3A_1368 : i32
      %sub3A_1370 = arith.subi %add3A_1313, %mul3A_1369 : i32
      %get3A_1371 = arith.index_cast %mul3A_1369 : i32 to index
      %get3A_1372 = tpu.vector_load %arg8[%get3A_1371] {strides = array<i32>} : memref<512xi32, #tpu.memory_space<vmem>>, vector<16xi32>,
      %and3A_1373 = arith.constant 127 : i32
      %and3A_1374 = vector.broadcast %and3A_1373 : i32 to vector<16xi32>
      %and3A_1375 = arith.andi %get3A_1372, %and3A_1374 : vector<16xi32>
      %broadcast_in_dim3A_1376 = vector.broadcast %sub3A_1370 : i32 to vector<16xi32>
      %lt3A_1377 = arith.constant 0 : i32
      %lt3A_1378 = vector.broadcast %lt3A_1377 : i32 to vector<16xi32>
      %lt3A_1379 = arith.cmpi slt, %broadcast_in_dim3A_1376, %lt3A_1378 : vector<16xi32>
      %add3A_1380 = arith.constant 16 : i32
      %add3A_1381 = vector.broadcast %add3A_1380 : i32 to vector<16xi32>
      %add3A_1382 = arith.addi %broadcast_in_dim3A_1376, %add3A_1381 : vector<16xi32>
      %select_n3A_1383 = arith.select %lt3A_1379, %add3A_1382, %broadcast_in_dim3A_1376 : vector<16xi1>, vector<16xi32>
      %broadcast_in_dim3A_1384 = vector.shape_cast %select_n3A_1383 : vector<16xi32> to vector<16x1xi32>
      %gather3A_1385 = vector.shape_cast %broadcast_in_dim3A_1384 : vector<16x1xi32> to vector<16xi32>
      %gather3A_1386 = tpu.dynamic_gather %and3A_1375[%gather3A_1385] in [0] : vector<16xi32>, vector<16xi32> -> vector<16xi32>
      %jit3A_1387 = arith.constant 16 : i32
      %div3A_1388 = arith.divsi %add3A_1313, %jit3A_1387 : i32
      %sign3A_1389 = arith.constant 0 : i32
      %sign3A_1390 = arith.cmpi sgt, %add3A_1313, %sign3A_1389 : i32
      %sign3A_1391 = arith.extui %sign3A_1390 : i1 to i32
      %sign3A_1392 = arith.constant 0 : i32
      %sign3A_1393 = arith.cmpi slt, %add3A_1313, %sign3A_1392 : i32
      %sign3A_1394 = arith.extui %sign3A_1393 : i1 to i32
      %sign3A_1395 = arith.subi %sign3A_1391, %sign3A_1394 : i32
      %sign3A_1396 = arith.constant 0 : i32
      %sign3A_1397 = arith.cmpi sgt, %jit3A_1387, %sign3A_1396 : i32
      %sign3A_1398 = arith.extui %sign3A_1397 : i1 to i32
      %sign3A_1399 = arith.constant 0 : i32
      %sign3A_1400 = arith.cmpi slt, %jit3A_1387, %sign3A_1399 : i32
      %sign3A_1401 = arith.extui %sign3A_1400 : i1 to i32
      %sign3A_1402 = arith.subi %sign3A_1398, %sign3A_1401 : i32
      %ne3A_1403 = arith.cmpi ne, %sign3A_1395, %sign3A_1402 : i32
      %rem3A_1404 = arith.remsi %add3A_1313, %jit3A_1387 : i32
      %ne3A_1405 = arith.constant 0 : i32
      %ne3A_1406 = arith.cmpi ne, %rem3A_1404, %ne3A_1405 : i32
      %and3A_1407 = arith.andi %ne3A_1403, %ne3A_1406 : i1
      %sub3A_1408 = arith.constant 1 : i32
      %sub3A_1409 = arith.subi %div3A_1388, %sub3A_1408 : i32
      %select_n3A_1410 = arith.select %and3A_1407, %sub3A_1409, %div3A_1388 : i32
      %mul3A_1411 = arith.constant 16 : i32
      %mul3A_1412 = arith.muli %select_n3A_1410, %mul3A_1411 : i32
      %sub3A_1413 = arith.subi %add3A_1313, %mul3A_1412 : i32
      %get3A_1414 = arith.index_cast %mul3A_1412 : i32 to index
      %get3A_1415 = tpu.vector_load %arg9[%get3A_1414] {strides = array<i32>} : memref<512xi32, #tpu.memory_space<vmem>>, vector<16xi32>,
      %and3A_1416 = arith.constant 127 : i32
      %and3A_1417 = vector.broadcast %and3A_1416 : i32 to vector<16xi32>
      %and3A_1418 = arith.andi %get3A_1415, %and3A_1417 : vector<16xi32>
      %broadcast_in_dim3A_1419 = vector.broadcast %sub3A_1413 : i32 to vector<16xi32>
      %lt3A_1420 = arith.constant 0 : i32
      %lt3A_1421 = vector.broadcast %lt3A_1420 : i32 to vector<16xi32>
      %lt3A_1422 = arith.cmpi slt, %broadcast_in_dim3A_1419, %lt3A_1421 : vector<16xi32>
      %add3A_1423 = arith.constant 16 : i32
      %add3A_1424 = vector.broadcast %add3A_1423 : i32 to vector<16xi32>
      %add3A_1425 = arith.addi %broadcast_in_dim3A_1419, %add3A_1424 : vector<16xi32>
      %select_n3A_1426 = arith.select %lt3A_1422, %add3A_1425, %broadcast_in_dim3A_1419 : vector<16xi1>, vector<16xi32>
      %broadcast_in_dim3A_1427 = vector.shape_cast %select_n3A_1426 : vector<16xi32> to vector<16x1xi32>
      %gather3A_1428 = vector.shape_cast %broadcast_in_dim3A_1427 : vector<16x1xi32> to vector<16xi32>
      %gather3A_1429 = tpu.dynamic_gather %and3A_1418[%gather3A_1428] in [0] : vector<16xi32>, vector<16xi32> -> vector<16xi32>
      %gather3A_1430 = arith.constant 4 : i32
      %gather3A_1431 = arith.constant 0 : i32
      %gather3A_1432 = arith.constant 0 : i32
      %gather3A_1433 = tpu.memref_slice %arg10[%gather3A_1430, %gather3A_1431, %gather3A_1432] : memref<8x32x128xf32, #tpu.memory_space<vmem>> -> memref<1x32x128xf32, #tpu.memory_space<vmem>>
      %gather3A_1434 = tpu.memref_squeeze %gather3A_1433 : memref<1x32x128xf32, #tpu.memory_space<vmem>> -> memref<32x128xf32, #tpu.memory_space<vmem>>
      %gather3A_1435 = tpu.vector_load_idx %gather3A_1434[%iota3A, %gather3A_1386] : memref<32x128xf32, #tpu.memory_space<vmem>>[vector<16xi32>, vector<16xi32>], vector<16xf32>,
      %mul3A_1436 = arith.mulf %gather3A_1435, %get3A_3 : vector<16xf32>
      %gather3A_1437 = arith.constant 4 : i32
      %gather3A_1438 = arith.constant 0 : i32
      %gather3A_1439 = arith.constant 0 : i32
      %gather3A_1440 = tpu.memref_slice %arg10[%gather3A_1437, %gather3A_1438, %gather3A_1439] : memref<8x32x128xf32, #tpu.memory_space<vmem>> -> memref<1x32x128xf32, #tpu.memory_space<vmem>>
      %gather3A_1441 = tpu.memref_squeeze %gather3A_1440 : memref<1x32x128xf32, #tpu.memory_space<vmem>> -> memref<32x128xf32, #tpu.memory_space<vmem>>
      %gather3A_1442 = tpu.vector_load_idx %gather3A_1441[%add3A_14, %gather3A_1386] : memref<32x128xf32, #tpu.memory_space<vmem>>[vector<16xi32>, vector<16xi32>], vector<16xf32>,
      %mul3A_1443 = arith.mulf %gather3A_1442, %get3A_5 : vector<16xf32>
      %add3A_1444 = arith.addf %mul3A_1436, %mul3A_1443 : vector<16xf32>
      %gather3A_1445 = arith.constant 4 : i32
      %gather3A_1446 = arith.constant 0 : i32
      %gather3A_1447 = arith.constant 0 : i32
      %gather3A_1448 = tpu.memref_slice %arg11[%gather3A_1445, %gather3A_1446, %gather3A_1447] : memref<8x32x128xf32, #tpu.memory_space<vmem>> -> memref<1x32x128xf32, #tpu.memory_space<vmem>>
      %gather3A_1449 = tpu.memref_squeeze %gather3A_1448 : memref<1x32x128xf32, #tpu.memory_space<vmem>> -> memref<32x128xf32, #tpu.memory_space<vmem>>
      %gather3A_1450 = tpu.vector_load_idx %gather3A_1449[%iota3A, %gather3A_1429] : memref<32x128xf32, #tpu.memory_space<vmem>>[vector<16xi32>, vector<16xi32>], vector<16xf32>,
      %mul3A_1451 = arith.mulf %gather3A_1450, %get3A_7 : vector<16xf32>
      %add3A_1452 = arith.addf %add3A_1444, %mul3A_1451 : vector<16xf32>
      %gather3A_1453 = arith.constant 4 : i32
      %gather3A_1454 = arith.constant 0 : i32
      %gather3A_1455 = arith.constant 0 : i32
      %gather3A_1456 = tpu.memref_slice %arg11[%gather3A_1453, %gather3A_1454, %gather3A_1455] : memref<8x32x128xf32, #tpu.memory_space<vmem>> -> memref<1x32x128xf32, #tpu.memory_space<vmem>>
      %gather3A_1457 = tpu.memref_squeeze %gather3A_1456 : memref<1x32x128xf32, #tpu.memory_space<vmem>> -> memref<32x128xf32, #tpu.memory_space<vmem>>
      %gather3A_1458 = tpu.vector_load_idx %gather3A_1457[%add3A_14, %gather3A_1429] : memref<32x128xf32, #tpu.memory_space<vmem>>[vector<16xi32>, vector<16xi32>], vector<16xf32>,
      %mul3A_1459 = arith.mulf %gather3A_1458, %get3A_9 : vector<16xf32>
      %add3A_1460 = arith.addf %add3A_1452, %mul3A_1459 : vector<16xf32>
      %add3A_1461 = arith.addf %add3A_1460, %get3A_11 : vector<16xf32>
      %reduce_sum3A_1462 = arith.constant true
      %reduce_sum3A_1463 = vector.broadcast %reduce_sum3A_1462 : i1 to vector<16xi1>
      %reduce_sum3A_1464 = tpu.scan <sum>, %add3A_1461 masked %reduce_sum3A_1463 : vector<16xf32>, vector<16xi1> -> vector<16xf32>
      %reduce_sum3A_1465 = vector.extract %reduce_sum3A_1464[15] : f32 from vector<16xf32>
      %jit3A_1466 = arith.constant 16 : i32
      %div3A_1467 = arith.divsi %add3A_1313, %jit3A_1466 : i32
      %sign3A_1468 = arith.constant 0 : i32
      %sign3A_1469 = arith.cmpi sgt, %add3A_1313, %sign3A_1468 : i32
      %sign3A_1470 = arith.extui %sign3A_1469 : i1 to i32
      %sign3A_1471 = arith.constant 0 : i32
      %sign3A_1472 = arith.cmpi slt, %add3A_1313, %sign3A_1471 : i32
      %sign3A_1473 = arith.extui %sign3A_1472 : i1 to i32
      %sign3A_1474 = arith.subi %sign3A_1470, %sign3A_1473 : i32
      %sign3A_1475 = arith.constant 0 : i32
      %sign3A_1476 = arith.cmpi sgt, %jit3A_1466, %sign3A_1475 : i32
      %sign3A_1477 = arith.extui %sign3A_1476 : i1 to i32
      %sign3A_1478 = arith.constant 0 : i32
      %sign3A_1479 = arith.cmpi slt, %jit3A_1466, %sign3A_1478 : i32
      %sign3A_1480 = arith.extui %sign3A_1479 : i1 to i32
      %sign3A_1481 = arith.subi %sign3A_1477, %sign3A_1480 : i32
      %ne3A_1482 = arith.cmpi ne, %sign3A_1474, %sign3A_1481 : i32
      %rem3A_1483 = arith.remsi %add3A_1313, %jit3A_1466 : i32
      %ne3A_1484 = arith.constant 0 : i32
      %ne3A_1485 = arith.cmpi ne, %rem3A_1483, %ne3A_1484 : i32
      %and3A_1486 = arith.andi %ne3A_1482, %ne3A_1485 : i1
      %sub3A_1487 = arith.constant 1 : i32
      %sub3A_1488 = arith.subi %div3A_1467, %sub3A_1487 : i32
      %select_n3A_1489 = arith.select %and3A_1486, %sub3A_1488, %div3A_1467 : i32
      %mul3A_1490 = arith.constant 16 : i32
      %mul3A_1491 = arith.muli %select_n3A_1489, %mul3A_1490 : i32
      %sub3A_1492 = arith.subi %add3A_1313, %mul3A_1491 : i32
      %eq3A_1493 = vector.broadcast %sub3A_1492 : i32 to vector<16xi32>
      %eq3A_1494 = arith.cmpi eq, %iota3A, %eq3A_1493 : vector<16xi32>
      %broadcast_in_dim3A_1495 = vector.broadcast %reduce_sum3A_1465 : f32 to vector<16xf32>
      %select_n3A_1496 = arith.select %eq3A_1494, %broadcast_in_dim3A_1495, %select_n3A_1302 : vector<16xi1>, vector<16xf32>
      %add3A_1497 = arith.constant 8 : i32
      %add3A_1498 = arith.addi %add3A_1313, %add3A_1497 : i32
      %lt3A_1499 = arith.constant 512 : i32
      %lt3A_1500 = arith.cmpi slt, %add3A_1498, %lt3A_1499 : i32
      %convert_element_type3A_1501 = arith.extui %lt3A_1500 : i1 to i32
      %cond3A_1502 = arith.constant 0 : i32
      %cond3A_1503 = arith.cmpi ne, %convert_element_type3A_1501, %cond3A_1502 : i32
      scf.if %cond3A_1503 {
        %add3A_2093 = arith.constant 8 : i32
        %add3A_2094 = arith.addi %add3A_1313, %add3A_2093 : i32
        %jit3A_2095 = arith.constant 16 : i32
        %div3A_2096 = arith.divsi %add3A_2094, %jit3A_2095 : i32
        %sign3A_2097 = arith.constant 0 : i32
        %sign3A_2098 = arith.cmpi sgt, %add3A_2094, %sign3A_2097 : i32
        %sign3A_2099 = arith.extui %sign3A_2098 : i1 to i32
        %sign3A_2100 = arith.constant 0 : i32
        %sign3A_2101 = arith.cmpi slt, %add3A_2094, %sign3A_2100 : i32
        %sign3A_2102 = arith.extui %sign3A_2101 : i1 to i32
        %sign3A_2103 = arith.subi %sign3A_2099, %sign3A_2102 : i32
        %sign3A_2104 = arith.constant 0 : i32
        %sign3A_2105 = arith.cmpi sgt, %jit3A_2095, %sign3A_2104 : i32
        %sign3A_2106 = arith.extui %sign3A_2105 : i1 to i32
        %sign3A_2107 = arith.constant 0 : i32
        %sign3A_2108 = arith.cmpi slt, %jit3A_2095, %sign3A_2107 : i32
        %sign3A_2109 = arith.extui %sign3A_2108 : i1 to i32
        %sign3A_2110 = arith.subi %sign3A_2106, %sign3A_2109 : i32
        %ne3A_2111 = arith.cmpi ne, %sign3A_2103, %sign3A_2110 : i32
        %rem3A_2112 = arith.remsi %add3A_2094, %jit3A_2095 : i32
        %ne3A_2113 = arith.constant 0 : i32
        %ne3A_2114 = arith.cmpi ne, %rem3A_2112, %ne3A_2113 : i32
        %and3A_2115 = arith.andi %ne3A_2111, %ne3A_2114 : i1
        %sub3A_2116 = arith.constant 1 : i32
        %sub3A_2117 = arith.subi %div3A_2096, %sub3A_2116 : i32
        %select_n3A_2118 = arith.select %and3A_2115, %sub3A_2117, %div3A_2096 : i32
        %mul3A_2119 = arith.constant 16 : i32
        %mul3A_2120 = arith.muli %select_n3A_2118, %mul3A_2119 : i32
        %sub3A_2121 = arith.subi %add3A_2094, %mul3A_2120 : i32
        %get3A_2122 = arith.index_cast %mul3A_2120 : i32 to index
        %get3A_2123 = tpu.vector_load %arg8[%get3A_2122] {strides = array<i32>} : memref<512xi32, #tpu.memory_space<vmem>>, vector<16xi32>,
        %eq3A_2124 = vector.broadcast %sub3A_2121 : i32 to vector<16xi32>
        %eq3A_2125 = arith.cmpi eq, %iota3A, %eq3A_2124 : vector<16xi32>
        %shift_right_logical3A_2126 = arith.constant 7 : i32
        %shift_right_logical3A_2127 = vector.broadcast %shift_right_logical3A_2126 : i32 to vector<16xi32>
        %shift_right_logical3A_2128 = arith.shrui %get3A_2123, %shift_right_logical3A_2127 : vector<16xi32>
        %select_n3A_2129 = arith.select %eq3A_2125, %shift_right_logical3A_2128, %broadcast_in_dim3A_15 : vector<16xi1>, vector<16xi32>
        %reduce_max3A_2130 = arith.constant true
        %reduce_max3A_2131 = vector.broadcast %reduce_max3A_2130 : i1 to vector<16xi1>
        %reduce_max3A_2132 = arith.constant -2147483648 : i32
        %reduce_max3A_2133 = vector.broadcast %reduce_max3A_2132 : i32 to vector<16xi32>
        %reduce_max3A_2134 = arith.xori %select_n3A_2129, %reduce_max3A_2133 : vector<16xi32>
        %reduce_max3A_2135 = tpu.scan <max>, %reduce_max3A_2134 masked %reduce_max3A_2131 : vector<16xi32>, vector<16xi1> -> vector<16xi32>
        %reduce_max3A_2136 = arith.xori %reduce_max3A_2135, %reduce_max3A_2133 : vector<16xi32>
        %reduce_max3A_2137 = vector.extract %reduce_max3A_2136[15] : i32 from vector<16xi32>
        %mul3A_2138 = arith.constant 128 : i32
        %mul3A_2139 = arith.muli %reduce_max3A_2137, %mul3A_2138 : i32
        %multiple_of3A_2140 = tpu.assume_multiple %mul3A_2139, 128 : i32
        %dma_start3A_2141 = arith.constant 4 : i32
        %dma_start3A_2142 = arith.constant 0 : i32
        %dma_start3A_2143 = arith.constant 0 : i32
        %dma_start3A_2144 = tpu.memref_slice %arg10[%dma_start3A_2141, %dma_start3A_2142, %dma_start3A_2143] : memref<8x32x128xf32, #tpu.memory_space<vmem>> -> memref<1x32x128xf32, #tpu.memory_space<vmem>>
        %dma_start3A_2145 = tpu.memref_squeeze %dma_start3A_2144 : memref<1x32x128xf32, #tpu.memory_space<vmem>> -> memref<32x128xf32, #tpu.memory_space<vmem>>
        %dma_start3A_2146 = arith.constant 0 : i32
        %dma_start3A_2147 = tpu.memref_slice %arg4[%dma_start3A_2146, %multiple_of3A_2140] : memref<32x1000000xf32, #tpu.memory_space<hbm>> -> memref<32x128xf32, #tpu.memory_space<hbm>>
        %dma_start3A_2148 = arith.constant 0 : i32
        %dma_start3A_2149 = arith.constant 0 : i32
        %dma_start3A_2150 = tpu.memref_slice %arg10[%dma_start3A_2141, %dma_start3A_2148, %dma_start3A_2149] : memref<8x32x128xf32, #tpu.memory_space<vmem>> -> memref<1x32x128xf32, #tpu.memory_space<vmem>>
        %dma_start3A_2151 = tpu.memref_squeeze %dma_start3A_2150 : memref<1x32x128xf32, #tpu.memory_space<vmem>> -> memref<32x128xf32, #tpu.memory_space<vmem>>
        %dma_start3A_2152 = arith.constant 0 : i32
        %dma_start3A_2153 = tpu.memref_slice %arg4[%dma_start3A_2152, %multiple_of3A_2140] : memref<32x1000000xf32, #tpu.memory_space<hbm>> -> memref<32x128xf32, #tpu.memory_space<hbm>>
        tpu.enqueue_dma source(%dma_start3A_2153 : memref<32x128xf32, #tpu.memory_space<hbm>>) target(%dma_start3A_2151 : memref<32x128xf32, #tpu.memory_space<vmem>>) target_semaphore(%arg18 : memref<!tpu.dma_semaphore, #tpu.memory_space<semaphore_mem>>)
        %jit3A_2154 = arith.constant 16 : i32
        %div3A_2155 = arith.divsi %add3A_2094, %jit3A_2154 : i32
        %sign3A_2156 = arith.constant 0 : i32
        %sign3A_2157 = arith.cmpi sgt, %add3A_2094, %sign3A_2156 : i32
        %sign3A_2158 = arith.extui %sign3A_2157 : i1 to i32
        %sign3A_2159 = arith.constant 0 : i32
        %sign3A_2160 = arith.cmpi slt, %add3A_2094, %sign3A_2159 : i32
        %sign3A_2161 = arith.extui %sign3A_2160 : i1 to i32
        %sign3A_2162 = arith.subi %sign3A_2158, %sign3A_2161 : i32
        %sign3A_2163 = arith.constant 0 : i32
        %sign3A_2164 = arith.cmpi sgt, %jit3A_2154, %sign3A_2163 : i32
        %sign3A_2165 = arith.extui %sign3A_2164 : i1 to i32
        %sign3A_2166 = arith.constant 0 : i32
        %sign3A_2167 = arith.cmpi slt, %jit3A_2154, %sign3A_2166 : i32
        %sign3A_2168 = arith.extui %sign3A_2167 : i1 to i32
        %sign3A_2169 = arith.subi %sign3A_2165, %sign3A_2168 : i32
        %ne3A_2170 = arith.cmpi ne, %sign3A_2162, %sign3A_2169 : i32
        %rem3A_2171 = arith.remsi %add3A_2094, %jit3A_2154 : i32
        %ne3A_2172 = arith.constant 0 : i32
        %ne3A_2173 = arith.cmpi ne, %rem3A_2171, %ne3A_2172 : i32
        %and3A_2174 = arith.andi %ne3A_2170, %ne3A_2173 : i1
        %sub3A_2175 = arith.constant 1 : i32
        %sub3A_2176 = arith.subi %div3A_2155, %sub3A_2175 : i32
        %select_n3A_2177 = arith.select %and3A_2174, %sub3A_2176, %div3A_2155 : i32
        %mul3A_2178 = arith.constant 16 : i32
        %mul3A_2179 = arith.muli %select_n3A_2177, %mul3A_2178 : i32
        %sub3A_2180 = arith.subi %add3A_2094, %mul3A_2179 : i32
        %get3A_2181 = arith.index_cast %mul3A_2179 : i32 to index
        %get3A_2182 = tpu.vector_load %arg9[%get3A_2181] {strides = array<i32>} : memref<512xi32, #tpu.memory_space<vmem>>, vector<16xi32>,
        %eq3A_2183 = vector.broadcast %sub3A_2180 : i32 to vector<16xi32>
        %eq3A_2184 = arith.cmpi eq, %iota3A, %eq3A_2183 : vector<16xi32>
        %shift_right_logical3A_2185 = arith.constant 7 : i32
        %shift_right_logical3A_2186 = vector.broadcast %shift_right_logical3A_2185 : i32 to vector<16xi32>
        %shift_right_logical3A_2187 = arith.shrui %get3A_2182, %shift_right_logical3A_2186 : vector<16xi32>
        %select_n3A_2188 = arith.select %eq3A_2184, %shift_right_logical3A_2187, %broadcast_in_dim3A_15 : vector<16xi1>, vector<16xi32>
        %reduce_max3A_2189 = arith.constant true
        %reduce_max3A_2190 = vector.broadcast %reduce_max3A_2189 : i1 to vector<16xi1>
        %reduce_max3A_2191 = arith.constant -2147483648 : i32
        %reduce_max3A_2192 = vector.broadcast %reduce_max3A_2191 : i32 to vector<16xi32>
        %reduce_max3A_2193 = arith.xori %select_n3A_2188, %reduce_max3A_2192 : vector<16xi32>
        %reduce_max3A_2194 = tpu.scan <max>, %reduce_max3A_2193 masked %reduce_max3A_2190 : vector<16xi32>, vector<16xi1> -> vector<16xi32>
        %reduce_max3A_2195 = arith.xori %reduce_max3A_2194, %reduce_max3A_2192 : vector<16xi32>
        %reduce_max3A_2196 = vector.extract %reduce_max3A_2195[15] : i32 from vector<16xi32>
        %mul3A_2197 = arith.constant 128 : i32
        %mul3A_2198 = arith.muli %reduce_max3A_2196, %mul3A_2197 : i32
        %multiple_of3A_2199 = tpu.assume_multiple %mul3A_2198, 128 : i32
        %dma_start3A_2200 = arith.constant 4 : i32
        %dma_start3A_2201 = arith.constant 0 : i32
        %dma_start3A_2202 = arith.constant 0 : i32
        %dma_start3A_2203 = tpu.memref_slice %arg11[%dma_start3A_2200, %dma_start3A_2201, %dma_start3A_2202] : memref<8x32x128xf32, #tpu.memory_space<vmem>> -> memref<1x32x128xf32, #tpu.memory_space<vmem>>
        %dma_start3A_2204 = tpu.memref_squeeze %dma_start3A_2203 : memref<1x32x128xf32, #tpu.memory_space<vmem>> -> memref<32x128xf32, #tpu.memory_space<vmem>>
        %dma_start3A_2205 = arith.constant 0 : i32
        %dma_start3A_2206 = tpu.memref_slice %arg5[%dma_start3A_2205, %multiple_of3A_2199] : memref<32x1000000xf32, #tpu.memory_space<hbm>> -> memref<32x128xf32, #tpu.memory_space<hbm>>
        %dma_start3A_2207 = arith.constant 0 : i32
        %dma_start3A_2208 = arith.constant 0 : i32
        %dma_start3A_2209 = tpu.memref_slice %arg11[%dma_start3A_2200, %dma_start3A_2207, %dma_start3A_2208] : memref<8x32x128xf32, #tpu.memory_space<vmem>> -> memref<1x32x128xf32, #tpu.memory_space<vmem>>
        %dma_start3A_2210 = tpu.memref_squeeze %dma_start3A_2209 : memref<1x32x128xf32, #tpu.memory_space<vmem>> -> memref<32x128xf32, #tpu.memory_space<vmem>>
        %dma_start3A_2211 = arith.constant 0 : i32
        %dma_start3A_2212 = tpu.memref_slice %arg5[%dma_start3A_2211, %multiple_of3A_2199] : memref<32x1000000xf32, #tpu.memory_space<hbm>> -> memref<32x128xf32, #tpu.memory_space<hbm>>
        tpu.enqueue_dma source(%dma_start3A_2212 : memref<32x128xf32, #tpu.memory_space<hbm>>) target(%dma_start3A_2210 : memref<32x128xf32, #tpu.memory_space<vmem>>) target_semaphore(%arg26 : memref<!tpu.dma_semaphore, #tpu.memory_space<semaphore_mem>>)
      } else {
      }
      %mul3A_1504 = arith.constant 8 : i32
      %mul3A_1505 = arith.muli %scan3A_545, %mul3A_1504 : i32
      %add3A_1506 = arith.constant 5 : i32
      %add3A_1507 = arith.addi %mul3A_1505, %add3A_1506 : i32
      %dma_wait3A_1508 = arith.constant 5 : i32
      %dma_wait3A_1509 = arith.constant 0 : i32
      %dma_wait3A_1510 = arith.constant 0 : i32
      %dma_wait3A_1511 = tpu.memref_slice %arg10[%dma_wait3A_1508, %dma_wait3A_1509, %dma_wait3A_1510] : memref<8x32x128xf32, #tpu.memory_space<vmem>> -> memref<1x32x128xf32, #tpu.memory_space<vmem>>
      %dma_wait3A_1512 = tpu.memref_squeeze %dma_wait3A_1511 : memref<1x32x128xf32, #tpu.memory_space<vmem>> -> memref<32x128xf32, #tpu.memory_space<vmem>>
      %dma_wait3A_1513 = arith.constant 0 : i32
      %dma_wait3A_1514 = arith.constant 0 : i32
      %dma_wait3A_1515 = tpu.memref_slice %arg4[%dma_wait3A_1513, %dma_wait3A_1514] : memref<32x1000000xf32, #tpu.memory_space<hbm>> -> memref<32x128xf32, #tpu.memory_space<hbm>>
      %dma_wait3A_1516 = arith.constant 0 : i32
      %dma_wait3A_1517 = arith.constant 0 : i32
      %dma_wait3A_1518 = tpu.memref_slice %arg10[%dma_wait3A_1508, %dma_wait3A_1516, %dma_wait3A_1517] : memref<8x32x128xf32, #tpu.memory_space<vmem>> -> memref<1x32x128xf32, #tpu.memory_space<vmem>>
      %dma_wait3A_1519 = tpu.memref_squeeze %dma_wait3A_1518 : memref<1x32x128xf32, #tpu.memory_space<vmem>> -> memref<32x128xf32, #tpu.memory_space<vmem>>
      %dma_wait3A_1520 = arith.constant 0 : i32
      %dma_wait3A_1521 = arith.constant 0 : i32
      %dma_wait3A_1522 = tpu.memref_slice %arg4[%dma_wait3A_1520, %dma_wait3A_1521] : memref<32x1000000xf32, #tpu.memory_space<hbm>> -> memref<32x128xf32, #tpu.memory_space<hbm>>
      tpu.wait_dma2 semaphore(%arg19 : memref<!tpu.dma_semaphore, #tpu.memory_space<semaphore_mem>>) src(%dma_wait3A_1522 : memref<32x128xf32, #tpu.memory_space<hbm>>) dst(%dma_wait3A_1519 : memref<32x128xf32, #tpu.memory_space<vmem>>)
      %dma_wait3A_1523 = arith.constant 5 : i32
      %dma_wait3A_1524 = arith.constant 0 : i32
      %dma_wait3A_1525 = arith.constant 0 : i32
      %dma_wait3A_1526 = tpu.memref_slice %arg11[%dma_wait3A_1523, %dma_wait3A_1524, %dma_wait3A_1525] : memref<8x32x128xf32, #tpu.memory_space<vmem>> -> memref<1x32x128xf32, #tpu.memory_space<vmem>>
      %dma_wait3A_1527 = tpu.memref_squeeze %dma_wait3A_1526 : memref<1x32x128xf32, #tpu.memory_space<vmem>> -> memref<32x128xf32, #tpu.memory_space<vmem>>
      %dma_wait3A_1528 = arith.constant 0 : i32
      %dma_wait3A_1529 = arith.constant 0 : i32
      %dma_wait3A_1530 = tpu.memref_slice %arg5[%dma_wait3A_1528, %dma_wait3A_1529] : memref<32x1000000xf32, #tpu.memory_space<hbm>> -> memref<32x128xf32, #tpu.memory_space<hbm>>
      %dma_wait3A_1531 = arith.constant 0 : i32
      %dma_wait3A_1532 = arith.constant 0 : i32
      %dma_wait3A_1533 = tpu.memref_slice %arg11[%dma_wait3A_1523, %dma_wait3A_1531, %dma_wait3A_1532] : memref<8x32x128xf32, #tpu.memory_space<vmem>> -> memref<1x32x128xf32, #tpu.memory_space<vmem>>
      %dma_wait3A_1534 = tpu.memref_squeeze %dma_wait3A_1533 : memref<1x32x128xf32, #tpu.memory_space<vmem>> -> memref<32x128xf32, #tpu.memory_space<vmem>>
      %dma_wait3A_1535 = arith.constant 0 : i32
      %dma_wait3A_1536 = arith.constant 0 : i32
      %dma_wait3A_1537 = tpu.memref_slice %arg5[%dma_wait3A_1535, %dma_wait3A_1536] : memref<32x1000000xf32, #tpu.memory_space<hbm>> -> memref<32x128xf32, #tpu.memory_space<hbm>>
      tpu.wait_dma2 semaphore(%arg27 : memref<!tpu.dma_semaphore, #tpu.memory_space<semaphore_mem>>) src(%dma_wait3A_1537 : memref<32x128xf32, #tpu.memory_space<hbm>>) dst(%dma_wait3A_1534 : memref<32x128xf32, #tpu.memory_space<vmem>>)
      %jit3A_1538 = arith.constant 16 : i32
      %div3A_1539 = arith.divsi %add3A_1507, %jit3A_1538 : i32
      %sign3A_1540 = arith.constant 0 : i32
      %sign3A_1541 = arith.cmpi sgt, %add3A_1507, %sign3A_1540 : i32
      %sign3A_1542 = arith.extui %sign3A_1541 : i1 to i32
      %sign3A_1543 = arith.constant 0 : i32
      %sign3A_1544 = arith.cmpi slt, %add3A_1507, %sign3A_1543 : i32
      %sign3A_1545 = arith.extui %sign3A_1544 : i1 to i32
      %sign3A_1546 = arith.subi %sign3A_1542, %sign3A_1545 : i32
      %sign3A_1547 = arith.constant 0 : i32
      %sign3A_1548 = arith.cmpi sgt, %jit3A_1538, %sign3A_1547 : i32
      %sign3A_1549 = arith.extui %sign3A_1548 : i1 to i32
      %sign3A_1550 = arith.constant 0 : i32
      %sign3A_1551 = arith.cmpi slt, %jit3A_1538, %sign3A_1550 : i32
      %sign3A_1552 = arith.extui %sign3A_1551 : i1 to i32
      %sign3A_1553 = arith.subi %sign3A_1549, %sign3A_1552 : i32
      %ne3A_1554 = arith.cmpi ne, %sign3A_1546, %sign3A_1553 : i32
      %rem3A_1555 = arith.remsi %add3A_1507, %jit3A_1538 : i32
      %ne3A_1556 = arith.constant 0 : i32
      %ne3A_1557 = arith.cmpi ne, %rem3A_1555, %ne3A_1556 : i32
      %and3A_1558 = arith.andi %ne3A_1554, %ne3A_1557 : i1
      %sub3A_1559 = arith.constant 1 : i32
      %sub3A_1560 = arith.subi %div3A_1539, %sub3A_1559 : i32
      %select_n3A_1561 = arith.select %and3A_1558, %sub3A_1560, %div3A_1539 : i32
      %mul3A_1562 = arith.constant 16 : i32
      %mul3A_1563 = arith.muli %select_n3A_1561, %mul3A_1562 : i32
      %sub3A_1564 = arith.subi %add3A_1507, %mul3A_1563 : i32
      %get3A_1565 = arith.index_cast %mul3A_1563 : i32 to index
      %get3A_1566 = tpu.vector_load %arg8[%get3A_1565] {strides = array<i32>} : memref<512xi32, #tpu.memory_space<vmem>>, vector<16xi32>,
      %and3A_1567 = arith.constant 127 : i32
      %and3A_1568 = vector.broadcast %and3A_1567 : i32 to vector<16xi32>
      %and3A_1569 = arith.andi %get3A_1566, %and3A_1568 : vector<16xi32>
      %broadcast_in_dim3A_1570 = vector.broadcast %sub3A_1564 : i32 to vector<16xi32>
      %lt3A_1571 = arith.constant 0 : i32
      %lt3A_1572 = vector.broadcast %lt3A_1571 : i32 to vector<16xi32>
      %lt3A_1573 = arith.cmpi slt, %broadcast_in_dim3A_1570, %lt3A_1572 : vector<16xi32>
      %add3A_1574 = arith.constant 16 : i32
      %add3A_1575 = vector.broadcast %add3A_1574 : i32 to vector<16xi32>
      %add3A_1576 = arith.addi %broadcast_in_dim3A_1570, %add3A_1575 : vector<16xi32>
      %select_n3A_1577 = arith.select %lt3A_1573, %add3A_1576, %broadcast_in_dim3A_1570 : vector<16xi1>, vector<16xi32>
      %broadcast_in_dim3A_1578 = vector.shape_cast %select_n3A_1577 : vector<16xi32> to vector<16x1xi32>
      %gather3A_1579 = vector.shape_cast %broadcast_in_dim3A_1578 : vector<16x1xi32> to vector<16xi32>
      %gather3A_1580 = tpu.dynamic_gather %and3A_1569[%gather3A_1579] in [0] : vector<16xi32>, vector<16xi32> -> vector<16xi32>
      %jit3A_1581 = arith.constant 16 : i32
      %div3A_1582 = arith.divsi %add3A_1507, %jit3A_1581 : i32
      %sign3A_1583 = arith.constant 0 : i32
      %sign3A_1584 = arith.cmpi sgt, %add3A_1507, %sign3A_1583 : i32
      %sign3A_1585 = arith.extui %sign3A_1584 : i1 to i32
      %sign3A_1586 = arith.constant 0 : i32
      %sign3A_1587 = arith.cmpi slt, %add3A_1507, %sign3A_1586 : i32
      %sign3A_1588 = arith.extui %sign3A_1587 : i1 to i32
      %sign3A_1589 = arith.subi %sign3A_1585, %sign3A_1588 : i32
      %sign3A_1590 = arith.constant 0 : i32
      %sign3A_1591 = arith.cmpi sgt, %jit3A_1581, %sign3A_1590 : i32
      %sign3A_1592 = arith.extui %sign3A_1591 : i1 to i32
      %sign3A_1593 = arith.constant 0 : i32
      %sign3A_1594 = arith.cmpi slt, %jit3A_1581, %sign3A_1593 : i32
      %sign3A_1595 = arith.extui %sign3A_1594 : i1 to i32
      %sign3A_1596 = arith.subi %sign3A_1592, %sign3A_1595 : i32
      %ne3A_1597 = arith.cmpi ne, %sign3A_1589, %sign3A_1596 : i32
      %rem3A_1598 = arith.remsi %add3A_1507, %jit3A_1581 : i32
      %ne3A_1599 = arith.constant 0 : i32
      %ne3A_1600 = arith.cmpi ne, %rem3A_1598, %ne3A_1599 : i32
      %and3A_1601 = arith.andi %ne3A_1597, %ne3A_1600 : i1
      %sub3A_1602 = arith.constant 1 : i32
      %sub3A_1603 = arith.subi %div3A_1582, %sub3A_1602 : i32
      %select_n3A_1604 = arith.select %and3A_1601, %sub3A_1603, %div3A_1582 : i32
      %mul3A_1605 = arith.constant 16 : i32
      %mul3A_1606 = arith.muli %select_n3A_1604, %mul3A_1605 : i32
      %sub3A_1607 = arith.subi %add3A_1507, %mul3A_1606 : i32
      %get3A_1608 = arith.index_cast %mul3A_1606 : i32 to index
      %get3A_1609 = tpu.vector_load %arg9[%get3A_1608] {strides = array<i32>} : memref<512xi32, #tpu.memory_space<vmem>>, vector<16xi32>,
      %and3A_1610 = arith.constant 127 : i32
      %and3A_1611 = vector.broadcast %and3A_1610 : i32 to vector<16xi32>
      %and3A_1612 = arith.andi %get3A_1609, %and3A_1611 : vector<16xi32>
      %broadcast_in_dim3A_1613 = vector.broadcast %sub3A_1607 : i32 to vector<16xi32>
      %lt3A_1614 = arith.constant 0 : i32
      %lt3A_1615 = vector.broadcast %lt3A_1614 : i32 to vector<16xi32>
      %lt3A_1616 = arith.cmpi slt, %broadcast_in_dim3A_1613, %lt3A_1615 : vector<16xi32>
      %add3A_1617 = arith.constant 16 : i32
      %add3A_1618 = vector.broadcast %add3A_1617 : i32 to vector<16xi32>
      %add3A_1619 = arith.addi %broadcast_in_dim3A_1613, %add3A_1618 : vector<16xi32>
      %select_n3A_1620 = arith.select %lt3A_1616, %add3A_1619, %broadcast_in_dim3A_1613 : vector<16xi1>, vector<16xi32>
      %broadcast_in_dim3A_1621 = vector.shape_cast %select_n3A_1620 : vector<16xi32> to vector<16x1xi32>
      %gather3A_1622 = vector.shape_cast %broadcast_in_dim3A_1621 : vector<16x1xi32> to vector<16xi32>
      %gather3A_1623 = tpu.dynamic_gather %and3A_1612[%gather3A_1622] in [0] : vector<16xi32>, vector<16xi32> -> vector<16xi32>
      %gather3A_1624 = arith.constant 5 : i32
      %gather3A_1625 = arith.constant 0 : i32
      %gather3A_1626 = arith.constant 0 : i32
      %gather3A_1627 = tpu.memref_slice %arg10[%gather3A_1624, %gather3A_1625, %gather3A_1626] : memref<8x32x128xf32, #tpu.memory_space<vmem>> -> memref<1x32x128xf32, #tpu.memory_space<vmem>>
      %gather3A_1628 = tpu.memref_squeeze %gather3A_1627 : memref<1x32x128xf32, #tpu.memory_space<vmem>> -> memref<32x128xf32, #tpu.memory_space<vmem>>
      %gather3A_1629 = tpu.vector_load_idx %gather3A_1628[%iota3A, %gather3A_1580] : memref<32x128xf32, #tpu.memory_space<vmem>>[vector<16xi32>, vector<16xi32>], vector<16xf32>,
      %mul3A_1630 = arith.mulf %gather3A_1629, %get3A_3 : vector<16xf32>
      %gather3A_1631 = arith.constant 5 : i32
      %gather3A_1632 = arith.constant 0 : i32
      %gather3A_1633 = arith.constant 0 : i32
      %gather3A_1634 = tpu.memref_slice %arg10[%gather3A_1631, %gather3A_1632, %gather3A_1633] : memref<8x32x128xf32, #tpu.memory_space<vmem>> -> memref<1x32x128xf32, #tpu.memory_space<vmem>>
      %gather3A_1635 = tpu.memref_squeeze %gather3A_1634 : memref<1x32x128xf32, #tpu.memory_space<vmem>> -> memref<32x128xf32, #tpu.memory_space<vmem>>
      %gather3A_1636 = tpu.vector_load_idx %gather3A_1635[%add3A_14, %gather3A_1580] : memref<32x128xf32, #tpu.memory_space<vmem>>[vector<16xi32>, vector<16xi32>], vector<16xf32>,
      %mul3A_1637 = arith.mulf %gather3A_1636, %get3A_5 : vector<16xf32>
      %add3A_1638 = arith.addf %mul3A_1630, %mul3A_1637 : vector<16xf32>
      %gather3A_1639 = arith.constant 5 : i32
      %gather3A_1640 = arith.constant 0 : i32
      %gather3A_1641 = arith.constant 0 : i32
      %gather3A_1642 = tpu.memref_slice %arg11[%gather3A_1639, %gather3A_1640, %gather3A_1641] : memref<8x32x128xf32, #tpu.memory_space<vmem>> -> memref<1x32x128xf32, #tpu.memory_space<vmem>>
      %gather3A_1643 = tpu.memref_squeeze %gather3A_1642 : memref<1x32x128xf32, #tpu.memory_space<vmem>> -> memref<32x128xf32, #tpu.memory_space<vmem>>
      %gather3A_1644 = tpu.vector_load_idx %gather3A_1643[%iota3A, %gather3A_1623] : memref<32x128xf32, #tpu.memory_space<vmem>>[vector<16xi32>, vector<16xi32>], vector<16xf32>,
      %mul3A_1645 = arith.mulf %gather3A_1644, %get3A_7 : vector<16xf32>
      %add3A_1646 = arith.addf %add3A_1638, %mul3A_1645 : vector<16xf32>
      %gather3A_1647 = arith.constant 5 : i32
      %gather3A_1648 = arith.constant 0 : i32
      %gather3A_1649 = arith.constant 0 : i32
      %gather3A_1650 = tpu.memref_slice %arg11[%gather3A_1647, %gather3A_1648, %gather3A_1649] : memref<8x32x128xf32, #tpu.memory_space<vmem>> -> memref<1x32x128xf32, #tpu.memory_space<vmem>>
      %gather3A_1651 = tpu.memref_squeeze %gather3A_1650 : memref<1x32x128xf32, #tpu.memory_space<vmem>> -> memref<32x128xf32, #tpu.memory_space<vmem>>
      %gather3A_1652 = tpu.vector_load_idx %gather3A_1651[%add3A_14, %gather3A_1623] : memref<32x128xf32, #tpu.memory_space<vmem>>[vector<16xi32>, vector<16xi32>], vector<16xf32>,
      %mul3A_1653 = arith.mulf %gather3A_1652, %get3A_9 : vector<16xf32>
      %add3A_1654 = arith.addf %add3A_1646, %mul3A_1653 : vector<16xf32>
      %add3A_1655 = arith.addf %add3A_1654, %get3A_11 : vector<16xf32>
      %reduce_sum3A_1656 = arith.constant true
      %reduce_sum3A_1657 = vector.broadcast %reduce_sum3A_1656 : i1 to vector<16xi1>
      %reduce_sum3A_1658 = tpu.scan <sum>, %add3A_1655 masked %reduce_sum3A_1657 : vector<16xf32>, vector<16xi1> -> vector<16xf32>
      %reduce_sum3A_1659 = vector.extract %reduce_sum3A_1658[15] : f32 from vector<16xf32>
      %jit3A_1660 = arith.constant 16 : i32
      %div3A_1661 = arith.divsi %add3A_1507, %jit3A_1660 : i32
      %sign3A_1662 = arith.constant 0 : i32
      %sign3A_1663 = arith.cmpi sgt, %add3A_1507, %sign3A_1662 : i32
      %sign3A_1664 = arith.extui %sign3A_1663 : i1 to i32
      %sign3A_1665 = arith.constant 0 : i32
      %sign3A_1666 = arith.cmpi slt, %add3A_1507, %sign3A_1665 : i32
      %sign3A_1667 = arith.extui %sign3A_1666 : i1 to i32
      %sign3A_1668 = arith.subi %sign3A_1664, %sign3A_1667 : i32
      %sign3A_1669 = arith.constant 0 : i32
      %sign3A_1670 = arith.cmpi sgt, %jit3A_1660, %sign3A_1669 : i32
      %sign3A_1671 = arith.extui %sign3A_1670 : i1 to i32
      %sign3A_1672 = arith.constant 0 : i32
      %sign3A_1673 = arith.cmpi slt, %jit3A_1660, %sign3A_1672 : i32
      %sign3A_1674 = arith.extui %sign3A_1673 : i1 to i32
      %sign3A_1675 = arith.subi %sign3A_1671, %sign3A_1674 : i32
      %ne3A_1676 = arith.cmpi ne, %sign3A_1668, %sign3A_1675 : i32
      %rem3A_1677 = arith.remsi %add3A_1507, %jit3A_1660 : i32
      %ne3A_1678 = arith.constant 0 : i32
      %ne3A_1679 = arith.cmpi ne, %rem3A_1677, %ne3A_1678 : i32
      %and3A_1680 = arith.andi %ne3A_1676, %ne3A_1679 : i1
      %sub3A_1681 = arith.constant 1 : i32
      %sub3A_1682 = arith.subi %div3A_1661, %sub3A_1681 : i32
      %select_n3A_1683 = arith.select %and3A_1680, %sub3A_1682, %div3A_1661 : i32
      %mul3A_1684 = arith.constant 16 : i32
      %mul3A_1685 = arith.muli %select_n3A_1683, %mul3A_1684 : i32
      %sub3A_1686 = arith.subi %add3A_1507, %mul3A_1685 : i32
      %eq3A_1687 = vector.broadcast %sub3A_1686 : i32 to vector<16xi32>
      %eq3A_1688 = arith.cmpi eq, %iota3A, %eq3A_1687 : vector<16xi32>
      %broadcast_in_dim3A_1689 = vector.broadcast %reduce_sum3A_1659 : f32 to vector<16xf32>
      %select_n3A_1690 = arith.select %eq3A_1688, %broadcast_in_dim3A_1689, %select_n3A_1496 : vector<16xi1>, vector<16xf32>
      %add3A_1691 = arith.constant 8 : i32
      %add3A_1692 = arith.addi %add3A_1507, %add3A_1691 : i32
      %lt3A_1693 = arith.constant 512 : i32
      %lt3A_1694 = arith.cmpi slt, %add3A_1692, %lt3A_1693 : i32
      %convert_element_type3A_1695 = arith.extui %lt3A_1694 : i1 to i32
      %cond3A_1696 = arith.constant 0 : i32
      %cond3A_1697 = arith.cmpi ne, %convert_element_type3A_1695, %cond3A_1696 : i32
      scf.if %cond3A_1697 {
        %add3A_2093 = arith.constant 8 : i32
        %add3A_2094 = arith.addi %add3A_1507, %add3A_2093 : i32
        %jit3A_2095 = arith.constant 16 : i32
        %div3A_2096 = arith.divsi %add3A_2094, %jit3A_2095 : i32
        %sign3A_2097 = arith.constant 0 : i32
        %sign3A_2098 = arith.cmpi sgt, %add3A_2094, %sign3A_2097 : i32
        %sign3A_2099 = arith.extui %sign3A_2098 : i1 to i32
        %sign3A_2100 = arith.constant 0 : i32
        %sign3A_2101 = arith.cmpi slt, %add3A_2094, %sign3A_2100 : i32
        %sign3A_2102 = arith.extui %sign3A_2101 : i1 to i32
        %sign3A_2103 = arith.subi %sign3A_2099, %sign3A_2102 : i32
        %sign3A_2104 = arith.constant 0 : i32
        %sign3A_2105 = arith.cmpi sgt, %jit3A_2095, %sign3A_2104 : i32
        %sign3A_2106 = arith.extui %sign3A_2105 : i1 to i32
        %sign3A_2107 = arith.constant 0 : i32
        %sign3A_2108 = arith.cmpi slt, %jit3A_2095, %sign3A_2107 : i32
        %sign3A_2109 = arith.extui %sign3A_2108 : i1 to i32
        %sign3A_2110 = arith.subi %sign3A_2106, %sign3A_2109 : i32
        %ne3A_2111 = arith.cmpi ne, %sign3A_2103, %sign3A_2110 : i32
        %rem3A_2112 = arith.remsi %add3A_2094, %jit3A_2095 : i32
        %ne3A_2113 = arith.constant 0 : i32
        %ne3A_2114 = arith.cmpi ne, %rem3A_2112, %ne3A_2113 : i32
        %and3A_2115 = arith.andi %ne3A_2111, %ne3A_2114 : i1
        %sub3A_2116 = arith.constant 1 : i32
        %sub3A_2117 = arith.subi %div3A_2096, %sub3A_2116 : i32
        %select_n3A_2118 = arith.select %and3A_2115, %sub3A_2117, %div3A_2096 : i32
        %mul3A_2119 = arith.constant 16 : i32
        %mul3A_2120 = arith.muli %select_n3A_2118, %mul3A_2119 : i32
        %sub3A_2121 = arith.subi %add3A_2094, %mul3A_2120 : i32
        %get3A_2122 = arith.index_cast %mul3A_2120 : i32 to index
        %get3A_2123 = tpu.vector_load %arg8[%get3A_2122] {strides = array<i32>} : memref<512xi32, #tpu.memory_space<vmem>>, vector<16xi32>,
        %eq3A_2124 = vector.broadcast %sub3A_2121 : i32 to vector<16xi32>
        %eq3A_2125 = arith.cmpi eq, %iota3A, %eq3A_2124 : vector<16xi32>
        %shift_right_logical3A_2126 = arith.constant 7 : i32
        %shift_right_logical3A_2127 = vector.broadcast %shift_right_logical3A_2126 : i32 to vector<16xi32>
        %shift_right_logical3A_2128 = arith.shrui %get3A_2123, %shift_right_logical3A_2127 : vector<16xi32>
        %select_n3A_2129 = arith.select %eq3A_2125, %shift_right_logical3A_2128, %broadcast_in_dim3A_15 : vector<16xi1>, vector<16xi32>
        %reduce_max3A_2130 = arith.constant true
        %reduce_max3A_2131 = vector.broadcast %reduce_max3A_2130 : i1 to vector<16xi1>
        %reduce_max3A_2132 = arith.constant -2147483648 : i32
        %reduce_max3A_2133 = vector.broadcast %reduce_max3A_2132 : i32 to vector<16xi32>
        %reduce_max3A_2134 = arith.xori %select_n3A_2129, %reduce_max3A_2133 : vector<16xi32>
        %reduce_max3A_2135 = tpu.scan <max>, %reduce_max3A_2134 masked %reduce_max3A_2131 : vector<16xi32>, vector<16xi1> -> vector<16xi32>
        %reduce_max3A_2136 = arith.xori %reduce_max3A_2135, %reduce_max3A_2133 : vector<16xi32>
        %reduce_max3A_2137 = vector.extract %reduce_max3A_2136[15] : i32 from vector<16xi32>
        %mul3A_2138 = arith.constant 128 : i32
        %mul3A_2139 = arith.muli %reduce_max3A_2137, %mul3A_2138 : i32
        %multiple_of3A_2140 = tpu.assume_multiple %mul3A_2139, 128 : i32
        %dma_start3A_2141 = arith.constant 5 : i32
        %dma_start3A_2142 = arith.constant 0 : i32
        %dma_start3A_2143 = arith.constant 0 : i32
        %dma_start3A_2144 = tpu.memref_slice %arg10[%dma_start3A_2141, %dma_start3A_2142, %dma_start3A_2143] : memref<8x32x128xf32, #tpu.memory_space<vmem>> -> memref<1x32x128xf32, #tpu.memory_space<vmem>>
        %dma_start3A_2145 = tpu.memref_squeeze %dma_start3A_2144 : memref<1x32x128xf32, #tpu.memory_space<vmem>> -> memref<32x128xf32, #tpu.memory_space<vmem>>
        %dma_start3A_2146 = arith.constant 0 : i32
        %dma_start3A_2147 = tpu.memref_slice %arg4[%dma_start3A_2146, %multiple_of3A_2140] : memref<32x1000000xf32, #tpu.memory_space<hbm>> -> memref<32x128xf32, #tpu.memory_space<hbm>>
        %dma_start3A_2148 = arith.constant 0 : i32
        %dma_start3A_2149 = arith.constant 0 : i32
        %dma_start3A_2150 = tpu.memref_slice %arg10[%dma_start3A_2141, %dma_start3A_2148, %dma_start3A_2149] : memref<8x32x128xf32, #tpu.memory_space<vmem>> -> memref<1x32x128xf32, #tpu.memory_space<vmem>>
        %dma_start3A_2151 = tpu.memref_squeeze %dma_start3A_2150 : memref<1x32x128xf32, #tpu.memory_space<vmem>> -> memref<32x128xf32, #tpu.memory_space<vmem>>
        %dma_start3A_2152 = arith.constant 0 : i32
        %dma_start3A_2153 = tpu.memref_slice %arg4[%dma_start3A_2152, %multiple_of3A_2140] : memref<32x1000000xf32, #tpu.memory_space<hbm>> -> memref<32x128xf32, #tpu.memory_space<hbm>>
        tpu.enqueue_dma source(%dma_start3A_2153 : memref<32x128xf32, #tpu.memory_space<hbm>>) target(%dma_start3A_2151 : memref<32x128xf32, #tpu.memory_space<vmem>>) target_semaphore(%arg19 : memref<!tpu.dma_semaphore, #tpu.memory_space<semaphore_mem>>)
        %jit3A_2154 = arith.constant 16 : i32
        %div3A_2155 = arith.divsi %add3A_2094, %jit3A_2154 : i32
        %sign3A_2156 = arith.constant 0 : i32
        %sign3A_2157 = arith.cmpi sgt, %add3A_2094, %sign3A_2156 : i32
        %sign3A_2158 = arith.extui %sign3A_2157 : i1 to i32
        %sign3A_2159 = arith.constant 0 : i32
        %sign3A_2160 = arith.cmpi slt, %add3A_2094, %sign3A_2159 : i32
        %sign3A_2161 = arith.extui %sign3A_2160 : i1 to i32
        %sign3A_2162 = arith.subi %sign3A_2158, %sign3A_2161 : i32
        %sign3A_2163 = arith.constant 0 : i32
        %sign3A_2164 = arith.cmpi sgt, %jit3A_2154, %sign3A_2163 : i32
        %sign3A_2165 = arith.extui %sign3A_2164 : i1 to i32
        %sign3A_2166 = arith.constant 0 : i32
        %sign3A_2167 = arith.cmpi slt, %jit3A_2154, %sign3A_2166 : i32
        %sign3A_2168 = arith.extui %sign3A_2167 : i1 to i32
        %sign3A_2169 = arith.subi %sign3A_2165, %sign3A_2168 : i32
        %ne3A_2170 = arith.cmpi ne, %sign3A_2162, %sign3A_2169 : i32
        %rem3A_2171 = arith.remsi %add3A_2094, %jit3A_2154 : i32
        %ne3A_2172 = arith.constant 0 : i32
        %ne3A_2173 = arith.cmpi ne, %rem3A_2171, %ne3A_2172 : i32
        %and3A_2174 = arith.andi %ne3A_2170, %ne3A_2173 : i1
        %sub3A_2175 = arith.constant 1 : i32
        %sub3A_2176 = arith.subi %div3A_2155, %sub3A_2175 : i32
        %select_n3A_2177 = arith.select %and3A_2174, %sub3A_2176, %div3A_2155 : i32
        %mul3A_2178 = arith.constant 16 : i32
        %mul3A_2179 = arith.muli %select_n3A_2177, %mul3A_2178 : i32
        %sub3A_2180 = arith.subi %add3A_2094, %mul3A_2179 : i32
        %get3A_2181 = arith.index_cast %mul3A_2179 : i32 to index
        %get3A_2182 = tpu.vector_load %arg9[%get3A_2181] {strides = array<i32>} : memref<512xi32, #tpu.memory_space<vmem>>, vector<16xi32>,
        %eq3A_2183 = vector.broadcast %sub3A_2180 : i32 to vector<16xi32>
        %eq3A_2184 = arith.cmpi eq, %iota3A, %eq3A_2183 : vector<16xi32>
        %shift_right_logical3A_2185 = arith.constant 7 : i32
        %shift_right_logical3A_2186 = vector.broadcast %shift_right_logical3A_2185 : i32 to vector<16xi32>
        %shift_right_logical3A_2187 = arith.shrui %get3A_2182, %shift_right_logical3A_2186 : vector<16xi32>
        %select_n3A_2188 = arith.select %eq3A_2184, %shift_right_logical3A_2187, %broadcast_in_dim3A_15 : vector<16xi1>, vector<16xi32>
        %reduce_max3A_2189 = arith.constant true
        %reduce_max3A_2190 = vector.broadcast %reduce_max3A_2189 : i1 to vector<16xi1>
        %reduce_max3A_2191 = arith.constant -2147483648 : i32
        %reduce_max3A_2192 = vector.broadcast %reduce_max3A_2191 : i32 to vector<16xi32>
        %reduce_max3A_2193 = arith.xori %select_n3A_2188, %reduce_max3A_2192 : vector<16xi32>
        %reduce_max3A_2194 = tpu.scan <max>, %reduce_max3A_2193 masked %reduce_max3A_2190 : vector<16xi32>, vector<16xi1> -> vector<16xi32>
        %reduce_max3A_2195 = arith.xori %reduce_max3A_2194, %reduce_max3A_2192 : vector<16xi32>
        %reduce_max3A_2196 = vector.extract %reduce_max3A_2195[15] : i32 from vector<16xi32>
        %mul3A_2197 = arith.constant 128 : i32
        %mul3A_2198 = arith.muli %reduce_max3A_2196, %mul3A_2197 : i32
        %multiple_of3A_2199 = tpu.assume_multiple %mul3A_2198, 128 : i32
        %dma_start3A_2200 = arith.constant 5 : i32
        %dma_start3A_2201 = arith.constant 0 : i32
        %dma_start3A_2202 = arith.constant 0 : i32
        %dma_start3A_2203 = tpu.memref_slice %arg11[%dma_start3A_2200, %dma_start3A_2201, %dma_start3A_2202] : memref<8x32x128xf32, #tpu.memory_space<vmem>> -> memref<1x32x128xf32, #tpu.memory_space<vmem>>
        %dma_start3A_2204 = tpu.memref_squeeze %dma_start3A_2203 : memref<1x32x128xf32, #tpu.memory_space<vmem>> -> memref<32x128xf32, #tpu.memory_space<vmem>>
        %dma_start3A_2205 = arith.constant 0 : i32
        %dma_start3A_2206 = tpu.memref_slice %arg5[%dma_start3A_2205, %multiple_of3A_2199] : memref<32x1000000xf32, #tpu.memory_space<hbm>> -> memref<32x128xf32, #tpu.memory_space<hbm>>
        %dma_start3A_2207 = arith.constant 0 : i32
        %dma_start3A_2208 = arith.constant 0 : i32
        %dma_start3A_2209 = tpu.memref_slice %arg11[%dma_start3A_2200, %dma_start3A_2207, %dma_start3A_2208] : memref<8x32x128xf32, #tpu.memory_space<vmem>> -> memref<1x32x128xf32, #tpu.memory_space<vmem>>
        %dma_start3A_2210 = tpu.memref_squeeze %dma_start3A_2209 : memref<1x32x128xf32, #tpu.memory_space<vmem>> -> memref<32x128xf32, #tpu.memory_space<vmem>>
        %dma_start3A_2211 = arith.constant 0 : i32
        %dma_start3A_2212 = tpu.memref_slice %arg5[%dma_start3A_2211, %multiple_of3A_2199] : memref<32x1000000xf32, #tpu.memory_space<hbm>> -> memref<32x128xf32, #tpu.memory_space<hbm>>
        tpu.enqueue_dma source(%dma_start3A_2212 : memref<32x128xf32, #tpu.memory_space<hbm>>) target(%dma_start3A_2210 : memref<32x128xf32, #tpu.memory_space<vmem>>) target_semaphore(%arg27 : memref<!tpu.dma_semaphore, #tpu.memory_space<semaphore_mem>>)
      } else {
      }
      %mul3A_1698 = arith.constant 8 : i32
      %mul3A_1699 = arith.muli %scan3A_545, %mul3A_1698 : i32
      %add3A_1700 = arith.constant 6 : i32
      %add3A_1701 = arith.addi %mul3A_1699, %add3A_1700 : i32
      %dma_wait3A_1702 = arith.constant 6 : i32
      %dma_wait3A_1703 = arith.constant 0 : i32
      %dma_wait3A_1704 = arith.constant 0 : i32
      %dma_wait3A_1705 = tpu.memref_slice %arg10[%dma_wait3A_1702, %dma_wait3A_1703, %dma_wait3A_1704] : memref<8x32x128xf32, #tpu.memory_space<vmem>> -> memref<1x32x128xf32, #tpu.memory_space<vmem>>
      %dma_wait3A_1706 = tpu.memref_squeeze %dma_wait3A_1705 : memref<1x32x128xf32, #tpu.memory_space<vmem>> -> memref<32x128xf32, #tpu.memory_space<vmem>>
      %dma_wait3A_1707 = arith.constant 0 : i32
      %dma_wait3A_1708 = arith.constant 0 : i32
      %dma_wait3A_1709 = tpu.memref_slice %arg4[%dma_wait3A_1707, %dma_wait3A_1708] : memref<32x1000000xf32, #tpu.memory_space<hbm>> -> memref<32x128xf32, #tpu.memory_space<hbm>>
      %dma_wait3A_1710 = arith.constant 0 : i32
      %dma_wait3A_1711 = arith.constant 0 : i32
      %dma_wait3A_1712 = tpu.memref_slice %arg10[%dma_wait3A_1702, %dma_wait3A_1710, %dma_wait3A_1711] : memref<8x32x128xf32, #tpu.memory_space<vmem>> -> memref<1x32x128xf32, #tpu.memory_space<vmem>>
      %dma_wait3A_1713 = tpu.memref_squeeze %dma_wait3A_1712 : memref<1x32x128xf32, #tpu.memory_space<vmem>> -> memref<32x128xf32, #tpu.memory_space<vmem>>
      %dma_wait3A_1714 = arith.constant 0 : i32
      %dma_wait3A_1715 = arith.constant 0 : i32
      %dma_wait3A_1716 = tpu.memref_slice %arg4[%dma_wait3A_1714, %dma_wait3A_1715] : memref<32x1000000xf32, #tpu.memory_space<hbm>> -> memref<32x128xf32, #tpu.memory_space<hbm>>
      tpu.wait_dma2 semaphore(%arg20 : memref<!tpu.dma_semaphore, #tpu.memory_space<semaphore_mem>>) src(%dma_wait3A_1716 : memref<32x128xf32, #tpu.memory_space<hbm>>) dst(%dma_wait3A_1713 : memref<32x128xf32, #tpu.memory_space<vmem>>)
      %dma_wait3A_1717 = arith.constant 6 : i32
      %dma_wait3A_1718 = arith.constant 0 : i32
      %dma_wait3A_1719 = arith.constant 0 : i32
      %dma_wait3A_1720 = tpu.memref_slice %arg11[%dma_wait3A_1717, %dma_wait3A_1718, %dma_wait3A_1719] : memref<8x32x128xf32, #tpu.memory_space<vmem>> -> memref<1x32x128xf32, #tpu.memory_space<vmem>>
      %dma_wait3A_1721 = tpu.memref_squeeze %dma_wait3A_1720 : memref<1x32x128xf32, #tpu.memory_space<vmem>> -> memref<32x128xf32, #tpu.memory_space<vmem>>
      %dma_wait3A_1722 = arith.constant 0 : i32
      %dma_wait3A_1723 = arith.constant 0 : i32
      %dma_wait3A_1724 = tpu.memref_slice %arg5[%dma_wait3A_1722, %dma_wait3A_1723] : memref<32x1000000xf32, #tpu.memory_space<hbm>> -> memref<32x128xf32, #tpu.memory_space<hbm>>
      %dma_wait3A_1725 = arith.constant 0 : i32
      %dma_wait3A_1726 = arith.constant 0 : i32
      %dma_wait3A_1727 = tpu.memref_slice %arg11[%dma_wait3A_1717, %dma_wait3A_1725, %dma_wait3A_1726] : memref<8x32x128xf32, #tpu.memory_space<vmem>> -> memref<1x32x128xf32, #tpu.memory_space<vmem>>
      %dma_wait3A_1728 = tpu.memref_squeeze %dma_wait3A_1727 : memref<1x32x128xf32, #tpu.memory_space<vmem>> -> memref<32x128xf32, #tpu.memory_space<vmem>>
      %dma_wait3A_1729 = arith.constant 0 : i32
      %dma_wait3A_1730 = arith.constant 0 : i32
      %dma_wait3A_1731 = tpu.memref_slice %arg5[%dma_wait3A_1729, %dma_wait3A_1730] : memref<32x1000000xf32, #tpu.memory_space<hbm>> -> memref<32x128xf32, #tpu.memory_space<hbm>>
      tpu.wait_dma2 semaphore(%arg28 : memref<!tpu.dma_semaphore, #tpu.memory_space<semaphore_mem>>) src(%dma_wait3A_1731 : memref<32x128xf32, #tpu.memory_space<hbm>>) dst(%dma_wait3A_1728 : memref<32x128xf32, #tpu.memory_space<vmem>>)
      %jit3A_1732 = arith.constant 16 : i32
      %div3A_1733 = arith.divsi %add3A_1701, %jit3A_1732 : i32
      %sign3A_1734 = arith.constant 0 : i32
      %sign3A_1735 = arith.cmpi sgt, %add3A_1701, %sign3A_1734 : i32
      %sign3A_1736 = arith.extui %sign3A_1735 : i1 to i32
      %sign3A_1737 = arith.constant 0 : i32
      %sign3A_1738 = arith.cmpi slt, %add3A_1701, %sign3A_1737 : i32
      %sign3A_1739 = arith.extui %sign3A_1738 : i1 to i32
      %sign3A_1740 = arith.subi %sign3A_1736, %sign3A_1739 : i32
      %sign3A_1741 = arith.constant 0 : i32
      %sign3A_1742 = arith.cmpi sgt, %jit3A_1732, %sign3A_1741 : i32
      %sign3A_1743 = arith.extui %sign3A_1742 : i1 to i32
      %sign3A_1744 = arith.constant 0 : i32
      %sign3A_1745 = arith.cmpi slt, %jit3A_1732, %sign3A_1744 : i32
      %sign3A_1746 = arith.extui %sign3A_1745 : i1 to i32
      %sign3A_1747 = arith.subi %sign3A_1743, %sign3A_1746 : i32
      %ne3A_1748 = arith.cmpi ne, %sign3A_1740, %sign3A_1747 : i32
      %rem3A_1749 = arith.remsi %add3A_1701, %jit3A_1732 : i32
      %ne3A_1750 = arith.constant 0 : i32
      %ne3A_1751 = arith.cmpi ne, %rem3A_1749, %ne3A_1750 : i32
      %and3A_1752 = arith.andi %ne3A_1748, %ne3A_1751 : i1
      %sub3A_1753 = arith.constant 1 : i32
      %sub3A_1754 = arith.subi %div3A_1733, %sub3A_1753 : i32
      %select_n3A_1755 = arith.select %and3A_1752, %sub3A_1754, %div3A_1733 : i32
      %mul3A_1756 = arith.constant 16 : i32
      %mul3A_1757 = arith.muli %select_n3A_1755, %mul3A_1756 : i32
      %sub3A_1758 = arith.subi %add3A_1701, %mul3A_1757 : i32
      %get3A_1759 = arith.index_cast %mul3A_1757 : i32 to index
      %get3A_1760 = tpu.vector_load %arg8[%get3A_1759] {strides = array<i32>} : memref<512xi32, #tpu.memory_space<vmem>>, vector<16xi32>,
      %and3A_1761 = arith.constant 127 : i32
      %and3A_1762 = vector.broadcast %and3A_1761 : i32 to vector<16xi32>
      %and3A_1763 = arith.andi %get3A_1760, %and3A_1762 : vector<16xi32>
      %broadcast_in_dim3A_1764 = vector.broadcast %sub3A_1758 : i32 to vector<16xi32>
      %lt3A_1765 = arith.constant 0 : i32
      %lt3A_1766 = vector.broadcast %lt3A_1765 : i32 to vector<16xi32>
      %lt3A_1767 = arith.cmpi slt, %broadcast_in_dim3A_1764, %lt3A_1766 : vector<16xi32>
      %add3A_1768 = arith.constant 16 : i32
      %add3A_1769 = vector.broadcast %add3A_1768 : i32 to vector<16xi32>
      %add3A_1770 = arith.addi %broadcast_in_dim3A_1764, %add3A_1769 : vector<16xi32>
      %select_n3A_1771 = arith.select %lt3A_1767, %add3A_1770, %broadcast_in_dim3A_1764 : vector<16xi1>, vector<16xi32>
      %broadcast_in_dim3A_1772 = vector.shape_cast %select_n3A_1771 : vector<16xi32> to vector<16x1xi32>
      %gather3A_1773 = vector.shape_cast %broadcast_in_dim3A_1772 : vector<16x1xi32> to vector<16xi32>
      %gather3A_1774 = tpu.dynamic_gather %and3A_1763[%gather3A_1773] in [0] : vector<16xi32>, vector<16xi32> -> vector<16xi32>
      %jit3A_1775 = arith.constant 16 : i32
      %div3A_1776 = arith.divsi %add3A_1701, %jit3A_1775 : i32
      %sign3A_1777 = arith.constant 0 : i32
      %sign3A_1778 = arith.cmpi sgt, %add3A_1701, %sign3A_1777 : i32
      %sign3A_1779 = arith.extui %sign3A_1778 : i1 to i32
      %sign3A_1780 = arith.constant 0 : i32
      %sign3A_1781 = arith.cmpi slt, %add3A_1701, %sign3A_1780 : i32
      %sign3A_1782 = arith.extui %sign3A_1781 : i1 to i32
      %sign3A_1783 = arith.subi %sign3A_1779, %sign3A_1782 : i32
      %sign3A_1784 = arith.constant 0 : i32
      %sign3A_1785 = arith.cmpi sgt, %jit3A_1775, %sign3A_1784 : i32
      %sign3A_1786 = arith.extui %sign3A_1785 : i1 to i32
      %sign3A_1787 = arith.constant 0 : i32
      %sign3A_1788 = arith.cmpi slt, %jit3A_1775, %sign3A_1787 : i32
      %sign3A_1789 = arith.extui %sign3A_1788 : i1 to i32
      %sign3A_1790 = arith.subi %sign3A_1786, %sign3A_1789 : i32
      %ne3A_1791 = arith.cmpi ne, %sign3A_1783, %sign3A_1790 : i32
      %rem3A_1792 = arith.remsi %add3A_1701, %jit3A_1775 : i32
      %ne3A_1793 = arith.constant 0 : i32
      %ne3A_1794 = arith.cmpi ne, %rem3A_1792, %ne3A_1793 : i32
      %and3A_1795 = arith.andi %ne3A_1791, %ne3A_1794 : i1
      %sub3A_1796 = arith.constant 1 : i32
      %sub3A_1797 = arith.subi %div3A_1776, %sub3A_1796 : i32
      %select_n3A_1798 = arith.select %and3A_1795, %sub3A_1797, %div3A_1776 : i32
      %mul3A_1799 = arith.constant 16 : i32
      %mul3A_1800 = arith.muli %select_n3A_1798, %mul3A_1799 : i32
      %sub3A_1801 = arith.subi %add3A_1701, %mul3A_1800 : i32
      %get3A_1802 = arith.index_cast %mul3A_1800 : i32 to index
      %get3A_1803 = tpu.vector_load %arg9[%get3A_1802] {strides = array<i32>} : memref<512xi32, #tpu.memory_space<vmem>>, vector<16xi32>,
      %and3A_1804 = arith.constant 127 : i32
      %and3A_1805 = vector.broadcast %and3A_1804 : i32 to vector<16xi32>
      %and3A_1806 = arith.andi %get3A_1803, %and3A_1805 : vector<16xi32>
      %broadcast_in_dim3A_1807 = vector.broadcast %sub3A_1801 : i32 to vector<16xi32>
      %lt3A_1808 = arith.constant 0 : i32
      %lt3A_1809 = vector.broadcast %lt3A_1808 : i32 to vector<16xi32>
      %lt3A_1810 = arith.cmpi slt, %broadcast_in_dim3A_1807, %lt3A_1809 : vector<16xi32>
      %add3A_1811 = arith.constant 16 : i32
      %add3A_1812 = vector.broadcast %add3A_1811 : i32 to vector<16xi32>
      %add3A_1813 = arith.addi %broadcast_in_dim3A_1807, %add3A_1812 : vector<16xi32>
      %select_n3A_1814 = arith.select %lt3A_1810, %add3A_1813, %broadcast_in_dim3A_1807 : vector<16xi1>, vector<16xi32>
      %broadcast_in_dim3A_1815 = vector.shape_cast %select_n3A_1814 : vector<16xi32> to vector<16x1xi32>
      %gather3A_1816 = vector.shape_cast %broadcast_in_dim3A_1815 : vector<16x1xi32> to vector<16xi32>
      %gather3A_1817 = tpu.dynamic_gather %and3A_1806[%gather3A_1816] in [0] : vector<16xi32>, vector<16xi32> -> vector<16xi32>
      %gather3A_1818 = arith.constant 6 : i32
      %gather3A_1819 = arith.constant 0 : i32
      %gather3A_1820 = arith.constant 0 : i32
      %gather3A_1821 = tpu.memref_slice %arg10[%gather3A_1818, %gather3A_1819, %gather3A_1820] : memref<8x32x128xf32, #tpu.memory_space<vmem>> -> memref<1x32x128xf32, #tpu.memory_space<vmem>>
      %gather3A_1822 = tpu.memref_squeeze %gather3A_1821 : memref<1x32x128xf32, #tpu.memory_space<vmem>> -> memref<32x128xf32, #tpu.memory_space<vmem>>
      %gather3A_1823 = tpu.vector_load_idx %gather3A_1822[%iota3A, %gather3A_1774] : memref<32x128xf32, #tpu.memory_space<vmem>>[vector<16xi32>, vector<16xi32>], vector<16xf32>,
      %mul3A_1824 = arith.mulf %gather3A_1823, %get3A_3 : vector<16xf32>
      %gather3A_1825 = arith.constant 6 : i32
      %gather3A_1826 = arith.constant 0 : i32
      %gather3A_1827 = arith.constant 0 : i32
      %gather3A_1828 = tpu.memref_slice %arg10[%gather3A_1825, %gather3A_1826, %gather3A_1827] : memref<8x32x128xf32, #tpu.memory_space<vmem>> -> memref<1x32x128xf32, #tpu.memory_space<vmem>>
      %gather3A_1829 = tpu.memref_squeeze %gather3A_1828 : memref<1x32x128xf32, #tpu.memory_space<vmem>> -> memref<32x128xf32, #tpu.memory_space<vmem>>
      %gather3A_1830 = tpu.vector_load_idx %gather3A_1829[%add3A_14, %gather3A_1774] : memref<32x128xf32, #tpu.memory_space<vmem>>[vector<16xi32>, vector<16xi32>], vector<16xf32>,
      %mul3A_1831 = arith.mulf %gather3A_1830, %get3A_5 : vector<16xf32>
      %add3A_1832 = arith.addf %mul3A_1824, %mul3A_1831 : vector<16xf32>
      %gather3A_1833 = arith.constant 6 : i32
      %gather3A_1834 = arith.constant 0 : i32
      %gather3A_1835 = arith.constant 0 : i32
      %gather3A_1836 = tpu.memref_slice %arg11[%gather3A_1833, %gather3A_1834, %gather3A_1835] : memref<8x32x128xf32, #tpu.memory_space<vmem>> -> memref<1x32x128xf32, #tpu.memory_space<vmem>>
      %gather3A_1837 = tpu.memref_squeeze %gather3A_1836 : memref<1x32x128xf32, #tpu.memory_space<vmem>> -> memref<32x128xf32, #tpu.memory_space<vmem>>
      %gather3A_1838 = tpu.vector_load_idx %gather3A_1837[%iota3A, %gather3A_1817] : memref<32x128xf32, #tpu.memory_space<vmem>>[vector<16xi32>, vector<16xi32>], vector<16xf32>,
      %mul3A_1839 = arith.mulf %gather3A_1838, %get3A_7 : vector<16xf32>
      %add3A_1840 = arith.addf %add3A_1832, %mul3A_1839 : vector<16xf32>
      %gather3A_1841 = arith.constant 6 : i32
      %gather3A_1842 = arith.constant 0 : i32
      %gather3A_1843 = arith.constant 0 : i32
      %gather3A_1844 = tpu.memref_slice %arg11[%gather3A_1841, %gather3A_1842, %gather3A_1843] : memref<8x32x128xf32, #tpu.memory_space<vmem>> -> memref<1x32x128xf32, #tpu.memory_space<vmem>>
      %gather3A_1845 = tpu.memref_squeeze %gather3A_1844 : memref<1x32x128xf32, #tpu.memory_space<vmem>> -> memref<32x128xf32, #tpu.memory_space<vmem>>
      %gather3A_1846 = tpu.vector_load_idx %gather3A_1845[%add3A_14, %gather3A_1817] : memref<32x128xf32, #tpu.memory_space<vmem>>[vector<16xi32>, vector<16xi32>], vector<16xf32>,
      %mul3A_1847 = arith.mulf %gather3A_1846, %get3A_9 : vector<16xf32>
      %add3A_1848 = arith.addf %add3A_1840, %mul3A_1847 : vector<16xf32>
      %add3A_1849 = arith.addf %add3A_1848, %get3A_11 : vector<16xf32>
      %reduce_sum3A_1850 = arith.constant true
      %reduce_sum3A_1851 = vector.broadcast %reduce_sum3A_1850 : i1 to vector<16xi1>
      %reduce_sum3A_1852 = tpu.scan <sum>, %add3A_1849 masked %reduce_sum3A_1851 : vector<16xf32>, vector<16xi1> -> vector<16xf32>
      %reduce_sum3A_1853 = vector.extract %reduce_sum3A_1852[15] : f32 from vector<16xf32>
      %jit3A_1854 = arith.constant 16 : i32
      %div3A_1855 = arith.divsi %add3A_1701, %jit3A_1854 : i32
      %sign3A_1856 = arith.constant 0 : i32
      %sign3A_1857 = arith.cmpi sgt, %add3A_1701, %sign3A_1856 : i32
      %sign3A_1858 = arith.extui %sign3A_1857 : i1 to i32
      %sign3A_1859 = arith.constant 0 : i32
      %sign3A_1860 = arith.cmpi slt, %add3A_1701, %sign3A_1859 : i32
      %sign3A_1861 = arith.extui %sign3A_1860 : i1 to i32
      %sign3A_1862 = arith.subi %sign3A_1858, %sign3A_1861 : i32
      %sign3A_1863 = arith.constant 0 : i32
      %sign3A_1864 = arith.cmpi sgt, %jit3A_1854, %sign3A_1863 : i32
      %sign3A_1865 = arith.extui %sign3A_1864 : i1 to i32
      %sign3A_1866 = arith.constant 0 : i32
      %sign3A_1867 = arith.cmpi slt, %jit3A_1854, %sign3A_1866 : i32
      %sign3A_1868 = arith.extui %sign3A_1867 : i1 to i32
      %sign3A_1869 = arith.subi %sign3A_1865, %sign3A_1868 : i32
      %ne3A_1870 = arith.cmpi ne, %sign3A_1862, %sign3A_1869 : i32
      %rem3A_1871 = arith.remsi %add3A_1701, %jit3A_1854 : i32
      %ne3A_1872 = arith.constant 0 : i32
      %ne3A_1873 = arith.cmpi ne, %rem3A_1871, %ne3A_1872 : i32
      %and3A_1874 = arith.andi %ne3A_1870, %ne3A_1873 : i1
      %sub3A_1875 = arith.constant 1 : i32
      %sub3A_1876 = arith.subi %div3A_1855, %sub3A_1875 : i32
      %select_n3A_1877 = arith.select %and3A_1874, %sub3A_1876, %div3A_1855 : i32
      %mul3A_1878 = arith.constant 16 : i32
      %mul3A_1879 = arith.muli %select_n3A_1877, %mul3A_1878 : i32
      %sub3A_1880 = arith.subi %add3A_1701, %mul3A_1879 : i32
      %eq3A_1881 = vector.broadcast %sub3A_1880 : i32 to vector<16xi32>
      %eq3A_1882 = arith.cmpi eq, %iota3A, %eq3A_1881 : vector<16xi32>
      %broadcast_in_dim3A_1883 = vector.broadcast %reduce_sum3A_1853 : f32 to vector<16xf32>
      %select_n3A_1884 = arith.select %eq3A_1882, %broadcast_in_dim3A_1883, %select_n3A_1690 : vector<16xi1>, vector<16xf32>
      %add3A_1885 = arith.constant 8 : i32
      %add3A_1886 = arith.addi %add3A_1701, %add3A_1885 : i32
      %lt3A_1887 = arith.constant 512 : i32
      %lt3A_1888 = arith.cmpi slt, %add3A_1886, %lt3A_1887 : i32
      %convert_element_type3A_1889 = arith.extui %lt3A_1888 : i1 to i32
      %cond3A_1890 = arith.constant 0 : i32
      %cond3A_1891 = arith.cmpi ne, %convert_element_type3A_1889, %cond3A_1890 : i32
      scf.if %cond3A_1891 {
        %add3A_2093 = arith.constant 8 : i32
        %add3A_2094 = arith.addi %add3A_1701, %add3A_2093 : i32
        %jit3A_2095 = arith.constant 16 : i32
        %div3A_2096 = arith.divsi %add3A_2094, %jit3A_2095 : i32
        %sign3A_2097 = arith.constant 0 : i32
        %sign3A_2098 = arith.cmpi sgt, %add3A_2094, %sign3A_2097 : i32
        %sign3A_2099 = arith.extui %sign3A_2098 : i1 to i32
        %sign3A_2100 = arith.constant 0 : i32
        %sign3A_2101 = arith.cmpi slt, %add3A_2094, %sign3A_2100 : i32
        %sign3A_2102 = arith.extui %sign3A_2101 : i1 to i32
        %sign3A_2103 = arith.subi %sign3A_2099, %sign3A_2102 : i32
        %sign3A_2104 = arith.constant 0 : i32
        %sign3A_2105 = arith.cmpi sgt, %jit3A_2095, %sign3A_2104 : i32
        %sign3A_2106 = arith.extui %sign3A_2105 : i1 to i32
        %sign3A_2107 = arith.constant 0 : i32
        %sign3A_2108 = arith.cmpi slt, %jit3A_2095, %sign3A_2107 : i32
        %sign3A_2109 = arith.extui %sign3A_2108 : i1 to i32
        %sign3A_2110 = arith.subi %sign3A_2106, %sign3A_2109 : i32
        %ne3A_2111 = arith.cmpi ne, %sign3A_2103, %sign3A_2110 : i32
        %rem3A_2112 = arith.remsi %add3A_2094, %jit3A_2095 : i32
        %ne3A_2113 = arith.constant 0 : i32
        %ne3A_2114 = arith.cmpi ne, %rem3A_2112, %ne3A_2113 : i32
        %and3A_2115 = arith.andi %ne3A_2111, %ne3A_2114 : i1
        %sub3A_2116 = arith.constant 1 : i32
        %sub3A_2117 = arith.subi %div3A_2096, %sub3A_2116 : i32
        %select_n3A_2118 = arith.select %and3A_2115, %sub3A_2117, %div3A_2096 : i32
        %mul3A_2119 = arith.constant 16 : i32
        %mul3A_2120 = arith.muli %select_n3A_2118, %mul3A_2119 : i32
        %sub3A_2121 = arith.subi %add3A_2094, %mul3A_2120 : i32
        %get3A_2122 = arith.index_cast %mul3A_2120 : i32 to index
        %get3A_2123 = tpu.vector_load %arg8[%get3A_2122] {strides = array<i32>} : memref<512xi32, #tpu.memory_space<vmem>>, vector<16xi32>,
        %eq3A_2124 = vector.broadcast %sub3A_2121 : i32 to vector<16xi32>
        %eq3A_2125 = arith.cmpi eq, %iota3A, %eq3A_2124 : vector<16xi32>
        %shift_right_logical3A_2126 = arith.constant 7 : i32
        %shift_right_logical3A_2127 = vector.broadcast %shift_right_logical3A_2126 : i32 to vector<16xi32>
        %shift_right_logical3A_2128 = arith.shrui %get3A_2123, %shift_right_logical3A_2127 : vector<16xi32>
        %select_n3A_2129 = arith.select %eq3A_2125, %shift_right_logical3A_2128, %broadcast_in_dim3A_15 : vector<16xi1>, vector<16xi32>
        %reduce_max3A_2130 = arith.constant true
        %reduce_max3A_2131 = vector.broadcast %reduce_max3A_2130 : i1 to vector<16xi1>
        %reduce_max3A_2132 = arith.constant -2147483648 : i32
        %reduce_max3A_2133 = vector.broadcast %reduce_max3A_2132 : i32 to vector<16xi32>
        %reduce_max3A_2134 = arith.xori %select_n3A_2129, %reduce_max3A_2133 : vector<16xi32>
        %reduce_max3A_2135 = tpu.scan <max>, %reduce_max3A_2134 masked %reduce_max3A_2131 : vector<16xi32>, vector<16xi1> -> vector<16xi32>
        %reduce_max3A_2136 = arith.xori %reduce_max3A_2135, %reduce_max3A_2133 : vector<16xi32>
        %reduce_max3A_2137 = vector.extract %reduce_max3A_2136[15] : i32 from vector<16xi32>
        %mul3A_2138 = arith.constant 128 : i32
        %mul3A_2139 = arith.muli %reduce_max3A_2137, %mul3A_2138 : i32
        %multiple_of3A_2140 = tpu.assume_multiple %mul3A_2139, 128 : i32
        %dma_start3A_2141 = arith.constant 6 : i32
        %dma_start3A_2142 = arith.constant 0 : i32
        %dma_start3A_2143 = arith.constant 0 : i32
        %dma_start3A_2144 = tpu.memref_slice %arg10[%dma_start3A_2141, %dma_start3A_2142, %dma_start3A_2143] : memref<8x32x128xf32, #tpu.memory_space<vmem>> -> memref<1x32x128xf32, #tpu.memory_space<vmem>>
        %dma_start3A_2145 = tpu.memref_squeeze %dma_start3A_2144 : memref<1x32x128xf32, #tpu.memory_space<vmem>> -> memref<32x128xf32, #tpu.memory_space<vmem>>
        %dma_start3A_2146 = arith.constant 0 : i32
        %dma_start3A_2147 = tpu.memref_slice %arg4[%dma_start3A_2146, %multiple_of3A_2140] : memref<32x1000000xf32, #tpu.memory_space<hbm>> -> memref<32x128xf32, #tpu.memory_space<hbm>>
        %dma_start3A_2148 = arith.constant 0 : i32
        %dma_start3A_2149 = arith.constant 0 : i32
        %dma_start3A_2150 = tpu.memref_slice %arg10[%dma_start3A_2141, %dma_start3A_2148, %dma_start3A_2149] : memref<8x32x128xf32, #tpu.memory_space<vmem>> -> memref<1x32x128xf32, #tpu.memory_space<vmem>>
        %dma_start3A_2151 = tpu.memref_squeeze %dma_start3A_2150 : memref<1x32x128xf32, #tpu.memory_space<vmem>> -> memref<32x128xf32, #tpu.memory_space<vmem>>
        %dma_start3A_2152 = arith.constant 0 : i32
        %dma_start3A_2153 = tpu.memref_slice %arg4[%dma_start3A_2152, %multiple_of3A_2140] : memref<32x1000000xf32, #tpu.memory_space<hbm>> -> memref<32x128xf32, #tpu.memory_space<hbm>>
        tpu.enqueue_dma source(%dma_start3A_2153 : memref<32x128xf32, #tpu.memory_space<hbm>>) target(%dma_start3A_2151 : memref<32x128xf32, #tpu.memory_space<vmem>>) target_semaphore(%arg20 : memref<!tpu.dma_semaphore, #tpu.memory_space<semaphore_mem>>)
        %jit3A_2154 = arith.constant 16 : i32
        %div3A_2155 = arith.divsi %add3A_2094, %jit3A_2154 : i32
        %sign3A_2156 = arith.constant 0 : i32
        %sign3A_2157 = arith.cmpi sgt, %add3A_2094, %sign3A_2156 : i32
        %sign3A_2158 = arith.extui %sign3A_2157 : i1 to i32
        %sign3A_2159 = arith.constant 0 : i32
        %sign3A_2160 = arith.cmpi slt, %add3A_2094, %sign3A_2159 : i32
        %sign3A_2161 = arith.extui %sign3A_2160 : i1 to i32
        %sign3A_2162 = arith.subi %sign3A_2158, %sign3A_2161 : i32
        %sign3A_2163 = arith.constant 0 : i32
        %sign3A_2164 = arith.cmpi sgt, %jit3A_2154, %sign3A_2163 : i32
        %sign3A_2165 = arith.extui %sign3A_2164 : i1 to i32
        %sign3A_2166 = arith.constant 0 : i32
        %sign3A_2167 = arith.cmpi slt, %jit3A_2154, %sign3A_2166 : i32
        %sign3A_2168 = arith.extui %sign3A_2167 : i1 to i32
        %sign3A_2169 = arith.subi %sign3A_2165, %sign3A_2168 : i32
        %ne3A_2170 = arith.cmpi ne, %sign3A_2162, %sign3A_2169 : i32
        %rem3A_2171 = arith.remsi %add3A_2094, %jit3A_2154 : i32
        %ne3A_2172 = arith.constant 0 : i32
        %ne3A_2173 = arith.cmpi ne, %rem3A_2171, %ne3A_2172 : i32
        %and3A_2174 = arith.andi %ne3A_2170, %ne3A_2173 : i1
        %sub3A_2175 = arith.constant 1 : i32
        %sub3A_2176 = arith.subi %div3A_2155, %sub3A_2175 : i32
        %select_n3A_2177 = arith.select %and3A_2174, %sub3A_2176, %div3A_2155 : i32
        %mul3A_2178 = arith.constant 16 : i32
        %mul3A_2179 = arith.muli %select_n3A_2177, %mul3A_2178 : i32
        %sub3A_2180 = arith.subi %add3A_2094, %mul3A_2179 : i32
        %get3A_2181 = arith.index_cast %mul3A_2179 : i32 to index
        %get3A_2182 = tpu.vector_load %arg9[%get3A_2181] {strides = array<i32>} : memref<512xi32, #tpu.memory_space<vmem>>, vector<16xi32>,
        %eq3A_2183 = vector.broadcast %sub3A_2180 : i32 to vector<16xi32>
        %eq3A_2184 = arith.cmpi eq, %iota3A, %eq3A_2183 : vector<16xi32>
        %shift_right_logical3A_2185 = arith.constant 7 : i32
        %shift_right_logical3A_2186 = vector.broadcast %shift_right_logical3A_2185 : i32 to vector<16xi32>
        %shift_right_logical3A_2187 = arith.shrui %get3A_2182, %shift_right_logical3A_2186 : vector<16xi32>
        %select_n3A_2188 = arith.select %eq3A_2184, %shift_right_logical3A_2187, %broadcast_in_dim3A_15 : vector<16xi1>, vector<16xi32>
        %reduce_max3A_2189 = arith.constant true
        %reduce_max3A_2190 = vector.broadcast %reduce_max3A_2189 : i1 to vector<16xi1>
        %reduce_max3A_2191 = arith.constant -2147483648 : i32
        %reduce_max3A_2192 = vector.broadcast %reduce_max3A_2191 : i32 to vector<16xi32>
        %reduce_max3A_2193 = arith.xori %select_n3A_2188, %reduce_max3A_2192 : vector<16xi32>
        %reduce_max3A_2194 = tpu.scan <max>, %reduce_max3A_2193 masked %reduce_max3A_2190 : vector<16xi32>, vector<16xi1> -> vector<16xi32>
        %reduce_max3A_2195 = arith.xori %reduce_max3A_2194, %reduce_max3A_2192 : vector<16xi32>
        %reduce_max3A_2196 = vector.extract %reduce_max3A_2195[15] : i32 from vector<16xi32>
        %mul3A_2197 = arith.constant 128 : i32
        %mul3A_2198 = arith.muli %reduce_max3A_2196, %mul3A_2197 : i32
        %multiple_of3A_2199 = tpu.assume_multiple %mul3A_2198, 128 : i32
        %dma_start3A_2200 = arith.constant 6 : i32
        %dma_start3A_2201 = arith.constant 0 : i32
        %dma_start3A_2202 = arith.constant 0 : i32
        %dma_start3A_2203 = tpu.memref_slice %arg11[%dma_start3A_2200, %dma_start3A_2201, %dma_start3A_2202] : memref<8x32x128xf32, #tpu.memory_space<vmem>> -> memref<1x32x128xf32, #tpu.memory_space<vmem>>
        %dma_start3A_2204 = tpu.memref_squeeze %dma_start3A_2203 : memref<1x32x128xf32, #tpu.memory_space<vmem>> -> memref<32x128xf32, #tpu.memory_space<vmem>>
        %dma_start3A_2205 = arith.constant 0 : i32
        %dma_start3A_2206 = tpu.memref_slice %arg5[%dma_start3A_2205, %multiple_of3A_2199] : memref<32x1000000xf32, #tpu.memory_space<hbm>> -> memref<32x128xf32, #tpu.memory_space<hbm>>
        %dma_start3A_2207 = arith.constant 0 : i32
        %dma_start3A_2208 = arith.constant 0 : i32
        %dma_start3A_2209 = tpu.memref_slice %arg11[%dma_start3A_2200, %dma_start3A_2207, %dma_start3A_2208] : memref<8x32x128xf32, #tpu.memory_space<vmem>> -> memref<1x32x128xf32, #tpu.memory_space<vmem>>
        %dma_start3A_2210 = tpu.memref_squeeze %dma_start3A_2209 : memref<1x32x128xf32, #tpu.memory_space<vmem>> -> memref<32x128xf32, #tpu.memory_space<vmem>>
        %dma_start3A_2211 = arith.constant 0 : i32
        %dma_start3A_2212 = tpu.memref_slice %arg5[%dma_start3A_2211, %multiple_of3A_2199] : memref<32x1000000xf32, #tpu.memory_space<hbm>> -> memref<32x128xf32, #tpu.memory_space<hbm>>
        tpu.enqueue_dma source(%dma_start3A_2212 : memref<32x128xf32, #tpu.memory_space<hbm>>) target(%dma_start3A_2210 : memref<32x128xf32, #tpu.memory_space<vmem>>) target_semaphore(%arg28 : memref<!tpu.dma_semaphore, #tpu.memory_space<semaphore_mem>>)
      } else {
      }
      %mul3A_1892 = arith.constant 8 : i32
      %mul3A_1893 = arith.muli %scan3A_545, %mul3A_1892 : i32
      %add3A_1894 = arith.constant 7 : i32
      %add3A_1895 = arith.addi %mul3A_1893, %add3A_1894 : i32
      %dma_wait3A_1896 = arith.constant 7 : i32
      %dma_wait3A_1897 = arith.constant 0 : i32
      %dma_wait3A_1898 = arith.constant 0 : i32
      %dma_wait3A_1899 = tpu.memref_slice %arg10[%dma_wait3A_1896, %dma_wait3A_1897, %dma_wait3A_1898] : memref<8x32x128xf32, #tpu.memory_space<vmem>> -> memref<1x32x128xf32, #tpu.memory_space<vmem>>
      %dma_wait3A_1900 = tpu.memref_squeeze %dma_wait3A_1899 : memref<1x32x128xf32, #tpu.memory_space<vmem>> -> memref<32x128xf32, #tpu.memory_space<vmem>>
      %dma_wait3A_1901 = arith.constant 0 : i32
      %dma_wait3A_1902 = arith.constant 0 : i32
      %dma_wait3A_1903 = tpu.memref_slice %arg4[%dma_wait3A_1901, %dma_wait3A_1902] : memref<32x1000000xf32, #tpu.memory_space<hbm>> -> memref<32x128xf32, #tpu.memory_space<hbm>>
      %dma_wait3A_1904 = arith.constant 0 : i32
      %dma_wait3A_1905 = arith.constant 0 : i32
      %dma_wait3A_1906 = tpu.memref_slice %arg10[%dma_wait3A_1896, %dma_wait3A_1904, %dma_wait3A_1905] : memref<8x32x128xf32, #tpu.memory_space<vmem>> -> memref<1x32x128xf32, #tpu.memory_space<vmem>>
      %dma_wait3A_1907 = tpu.memref_squeeze %dma_wait3A_1906 : memref<1x32x128xf32, #tpu.memory_space<vmem>> -> memref<32x128xf32, #tpu.memory_space<vmem>>
      %dma_wait3A_1908 = arith.constant 0 : i32
      %dma_wait3A_1909 = arith.constant 0 : i32
      %dma_wait3A_1910 = tpu.memref_slice %arg4[%dma_wait3A_1908, %dma_wait3A_1909] : memref<32x1000000xf32, #tpu.memory_space<hbm>> -> memref<32x128xf32, #tpu.memory_space<hbm>>
      tpu.wait_dma2 semaphore(%arg21 : memref<!tpu.dma_semaphore, #tpu.memory_space<semaphore_mem>>) src(%dma_wait3A_1910 : memref<32x128xf32, #tpu.memory_space<hbm>>) dst(%dma_wait3A_1907 : memref<32x128xf32, #tpu.memory_space<vmem>>)
      %dma_wait3A_1911 = arith.constant 7 : i32
      %dma_wait3A_1912 = arith.constant 0 : i32
      %dma_wait3A_1913 = arith.constant 0 : i32
      %dma_wait3A_1914 = tpu.memref_slice %arg11[%dma_wait3A_1911, %dma_wait3A_1912, %dma_wait3A_1913] : memref<8x32x128xf32, #tpu.memory_space<vmem>> -> memref<1x32x128xf32, #tpu.memory_space<vmem>>
      %dma_wait3A_1915 = tpu.memref_squeeze %dma_wait3A_1914 : memref<1x32x128xf32, #tpu.memory_space<vmem>> -> memref<32x128xf32, #tpu.memory_space<vmem>>
      %dma_wait3A_1916 = arith.constant 0 : i32
      %dma_wait3A_1917 = arith.constant 0 : i32
      %dma_wait3A_1918 = tpu.memref_slice %arg5[%dma_wait3A_1916, %dma_wait3A_1917] : memref<32x1000000xf32, #tpu.memory_space<hbm>> -> memref<32x128xf32, #tpu.memory_space<hbm>>
      %dma_wait3A_1919 = arith.constant 0 : i32
      %dma_wait3A_1920 = arith.constant 0 : i32
      %dma_wait3A_1921 = tpu.memref_slice %arg11[%dma_wait3A_1911, %dma_wait3A_1919, %dma_wait3A_1920] : memref<8x32x128xf32, #tpu.memory_space<vmem>> -> memref<1x32x128xf32, #tpu.memory_space<vmem>>
      %dma_wait3A_1922 = tpu.memref_squeeze %dma_wait3A_1921 : memref<1x32x128xf32, #tpu.memory_space<vmem>> -> memref<32x128xf32, #tpu.memory_space<vmem>>
      %dma_wait3A_1923 = arith.constant 0 : i32
      %dma_wait3A_1924 = arith.constant 0 : i32
      %dma_wait3A_1925 = tpu.memref_slice %arg5[%dma_wait3A_1923, %dma_wait3A_1924] : memref<32x1000000xf32, #tpu.memory_space<hbm>> -> memref<32x128xf32, #tpu.memory_space<hbm>>
      tpu.wait_dma2 semaphore(%arg29 : memref<!tpu.dma_semaphore, #tpu.memory_space<semaphore_mem>>) src(%dma_wait3A_1925 : memref<32x128xf32, #tpu.memory_space<hbm>>) dst(%dma_wait3A_1922 : memref<32x128xf32, #tpu.memory_space<vmem>>)
      %jit3A_1926 = arith.constant 16 : i32
      %div3A_1927 = arith.divsi %add3A_1895, %jit3A_1926 : i32
      %sign3A_1928 = arith.constant 0 : i32
      %sign3A_1929 = arith.cmpi sgt, %add3A_1895, %sign3A_1928 : i32
      %sign3A_1930 = arith.extui %sign3A_1929 : i1 to i32
      %sign3A_1931 = arith.constant 0 : i32
      %sign3A_1932 = arith.cmpi slt, %add3A_1895, %sign3A_1931 : i32
      %sign3A_1933 = arith.extui %sign3A_1932 : i1 to i32
      %sign3A_1934 = arith.subi %sign3A_1930, %sign3A_1933 : i32
      %sign3A_1935 = arith.constant 0 : i32
      %sign3A_1936 = arith.cmpi sgt, %jit3A_1926, %sign3A_1935 : i32
      %sign3A_1937 = arith.extui %sign3A_1936 : i1 to i32
      %sign3A_1938 = arith.constant 0 : i32
      %sign3A_1939 = arith.cmpi slt, %jit3A_1926, %sign3A_1938 : i32
      %sign3A_1940 = arith.extui %sign3A_1939 : i1 to i32
      %sign3A_1941 = arith.subi %sign3A_1937, %sign3A_1940 : i32
      %ne3A_1942 = arith.cmpi ne, %sign3A_1934, %sign3A_1941 : i32
      %rem3A_1943 = arith.remsi %add3A_1895, %jit3A_1926 : i32
      %ne3A_1944 = arith.constant 0 : i32
      %ne3A_1945 = arith.cmpi ne, %rem3A_1943, %ne3A_1944 : i32
      %and3A_1946 = arith.andi %ne3A_1942, %ne3A_1945 : i1
      %sub3A_1947 = arith.constant 1 : i32
      %sub3A_1948 = arith.subi %div3A_1927, %sub3A_1947 : i32
      %select_n3A_1949 = arith.select %and3A_1946, %sub3A_1948, %div3A_1927 : i32
      %mul3A_1950 = arith.constant 16 : i32
      %mul3A_1951 = arith.muli %select_n3A_1949, %mul3A_1950 : i32
      %sub3A_1952 = arith.subi %add3A_1895, %mul3A_1951 : i32
      %get3A_1953 = arith.index_cast %mul3A_1951 : i32 to index
      %get3A_1954 = tpu.vector_load %arg8[%get3A_1953] {strides = array<i32>} : memref<512xi32, #tpu.memory_space<vmem>>, vector<16xi32>,
      %and3A_1955 = arith.constant 127 : i32
      %and3A_1956 = vector.broadcast %and3A_1955 : i32 to vector<16xi32>
      %and3A_1957 = arith.andi %get3A_1954, %and3A_1956 : vector<16xi32>
      %broadcast_in_dim3A_1958 = vector.broadcast %sub3A_1952 : i32 to vector<16xi32>
      %lt3A_1959 = arith.constant 0 : i32
      %lt3A_1960 = vector.broadcast %lt3A_1959 : i32 to vector<16xi32>
      %lt3A_1961 = arith.cmpi slt, %broadcast_in_dim3A_1958, %lt3A_1960 : vector<16xi32>
      %add3A_1962 = arith.constant 16 : i32
      %add3A_1963 = vector.broadcast %add3A_1962 : i32 to vector<16xi32>
      %add3A_1964 = arith.addi %broadcast_in_dim3A_1958, %add3A_1963 : vector<16xi32>
      %select_n3A_1965 = arith.select %lt3A_1961, %add3A_1964, %broadcast_in_dim3A_1958 : vector<16xi1>, vector<16xi32>
      %broadcast_in_dim3A_1966 = vector.shape_cast %select_n3A_1965 : vector<16xi32> to vector<16x1xi32>
      %gather3A_1967 = vector.shape_cast %broadcast_in_dim3A_1966 : vector<16x1xi32> to vector<16xi32>
      %gather3A_1968 = tpu.dynamic_gather %and3A_1957[%gather3A_1967] in [0] : vector<16xi32>, vector<16xi32> -> vector<16xi32>
      %jit3A_1969 = arith.constant 16 : i32
      %div3A_1970 = arith.divsi %add3A_1895, %jit3A_1969 : i32
      %sign3A_1971 = arith.constant 0 : i32
      %sign3A_1972 = arith.cmpi sgt, %add3A_1895, %sign3A_1971 : i32
      %sign3A_1973 = arith.extui %sign3A_1972 : i1 to i32
      %sign3A_1974 = arith.constant 0 : i32
      %sign3A_1975 = arith.cmpi slt, %add3A_1895, %sign3A_1974 : i32
      %sign3A_1976 = arith.extui %sign3A_1975 : i1 to i32
      %sign3A_1977 = arith.subi %sign3A_1973, %sign3A_1976 : i32
      %sign3A_1978 = arith.constant 0 : i32
      %sign3A_1979 = arith.cmpi sgt, %jit3A_1969, %sign3A_1978 : i32
      %sign3A_1980 = arith.extui %sign3A_1979 : i1 to i32
      %sign3A_1981 = arith.constant 0 : i32
      %sign3A_1982 = arith.cmpi slt, %jit3A_1969, %sign3A_1981 : i32
      %sign3A_1983 = arith.extui %sign3A_1982 : i1 to i32
      %sign3A_1984 = arith.subi %sign3A_1980, %sign3A_1983 : i32
      %ne3A_1985 = arith.cmpi ne, %sign3A_1977, %sign3A_1984 : i32
      %rem3A_1986 = arith.remsi %add3A_1895, %jit3A_1969 : i32
      %ne3A_1987 = arith.constant 0 : i32
      %ne3A_1988 = arith.cmpi ne, %rem3A_1986, %ne3A_1987 : i32
      %and3A_1989 = arith.andi %ne3A_1985, %ne3A_1988 : i1
      %sub3A_1990 = arith.constant 1 : i32
      %sub3A_1991 = arith.subi %div3A_1970, %sub3A_1990 : i32
      %select_n3A_1992 = arith.select %and3A_1989, %sub3A_1991, %div3A_1970 : i32
      %mul3A_1993 = arith.constant 16 : i32
      %mul3A_1994 = arith.muli %select_n3A_1992, %mul3A_1993 : i32
      %sub3A_1995 = arith.subi %add3A_1895, %mul3A_1994 : i32
      %get3A_1996 = arith.index_cast %mul3A_1994 : i32 to index
      %get3A_1997 = tpu.vector_load %arg9[%get3A_1996] {strides = array<i32>} : memref<512xi32, #tpu.memory_space<vmem>>, vector<16xi32>,
      %and3A_1998 = arith.constant 127 : i32
      %and3A_1999 = vector.broadcast %and3A_1998 : i32 to vector<16xi32>
      %and3A_2000 = arith.andi %get3A_1997, %and3A_1999 : vector<16xi32>
      %broadcast_in_dim3A_2001 = vector.broadcast %sub3A_1995 : i32 to vector<16xi32>
      %lt3A_2002 = arith.constant 0 : i32
      %lt3A_2003 = vector.broadcast %lt3A_2002 : i32 to vector<16xi32>
      %lt3A_2004 = arith.cmpi slt, %broadcast_in_dim3A_2001, %lt3A_2003 : vector<16xi32>
      %add3A_2005 = arith.constant 16 : i32
      %add3A_2006 = vector.broadcast %add3A_2005 : i32 to vector<16xi32>
      %add3A_2007 = arith.addi %broadcast_in_dim3A_2001, %add3A_2006 : vector<16xi32>
      %select_n3A_2008 = arith.select %lt3A_2004, %add3A_2007, %broadcast_in_dim3A_2001 : vector<16xi1>, vector<16xi32>
      %broadcast_in_dim3A_2009 = vector.shape_cast %select_n3A_2008 : vector<16xi32> to vector<16x1xi32>
      %gather3A_2010 = vector.shape_cast %broadcast_in_dim3A_2009 : vector<16x1xi32> to vector<16xi32>
      %gather3A_2011 = tpu.dynamic_gather %and3A_2000[%gather3A_2010] in [0] : vector<16xi32>, vector<16xi32> -> vector<16xi32>
      %gather3A_2012 = arith.constant 7 : i32
      %gather3A_2013 = arith.constant 0 : i32
      %gather3A_2014 = arith.constant 0 : i32
      %gather3A_2015 = tpu.memref_slice %arg10[%gather3A_2012, %gather3A_2013, %gather3A_2014] : memref<8x32x128xf32, #tpu.memory_space<vmem>> -> memref<1x32x128xf32, #tpu.memory_space<vmem>>
      %gather3A_2016 = tpu.memref_squeeze %gather3A_2015 : memref<1x32x128xf32, #tpu.memory_space<vmem>> -> memref<32x128xf32, #tpu.memory_space<vmem>>
      %gather3A_2017 = tpu.vector_load_idx %gather3A_2016[%iota3A, %gather3A_1968] : memref<32x128xf32, #tpu.memory_space<vmem>>[vector<16xi32>, vector<16xi32>], vector<16xf32>,
      %mul3A_2018 = arith.mulf %gather3A_2017, %get3A_3 : vector<16xf32>
      %gather3A_2019 = arith.constant 7 : i32
      %gather3A_2020 = arith.constant 0 : i32
      %gather3A_2021 = arith.constant 0 : i32
      %gather3A_2022 = tpu.memref_slice %arg10[%gather3A_2019, %gather3A_2020, %gather3A_2021] : memref<8x32x128xf32, #tpu.memory_space<vmem>> -> memref<1x32x128xf32, #tpu.memory_space<vmem>>
      %gather3A_2023 = tpu.memref_squeeze %gather3A_2022 : memref<1x32x128xf32, #tpu.memory_space<vmem>> -> memref<32x128xf32, #tpu.memory_space<vmem>>
      %gather3A_2024 = tpu.vector_load_idx %gather3A_2023[%add3A_14, %gather3A_1968] : memref<32x128xf32, #tpu.memory_space<vmem>>[vector<16xi32>, vector<16xi32>], vector<16xf32>,
      %mul3A_2025 = arith.mulf %gather3A_2024, %get3A_5 : vector<16xf32>
      %add3A_2026 = arith.addf %mul3A_2018, %mul3A_2025 : vector<16xf32>
      %gather3A_2027 = arith.constant 7 : i32
      %gather3A_2028 = arith.constant 0 : i32
      %gather3A_2029 = arith.constant 0 : i32
      %gather3A_2030 = tpu.memref_slice %arg11[%gather3A_2027, %gather3A_2028, %gather3A_2029] : memref<8x32x128xf32, #tpu.memory_space<vmem>> -> memref<1x32x128xf32, #tpu.memory_space<vmem>>
      %gather3A_2031 = tpu.memref_squeeze %gather3A_2030 : memref<1x32x128xf32, #tpu.memory_space<vmem>> -> memref<32x128xf32, #tpu.memory_space<vmem>>
      %gather3A_2032 = tpu.vector_load_idx %gather3A_2031[%iota3A, %gather3A_2011] : memref<32x128xf32, #tpu.memory_space<vmem>>[vector<16xi32>, vector<16xi32>], vector<16xf32>,
      %mul3A_2033 = arith.mulf %gather3A_2032, %get3A_7 : vector<16xf32>
      %add3A_2034 = arith.addf %add3A_2026, %mul3A_2033 : vector<16xf32>
      %gather3A_2035 = arith.constant 7 : i32
      %gather3A_2036 = arith.constant 0 : i32
      %gather3A_2037 = arith.constant 0 : i32
      %gather3A_2038 = tpu.memref_slice %arg11[%gather3A_2035, %gather3A_2036, %gather3A_2037] : memref<8x32x128xf32, #tpu.memory_space<vmem>> -> memref<1x32x128xf32, #tpu.memory_space<vmem>>
      %gather3A_2039 = tpu.memref_squeeze %gather3A_2038 : memref<1x32x128xf32, #tpu.memory_space<vmem>> -> memref<32x128xf32, #tpu.memory_space<vmem>>
      %gather3A_2040 = tpu.vector_load_idx %gather3A_2039[%add3A_14, %gather3A_2011] : memref<32x128xf32, #tpu.memory_space<vmem>>[vector<16xi32>, vector<16xi32>], vector<16xf32>,
      %mul3A_2041 = arith.mulf %gather3A_2040, %get3A_9 : vector<16xf32>
      %add3A_2042 = arith.addf %add3A_2034, %mul3A_2041 : vector<16xf32>
      %add3A_2043 = arith.addf %add3A_2042, %get3A_11 : vector<16xf32>
      %reduce_sum3A_2044 = arith.constant true
      %reduce_sum3A_2045 = vector.broadcast %reduce_sum3A_2044 : i1 to vector<16xi1>
      %reduce_sum3A_2046 = tpu.scan <sum>, %add3A_2043 masked %reduce_sum3A_2045 : vector<16xf32>, vector<16xi1> -> vector<16xf32>
      %reduce_sum3A_2047 = vector.extract %reduce_sum3A_2046[15] : f32 from vector<16xf32>
      %jit3A_2048 = arith.constant 16 : i32
      %div3A_2049 = arith.divsi %add3A_1895, %jit3A_2048 : i32
      %sign3A_2050 = arith.constant 0 : i32
      %sign3A_2051 = arith.cmpi sgt, %add3A_1895, %sign3A_2050 : i32
      %sign3A_2052 = arith.extui %sign3A_2051 : i1 to i32
      %sign3A_2053 = arith.constant 0 : i32
      %sign3A_2054 = arith.cmpi slt, %add3A_1895, %sign3A_2053 : i32
      %sign3A_2055 = arith.extui %sign3A_2054 : i1 to i32
      %sign3A_2056 = arith.subi %sign3A_2052, %sign3A_2055 : i32
      %sign3A_2057 = arith.constant 0 : i32
      %sign3A_2058 = arith.cmpi sgt, %jit3A_2048, %sign3A_2057 : i32
      %sign3A_2059 = arith.extui %sign3A_2058 : i1 to i32
      %sign3A_2060 = arith.constant 0 : i32
      %sign3A_2061 = arith.cmpi slt, %jit3A_2048, %sign3A_2060 : i32
      %sign3A_2062 = arith.extui %sign3A_2061 : i1 to i32
      %sign3A_2063 = arith.subi %sign3A_2059, %sign3A_2062 : i32
      %ne3A_2064 = arith.cmpi ne, %sign3A_2056, %sign3A_2063 : i32
      %rem3A_2065 = arith.remsi %add3A_1895, %jit3A_2048 : i32
      %ne3A_2066 = arith.constant 0 : i32
      %ne3A_2067 = arith.cmpi ne, %rem3A_2065, %ne3A_2066 : i32
      %and3A_2068 = arith.andi %ne3A_2064, %ne3A_2067 : i1
      %sub3A_2069 = arith.constant 1 : i32
      %sub3A_2070 = arith.subi %div3A_2049, %sub3A_2069 : i32
      %select_n3A_2071 = arith.select %and3A_2068, %sub3A_2070, %div3A_2049 : i32
      %mul3A_2072 = arith.constant 16 : i32
      %mul3A_2073 = arith.muli %select_n3A_2071, %mul3A_2072 : i32
      %sub3A_2074 = arith.subi %add3A_1895, %mul3A_2073 : i32
      %eq3A_2075 = vector.broadcast %sub3A_2074 : i32 to vector<16xi32>
      %eq3A_2076 = arith.cmpi eq, %iota3A, %eq3A_2075 : vector<16xi32>
      %broadcast_in_dim3A_2077 = vector.broadcast %reduce_sum3A_2047 : f32 to vector<16xf32>
      %select_n3A_2078 = arith.select %eq3A_2076, %broadcast_in_dim3A_2077, %select_n3A_1884 : vector<16xi1>, vector<16xf32>
      %add3A_2079 = arith.constant 8 : i32
      %add3A_2080 = arith.addi %add3A_1895, %add3A_2079 : i32
      %lt3A_2081 = arith.constant 512 : i32
      %lt3A_2082 = arith.cmpi slt, %add3A_2080, %lt3A_2081 : i32
      %convert_element_type3A_2083 = arith.extui %lt3A_2082 : i1 to i32
      %cond3A_2084 = arith.constant 0 : i32
      %cond3A_2085 = arith.cmpi ne, %convert_element_type3A_2083, %cond3A_2084 : i32
      scf.if %cond3A_2085 {
        %add3A_2093 = arith.constant 8 : i32
        %add3A_2094 = arith.addi %add3A_1895, %add3A_2093 : i32
        %jit3A_2095 = arith.constant 16 : i32
        %div3A_2096 = arith.divsi %add3A_2094, %jit3A_2095 : i32
        %sign3A_2097 = arith.constant 0 : i32
        %sign3A_2098 = arith.cmpi sgt, %add3A_2094, %sign3A_2097 : i32
        %sign3A_2099 = arith.extui %sign3A_2098 : i1 to i32
        %sign3A_2100 = arith.constant 0 : i32
        %sign3A_2101 = arith.cmpi slt, %add3A_2094, %sign3A_2100 : i32
        %sign3A_2102 = arith.extui %sign3A_2101 : i1 to i32
        %sign3A_2103 = arith.subi %sign3A_2099, %sign3A_2102 : i32
        %sign3A_2104 = arith.constant 0 : i32
        %sign3A_2105 = arith.cmpi sgt, %jit3A_2095, %sign3A_2104 : i32
        %sign3A_2106 = arith.extui %sign3A_2105 : i1 to i32
        %sign3A_2107 = arith.constant 0 : i32
        %sign3A_2108 = arith.cmpi slt, %jit3A_2095, %sign3A_2107 : i32
        %sign3A_2109 = arith.extui %sign3A_2108 : i1 to i32
        %sign3A_2110 = arith.subi %sign3A_2106, %sign3A_2109 : i32
        %ne3A_2111 = arith.cmpi ne, %sign3A_2103, %sign3A_2110 : i32
        %rem3A_2112 = arith.remsi %add3A_2094, %jit3A_2095 : i32
        %ne3A_2113 = arith.constant 0 : i32
        %ne3A_2114 = arith.cmpi ne, %rem3A_2112, %ne3A_2113 : i32
        %and3A_2115 = arith.andi %ne3A_2111, %ne3A_2114 : i1
        %sub3A_2116 = arith.constant 1 : i32
        %sub3A_2117 = arith.subi %div3A_2096, %sub3A_2116 : i32
        %select_n3A_2118 = arith.select %and3A_2115, %sub3A_2117, %div3A_2096 : i32
        %mul3A_2119 = arith.constant 16 : i32
        %mul3A_2120 = arith.muli %select_n3A_2118, %mul3A_2119 : i32
        %sub3A_2121 = arith.subi %add3A_2094, %mul3A_2120 : i32
        %get3A_2122 = arith.index_cast %mul3A_2120 : i32 to index
        %get3A_2123 = tpu.vector_load %arg8[%get3A_2122] {strides = array<i32>} : memref<512xi32, #tpu.memory_space<vmem>>, vector<16xi32>,
        %eq3A_2124 = vector.broadcast %sub3A_2121 : i32 to vector<16xi32>
        %eq3A_2125 = arith.cmpi eq, %iota3A, %eq3A_2124 : vector<16xi32>
        %shift_right_logical3A_2126 = arith.constant 7 : i32
        %shift_right_logical3A_2127 = vector.broadcast %shift_right_logical3A_2126 : i32 to vector<16xi32>
        %shift_right_logical3A_2128 = arith.shrui %get3A_2123, %shift_right_logical3A_2127 : vector<16xi32>
        %select_n3A_2129 = arith.select %eq3A_2125, %shift_right_logical3A_2128, %broadcast_in_dim3A_15 : vector<16xi1>, vector<16xi32>
        %reduce_max3A_2130 = arith.constant true
        %reduce_max3A_2131 = vector.broadcast %reduce_max3A_2130 : i1 to vector<16xi1>
        %reduce_max3A_2132 = arith.constant -2147483648 : i32
        %reduce_max3A_2133 = vector.broadcast %reduce_max3A_2132 : i32 to vector<16xi32>
        %reduce_max3A_2134 = arith.xori %select_n3A_2129, %reduce_max3A_2133 : vector<16xi32>
        %reduce_max3A_2135 = tpu.scan <max>, %reduce_max3A_2134 masked %reduce_max3A_2131 : vector<16xi32>, vector<16xi1> -> vector<16xi32>
        %reduce_max3A_2136 = arith.xori %reduce_max3A_2135, %reduce_max3A_2133 : vector<16xi32>
        %reduce_max3A_2137 = vector.extract %reduce_max3A_2136[15] : i32 from vector<16xi32>
        %mul3A_2138 = arith.constant 128 : i32
        %mul3A_2139 = arith.muli %reduce_max3A_2137, %mul3A_2138 : i32
        %multiple_of3A_2140 = tpu.assume_multiple %mul3A_2139, 128 : i32
        %dma_start3A_2141 = arith.constant 7 : i32
        %dma_start3A_2142 = arith.constant 0 : i32
        %dma_start3A_2143 = arith.constant 0 : i32
        %dma_start3A_2144 = tpu.memref_slice %arg10[%dma_start3A_2141, %dma_start3A_2142, %dma_start3A_2143] : memref<8x32x128xf32, #tpu.memory_space<vmem>> -> memref<1x32x128xf32, #tpu.memory_space<vmem>>
        %dma_start3A_2145 = tpu.memref_squeeze %dma_start3A_2144 : memref<1x32x128xf32, #tpu.memory_space<vmem>> -> memref<32x128xf32, #tpu.memory_space<vmem>>
        %dma_start3A_2146 = arith.constant 0 : i32
        %dma_start3A_2147 = tpu.memref_slice %arg4[%dma_start3A_2146, %multiple_of3A_2140] : memref<32x1000000xf32, #tpu.memory_space<hbm>> -> memref<32x128xf32, #tpu.memory_space<hbm>>
        %dma_start3A_2148 = arith.constant 0 : i32
        %dma_start3A_2149 = arith.constant 0 : i32
        %dma_start3A_2150 = tpu.memref_slice %arg10[%dma_start3A_2141, %dma_start3A_2148, %dma_start3A_2149] : memref<8x32x128xf32, #tpu.memory_space<vmem>> -> memref<1x32x128xf32, #tpu.memory_space<vmem>>
        %dma_start3A_2151 = tpu.memref_squeeze %dma_start3A_2150 : memref<1x32x128xf32, #tpu.memory_space<vmem>> -> memref<32x128xf32, #tpu.memory_space<vmem>>
        %dma_start3A_2152 = arith.constant 0 : i32
        %dma_start3A_2153 = tpu.memref_slice %arg4[%dma_start3A_2152, %multiple_of3A_2140] : memref<32x1000000xf32, #tpu.memory_space<hbm>> -> memref<32x128xf32, #tpu.memory_space<hbm>>
        tpu.enqueue_dma source(%dma_start3A_2153 : memref<32x128xf32, #tpu.memory_space<hbm>>) target(%dma_start3A_2151 : memref<32x128xf32, #tpu.memory_space<vmem>>) target_semaphore(%arg21 : memref<!tpu.dma_semaphore, #tpu.memory_space<semaphore_mem>>)
        %jit3A_2154 = arith.constant 16 : i32
        %div3A_2155 = arith.divsi %add3A_2094, %jit3A_2154 : i32
        %sign3A_2156 = arith.constant 0 : i32
        %sign3A_2157 = arith.cmpi sgt, %add3A_2094, %sign3A_2156 : i32
        %sign3A_2158 = arith.extui %sign3A_2157 : i1 to i32
        %sign3A_2159 = arith.constant 0 : i32
        %sign3A_2160 = arith.cmpi slt, %add3A_2094, %sign3A_2159 : i32
        %sign3A_2161 = arith.extui %sign3A_2160 : i1 to i32
        %sign3A_2162 = arith.subi %sign3A_2158, %sign3A_2161 : i32
        %sign3A_2163 = arith.constant 0 : i32
        %sign3A_2164 = arith.cmpi sgt, %jit3A_2154, %sign3A_2163 : i32
        %sign3A_2165 = arith.extui %sign3A_2164 : i1 to i32
        %sign3A_2166 = arith.constant 0 : i32
        %sign3A_2167 = arith.cmpi slt, %jit3A_2154, %sign3A_2166 : i32
        %sign3A_2168 = arith.extui %sign3A_2167 : i1 to i32
        %sign3A_2169 = arith.subi %sign3A_2165, %sign3A_2168 : i32
        %ne3A_2170 = arith.cmpi ne, %sign3A_2162, %sign3A_2169 : i32
        %rem3A_2171 = arith.remsi %add3A_2094, %jit3A_2154 : i32
        %ne3A_2172 = arith.constant 0 : i32
        %ne3A_2173 = arith.cmpi ne, %rem3A_2171, %ne3A_2172 : i32
        %and3A_2174 = arith.andi %ne3A_2170, %ne3A_2173 : i1
        %sub3A_2175 = arith.constant 1 : i32
        %sub3A_2176 = arith.subi %div3A_2155, %sub3A_2175 : i32
        %select_n3A_2177 = arith.select %and3A_2174, %sub3A_2176, %div3A_2155 : i32
        %mul3A_2178 = arith.constant 16 : i32
        %mul3A_2179 = arith.muli %select_n3A_2177, %mul3A_2178 : i32
        %sub3A_2180 = arith.subi %add3A_2094, %mul3A_2179 : i32
        %get3A_2181 = arith.index_cast %mul3A_2179 : i32 to index
        %get3A_2182 = tpu.vector_load %arg9[%get3A_2181] {strides = array<i32>} : memref<512xi32, #tpu.memory_space<vmem>>, vector<16xi32>,
        %eq3A_2183 = vector.broadcast %sub3A_2180 : i32 to vector<16xi32>
        %eq3A_2184 = arith.cmpi eq, %iota3A, %eq3A_2183 : vector<16xi32>
        %shift_right_logical3A_2185 = arith.constant 7 : i32
        %shift_right_logical3A_2186 = vector.broadcast %shift_right_logical3A_2185 : i32 to vector<16xi32>
        %shift_right_logical3A_2187 = arith.shrui %get3A_2182, %shift_right_logical3A_2186 : vector<16xi32>
        %select_n3A_2188 = arith.select %eq3A_2184, %shift_right_logical3A_2187, %broadcast_in_dim3A_15 : vector<16xi1>, vector<16xi32>
        %reduce_max3A_2189 = arith.constant true
        %reduce_max3A_2190 = vector.broadcast %reduce_max3A_2189 : i1 to vector<16xi1>
        %reduce_max3A_2191 = arith.constant -2147483648 : i32
        %reduce_max3A_2192 = vector.broadcast %reduce_max3A_2191 : i32 to vector<16xi32>
        %reduce_max3A_2193 = arith.xori %select_n3A_2188, %reduce_max3A_2192 : vector<16xi32>
        %reduce_max3A_2194 = tpu.scan <max>, %reduce_max3A_2193 masked %reduce_max3A_2190 : vector<16xi32>, vector<16xi1> -> vector<16xi32>
        %reduce_max3A_2195 = arith.xori %reduce_max3A_2194, %reduce_max3A_2192 : vector<16xi32>
        %reduce_max3A_2196 = vector.extract %reduce_max3A_2195[15] : i32 from vector<16xi32>
        %mul3A_2197 = arith.constant 128 : i32
        %mul3A_2198 = arith.muli %reduce_max3A_2196, %mul3A_2197 : i32
        %multiple_of3A_2199 = tpu.assume_multiple %mul3A_2198, 128 : i32
        %dma_start3A_2200 = arith.constant 7 : i32
        %dma_start3A_2201 = arith.constant 0 : i32
        %dma_start3A_2202 = arith.constant 0 : i32
        %dma_start3A_2203 = tpu.memref_slice %arg11[%dma_start3A_2200, %dma_start3A_2201, %dma_start3A_2202] : memref<8x32x128xf32, #tpu.memory_space<vmem>> -> memref<1x32x128xf32, #tpu.memory_space<vmem>>
        %dma_start3A_2204 = tpu.memref_squeeze %dma_start3A_2203 : memref<1x32x128xf32, #tpu.memory_space<vmem>> -> memref<32x128xf32, #tpu.memory_space<vmem>>
        %dma_start3A_2205 = arith.constant 0 : i32
        %dma_start3A_2206 = tpu.memref_slice %arg5[%dma_start3A_2205, %multiple_of3A_2199] : memref<32x1000000xf32, #tpu.memory_space<hbm>> -> memref<32x128xf32, #tpu.memory_space<hbm>>
        %dma_start3A_2207 = arith.constant 0 : i32
        %dma_start3A_2208 = arith.constant 0 : i32
        %dma_start3A_2209 = tpu.memref_slice %arg11[%dma_start3A_2200, %dma_start3A_2207, %dma_start3A_2208] : memref<8x32x128xf32, #tpu.memory_space<vmem>> -> memref<1x32x128xf32, #tpu.memory_space<vmem>>
        %dma_start3A_2210 = tpu.memref_squeeze %dma_start3A_2209 : memref<1x32x128xf32, #tpu.memory_space<vmem>> -> memref<32x128xf32, #tpu.memory_space<vmem>>
        %dma_start3A_2211 = arith.constant 0 : i32
        %dma_start3A_2212 = tpu.memref_slice %arg5[%dma_start3A_2211, %multiple_of3A_2199] : memref<32x1000000xf32, #tpu.memory_space<hbm>> -> memref<32x128xf32, #tpu.memory_space<hbm>>
        tpu.enqueue_dma source(%dma_start3A_2212 : memref<32x128xf32, #tpu.memory_space<hbm>>) target(%dma_start3A_2210 : memref<32x128xf32, #tpu.memory_space<vmem>>) target_semaphore(%arg29 : memref<!tpu.dma_semaphore, #tpu.memory_space<semaphore_mem>>)
      } else {
      }
      %rem3A_2086 = arith.constant 2 : i32
      %rem3A_2087 = arith.remsi %scan3A_545, %rem3A_2086 : i32
      %eq3A_2088 = arith.constant 1 : i32
      %eq3A_2089 = arith.cmpi eq, %rem3A_2087, %eq3A_2088 : i32
      %convert_element_type3A_2090 = arith.extui %eq3A_2089 : i1 to i32
      %cond3A_2091 = arith.constant 0 : i32
      %cond3A_2092 = arith.cmpi ne, %convert_element_type3A_2090, %cond3A_2091 : i32
      scf.if %cond3A_2092 {
        %jit3A_2093 = arith.constant 2 : i32
        %div3A_2094 = arith.divsi %scan3A_545, %jit3A_2093 : i32
        %sign3A_2095 = arith.constant 0 : i32
        %sign3A_2096 = arith.cmpi sgt, %scan3A_545, %sign3A_2095 : i32
        %sign3A_2097 = arith.extui %sign3A_2096 : i1 to i32
        %sign3A_2098 = arith.constant 0 : i32
        %sign3A_2099 = arith.cmpi slt, %scan3A_545, %sign3A_2098 : i32
        %sign3A_2100 = arith.extui %sign3A_2099 : i1 to i32
        %sign3A_2101 = arith.subi %sign3A_2097, %sign3A_2100 : i32
        %sign3A_2102 = arith.constant 0 : i32
        %sign3A_2103 = arith.cmpi sgt, %jit3A_2093, %sign3A_2102 : i32
        %sign3A_2104 = arith.extui %sign3A_2103 : i1 to i32
        %sign3A_2105 = arith.constant 0 : i32
        %sign3A_2106 = arith.cmpi slt, %jit3A_2093, %sign3A_2105 : i32
        %sign3A_2107 = arith.extui %sign3A_2106 : i1 to i32
        %sign3A_2108 = arith.subi %sign3A_2104, %sign3A_2107 : i32
        %ne3A_2109 = arith.cmpi ne, %sign3A_2101, %sign3A_2108 : i32
        %rem3A_2110 = arith.remsi %scan3A_545, %jit3A_2093 : i32
        %ne3A_2111 = arith.constant 0 : i32
        %ne3A_2112 = arith.cmpi ne, %rem3A_2110, %ne3A_2111 : i32
        %and3A_2113 = arith.andi %ne3A_2109, %ne3A_2112 : i1
        %sub3A_2114 = arith.constant 1 : i32
        %sub3A_2115 = arith.subi %div3A_2094, %sub3A_2114 : i32
        %select_n3A_2116 = arith.select %and3A_2113, %sub3A_2115, %div3A_2094 : i32
        %mul3A_2117 = arith.constant 16 : i32
        %mul3A_2118 = arith.muli %select_n3A_2116, %mul3A_2117 : i32
        %swap3A = arith.index_cast %mul3A_2118 : i32 to index
        %swap3A_2119 = tpu.vector_load %arg13[%swap3A] {strides = array<i32>} : memref<512xf32, #tpu.memory_space<vmem>>, vector<16xf32>,
        tpu.vector_store %arg13[%swap3A], %select_n3A_2078 {strides = array<i32>} : memref<512xf32, #tpu.memory_space<vmem>>, vector<16xf32>,
      } else {
      }
      scf.yield %select_n3A_2078 : vector<16xf32>
    }
    %scan3A_544 = arith.constant 64 : i32
    "tpu.region"() ({
      %run_scoped3A = tpu.sem_alloc : memref<!tpu.dma_semaphore, #tpu.memory_space<semaphore_mem>>
      %dma_start3A_545 = tpu.memref_slice %arg7[%mul3A_2] : memref<16384xf32, #tpu.memory_space<hbm>> -> memref<512xf32, #tpu.memory_space<hbm>>
      %dma_start3A_546 = tpu.memref_slice %arg7[%mul3A_2] : memref<16384xf32, #tpu.memory_space<hbm>> -> memref<512xf32, #tpu.memory_space<hbm>>
      tpu.enqueue_dma source(%arg13 : memref<512xf32, #tpu.memory_space<vmem>>) target(%dma_start3A_546 : memref<512xf32, #tpu.memory_space<hbm>>) target_semaphore(%run_scoped3A : memref<!tpu.dma_semaphore, #tpu.memory_space<semaphore_mem>>)
      %dma_wait3A = tpu.memref_slice %arg7[%mul3A_2] : memref<16384xf32, #tpu.memory_space<hbm>> -> memref<512xf32, #tpu.memory_space<hbm>>
      %dma_wait3A_547 = tpu.memref_slice %arg7[%mul3A_2] : memref<16384xf32, #tpu.memory_space<hbm>> -> memref<512xf32, #tpu.memory_space<hbm>>
      tpu.wait_dma2 semaphore(%run_scoped3A : memref<!tpu.dma_semaphore, #tpu.memory_space<semaphore_mem>>) src(%arg13 : memref<512xf32, #tpu.memory_space<vmem>>) dst(%dma_wait3A_547 : memref<512xf32, #tpu.memory_space<hbm>>)
      tpu.yield
    }) : () -> ()
    return
  }
}

</mosaic_0001>

<sc_bundles>
// kernel: kernel.3.cloned.1.call-start
scs
__scs_entry_jumppad:
0x0: {  	(pc) =	sbr.rel $0x88, $3  }
0x1: {  	(tag) =	ssettag $0x0;
	lr =	simm.s32 $0x1  }
0x2: {  	[smem:$0x3F9B] =	sst lr;
	_ =	strace $0xD0000000  }
0x3: {  	_ = 	snop  }
0x4: {  	_ = 	snop  }
0x5: {  	_ = 	snop  }
0x6: {  	_ = 	snop  }
0x7: {  	_ = 	snop  }
__scs_overlays_trampoline_lowered:
0x8: {  	[smem:$0x3FAA] =	sst s0  }
0x9: {  	[smem:$0x3FAB] =	sst s1  }
0xa: {  	[smem:$0x3FAC] =	sst s2  }
0xb: {  	[smem:$0x3FAD] =	sst s3  }
0xc: {  	[smem:$0x3FAE] =	sst s4  }
0xd: {  	[smem:$0x3FAF] =	sst s5  }
0xe: {  	[smem:$0x3FB0] =	sst s6  }
0xf: {  	[smem:$0x3FB1] =	sst s7  }
0x10: {  	[smem:$0x3FB2] =	sst s8  }
0x11: {  	[smem:$0x3FB3] =	sst s9;
	s0 =	simm.s32 @!p0 $0x0  }
0x12: {  	s1 =	sld [smem:$0x3F99];
	s0 =	simm.s32 @p0 $0x1  }
0x13: {  	[smem:$0x3FB4] =	sst s0;
	s0 =	simm.s32 @!p1 $0x0  }
0x14: {  	s2 =	sld [smem:$0x3F98];
	s0 =	simm.s32 @p1 $0x1  }
0x15: {  	[smem:$0x3FB5] =	sst s0;
	s0 =	simm.s32 @!p2 $0x0  }
0x16: {  	s3 =	sld [smem:$0x3FDB];
	s0 =	simm.s32 @p2 $0x1  }
0x17: {  	s4 =	simm.s32 $0x1BF5;
	[smem:$0x3FB7] =	sst s0  }
0x18: {  	s0 =	sld [smem:$0x3F9A];
	_ =	swait.ge [sflag:s4], $0x0  }
0x19: {  	s7 =	sld [smem:$0x3F9B]  }
0x1a: {  	s8 =	sadd.s32 $0xFFFFE003, lr  }
0x1b: {  	s9 =	sadd.s32 $0xFFFFFEF7, lr;
	s5 =	simm.s32 $0xFFFFFFFF;
	p2 =	slt.u32 s8, $0xFFFFF086  }
0x1c: {  	p1 =	slt.u32 s9, $0xF7A;
	s5 =	simm.s32 @!p2 $0x0  }
0x1d: {  	s5 =	simm.s32 @p1 $0x1;
	p0 =	seq.s32 s7, s2  }
0x1e: {  	s7 =	smul.u32 @!p0 $0xF7A, s2;
	p2 =	seq.s32 @!p0 s5, $0x0  }
0x1f: {  	s9 =	smul.u32 $0xF7A, s1;
	s8 =	simm.s32 @!p0 $0x1BF5;
	p2 =	por !p2, p0  }
0x20: {  	[sflag:s8] =	ssyncset.s32 @!p0 $0xFFFFF086;
	s6 =	sadd.s32 @!p0 s3, s7;
	s7 =	simm.s32 @!p0 $0x108  }
0x21: {  	s3 =	sadd.s32 s3, s9;
	s6 =	sadd.s32 @!p0 $0x88, s6;
	s7 =	simm.s32 @p2 $0x1082  }
0x22: {  	[simem:s7], [sflag:s8] =	dma.local @!p0 [hbm:s6], $0xF7A  }
0x23: {  	s9 =	sor.u32 $0xD0000000, s2;
	s6 =	simm.s32 $0x108;
	_ =	swait.ge @!p0 [sflag:s8], $0x0  }
0x24: {  	s3 =	sadd.s32 $0x88, s3;
	s6 =	simm.s32 @!p1 $0x1082;
	[sflag:s4] =	ssyncset.s32 $0xFFFFF086  }
0x25: {  	[simem:s6], [sflag:s4] =	dma.local [hbm:s3], $0xF7A  }
0x26: {  	[smem:$0x3F9B] =	sst s1;
	(tag) =	ssettag s2;
	_ =	strace s9  }
0x27: {  	s1 =	sld [smem:$0x3FAB]  }
0x28: {  	s2 =	sld [smem:$0x3FAC]  }
0x29: {  	s4 =	sld [smem:$0x3FAE]  }
0x2a: {  	p0 =	seq.s32 s5, $0x0;
	s5 =	sld [smem:$0x3FAF]  }
0x2b: {  	s6 =	sld [smem:$0x3FB0]  }
0x2c: {  	s7 =	sld [smem:$0x3FB1]  }
0x2d: {  	s3 =	simm.s32 $0x108;
	s8 =	sld [smem:$0x3FB2]  }
0x2e: {  	s3 =	simm.s32 @!p0 $0x1082;
	s9 =	sld [smem:$0x3FB3]  }
0x2f: {  	lr =	sadd.s32 s0, s3;
	s0 =	sld [smem:$0x3FAA]  }
0x30: {  	s3 =	sld [smem:$0x3FAD]  }
0x31: {  	[smem:$0x3FB6] =	sst s10  }
0x32: {  	s10 =	sld [smem:$0x3FB4];
	_ =	sdelay $0x3  }
0x33: {  	p0 =	seq.s32 s10, $0x1;
	s10 =	sld [smem:$0x3FB6];
	_ =	sdelay $0x3  }
0x34: {  	[smem:$0x3FB6] =	sst s10  }
0x35: {  	s10 =	sld [smem:$0x3FB5];
	_ =	sdelay $0x3  }
0x36: {  	p1 =	seq.s32 s10, $0x1;
	s10 =	sld [smem:$0x3FB6];
	_ =	sdelay $0x3  }
0x37: {  	[smem:$0x3FB6] =	sst s10  }
0x38: {  	s10 =	sld [smem:$0x3FB7]  }
0x39: {  	_ = 	snop;
	(pc) =	sbr.ind lr, $3  }
0x3a: {  	_ = 	snop  }
0x3b: {  	_ = 	snop  }
0x3c: {  	p2 =	seq.s32 s10, $0x1;
	s10 =	sld [smem:$0x3FB6]  }
0x3d: {  	_ =	shalt  }
0x3e: {  	_ =	shalt  }
0x3f: {  	_ =	shalt  }
0x40: {  	_ =	shalt  }
0x41: {  	_ =	shalt  }
0x42: {  	_ =	shalt  }
0x43: {  	_ =	shalt  }
0x44: {  	_ =	shalt  }
0x45: {  	_ =	shalt  }
0x46: {  	_ =	shalt  }
0x47: {  	_ =	shalt  }
0x48: {  	_ =	shalt  }
0x49: {  	_ =	shalt  }
0x4a: {  	_ =	shalt  }
0x4b: {  	_ =	shalt  }
0x4c: {  	_ =	shalt  }
0x4d: {  	_ =	shalt  }
0x4e: {  	_ =	shalt  }
0x4f: {  	_ =	shalt  }
0x50: {  	_ =	shalt  }
0x51: {  	_ =	shalt  }
0x52: {  	_ =	shalt  }
0x53: {  	_ =	shalt  }
0x54: {  	_ =	shalt  }
0x55: {  	_ =	shalt  }
0x56: {  	_ =	shalt  }
0x57: {  	_ =	shalt  }
0x58: {  	_ =	shalt  }
0x59: {  	_ =	shalt  }
0x5a: {  	_ =	shalt  }
0x5b: {  	_ =	shalt  }
0x5c: {  	_ =	shalt  }
0x5d: {  	_ =	shalt  }
0x5e: {  	_ =	shalt  }
0x5f: {  	_ =	shalt  }
0x60: {  	_ =	shalt  }
0x61: {  	_ =	shalt  }
0x62: {  	_ =	shalt  }
0x63: {  	_ =	shalt  }
0x64: {  	_ =	shalt  }
0x65: {  	_ =	shalt  }
0x66: {  	_ =	shalt  }
0x67: {  	_ =	shalt  }
0x68: {  	_ =	shalt  }
0x69: {  	_ =	shalt  }
0x6a: {  	_ =	shalt  }
0x6b: {  	_ =	shalt  }
0x6c: {  	_ =	shalt  }
0x6d: {  	_ =	shalt  }
0x6e: {  	_ =	shalt  }
0x6f: {  	_ =	shalt  }
0x70: {  	_ =	shalt  }
0x71: {  	_ =	shalt  }
0x72: {  	_ =	shalt  }
0x73: {  	_ =	shalt  }
0x74: {  	_ =	shalt  }
0x75: {  	_ =	shalt  }
0x76: {  	_ =	shalt  }
0x77: {  	_ =	shalt  }
0x78: {  	_ =	shalt  }
0x79: {  	_ =	shalt  }
0x7a: {  	_ =	shalt  }
0x7b: {  	_ =	shalt  }
0x7c: {  	_ =	shalt  }
0x7d: {  	_ =	shalt  }
0x7e: {  	_ =	shalt  }
0x7f: {  	_ =	shalt  }
0x80: {  	_ =	shalt  }
0x81: {  	_ =	shalt  }
0x82: {  	_ =	shalt  }
0x83: {  	_ =	shalt  }
0x84: {  	_ =	shalt  }
0x85: {  	_ =	shalt  }
0x86: {  	_ =	shalt  }
0x87: {  	_ =	shalt  }
.Lfunc_end0:
.L_simem_size_0:
called_computation_lowered:
.L_overlay_start_0:
0x88: {  	s2 =	sld [smem:$0x3FD9]  }
0x89: {  	s3 =	sld [smem:$0x3FFE];
	_ =	sdelay $0x1  }
0x8a: {  	s1 =	srdreg.scid  }
0x8b: {  	s0 =	sand.u32 $0x1, s1  }
0x8c: {  	s17 =	sshll.u32 s0, $0xA;
	s2 =	sadd.s32 s3, s2  }
0x8d: {  	s2 =	sadd.s32 s2, s17  }
0x8e: {  	[smem:$0x3FC2] =	sst s2  }
0x8f: {  	_ = 	snop  }
0x90: {  	s2 =	sld [smem:$0x3FC7]  }
0x91: {  	s18 =	sld [smem:$0x3FC6]  }
0x92: {  	s4 =	sld [smem:$0x3FD0];
	(tm) =	ssettm $0x1  }
0x93: {  	s5 =	sld [smem:$0x3FFB];
	_ =	sdelay $0x3  }
0x94: {  	_ =	strace s5  }
0x95: {  	s5 =	sld [smem:$0x3FFC];
	_ =	sdelay $0x3  }
0x96: {  	_ =	strace s5  }
0x97: {  	s5 =	sld [smem:$0x3FFD];
	_ =	sdelay $0x3  }
0x98: {  	_ =	strace s5  }
0x99: {  	_ =	strace $0x8FFFFFFF  }
0x9a: {  	s19 =	sld [smem:$0x3FDB];
	_ =	sdelay $0x1  }
0x9b: {  	s6 =	simm.s32 $_scs_section_size  }
0x9c: {  	s7 =	simm.s32 $_size__tile_overlayer_lowered;
	s8 =	simm.s32 $_tile_overlayer_lowered  }
0x9d: {  	s22 =	simm.s32 $0x1BFF;
	s21 =	sshll.u32 s8, $0x1;
	s5 =	sadd.s32 s6, s19  }
0x9e: {  	s9 =	simm.s32 $0x0;
	s20 =	sshll.u32 s7, $0x1;
	s7 =	sadd.s32 s21, s5  }
0x9f: {  	[timem:s9], [sflag:s22] =	dma.local [hbm:s7], s20  }
0xa0: {  	_ =	swait.ge [sflag:s22], s20  }
0xa1: {  	s6 =	ssub.s32 $0x0, s20;
	[sflag:s22] =	ssyncset.done $0x0  }
0xa2: {  	[sflag:s22] =	ssyncadd.s32 s6;
	_ =	sdelay $0x1  }
0xa3: {  	s23 =	simm.s32 $0x1B8B  }
0xa4: {  	_ =	swait.ge [sflag:s23], $0x1  }
0xa5: {  	[sflag:s23] =	ssyncset.done $0x0  }
0xa6: {  	s25 =	simm.s32 $0x1B8E;
	s24 =	sld [smem:$0x3FFE];
	[sflag:s23] =	ssyncadd.s32 $0xFFFFFFFF  }
0xa7: {  	s26 =	simm.s32 $execute0_lowered;
	[smem:$0x3FD2] =	sst s25  }
0xa8: {  	s7 =	sshll.u32 s26, $0x1;
	_ =	strace $0x80000046;
	[dreg:$0x1] =	wrdreg $0xFFFFFFFF  }
0xa9: {  	s28 =	simm.s32 $_size_execute0_lowered;
	s5 =	sadd.s32 s5, s7;
	[dreg:$0x0] =	wrdreg $0x0  }
0xaa: {  	s7 =	sshll.u32 s28, $0x1;
	[dreg:$0x2] =	wrdreg s5  }
0xab: {  	[dreg:$0x3] =	wrdreg s7  }
0xac: {  	[dreg:$0x4] =	wrdreg $0xC0  }
0xad: {  	_ =	task [dreg:s9], $0x5FFFF  }
0xae: {  	[dreg:$0x1] =	wrdreg $0xFFFFFFFF  }
0xaf: {  	[dreg:$0x0] =	wrdreg $0x60  }
0xb0: {  	[dreg:$0x2] =	wrdreg s24  }
0xb1: {  	[dreg:$0x3] =	wrdreg s2  }
0xb2: {  	[dreg:$0x4] =	wrdreg s18  }
0xb3: {  	[dreg:$0x5] =	wrdreg s4  }
0xb4: {  	[dreg:$0x6] =	wrdreg $0x9  }
0xb5: {  	_ =	task.clear_ibuf [dreg:s9], $0x7FFFF;
	_ =	strace $0x90000046  }
0xb6: {  	s29 =	simm.s32 $0x9;
	_ =	strace $0x80000048  }
0xb7: {  	_ =	swait.ge [sflag:s29], $0x1  }
0xb8: {  	[sflag:s29] =	ssyncadd.s32 $0xFFFFFFFF  }
0xb9: {  	_ =	strace $0x90000048  }
0xba: {  	_ =	sfence  }
0xbb: {  	s30 =	sld [smem:$0x0];
	_ =	sdelay $0x2  }
0xbc: {  	s31 =	sshll.u32 s1, $0xD;
	s1 =	sshrl.u32 s1, $0x2  }
0xbd: {  	s3 =	sand.u32 $0x4000, s31;
	s1 =	sadd.s32 s1, s30  }
0xbe: {  	s0 =	sor.u32 s3, s0;
	s1 =	sshll.u32 s1, $0x11  }
0xbf: {  	s0 =	sor.u32 s1, s0  }
0xc0: {  	s0 =	sadd.s32 $0x8F2B, s0  }
0xc1: {  	[sflag:s0] =	ssyncadd.remote.s32 $0x1  }
0xc2: {  	_ =	sfence.sel $0xFFFF  }
0xc3: {  	[dreg:$0x0] =	wrdreg $0xFFFFFFFF;
	(pc) =	sbr.abs _section_cstart, $3  }
0xc4: {  	[dreg:$0x1] =	wrdreg $0xFFFFFFFF  }
0xc5: {  	_ =	task.clear_ibuf [dreg:s9], $0x2FFFF;
	_ =	strace $0x9FFFFFFF  }
0xc6: {  	(tm) =	ssettm $0x7FFFFFFF  }
0xc7: {  	_ =	shalt  }
tec
execute0_lowered:
.L_overlay_start_1:
0x0: {  	(tag) =	ssettag $0x1  }
0x1: {  	s0 =	rddreg [dreg:$0x0]  }
0x2: {  	s1 =	rddreg [dreg:$0x1]  }
0x3: {  	s3 =	rddreg [dreg:$0x2];
	s2 =	srdreg.scid  }
0x4: {  	s6 =	stileid.u32;
	s4 =	rddreg [dreg:$0x3]  }
0x5: {  	s19 =	simm.s32 $0x0;
	s22 =	simm.s32 $0x11;
	s30 =	simm.s32 $0x2400  }
0x6: {  	s11 =	simm.s32 $0xA400;
	s31 =	simm.s32 $0x3400;
	s13 =	simm.s32 $0xC400  }
0x7: {  	s14 =	simm.s32 $0x5400;
	s10 =	simm.s32 $0xD400;
	s29 =	simm.s32 $0xF400  }
0x8: {  	s8 =	simm.s32 $0x5;
	s9 =	simm.s32 $0xD;
	s12 =	simm.s32 $0xE  }
0x9: {  	s15 =	simm.s32 $0x7;
	s16 =	simm.s32 $0xF;
	s17 =	simm.s32 $0x8  }
0xa: {  	s18 =	simm.s32 $0x10;
	s2 =	sand.u32 $0x1, s2;
	s5 =	sshll.u32 s6, $0x1  }
0xb: {  	s21 =	simm.s32 $0x0;
	s6 =	sshll.u32 s6, $0x7;
	s5 =	sor.u32 s2, s5  }
0xc: {  	[smem:$0x7FF] =	sst s19;
	s2 =	ssub.s32 $0x2, s2;
	s7 =	sshll.u32 s5, $0x4  }
0xd: {  	_ =	strace $0x80000047;
	s24 =	sshrl.u32 s2, $0x1;
	s6 =	sor.u32 s6, s7  }
0xe: {  	s26 =	sshll.u32 s5, $0x6;
	s5 =	simm.s32 $0x6400;
	s6 =	sand.u32 $0x670, s6  }
0xf: {  	s7 =	simm.s32 $0xC;
	s6 =	sadd.s32 s6, s0;
	s0 =	sadd.s32 $0x1400, s0  }
0x10: {  	[dreg:$0x5] =	wrdreg s0;
	s0 =	ssub.s32 s2, s24;
	s25 =	sadd.s32 $0x400, s6  }
0x11: {  	vm0 =	vmmov $0x1;
	v0 =	vlaneseq.u32;
	s28 =	sadd.s32 $0xC00, s6;
	s2 =	sadd.s32 s4, s26;
	[dreg:$0x6] =	wrdreg s25  }
0x12: {  	vm1 =	vcmask $0x308;
	vm2 =	vcmask $0x70C;
	v1 =	vmul.u32 $0x80, v0;
	s6 =	simm.s32 $0xE400;
	s26 =	simm.s32 $0x7400;
	[dreg:$0x7] =	wrdreg s28  }
0x13: {  	vm3 =	vcmask $0xB10;
	vm4 =	vcmask $0xF14;
	vm5 =	vcmask $0x1318;
	s4 =	simm.s32 $0x6;
	[dreg:$0x8] =	wrdreg s2;
	s0 =	smax.u32 s0, $0x1  }
0x14: {  	vm6 =	vcmask $0x171C;
	vm7 =	vcmask $0x1B20;
	v2 =	vor.u32 $0x800, v1;
	s2 =	simm.s32 $0xB400;
	[dreg:$0x9] =	wrdreg s0;
	s0 =	simm.s32 $0x4400  }
.LBB2_1:
0x15: {  	[dreg:$0xa] =	wrdreg s21  }
0x16: {  	s20 =	rddreg [dreg:$0x6];
	s25 =	simm.s32 $0x80;
	s24 =	simm.s32 $0x400  }
0x17: {  	[tilespmem:s19], [sflag:$0x11] =	stream.strided.gather [hbm4b:s20+s25], $0x200, s24, s25, $0x38;
	[tilespmem:$0x10680] =	vst v63  }
0x18: {  	_ =	swait.ge [sflag:s22], $0x200  }
0x19: {  	[sflag:s22] =	ssyncset.done $0x0  }
0x1a: {  	s23 =	simm.s32 $0x200;
	s28 =	rddreg [dreg:$0x7];
	[sflag:s22] =	ssyncadd.s32 $0xFFFFFE00  }
0x1b: {  	[tilespmem:s23], [sflag:$0x11] =	stream.strided.gather [hbm4b:s28+s25], $0x200, s24, s25, $0x38;
	[tilespmem:$0x10680] =	vst v63  }
0x1c: {  	_ =	swait.ge [sflag:s22], $0x200  }
0x1d: {  	[sflag:s22] =	ssyncset.done $0x0  }
0x1e: {  	s28 =	simm.s32 $0x10400;
	s25 =	rddreg [dreg:$0x5];
	[sflag:s22] =	ssyncadd.s32 $0xFFFFFE00  }
0x1f: {  	[tilespmem:s28], [sflag:$0x11] =	stream.linear.gather [hbm4b:s25+s19], $0x80, $0x38;
	[tilespmem:$0x10680] =	vst v63  }
0x20: {  	_ =	swait.ge [sflag:s22], $0x80  }
0x21: {  	[sflag:s22] =	ssyncset.done $0x0  }
0x22: {  	[sflag:s22] =	ssyncadd.s32 $0xFFFFFF80  }
0x23: {  	v3 =	vld [tilespmem:$0x0];
	_ =	sdelay $0x4  }
0x24: {  	v3 =	vshrl.u32 v3, $0x7  }
0x25: {  	v3 =	vnsel vm0, $0x0, v3  }
0x26: {  	v3 =	vor.u32 $0x80000000, v3  }
0x27: {  	(xrf0) =	vmax.scan.msk.u32 $0xffff, v3;
	_ =	sdelay $0x5  }
0x28: {  	v3, _, _ =	vpop (xrf0)  }
0x29: {  	(v2sf) =	vpush v3, $0xF;
	_ =	sdelay $0xe  }
0x2a: {  	v4 =	vld [tilespmem:$0x10410];
	s21 =	spop (v2sf)  }
0x2b: {  	v5 =	vld [tilespmem:$0x10420];
	s19 =	sshll.u32 s21, $0x7  }
0x2c: {  	v6 =	vld [tilespmem:$0x10430];
	s19 =	sand.u32 $0x1FFFFF80, s19  }
0x2d: {  	s20 =	simm.s32 $0x7A1400;
	v7 =	vld [tilespmem:$0x10440];
	s19 =	sadd.s32 s1, s19  }
0x2e: {  	v3 =	vld [tilespmem:$0x10400];
	[tilespmem:s24], [sflag:$0x1] =	stream.strided.gather [hbm4b:s19+s24], $0x1000, s20, s24, $0x38  }
0x2f: {  	v8 =	vld [tilespmem:$0x200];
	_ =	sdelay $0x4  }
0x30: {  	v8 =	vshrl.u32 v8, $0x7  }
0x31: {  	v8 =	vnsel vm0, $0x0, v8  }
0x32: {  	v8 =	vor.u32 $0x80000000, v8  }
0x33: {  	(xrf0) =	vmax.scan.msk.u32 $0xffff, v8;
	_ =	sdelay $0x5  }
0x34: {  	v8, _, _ =	vpop (xrf0)  }
0x35: {  	(v2sf) =	vpush v8, $0xF;
	_ =	sdelay $0xe  }
0x36: {  	s22 =	spop (v2sf)  }
0x37: {  	s19 =	sshll.u32 s22, $0x7  }
0x38: {  	s19 =	sand.u32 $0x1FFFFF80, s19  }
0x39: {  	s23 =	simm.s32 $0x8400;
	s19 =	sadd.s32 s3, s19  }
0x3a: {  	[tilespmem:s23], [sflag:$0x9] =	stream.strided.gather [hbm4b:s19+s24], $0x1000, s20, s24, $0x38;
	[tilespmem:$0x10680] =	vst v63  }
0x3b: {  	v8 =	vld [tilespmem:$0x0];
	_ =	sdelay $0x4  }
0x3c: {  	v8 =	vshrl.u32 v8, $0x7  }
0x3d: {  	v8 =	vsel vm1, $0x0, v8  }
0x3e: {  	v8 =	vor.u32 $0x80000000, v8  }
0x3f: {  	(xrf0) =	vmax.scan.msk.u32 $0xffff, v8;
	_ =	sdelay $0x5  }
0x40: {  	v8, _, _ =	vpop (xrf0)  }
0x41: {  	(v2sf) =	vpush v8, $0xF;
	_ =	sdelay $0xe  }
0x42: {  	s25 =	spop (v2sf)  }
0x43: {  	s19 =	sshll.u32 s25, $0x7  }
0x44: {  	s19 =	sand.u32 $0x1FFFFF80, s19  }
0x45: {  	s28 =	simm.s32 $0x1400;
	s19 =	sadd.s32 s1, s19  }
0x46: {  	[tilespmem:s28], [sflag:$0x2] =	stream.strided.gather [hbm4b:s19+s24], $0x1000, s20, s24, $0x38;
	[tilespmem:$0x10680] =	vst v63  }
0x47: {  	v8 =	vld [tilespmem:$0x200];
	_ =	sdelay $0x4  }
0x48: {  	v8 =	vshrl.u32 v8, $0x7  }
0x49: {  	v8 =	vsel vm1, $0x0, v8  }
0x4a: {  	v8 =	vor.u32 $0x80000000, v8  }
0x4b: {  	(xrf0) =	vmax.scan.msk.u32 $0xffff, v8;
	_ =	sdelay $0x5  }
0x4c: {  	v8, _, _ =	vpop (xrf0)  }
0x4d: {  	(v2sf) =	vpush v8, $0xF;
	_ =	sdelay $0xe  }
0x4e: {  	s22 =	spop (v2sf)  }
0x4f: {  	s19 =	sshll.u32 s22, $0x7  }
0x50: {  	s19 =	sand.u32 $0x1FFFFF80, s19  }
0x51: {  	s23 =	simm.s32 $0x9400;
	s19 =	sadd.s32 s3, s19  }
0x52: {  	[tilespmem:s23], [sflag:$0xA] =	stream.strided.gather [hbm4b:s19+s24], $0x1000, s20, s24, $0x38;
	[tilespmem:$0x10680] =	vst v63  }
0x53: {  	v8 =	vld [tilespmem:$0x0];
	_ =	sdelay $0x4  }
0x54: {  	v8 =	vshrl.u32 v8, $0x7  }
0x55: {  	v8 =	vsel vm2, $0x0, v8  }
0x56: {  	v8 =	vor.u32 $0x80000000, v8  }
0x57: {  	(xrf0) =	vmax.scan.msk.u32 $0xffff, v8;
	_ =	sdelay $0x5  }
0x58: {  	v8, _, _ =	vpop (xrf0)  }
0x59: {  	(v2sf) =	vpush v8, $0xF;
	_ =	sdelay $0xe  }
0x5a: {  	s25 =	spop (v2sf)  }
0x5b: {  	s19 =	sshll.u32 s25, $0x7  }
0x5c: {  	s19 =	sand.u32 $0x1FFFFF80, s19  }
0x5d: {  	s19 =	sadd.s32 s1, s19  }
0x5e: {  	[tilespmem:s30], [sflag:$0x3] =	stream.strided.gather [hbm4b:s19+s24], $0x1000, s20, s24, $0x38;
	[tilespmem:$0x10680] =	vst v63  }
0x5f: {  	v8 =	vld [tilespmem:$0x200];
	_ =	sdelay $0x4  }
0x60: {  	v8 =	vshrl.u32 v8, $0x7  }
0x61: {  	v8 =	vsel vm2, $0x0, v8  }
0x62: {  	v8 =	vor.u32 $0x80000000, v8  }
0x63: {  	(xrf0) =	vmax.scan.msk.u32 $0xffff, v8;
	_ =	sdelay $0x5  }
0x64: {  	v8, _, _ =	vpop (xrf0)  }
0x65: {  	(v2sf) =	vpush v8, $0xF;
	_ =	sdelay $0xe  }
0x66: {  	s28 =	spop (v2sf)  }
0x67: {  	s19 =	sshll.u32 s28, $0x7  }
0x68: {  	s19 =	sand.u32 $0x1FFFFF80, s19  }
0x69: {  	s19 =	sadd.s32 s3, s19  }
0x6a: {  	[tilespmem:s11], [sflag:$0xB] =	stream.strided.gather [hbm4b:s19+s24], $0x1000, s20, s24, $0x38;
	[tilespmem:$0x10680] =	vst v63  }
0x6b: {  	v8 =	vld [tilespmem:$0x0];
	_ =	sdelay $0x4  }
0x6c: {  	v8 =	vshrl.u32 v8, $0x7  }
0x6d: {  	v8 =	vsel vm3, $0x0, v8  }
0x6e: {  	v8 =	vor.u32 $0x80000000, v8  }
0x6f: {  	(xrf0) =	vmax.scan.msk.u32 $0xffff, v8;
	_ =	sdelay $0x5  }
0x70: {  	v8, _, _ =	vpop (xrf0)  }
0x71: {  	(v2sf) =	vpush v8, $0xF;
	_ =	sdelay $0xe  }
0x72: {  	s30 =	spop (v2sf)  }
0x73: {  	s19 =	sshll.u32 s30, $0x7  }
0x74: {  	s19 =	sand.u32 $0x1FFFFF80, s19  }
0x75: {  	s19 =	sadd.s32 s1, s19  }
0x76: {  	[tilespmem:s31], [sflag:$0x4] =	stream.strided.gather [hbm4b:s19+s24], $0x1000, s20, s24, $0x38;
	[tilespmem:$0x10680] =	vst v63  }
0x77: {  	v8 =	vld [tilespmem:$0x200];
	_ =	sdelay $0x4  }
0x78: {  	v8 =	vshrl.u32 v8, $0x7  }
0x79: {  	v8 =	vsel vm3, $0x0, v8  }
0x7a: {  	v8 =	vor.u32 $0x80000000, v8  }
0x7b: {  	(xrf0) =	vmax.scan.msk.u32 $0xffff, v8;
	_ =	sdelay $0x5  }
0x7c: {  	v8, _, _ =	vpop (xrf0)  }
0x7d: {  	(v2sf) =	vpush v8, $0xF;
	_ =	sdelay $0xe  }
0x7e: {  	s31 =	spop (v2sf)  }
0x7f: {  	s19 =	sshll.u32 s31, $0x7  }
0x80: {  	s19 =	sand.u32 $0x1FFFFF80, s19  }
0x81: {  	s19 =	sadd.s32 s3, s19  }
0x82: {  	[tilespmem:s2], [sflag:$0xC] =	stream.strided.gather [hbm4b:s19+s24], $0x1000, s20, s24, $0x38;
	[tilespmem:$0x10680] =	vst v63  }
0x83: {  	v8 =	vld [tilespmem:$0x0];
	_ =	sdelay $0x4  }
0x84: {  	v8 =	vshrl.u32 v8, $0x7  }
0x85: {  	v8 =	vsel vm4, $0x0, v8  }
0x86: {  	v8 =	vor.u32 $0x80000000, v8  }
0x87: {  	(xrf0) =	vmax.scan.msk.u32 $0xffff, v8;
	_ =	sdelay $0x5  }
0x88: {  	v8, _, _ =	vpop (xrf0)  }
0x89: {  	(v2sf) =	vpush v8, $0xF;
	_ =	sdelay $0xe  }
0x8a: {  	s11 =	spop (v2sf)  }
0x8b: {  	s19 =	sshll.u32 s11, $0x7  }
0x8c: {  	s19 =	sand.u32 $0x1FFFFF80, s19  }
0x8d: {  	s19 =	sadd.s32 s1, s19  }
0x8e: {  	[tilespmem:s0], [sflag:$0x5] =	stream.strided.gather [hbm4b:s19+s24], $0x1000, s20, s24, $0x38;
	[tilespmem:$0x10680] =	vst v63  }
0x8f: {  	v8 =	vld [tilespmem:$0x200];
	_ =	sdelay $0x4  }
0x90: {  	v8 =	vshrl.u32 v8, $0x7  }
0x91: {  	v8 =	vsel vm4, $0x0, v8  }
0x92: {  	v8 =	vor.u32 $0x80000000, v8  }
0x93: {  	(xrf0) =	vmax.scan.msk.u32 $0xffff, v8;
	_ =	sdelay $0x5  }
0x94: {  	v8, _, _ =	vpop (xrf0)  }
0x95: {  	(v2sf) =	vpush v8, $0xF;
	_ =	sdelay $0xe  }
0x96: {  	s21 =	spop (v2sf)  }
0x97: {  	s19 =	sshll.u32 s21, $0x7  }
0x98: {  	s19 =	sand.u32 $0x1FFFFF80, s19  }
0x99: {  	s19 =	sadd.s32 s3, s19  }
0x9a: {  	[tilespmem:s13], [sflag:$0xD] =	stream.strided.gather [hbm4b:s19+s24], $0x1000, s20, s24, $0x38;
	[tilespmem:$0x10680] =	vst v63  }
0x9b: {  	v8 =	vld [tilespmem:$0x0];
	_ =	sdelay $0x4  }
0x9c: {  	v8 =	vshrl.u32 v8, $0x7  }
0x9d: {  	v8 =	vsel vm5, $0x0, v8  }
0x9e: {  	v8 =	vor.u32 $0x80000000, v8  }
0x9f: {  	(xrf0) =	vmax.scan.msk.u32 $0xffff, v8;
	_ =	sdelay $0x5  }
0xa0: {  	v8, _, _ =	vpop (xrf0)  }
0xa1: {  	(v2sf) =	vpush v8, $0xF;
	_ =	sdelay $0xe  }
0xa2: {  	s22 =	spop (v2sf)  }
0xa3: {  	s19 =	sshll.u32 s22, $0x7  }
0xa4: {  	s19 =	sand.u32 $0x1FFFFF80, s19  }
0xa5: {  	s19 =	sadd.s32 s1, s19  }
0xa6: {  	[tilespmem:s14], [sflag:$0x6] =	stream.strided.gather [hbm4b:s19+s24], $0x1000, s20, s24, $0x38;
	[tilespmem:$0x10680] =	vst v63  }
0xa7: {  	v8 =	vld [tilespmem:$0x200];
	_ =	sdelay $0x4  }
0xa8: {  	v8 =	vshrl.u32 v8, $0x7  }
0xa9: {  	v8 =	vsel vm5, $0x0, v8  }
0xaa: {  	v8 =	vor.u32 $0x80000000, v8  }
0xab: {  	(xrf0) =	vmax.scan.msk.u32 $0xffff, v8;
	_ =	sdelay $0x5  }
0xac: {  	v8, _, _ =	vpop (xrf0)  }
0xad: {  	(v2sf) =	vpush v8, $0xF;
	_ =	sdelay $0xe  }
0xae: {  	s23 =	spop (v2sf)  }
0xaf: {  	s19 =	sshll.u32 s23, $0x7  }
0xb0: {  	s19 =	sand.u32 $0x1FFFFF80, s19  }
0xb1: {  	s19 =	sadd.s32 s3, s19  }
0xb2: {  	[tilespmem:s10], [sflag:$0xE] =	stream.strided.gather [hbm4b:s19+s24], $0x1000, s20, s24, $0x38;
	[tilespmem:$0x10680] =	vst v63  }
0xb3: {  	v8 =	vld [tilespmem:$0x0];
	_ =	sdelay $0x4  }
0xb4: {  	v8 =	vshrl.u32 v8, $0x7  }
0xb5: {  	v8 =	vsel vm6, $0x0, v8  }
0xb6: {  	v8 =	vor.u32 $0x80000000, v8  }
0xb7: {  	(xrf0) =	vmax.scan.msk.u32 $0xffff, v8;
	_ =	sdelay $0x5  }
0xb8: {  	v8, _, _ =	vpop (xrf0)  }
0xb9: {  	(v2sf) =	vpush v8, $0xF;
	_ =	sdelay $0xe  }
0xba: {  	s25 =	spop (v2sf)  }
0xbb: {  	s19 =	sshll.u32 s25, $0x7  }
0xbc: {  	s19 =	sand.u32 $0x1FFFFF80, s19  }
0xbd: {  	s19 =	sadd.s32 s1, s19  }
0xbe: {  	[tilespmem:s5], [sflag:$0x7] =	stream.strided.gather [hbm4b:s19+s24], $0x1000, s20, s24, $0x38;
	[tilespmem:$0x10680] =	vst v63  }
0xbf: {  	v8 =	vld [tilespmem:$0x200];
	_ =	sdelay $0x4  }
0xc0: {  	v8 =	vshrl.u32 v8, $0x7  }
0xc1: {  	v8 =	vsel vm6, $0x0, v8  }
0xc2: {  	v8 =	vor.u32 $0x80000000, v8  }
0xc3: {  	(xrf0) =	vmax.scan.msk.u32 $0xffff, v8;
	_ =	sdelay $0x5  }
0xc4: {  	v8, _, _ =	vpop (xrf0)  }
0xc5: {  	(v2sf) =	vpush v8, $0xF;
	_ =	sdelay $0xe  }
0xc6: {  	s28 =	spop (v2sf)  }
0xc7: {  	s19 =	sshll.u32 s28, $0x7  }
0xc8: {  	s19 =	sand.u32 $0x1FFFFF80, s19  }
0xc9: {  	s19 =	sadd.s32 s3, s19  }
0xca: {  	[tilespmem:s6], [sflag:$0xF] =	stream.strided.gather [hbm4b:s19+s24], $0x1000, s20, s24, $0x38;
	[tilespmem:$0x10680] =	vst v63  }
0xcb: {  	v8 =	vld [tilespmem:$0x0];
	_ =	sdelay $0x4  }
0xcc: {  	v8 =	vshrl.u32 v8, $0x7  }
0xcd: {  	v8 =	vsel vm7, $0x0, v8  }
0xce: {  	v8 =	vor.u32 $0x80000000, v8  }
0xcf: {  	(xrf0) =	vmax.scan.msk.u32 $0xffff, v8;
	_ =	sdelay $0x5  }
0xd0: {  	v8, _, _ =	vpop (xrf0)  }
0xd1: {  	(v2sf) =	vpush v8, $0xF;
	_ =	sdelay $0xe  }
0xd2: {  	s30 =	spop (v2sf)  }
0xd3: {  	s19 =	sshll.u32 s30, $0x7  }
0xd4: {  	s19 =	sand.u32 $0x1FFFFF80, s19  }
0xd5: {  	s19 =	sadd.s32 s1, s19  }
0xd6: {  	[tilespmem:s26], [sflag:$0x8] =	stream.strided.gather [hbm4b:s19+s24], $0x1000, s20, s24, $0x38;
	[tilespmem:$0x10680] =	vst v63  }
0xd7: {  	v8 =	vld [tilespmem:$0x200];
	_ =	sdelay $0x4  }
0xd8: {  	v8 =	vshrl.u32 v8, $0x7  }
0xd9: {  	v8 =	vsel vm7, $0x0, v8  }
0xda: {  	v8 =	vor.u32 $0x80000000, v8  }
0xdb: {  	(xrf0) =	vmax.scan.msk.u32 $0xffff, v8;
	_ =	sdelay $0x5  }
0xdc: {  	v8, _, _ =	vpop (xrf0)  }
0xdd: {  	(v2sf) =	vpush v8, $0xF;
	_ =	sdelay $0xe  }
0xde: {  	s31 =	spop (v2sf)  }
0xdf: {  	s19 =	sshll.u32 s31, $0x7  }
0xe0: {  	s19 =	sand.u32 $0x1FFFFF80, s19  }
0xe1: {  	s19 =	sadd.s32 s3, s19  }
0xe2: {  	[tilespmem:s29], [sflag:$0x10] =	stream.strided.gather [hbm4b:s19+s24], $0x1000, s20, s24, $0x38;
	[tilespmem:$0x10680] =	vst v63  }
0xe3: {  	s21 =	simm.s32 $0x0;
	v8 =	vimm.f32 $0.0e+00;
	s19 =	simm.s32 $0x0;
	s20 =	simm.s32 $0x0  }
.LBB2_2:
0xe4: {  	s0 =	simm.s32 $0x1  }
0xe5: {  	_ =	swait.ge [sflag:s0], $0x1000  }
0xe6: {  	[sflag:s0] =	ssyncset.done $0x0  }
0xe7: {  	s25 =	simm.s32 $0x9;
	[sflag:s0] =	ssyncadd.s32 $0xFFFFF000  }
0xe8: {  	p0 =	seq.s32 s20, $0x1F8;
	_ =	swait.ge [sflag:s25], $0x1000  }
0xe9: {  	s22 =	sadd.s32 @!p0 $0x8, s20;
	[sflag:s25] =	ssyncset.done $0x0  }
0xea: {  	[sflag:s25] =	ssyncadd.s32 $0xFFFFF000;
	s25 =	sand.u32 @!p0 $0x3F0, s22  }
0xeb: {  	v9 =	vld @!p0 [tilespmem:s25+$0x0];
	_ =	sdelay $0x3  }
0xec: {  	s22 =	sand.u32 @!p0 $0x8, s22  }
0xed: {  	v10 =	vlaneseq.u32 @!p0;
	v11 =	vmov @!p0 s22;
	v9 =	vshrl.u32 @!p0 v9, $0x7  }
0xee: {  	vm8 =	veq.s32 @!p0 v11, v10;
	v9 =	vor.u32 @!p0 $0x80000000, v9  }
0xef: {  	v9 =	vnsel @!p0 vm8, $0x80000000, v9  }
0xf0: {  	(xrf0) =	vmax.scan.msk.u32 @!p0 $0xffff, v9;
	_ =	sdelay $0x5  }
0xf1: {  	v9, _, _ =	vpop @!p0 (xrf0)  }
0xf2: {  	(v2sf) =	vpush @!p0 v9, $0xF;
	_ =	sdelay $0x1  }
0xf3: {  	s24 =	sand.u32 $0x1F0, s20  }
0xf4: {  	v9 =	vld [tilespmem:s24+$0x0]  }
0xf5: {  	v11 =	vld [tilespmem:s24+$0x200];
	_ =	sdelay $0x2  }
0xf6: {  	s26 =	sand.u32 $0x8, s20  }
0xf7: {  	v12 =	vand.u32 $0x7F, v9;
	v9 =	vmov s26  }
0xf8: {  	v11 =	vand.u32 $0x7F, v11;
	v12 =	vperm.xlane v12, v9  }
0xf9: {  	v11 =	vperm.xlane v11, v9  }
0xfa: {  	v13 =	vadd.s32 v1, v12  }
0xfb: {  	v14 =	vadd.s32 v1, v11  }
0xfc: {  	v11 =	vadd.s32 v2, v11  }
0xfd: {  	v12 =	vadd.s32 v2, v12  }
0xfe: {  	s11 =	simm.s32 $0x400;
	s22 =	spop @!p0 (v2sf)  }
0xff: {  	s23 =	simm.s32 $0x8400;
	v13 =	vld.idx.msk [tilespmem:v13+s11+$0x0], $0xffff;
	s22 =	sshll.u32 @!p0 s22, $0x7  }
0x100: {  	v14 =	vld.idx.msk [tilespmem:v14+s23+$0x0], $0xffff;
	s22 =	sand.u32 @!p0 $0x1FFFFF80, s22  }
0x101: {  	v11 =	vld.idx.msk [tilespmem:v11+s23+$0x0], $0xffff;
	s23 =	simm.s32 @!p0 $0x400;
	s26 =	sadd.s32 @!p0 s1, s22;
	s22 =	simm.s32 @!p0 $0x7A1400  }
0x102: {  	v12 =	vld.idx.msk [tilespmem:v12+s11+$0x0], $0xffff;
	[tilespmem:s23], [sflag:$0x1] =	stream.strided.gather @!p0 [hbm4b:s26+s23], $0x1000, s22, s23, $0x38  }
0x103: {  	v15 =	vld @!p0 [tilespmem:s25+$0x200];
	_ =	sdelay $0x4  }
0x104: {  	v15 =	vshrl.u32 @!p0 v15, $0x7  }
0x105: {  	v15 =	vor.u32 @!p0 $0x80000000, v15  }
0x106: {  	v15 =	vnsel @!p0 vm8, $0x80000000, v15  }
0x107: {  	(xrf0) =	vmax.scan.msk.u32 @!p0 $0xffff, v15;
	_ =	sdelay $0x5  }
0x108: {  	v13 =	vmul.f32 v13, v3;
	v12 =	vmul.f32 v12, v4;
	v15, _, _ =	vpop @!p0 (xrf0)  }
0x109: {  	(v2sf) =	vpush @!p0 v15, $0xF  }
0x10a: {  	v23 =	vmul.f32 v14, v5;
	v12 =	vadd.f32 v12, v13;
	_ =	sdelay $0x1  }
0x10b: {  	v11 =	vmul.f32 v11, v6;
	v12 =	vadd.f32 v23, v12;
	_ =	sdelay $0x1  }
0x10c: {  	v11 =	vadd.f32 v11, v12;
	_ =	sdelay $0x1  }
0x10d: {  	v11 =	vadd.f32 v11, v7;
	_ =	sdelay $0x1  }
0x10e: {  	(xrf2) =	vadd.scan.msk.f32 $0xffff, v11;
	_ =	sdelay $0x5  }
0x10f: {  	s25 =	spop @!p0 (v2sf)  }
0x110: {  	s25 =	sshll.u32 @!p0 s25, $0x7  }
0x111: {  	s25 =	sand.u32 @!p0 $0x1FFFFF80, s25  }
0x112: {  	s28 =	simm.s32 $0x2;
	s26 =	simm.s32 @!p0 $0x8400;
	s25 =	sadd.s32 @!p0 s3, s25  }
0x113: {  	v11, _, _ =	vpop (xrf2);
	[tilespmem:s26], [sflag:$0x9] =	stream.strided.gather @!p0 [hbm4b:s25+s23], $0x1000, s22, s23, $0x38;
	[tilespmem:$0x10680] =	vst v63  }
0x114: {  	_ =	swait.ge [sflag:s28], $0x1000  }
0x115: {  	[sflag:s28] =	ssyncset.done $0x0  }
0x116: {  	s2 =	simm.s32 $0xA;
	[sflag:s28] =	ssyncadd.s32 $0xFFFFF000  }
0x117: {  	_ =	swait.ge [sflag:s2], $0x1000  }
0x118: {  	s25 =	sadd.s32 @!p0 $0x9, s20;
	[sflag:s2] =	ssyncset.done $0x0  }
0x119: {  	s26 =	sand.u32 @!p0 $0x3F0, s25;
	[sflag:s2] =	ssyncadd.s32 $0xFFFFF000  }
0x11a: {  	v12 =	vld @!p0 [tilespmem:s26+$0x0];
	_ =	sdelay $0x3  }
0x11b: {  	s25 =	sand.u32 @!p0 $0x9, s25  }
0x11c: {  	v13 =	vmov @!p0 s25;
	v12 =	vshrl.u32 @!p0 v12, $0x7  }
0x11d: {  	vm8 =	veq.s32 @!p0 v13, v10;
	v12 =	vor.u32 @!p0 $0x80000000, v12  }
0x11e: {  	v12 =	vnsel @!p0 vm8, $0x80000000, v12  }
0x11f: {  	(xrf0) =	vmax.scan.msk.u32 @!p0 $0xffff, v12;
	_ =	sdelay $0x5  }
0x120: {  	v12, _, _ =	vpop @!p0 (xrf0)  }
0x121: {  	s5 =	sand.u32 $0xFFFFFFF0, s20;
	(v2sf) =	vpush @!p0 v12, $0xF  }
0x122: {  	s25 =	ssub.s32 $0x0, s5  }
0x123: {  	s25 =	sadd.s32 s25, s20;
	v24 =	vld [tilespmem:s24+$0x0]  }
0x124: {  	s28 =	sadd.s32 $0x1, s25  }
0x125: {  	v25 =	vld [tilespmem:s24+$0x200];
	v12 =	vmov s28  }
0x126: {  	v26 =	vshrl.u32 v12, $0x1B  }
0x127: {  	v15 =	vand.u32 $0x10, v26  }
0x128: {  	v13 =	vand.u32 $0x7F, v24;
	v15 =	vadd.s32 s28, v15  }
0x129: {  	v13 =	vperm.xlane v13, v15  }
0x12a: {  	v14 =	vand.u32 $0x7F, v25  }
0x12b: {  	v14 =	vperm.xlane v14, v15;
	v27 =	vadd.s32 v1, v13  }
0x12c: {  	v13 =	vadd.s32 v2, v13  }
0x12d: {  	v16 =	vadd.s32 v1, v14  }
0x12e: {  	v14 =	vadd.s32 v2, v14  }
0x12f: {  	s29 =	simm.s32 $0x1400  }
0x130: {  	v15 =	vld.idx.msk [tilespmem:v27+s29+$0x0], $0xffff;
	s28 =	spop @!p0 (v2sf)  }
0x131: {  	v13 =	vld.idx.msk [tilespmem:v13+s29+$0x0], $0xffff;
	s29 =	simm.s32 $0x9400;
	s28 =	sshll.u32 @!p0 s28, $0x7  }
0x132: {  	v16 =	vld.idx.msk [tilespmem:v16+s29+$0x0], $0xffff;
	s28 =	sand.u32 @!p0 $0x1FFFFF80, s28  }
0x133: {  	v14 =	vld.idx.msk [tilespmem:v14+s29+$0x0], $0xffff;
	s29 =	simm.s32 @!p0 $0x1400;
	s28 =	sadd.s32 @!p0 s1, s28  }
0x134: {  	[tilespmem:s29], [sflag:$0x2] =	stream.strided.gather @!p0 [hbm4b:s28+s23], $0x1000, s22, s23, $0x38;
	[tilespmem:$0x10680] =	vst v63  }
0x135: {  	v17 =	vld @!p0 [tilespmem:s26+$0x200];
	_ =	sdelay $0x4  }
0x136: {  	v17 =	vshrl.u32 @!p0 v17, $0x7  }
0x137: {  	v17 =	vor.u32 @!p0 $0x80000000, v17  }
0x138: {  	v17 =	vnsel @!p0 vm8, $0x80000000, v17  }
0x139: {  	(xrf0) =	vmax.scan.msk.u32 @!p0 $0xffff, v17;
	_ =	sdelay $0x5  }
0x13a: {  	v15 =	vmul.f32 v15, v3;
	v13 =	vmul.f32 v13, v4;
	v17, _, _ =	vpop @!p0 (xrf0)  }
0x13b: {  	(v2sf) =	vpush @!p0 v17, $0xF  }
0x13c: {  	v28 =	vmul.f32 v16, v5;
	v13 =	vadd.f32 v13, v15;
	_ =	sdelay $0x1  }
0x13d: {  	v14 =	vmul.f32 v14, v6;
	v13 =	vadd.f32 v28, v13;
	_ =	sdelay $0x1  }
0x13e: {  	v13 =	vadd.f32 v14, v13;
	_ =	sdelay $0x1  }
0x13f: {  	v13 =	vadd.f32 v13, v7;
	_ =	sdelay $0x1  }
0x140: {  	(xrf2) =	vadd.scan.msk.f32 $0xffff, v13;
	_ =	sdelay $0x5  }
0x141: {  	s26 =	spop @!p0 (v2sf)  }
0x142: {  	s26 =	sshll.u32 @!p0 s26, $0x7  }
0x143: {  	s26 =	sand.u32 @!p0 $0x1FFFFF80, s26  }
0x144: {  	s6 =	simm.s32 $0x3;
	s28 =	simm.s32 @!p0 $0x9400;
	s26 =	sadd.s32 @!p0 s3, s26  }
0x145: {  	v13, _, _ =	vpop (xrf2);
	[tilespmem:s28], [sflag:$0xA] =	stream.strided.gather @!p0 [hbm4b:s26+s23], $0x1000, s22, s23, $0x38;
	[tilespmem:$0x10680] =	vst v63  }
0x146: {  	_ =	swait.ge [sflag:s6], $0x1000  }
0x147: {  	[sflag:s6] =	ssyncset.done $0x0  }
0x148: {  	s10 =	simm.s32 $0xB;
	[sflag:s6] =	ssyncadd.s32 $0xFFFFF000  }
0x149: {  	_ =	swait.ge [sflag:s10], $0x1000  }
0x14a: {  	s26 =	sadd.s32 @!p0 $0xA, s20;
	[sflag:s10] =	ssyncset.done $0x0  }
0x14b: {  	s28 =	sand.u32 @!p0 $0x3F0, s26;
	[sflag:s10] =	ssyncadd.s32 $0xFFFFF000  }
0x14c: {  	v14 =	vld @!p0 [tilespmem:s28+$0x0];
	_ =	sdelay $0x3  }
0x14d: {  	s26 =	sand.u32 @!p0 $0xA, s26  }
0x14e: {  	v15 =	vmov @!p0 s26;
	v14 =	vshrl.u32 @!p0 v14, $0x7  }
0x14f: {  	vm8 =	veq.s32 @!p0 v15, v10;
	v14 =	vor.u32 @!p0 $0x80000000, v14  }
0x150: {  	v14 =	vnsel @!p0 vm8, $0x80000000, v14  }
0x151: {  	(xrf0) =	vmax.scan.msk.u32 @!p0 $0xffff, v14;
	_ =	sdelay $0x5  }
0x152: {  	v14, _, _ =	vpop @!p0 (xrf0)  }
0x153: {  	(v2sf) =	vpush @!p0 v14, $0xF;
	_ =	sdelay $0x1  }
0x154: {  	v29 =	vld [tilespmem:s24+$0x0]  }
0x155: {  	s11 =	sadd.s32 $0x2, s25  }
0x156: {  	v30 =	vld [tilespmem:s24+$0x200];
	v14 =	vmov s11  }
0x157: {  	v31 =	vshrl.u32 v14, $0x1B  }
0x158: {  	v17 =	vand.u32 $0x10, v31  }
0x159: {  	v15 =	vand.u32 $0x7F, v29;
	v17 =	vadd.s32 s11, v17  }
0x15a: {  	v15 =	vperm.xlane v15, v17  }
0x15b: {  	v16 =	vand.u32 $0x7F, v30  }
0x15c: {  	v16 =	vperm.xlane v16, v17;
	v32 =	vadd.s32 v1, v15  }
0x15d: {  	v15 =	vadd.s32 v2, v15  }
0x15e: {  	v18 =	vadd.s32 v1, v16  }
0x15f: {  	v16 =	vadd.s32 v2, v16  }
0x160: {  	s29 =	simm.s32 $0x2400  }
0x161: {  	v17 =	vld.idx.msk [tilespmem:v32+s29+$0x0], $0xffff;
	s26 =	spop @!p0 (v2sf)  }
0x162: {  	v15 =	vld.idx.msk [tilespmem:v15+s29+$0x0], $0xffff;
	s29 =	simm.s32 $0xA400;
	s26 =	sshll.u32 @!p0 s26, $0x7  }
0x163: {  	v18 =	vld.idx.msk [tilespmem:v18+s29+$0x0], $0xffff;
	s26 =	sand.u32 @!p0 $0x1FFFFF80, s26  }
0x164: {  	v16 =	vld.idx.msk [tilespmem:v16+s29+$0x0], $0xffff;
	s29 =	simm.s32 @!p0 $0x2400;
	s26 =	sadd.s32 @!p0 s1, s26  }
0x165: {  	[tilespmem:s29], [sflag:$0x3] =	stream.strided.gather @!p0 [hbm4b:s26+s23], $0x1000, s22, s23, $0x38;
	[tilespmem:$0x10680] =	vst v63  }
0x166: {  	v19 =	vld @!p0 [tilespmem:s28+$0x200];
	_ =	sdelay $0x4  }
0x167: {  	v19 =	vshrl.u32 @!p0 v19, $0x7  }
0x168: {  	v19 =	vor.u32 @!p0 $0x80000000, v19  }
0x169: {  	v19 =	vnsel @!p0 vm8, $0x80000000, v19  }
0x16a: {  	(xrf0) =	vmax.scan.msk.u32 @!p0 $0xffff, v19;
	_ =	sdelay $0x5  }
0x16b: {  	v17 =	vmul.f32 v17, v3;
	v15 =	vmul.f32 v15, v4;
	v19, _, _ =	vpop @!p0 (xrf0)  }
0x16c: {  	(v2sf) =	vpush @!p0 v19, $0xF  }
0x16d: {  	v33 =	vmul.f32 v18, v5;
	v15 =	vadd.f32 v15, v17;
	_ =	sdelay $0x1  }
0x16e: {  	v16 =	vmul.f32 v16, v6;
	v15 =	vadd.f32 v33, v15;
	_ =	sdelay $0x1  }
0x16f: {  	v15 =	vadd.f32 v16, v15;
	_ =	sdelay $0x1  }
0x170: {  	v15 =	vadd.f32 v15, v7;
	_ =	sdelay $0x1  }
0x171: {  	(xrf2) =	vadd.scan.msk.f32 $0xffff, v15;
	_ =	sdelay $0x5  }
0x172: {  	s26 =	spop @!p0 (v2sf)  }
0x173: {  	s26 =	sshll.u32 @!p0 s26, $0x7  }
0x174: {  	s26 =	sand.u32 @!p0 $0x1FFFFF80, s26  }
0x175: {  	s13 =	simm.s32 $0x4;
	s28 =	simm.s32 @!p0 $0xA400;
	s26 =	sadd.s32 @!p0 s3, s26  }
0x176: {  	v15, _, _ =	vpop (xrf2);
	[tilespmem:s28], [sflag:$0xB] =	stream.strided.gather @!p0 [hbm4b:s26+s23], $0x1000, s22, s23, $0x38;
	[tilespmem:$0x10680] =	vst v63  }
0x177: {  	_ =	swait.ge [sflag:s13], $0x1000  }
0x178: {  	[sflag:s13] =	ssyncset.done $0x0  }
0x179: {  	[sflag:s13] =	ssyncadd.s32 $0xFFFFF000  }
0x17a: {  	_ =	swait.ge [sflag:s7], $0x1000  }
0x17b: {  	s26 =	sadd.s32 @!p0 $0xB, s20;
	[sflag:s7] =	ssyncset.done $0x0  }
0x17c: {  	s28 =	sand.u32 @!p0 $0x3F0, s26;
	[sflag:s7] =	ssyncadd.s32 $0xFFFFF000  }
0x17d: {  	v16 =	vld @!p0 [tilespmem:s28+$0x0];
	_ =	sdelay $0x3  }
0x17e: {  	s26 =	sand.u32 @!p0 $0xB, s26  }
0x17f: {  	v17 =	vmov @!p0 s26;
	v16 =	vshrl.u32 @!p0 v16, $0x7  }
0x180: {  	vm8 =	veq.s32 @!p0 v17, v10;
	v16 =	vor.u32 @!p0 $0x80000000, v16  }
0x181: {  	v16 =	vnsel @!p0 vm8, $0x80000000, v16  }
0x182: {  	(xrf0) =	vmax.scan.msk.u32 @!p0 $0xffff, v16;
	_ =	sdelay $0x5  }
0x183: {  	v16, _, _ =	vpop @!p0 (xrf0)  }
0x184: {  	(v2sf) =	vpush @!p0 v16, $0xF;
	_ =	sdelay $0x1  }
0x185: {  	v34 =	vld [tilespmem:s24+$0x0]  }
0x186: {  	s14 =	sadd.s32 $0x3, s25  }
0x187: {  	v35 =	vmov s14;
	v36 =	vld [tilespmem:s24+$0x200]  }
0x188: {  	v37 =	vshrl.u32 v35, $0x1B  }
0x189: {  	v19 =	vand.u32 $0x10, v37  }
0x18a: {  	v19 =	vadd.s32 s14, v19;
	v17 =	vand.u32 $0x7F, v34  }
0x18b: {  	v17 =	vperm.xlane v17, v19  }
0x18c: {  	v18 =	vand.u32 $0x7F, v36  }
0x18d: {  	v18 =	vperm.xlane v18, v19;
	v38 =	vadd.s32 v1, v17  }
0x18e: {  	v17 =	vadd.s32 v2, v17  }
0x18f: {  	v20 =	vadd.s32 v1, v18  }
0x190: {  	v18 =	vadd.s32 v2, v18  }
0x191: {  	s29 =	simm.s32 $0x3400  }
0x192: {  	v19 =	vld.idx.msk [tilespmem:v38+s29+$0x0], $0xffff;
	s26 =	spop @!p0 (v2sf)  }
0x193: {  	v17 =	vld.idx.msk [tilespmem:v17+s29+$0x0], $0xffff;
	s29 =	simm.s32 $0xB400;
	s26 =	sshll.u32 @!p0 s26, $0x7  }
0x194: {  	v20 =	vld.idx.msk [tilespmem:v20+s29+$0x0], $0xffff;
	s26 =	sand.u32 @!p0 $0x1FFFFF80, s26  }
0x195: {  	v18 =	vld.idx.msk [tilespmem:v18+s29+$0x0], $0xffff;
	s29 =	simm.s32 @!p0 $0x3400;
	s26 =	sadd.s32 @!p0 s1, s26  }
0x196: {  	[tilespmem:s29], [sflag:$0x4] =	stream.strided.gather @!p0 [hbm4b:s26+s23], $0x1000, s22, s23, $0x38;
	[tilespmem:$0x10680] =	vst v63  }
0x197: {  	v21 =	vld @!p0 [tilespmem:s28+$0x200];
	_ =	sdelay $0x4  }
0x198: {  	v21 =	vshrl.u32 @!p0 v21, $0x7  }
0x199: {  	v21 =	vor.u32 @!p0 $0x80000000, v21  }
0x19a: {  	v21 =	vnsel @!p0 vm8, $0x80000000, v21  }
0x19b: {  	(xrf0) =	vmax.scan.msk.u32 @!p0 $0xffff, v21;
	_ =	sdelay $0x5  }
0x19c: {  	v19 =	vmul.f32 v19, v3;
	v17 =	vmul.f32 v17, v4;
	v21, _, _ =	vpop @!p0 (xrf0)  }
0x19d: {  	(v2sf) =	vpush @!p0 v21, $0xF  }
0x19e: {  	v39 =	vmul.f32 v20, v5;
	v17 =	vadd.f32 v17, v19;
	_ =	sdelay $0x1  }
0x19f: {  	v18 =	vmul.f32 v18, v6;
	v17 =	vadd.f32 v39, v17;
	_ =	sdelay $0x1  }
0x1a0: {  	v17 =	vadd.f32 v18, v17;
	_ =	sdelay $0x1  }
0x1a1: {  	v17 =	vadd.f32 v17, v7;
	_ =	sdelay $0x1  }
0x1a2: {  	(xrf2) =	vadd.scan.msk.f32 $0xffff, v17;
	_ =	sdelay $0x5  }
0x1a3: {  	s26 =	spop @!p0 (v2sf)  }
0x1a4: {  	s26 =	sshll.u32 @!p0 s26, $0x7  }
0x1a5: {  	s26 =	sand.u32 @!p0 $0x1FFFFF80, s26  }
0x1a6: {  	s28 =	simm.s32 @!p0 $0xB400;
	s26 =	sadd.s32 @!p0 s3, s26  }
0x1a7: {  	v17, _, _ =	vpop (xrf2);
	[tilespmem:s28], [sflag:$0xC] =	stream.strided.gather @!p0 [hbm4b:s26+s23], $0x1000, s22, s23, $0x38;
	[tilespmem:$0x10680] =	vst v63  }
0x1a8: {  	_ =	swait.ge [sflag:s8], $0x1000  }
0x1a9: {  	[sflag:s8] =	ssyncset.done $0x0  }
0x1aa: {  	[sflag:s8] =	ssyncadd.s32 $0xFFFFF000  }
0x1ab: {  	_ =	swait.ge [sflag:s9], $0x1000  }
0x1ac: {  	s26 =	sadd.s32 @!p0 $0xC, s20;
	[sflag:s9] =	ssyncset.done $0x0  }
0x1ad: {  	s28 =	sand.u32 @!p0 $0x3F0, s26;
	[sflag:s9] =	ssyncadd.s32 $0xFFFFF000  }
0x1ae: {  	v18 =	vld @!p0 [tilespmem:s28+$0x0];
	_ =	sdelay $0x3  }
0x1af: {  	s26 =	sand.u32 @!p0 $0xC, s26  }
0x1b0: {  	v19 =	vmov @!p0 s26;
	v18 =	vshrl.u32 @!p0 v18, $0x7  }
0x1b1: {  	vm8 =	veq.s32 @!p0 v19, v10;
	v18 =	vor.u32 @!p0 $0x80000000, v18  }
0x1b2: {  	v18 =	vnsel @!p0 vm8, $0x80000000, v18  }
0x1b3: {  	(xrf0) =	vmax.scan.msk.u32 @!p0 $0xffff, v18;
	_ =	sdelay $0x5  }
0x1b4: {  	v18, _, _ =	vpop @!p0 (xrf0)  }
0x1b5: {  	(v2sf) =	vpush @!p0 v18, $0xF;
	_ =	sdelay $0x1  }
0x1b6: {  	v40 =	vld [tilespmem:s24+$0x0]  }
0x1b7: {  	s0 =	sadd.s32 $0x4, s25  }
0x1b8: {  	v41 =	vmov s0;
	v42 =	vld [tilespmem:s24+$0x200]  }
0x1b9: {  	v43 =	vshrl.u32 v41, $0x1B  }
0x1ba: {  	v21 =	vand.u32 $0x10, v43  }
0x1bb: {  	v21 =	vadd.s32 s0, v21;
	v19 =	vand.u32 $0x7F, v40  }
0x1bc: {  	v19 =	vperm.xlane v19, v21  }
0x1bd: {  	v20 =	vand.u32 $0x7F, v42  }
0x1be: {  	v20 =	vperm.xlane v20, v21;
	v44 =	vadd.s32 v1, v19  }
0x1bf: {  	v19 =	vadd.s32 v2, v19  }
0x1c0: {  	v22 =	vadd.s32 v1, v20  }
0x1c1: {  	v20 =	vadd.s32 v2, v20  }
0x1c2: {  	s29 =	simm.s32 $0x4400  }
0x1c3: {  	v21 =	vld.idx.msk [tilespmem:v44+s29+$0x0], $0xffff;
	s26 =	spop @!p0 (v2sf)  }
0x1c4: {  	v19 =	vld.idx.msk [tilespmem:v19+s29+$0x0], $0xffff;
	s29 =	simm.s32 $0xC400;
	s26 =	sshll.u32 @!p0 s26, $0x7  }
0x1c5: {  	v22 =	vld.idx.msk [tilespmem:v22+s29+$0x0], $0xffff;
	s26 =	sand.u32 @!p0 $0x1FFFFF80, s26  }
0x1c6: {  	v20 =	vld.idx.msk [tilespmem:v20+s29+$0x0], $0xffff;
	s29 =	simm.s32 @!p0 $0x4400;
	s26 =	sadd.s32 @!p0 s1, s26  }
0x1c7: {  	[tilespmem:s29], [sflag:$0x5] =	stream.strided.gather @!p0 [hbm4b:s26+s23], $0x1000, s22, s23, $0x38;
	[tilespmem:$0x10680] =	vst v63  }
0x1c8: {  	v23 =	vld @!p0 [tilespmem:s28+$0x200];
	_ =	sdelay $0x4  }
0x1c9: {  	v23 =	vshrl.u32 @!p0 v23, $0x7  }
0x1ca: {  	v23 =	vor.u32 @!p0 $0x80000000, v23  }
0x1cb: {  	v23 =	vnsel @!p0 vm8, $0x80000000, v23  }
0x1cc: {  	(xrf0) =	vmax.scan.msk.u32 @!p0 $0xffff, v23;
	_ =	sdelay $0x5  }
0x1cd: {  	v21 =	vmul.f32 v21, v3;
	v19 =	vmul.f32 v19, v4;
	v23, _, _ =	vpop @!p0 (xrf0)  }
0x1ce: {  	(v2sf) =	vpush @!p0 v23, $0xF  }
0x1cf: {  	v45 =	vmul.f32 v22, v5;
	v19 =	vadd.f32 v19, v21;
	_ =	sdelay $0x1  }
0x1d0: {  	v20 =	vmul.f32 v20, v6;
	v19 =	vadd.f32 v45, v19;
	_ =	sdelay $0x1  }
0x1d1: {  	v19 =	vadd.f32 v20, v19;
	_ =	sdelay $0x1  }
0x1d2: {  	v19 =	vadd.f32 v19, v7;
	_ =	sdelay $0x1  }
0x1d3: {  	(xrf2) =	vadd.scan.msk.f32 $0xffff, v19;
	_ =	sdelay $0x5  }
0x1d4: {  	s26 =	spop @!p0 (v2sf)  }
0x1d5: {  	s26 =	sshll.u32 @!p0 s26, $0x7  }
0x1d6: {  	s26 =	sand.u32 @!p0 $0x1FFFFF80, s26  }
0x1d7: {  	s28 =	simm.s32 @!p0 $0xC400;
	s26 =	sadd.s32 @!p0 s3, s26  }
0x1d8: {  	v19, _, _ =	vpop (xrf2);
	[tilespmem:s28], [sflag:$0xD] =	stream.strided.gather @!p0 [hbm4b:s26+s23], $0x1000, s22, s23, $0x38;
	[tilespmem:$0x10680] =	vst v63  }
0x1d9: {  	_ =	swait.ge [sflag:s4], $0x1000  }
0x1da: {  	[sflag:s4] =	ssyncset.done $0x0  }
0x1db: {  	[sflag:s4] =	ssyncadd.s32 $0xFFFFF000  }
0x1dc: {  	_ =	swait.ge [sflag:s12], $0x1000  }
0x1dd: {  	s26 =	sadd.s32 @!p0 $0xD, s20;
	[sflag:s12] =	ssyncset.done $0x0  }
0x1de: {  	s28 =	sand.u32 @!p0 $0x3F0, s26;
	[sflag:s12] =	ssyncadd.s32 $0xFFFFF000  }
0x1df: {  	v20 =	vld @!p0 [tilespmem:s28+$0x0];
	_ =	sdelay $0x3  }
0x1e0: {  	s26 =	sand.u32 @!p0 $0xD, s26  }
0x1e1: {  	v21 =	vmov @!p0 s26;
	v20 =	vshrl.u32 @!p0 v20, $0x7  }
0x1e2: {  	vm8 =	veq.s32 @!p0 v21, v10;
	v20 =	vor.u32 @!p0 $0x80000000, v20  }
0x1e3: {  	v20 =	vnsel @!p0 vm8, $0x80000000, v20  }
0x1e4: {  	(xrf0) =	vmax.scan.msk.u32 @!p0 $0xffff, v20;
	_ =	sdelay $0x5  }
0x1e5: {  	v20, _, _ =	vpop @!p0 (xrf0)  }
0x1e6: {  	(v2sf) =	vpush @!p0 v20, $0xF;
	_ =	sdelay $0x1  }
0x1e7: {  	v46 =	vld [tilespmem:s24+$0x0]  }
0x1e8: {  	s5 =	sadd.s32 $0x5, s25  }
0x1e9: {  	v47 =	vmov s5;
	v48 =	vld [tilespmem:s24+$0x200]  }
0x1ea: {  	v49 =	vshrl.u32 v47, $0x1B  }
0x1eb: {  	v23 =	vand.u32 $0x10, v49  }
0x1ec: {  	v23 =	vadd.s32 s5, v23;
	v21 =	vand.u32 $0x7F, v46  }
0x1ed: {  	v21 =	vperm.xlane v21, v23  }
0x1ee: {  	v22 =	vand.u32 $0x7F, v48  }
0x1ef: {  	v22 =	vperm.xlane v22, v23;
	v50 =	vadd.s32 v1, v21  }
0x1f0: {  	v21 =	vadd.s32 v2, v21  }
0x1f1: {  	v24 =	vadd.s32 v1, v22  }
0x1f2: {  	v22 =	vadd.s32 v2, v22  }
0x1f3: {  	s29 =	simm.s32 $0x5400  }
0x1f4: {  	v23 =	vld.idx.msk [tilespmem:v50+s29+$0x0], $0xffff;
	s26 =	spop @!p0 (v2sf)  }
0x1f5: {  	v21 =	vld.idx.msk [tilespmem:v21+s29+$0x0], $0xffff;
	s29 =	simm.s32 $0xD400;
	s26 =	sshll.u32 @!p0 s26, $0x7  }
0x1f6: {  	v24 =	vld.idx.msk [tilespmem:v24+s29+$0x0], $0xffff;
	s26 =	sand.u32 @!p0 $0x1FFFFF80, s26  }
0x1f7: {  	v22 =	vld.idx.msk [tilespmem:v22+s29+$0x0], $0xffff;
	s29 =	simm.s32 @!p0 $0x5400;
	s26 =	sadd.s32 @!p0 s1, s26  }
0x1f8: {  	[tilespmem:s29], [sflag:$0x6] =	stream.strided.gather @!p0 [hbm4b:s26+s23], $0x1000, s22, s23, $0x38;
	[tilespmem:$0x10680] =	vst v63  }
0x1f9: {  	v25 =	vld @!p0 [tilespmem:s28+$0x200];
	_ =	sdelay $0x4  }
0x1fa: {  	v25 =	vshrl.u32 @!p0 v25, $0x7  }
0x1fb: {  	v25 =	vor.u32 @!p0 $0x80000000, v25  }
0x1fc: {  	v25 =	vnsel @!p0 vm8, $0x80000000, v25  }
0x1fd: {  	(xrf0) =	vmax.scan.msk.u32 @!p0 $0xffff, v25;
	_ =	sdelay $0x5  }
0x1fe: {  	v23 =	vmul.f32 v23, v3;
	v21 =	vmul.f32 v21, v4;
	v25, _, _ =	vpop @!p0 (xrf0)  }
0x1ff: {  	(v2sf) =	vpush @!p0 v25, $0xF  }
0x200: {  	v51 =	vmul.f32 v24, v5;
	v21 =	vadd.f32 v21, v23;
	_ =	sdelay $0x1  }
0x201: {  	v22 =	vmul.f32 v22, v6;
	v21 =	vadd.f32 v51, v21;
	_ =	sdelay $0x1  }
0x202: {  	v21 =	vadd.f32 v22, v21;
	_ =	sdelay $0x1  }
0x203: {  	v21 =	vadd.f32 v21, v7;
	_ =	sdelay $0x1  }
0x204: {  	(xrf2) =	vadd.scan.msk.f32 $0xffff, v21;
	_ =	sdelay $0x5  }
0x205: {  	s26 =	spop @!p0 (v2sf)  }
0x206: {  	s26 =	sshll.u32 @!p0 s26, $0x7  }
0x207: {  	s26 =	sand.u32 @!p0 $0x1FFFFF80, s26  }
0x208: {  	s28 =	simm.s32 @!p0 $0xD400;
	s26 =	sadd.s32 @!p0 s3, s26  }
0x209: {  	v21, _, _ =	vpop (xrf2);
	[tilespmem:s28], [sflag:$0xE] =	stream.strided.gather @!p0 [hbm4b:s26+s23], $0x1000, s22, s23, $0x38;
	[tilespmem:$0x10680] =	vst v63  }
0x20a: {  	_ =	swait.ge [sflag:s15], $0x1000  }
0x20b: {  	[sflag:s15] =	ssyncset.done $0x0  }
0x20c: {  	[sflag:s15] =	ssyncadd.s32 $0xFFFFF000  }
0x20d: {  	_ =	swait.ge [sflag:s16], $0x1000  }
0x20e: {  	s26 =	sadd.s32 @!p0 $0xE, s20;
	[sflag:s16] =	ssyncset.done $0x0  }
0x20f: {  	s28 =	sand.u32 @!p0 $0x3F0, s26;
	[sflag:s16] =	ssyncadd.s32 $0xFFFFF000  }
0x210: {  	v22 =	vld @!p0 [tilespmem:s28+$0x0];
	_ =	sdelay $0x3  }
0x211: {  	s26 =	sand.u32 @!p0 $0xE, s26  }
0x212: {  	v23 =	vmov @!p0 s26;
	v22 =	vshrl.u32 @!p0 v22, $0x7  }
0x213: {  	vm8 =	veq.s32 @!p0 v23, v10;
	v22 =	vor.u32 @!p0 $0x80000000, v22  }
0x214: {  	v22 =	vnsel @!p0 vm8, $0x80000000, v22  }
0x215: {  	(xrf0) =	vmax.scan.msk.u32 @!p0 $0xffff, v22;
	_ =	sdelay $0x5  }
0x216: {  	v22, _, _ =	vpop @!p0 (xrf0)  }
0x217: {  	(v2sf) =	vpush @!p0 v22, $0xF;
	_ =	sdelay $0x1  }
0x218: {  	v52 =	vld [tilespmem:s24+$0x0]  }
0x219: {  	s6 =	sadd.s32 $0x6, s25  }
0x21a: {  	v53 =	vmov s6;
	v54 =	vld [tilespmem:s24+$0x200]  }
0x21b: {  	v55 =	vshrl.u32 v53, $0x1B  }
0x21c: {  	v25 =	vand.u32 $0x10, v55  }
0x21d: {  	v25 =	vadd.s32 s6, v25;
	v23 =	vand.u32 $0x7F, v52  }
0x21e: {  	v23 =	vperm.xlane v23, v25  }
0x21f: {  	v24 =	vand.u32 $0x7F, v54  }
0x220: {  	v24 =	vperm.xlane v24, v25;
	v56 =	vadd.s32 v1, v23  }
0x221: {  	v23 =	vadd.s32 v2, v23  }
0x222: {  	v26 =	vadd.s32 v1, v24  }
0x223: {  	v24 =	vadd.s32 v2, v24  }
0x224: {  	s29 =	simm.s32 $0x6400  }
0x225: {  	v25 =	vld.idx.msk [tilespmem:v56+s29+$0x0], $0xffff;
	s26 =	spop @!p0 (v2sf)  }
0x226: {  	v23 =	vld.idx.msk [tilespmem:v23+s29+$0x0], $0xffff;
	s29 =	simm.s32 $0xE400;
	s26 =	sshll.u32 @!p0 s26, $0x7  }
0x227: {  	v26 =	vld.idx.msk [tilespmem:v26+s29+$0x0], $0xffff;
	s26 =	sand.u32 @!p0 $0x1FFFFF80, s26  }
0x228: {  	v24 =	vld.idx.msk [tilespmem:v24+s29+$0x0], $0xffff;
	s29 =	simm.s32 @!p0 $0x6400;
	s26 =	sadd.s32 @!p0 s1, s26  }
0x229: {  	[tilespmem:s29], [sflag:$0x7] =	stream.strided.gather @!p0 [hbm4b:s26+s23], $0x1000, s22, s23, $0x38;
	[tilespmem:$0x10680] =	vst v63  }
0x22a: {  	v27 =	vld @!p0 [tilespmem:s28+$0x200];
	_ =	sdelay $0x4  }
0x22b: {  	v27 =	vshrl.u32 @!p0 v27, $0x7  }
0x22c: {  	v27 =	vor.u32 @!p0 $0x80000000, v27  }
0x22d: {  	v27 =	vnsel @!p0 vm8, $0x80000000, v27  }
0x22e: {  	(xrf0) =	vmax.scan.msk.u32 @!p0 $0xffff, v27;
	_ =	sdelay $0x5  }
0x22f: {  	v25 =	vmul.f32 v25, v3;
	v23 =	vmul.f32 v23, v4;
	v27, _, _ =	vpop @!p0 (xrf0)  }
0x230: {  	(v2sf) =	vpush @!p0 v27, $0xF  }
0x231: {  	v57 =	vmul.f32 v26, v5;
	v23 =	vadd.f32 v23, v25;
	_ =	sdelay $0x1  }
0x232: {  	v24 =	vmul.f32 v24, v6;
	v23 =	vadd.f32 v57, v23;
	_ =	sdelay $0x1  }
0x233: {  	v23 =	vadd.f32 v24, v23;
	_ =	sdelay $0x1  }
0x234: {  	v23 =	vadd.f32 v23, v7;
	_ =	sdelay $0x1  }
0x235: {  	(xrf2) =	vadd.scan.msk.f32 $0xffff, v23;
	_ =	sdelay $0x5  }
0x236: {  	s26 =	spop @!p0 (v2sf)  }
0x237: {  	s26 =	sshll.u32 @!p0 s26, $0x7  }
0x238: {  	s26 =	sand.u32 @!p0 $0x1FFFFF80, s26  }
0x239: {  	s28 =	simm.s32 @!p0 $0xE400;
	s26 =	sadd.s32 @!p0 s3, s26  }
0x23a: {  	v23, _, _ =	vpop (xrf2);
	[tilespmem:s28], [sflag:$0xF] =	stream.strided.gather @!p0 [hbm4b:s26+s23], $0x1000, s22, s23, $0x38;
	[tilespmem:$0x10680] =	vst v63  }
0x23b: {  	_ =	swait.ge [sflag:s17], $0x1000  }
0x23c: {  	[sflag:s17] =	ssyncset.done $0x0  }
0x23d: {  	[sflag:s17] =	ssyncadd.s32 $0xFFFFF000  }
0x23e: {  	_ =	swait.ge [sflag:s18], $0x1000  }
0x23f: {  	s26 =	sadd.s32 @!p0 $0xF, s20;
	[sflag:s18] =	ssyncset.done $0x0  }
0x240: {  	s28 =	sand.u32 @!p0 $0x3F0, s26;
	[sflag:s18] =	ssyncadd.s32 $0xFFFFF000  }
0x241: {  	v24 =	vld @!p0 [tilespmem:s28+$0x0];
	_ =	sdelay $0x3  }
0x242: {  	s26 =	sand.u32 @!p0 $0xF, s26  }
0x243: {  	v25 =	vmov @!p0 s26;
	v24 =	vshrl.u32 @!p0 v24, $0x7  }
0x244: {  	vm8 =	veq.s32 @!p0 v25, v10;
	v10 =	vor.u32 @!p0 $0x80000000, v24  }
0x245: {  	v10 =	vnsel @!p0 vm8, $0x80000000, v10  }
0x246: {  	(xrf0) =	vmax.scan.msk.u32 @!p0 $0xffff, v10;
	_ =	sdelay $0x5  }
0x247: {  	v10, _, _ =	vpop @!p0 (xrf0)  }
0x248: {  	(v2sf) =	vpush @!p0 v10, $0xF;
	_ =	sdelay $0x1  }
0x249: {  	v10 =	vld [tilespmem:s24+$0x0]  }
0x24a: {  	s25 =	sadd.s32 $0x7, s25  }
0x24b: {  	v58 =	vmov s25;
	v59 =	vld [tilespmem:s24+$0x200]  }
0x24c: {  	v60 =	vshrl.u32 v58, $0x1B  }
0x24d: {  	v26 =	vand.u32 $0x10, v60  }
0x24e: {  	v26 =	vadd.s32 s25, v26;
	v10 =	vand.u32 $0x7F, v10  }
0x24f: {  	v10 =	vperm.xlane v10, v26  }
0x250: {  	v25 =	vand.u32 $0x7F, v59  }
0x251: {  	v25 =	vperm.xlane v25, v26;
	v61 =	vadd.s32 v1, v10  }
0x252: {  	v10 =	vadd.s32 v2, v10  }
0x253: {  	v62 =	vadd.s32 v1, v25  }
0x254: {  	v25 =	vadd.s32 v2, v25  }
0x255: {  	s25 =	simm.s32 $0x7400  }
0x256: {  	v26 =	vld.idx.msk [tilespmem:v61+s25+$0x0], $0xffff;
	s24 =	spop @!p0 (v2sf)  }
0x257: {  	v10 =	vld.idx.msk [tilespmem:v10+s25+$0x0], $0xffff;
	s25 =	simm.s32 $0xF400;
	s24 =	sshll.u32 @!p0 s24, $0x7  }
0x258: {  	v27 =	vld.idx.msk [tilespmem:v62+s25+$0x0], $0xffff;
	s24 =	sand.u32 @!p0 $0x1FFFFF80, s24  }
0x259: {  	v25 =	vld.idx.msk [tilespmem:v25+s25+$0x0], $0xffff;
	s25 =	simm.s32 @!p0 $0x7400;
	s24 =	sadd.s32 @!p0 s1, s24  }
0x25a: {  	[tilespmem:s25], [sflag:$0x8] =	stream.strided.gather @!p0 [hbm4b:s24+s23], $0x1000, s22, s23, $0x38;
	[tilespmem:$0x10680] =	vst v63  }
0x25b: {  	v28 =	vld @!p0 [tilespmem:s28+$0x200];
	_ =	sdelay $0x4  }
0x25c: {  	v28 =	vshrl.u32 @!p0 v28, $0x7  }
0x25d: {  	v28 =	vor.u32 @!p0 $0x80000000, v28  }
0x25e: {  	v28 =	vnsel @!p0 vm8, $0x80000000, v28  }
0x25f: {  	(xrf0) =	vmax.scan.msk.u32 @!p0 $0xffff, v28;
	_ =	sdelay $0x5  }
0x260: {  	v28, _, _ =	vpop @!p0 (xrf0)  }
0x261: {  	(v2sf) =	vpush @!p0 v28, $0xF  }
0x262: {  	v26 =	vmul.f32 v26, v3;
	v10 =	vmul.f32 v10, v4;
	_ =	sdelay $0x1  }
0x263: {  	v63 =	vmul.f32 v27, v5;
	v10 =	vadd.f32 v10, v26;
	_ =	sdelay $0x1  }
0x264: {  	v25 =	vmul.f32 v25, v6;
	v10 =	vadd.f32 v63, v10;
	_ =	sdelay $0x1  }
0x265: {  	v10 =	vadd.f32 v25, v10;
	_ =	sdelay $0x1  }
0x266: {  	v10 =	vadd.f32 v10, v7;
	_ =	sdelay $0x1  }
0x267: {  	(xrf2) =	vadd.scan.msk.f32 $0xffff, v10;
	_ =	sdelay $0x3  }
0x268: {  	v10 =	vbroadcast v11, $0xF;
	s24 =	spop @!p0 (v2sf)  }
0x269: {  	vm8 =	veq.s32 v9, v0;
	v9 =	vbroadcast v13, $0xF;
	s24 =	sshll.u32 @!p0 s24, $0x7  }
0x26a: {  	v8 =	vsel vm8, v10, v8;
	vm8 =	veq.s32 v12, v0;
	v10 =	vbroadcast v15, $0xF;
	s24 =	sand.u32 @!p0 $0x1FFFFF80, s24  }
0x26b: {  	s25 =	simm.s32 @!p0 $0xF400;
	v8 =	vsel vm8, v9, v8;
	vm8 =	veq.s32 v14, v0;
	v9 =	vbroadcast v17, $0xF;
	s24 =	sadd.s32 @!p0 s3, s24  }
0x26c: {  	v8 =	vsel vm8, v10, v8;
	vm8 =	veq.s32 v35, v0;
	v10 =	vbroadcast v19, $0xF;
	[tilespmem:s25], [sflag:$0x10] =	stream.strided.gather @!p0 [hbm4b:s24+s23], $0x1000, s22, s23, $0x38;
	[tilespmem:$0x10680] =	vst v63  }
0x26d: {  	v8 =	vsel vm8, v9, v8;
	vm8 =	veq.s32 v41, v0;
	v9 =	vbroadcast v21, $0xF;
	s22 =	sand.u32 @!p0 $0x1, s21  }
0x26e: {  	v8 =	vsel vm8, v10, v8;
	vm8 =	veq.s32 v47, v0;
	v10 =	vbroadcast v23, $0xF;
	v11, _, _ =	vpop (xrf2);
	p1 =	seq.s32 @!p0 s22, $0x0  }
0x26f: {  	v8 =	vsel vm8, v9, v8;
	vm8 =	veq.s32 v53, v0;
	v9 =	vbroadcast v11, $0xF;
	p0 =	por p0, !p1  }
0x270: {  	v8 =	vsel vm8, v10, v8;
	vm8 =	veq.s32 v58, v0;
	s22 =	sand.u32 @p0 $0x7C0, s19  }
0x271: {  	s20 =	sadd.s32 $0x8, s20;
	v8 =	vsel vm8, v9, v8;
	s22 =	sshrl.u32 @p0 s22, $0x2  }
0x272: {  	[tilespmem:s22+$0x10480] =	vst @p0 v8;
	p0 =	sne.s32 s20, $0x200  }
.Ltmp0:
0x273: {  	s30 =	simm.s32 $0x2400;
	s31 =	simm.s32 $0x3400;
	(pc) =	sbr.rel @p0 .LBB2_2-.Ltmp0, $4  }
0x274: {  	s2 =	simm.s32 $0xB400;
	s10 =	simm.s32 $0xD400;
	s11 =	simm.s32 $0xA400  }
0x275: {  	s14 =	simm.s32 $0x5400;
	s13 =	simm.s32 $0xC400;
	s0 =	simm.s32 $0x4400  }
0x276: {  	s5 =	simm.s32 $0x6400;
	s6 =	simm.s32 $0xE400;
	s29 =	simm.s32 $0xF400  }
0x277: {  	s26 =	simm.s32 $0x7400;
	s21 =	sadd.s32 $0x1, s21;
	s19 =	sadd.s32 $0x20, s19  }
0x278: {  	s19 =	simm.s32 $0x0  }
0x279: {  	s20 =	rddreg [dreg:$0x8];
	s21 =	simm.s32 $0x10480;
	s22 =	simm.s32 $0x11  }
0x27a: {  	[hbm4b:s20+s19] =	stream.linear.scatter [tilespmem:s21], [sflag:$0x11], $0x200, $0x38;
	[tilespmem:$0x10680] =	vst v63  }
0x27b: {  	_ =	swait.ge [sflag:s22], $0x200  }
0x27c: {  	s25 =	rddreg [dreg:$0xa]  }
0x27d: {  	s28 =	rddreg [dreg:$0x9];
	s21 =	sadd.s32 $0x1, s25  }
0x27e: {  	p0 =	sne.s32 s21, s28  }
.Ltmp1:
0x27f: {  	_ = 	snop;
	(pc) =	sbr.rel @p0 .LBB2_1-.Ltmp1, $3  }
0x280: {  	_ =	sdelay $0x1  }
0x281: {  	[sflag:s22] =	ssyncset.done $0x0  }
0x282: {  	[sflag:s22] =	ssyncadd.s32 $0xFFFFFE00  }
0x283: {  	_ =	sfence.sel $0x180000  }
0x284: {  	[bflag:$0x0] =	sbarrier.arrive $0xFFFF  }
0x285: {  	_ =	strace $0x90000047  }
0x286: {  	s0 =	stileid.u32;
	[bflag:$0x2] =	sbarrier.arrive $0xFFFF  }
0x287: {  	p0 =	sne.s32 s0, $0x0;
	s0 =	rddreg [dreg:$0x4]  }
0x288: {  	s0 =	sadd.s32 @!p0 $0x100000, s0  }
0x289: {  	[sflag:s0] =	ssyncadd.tile.s32 @!p0 $0x1;
	_ =	shalt  }
.Lfunc_end2:
_tile_overlayer_lowered:
.L_overlay_start_2:
0x28a: {  	(tag) =	ssettag $0x2  }
0x28b: {  	s0 =	rddreg [dreg:$0x0];
	s2 =	stileid.u32  }
0x28c: {  	s1 =	rddreg [dreg:$0x1];
	p0 =	sne.s32 s2, $0x0  }
0x28d: {  	s3 =	rddreg [dreg:$0x2];
	[bflag:$0x3] =	sbarrier.arrive $0xFFFF;
	s2 =	simm.s32 @!p0 $0x1C11  }
0x28e: {  	[timem:s3], [sflag:s2] =	dma.local @!p0 [hbm:s0], s1  }
0x28f: {  	s0 =	simm.s32 @!p0 $0x11  }
0x290: {  	_ =	swait.ge @!p0 [sflag:s0], s1  }
0x291: {  	s1 =	ssub.s32 @!p0 $0x0, s1;
	[sflag:s0] =	ssyncset.done @!p0 $0x0  }
0x292: {  	[sflag:s0] =	ssyncadd.s32 @!p0 s1  }
0x293: {  	[bflag:$0x3] =	sbarrier.arrive $0xFFFF  }
0x294: {  	_ =	shalt  }

</sc_bundles>
